<compile_context>
chip_gen: v7x
topology: tpu7x:2x2x1
jax: 0.10.2.dev20260603
libtpu: 0.0.44.dev20260713+nightly
codegen_flags: <defaults>
</compile_context>

<pallas_src>
import functools

import jax
import jax.numpy as jnp
from jax import lax
from jax.experimental import pallas as pl
from jax.experimental.pallas import tpu as pltpu
from jax.experimental.pallas import tpu_sc as plsc

CROP = 28
LANES = 16


def _splat(x, dtype=jnp.int32):
    return jnp.broadcast_to(jnp.asarray(x, dtype), (LANES,))


def _make_tc_pred(n_total, c, g):

    def body(labtbl_ref, key_ref, ms_ref, out_ref, lab_vmem):
        r = pl.program_id(0)

        @pl.when(r == 0)
        def _():
            key = key_ref[...]
            acc = jnp.zeros((n_total,), jnp.int32)
            for k in range(2 * g):
                acc = acc + jnp.where(key == k, labtbl_ref[k], 0)
            lab_vmem[...] = acc

        labs = lab_vmem[...]
        blk = ms_ref[0]
        acc = jnp.zeros((CROP, n_total), jnp.float32)
        for ch in range(c):
            acc = acc + jnp.where((labs == ch)[None, :], blk[:, ch, :], 0.0)
        out_ref[0] = acc

    return pl.pallas_call(
        body,
        grid=(CROP,),
        in_specs=[
            pl.BlockSpec(memory_space=pltpu.SMEM),
            pl.BlockSpec((n_total,), lambda r: (0,)),
            pl.BlockSpec((1, CROP, c, n_total), lambda r: (r, 0, 0, 0)),
        ],
        out_specs=pl.BlockSpec((1, CROP, n_total), lambda r: (r, 0, 0)),
        out_shape=jax.ShapeDtypeStruct((CROP, CROP, n_total), jnp.float32),
        scratch_shapes=[pltpu.VMEM((n_total,), jnp.int32)],
    )


def _make_sc_call(n_total, n_per, c, g, h):
    info = plsc.get_sparse_core_info()
    nc, ns = info.num_cores, info.num_subcores
    nw = nc * ns
    chunk = 8
    nchunks = n_per // chunk
    area = CROP * CROP

    mesh = plsc.VectorSubcoreMesh(core_axis_name="c", subcore_axis_name="s")

    @functools.partial(
        pl.kernel,
        out_type=(
            jax.ShapeDtypeStruct((n_total * area,), jnp.float32),
            jax.ShapeDtypeStruct((n_total,), jnp.int32),
        ),
        mesh=mesh,
        compiler_params=pltpu.CompilerParams(needs_layout_passes=False),
        scratch_types=[
            pltpu.VMEM((LANES,), jnp.int32),
            pltpu.VMEM((4 * chunk,), jnp.float32),
            pltpu.VMEM((h,), jnp.int32),
            pltpu.VMEM((112,), jnp.int32),
            pltpu.VMEM((112,), jnp.int32),
            pltpu.VMEM((112, h), jnp.float32),
            pltpu.VMEM((112, h), jnp.float32),
            pltpu.VMEM((chunk * area,), jnp.float32),
            pltpu.VMEM((chunk,), jnp.int32),
            pltpu.SemaphoreType.DMA,
            pltpu.SemaphoreType.DMA,
        ],
    )
    def sc_call(boxes, assoc0, assoc1, lab0, lab1, gt0, gt1,
                out_crop, out_lab,
                assoc_v, boxes_v, lab_tbl, ridxA, ridxB, rowsA, rowsB,
                stage, lab_stage,
                semA, semB):
        wid = lax.axis_index("s") * nc + lax.axis_index("c")
        iota = jnp.arange(LANES, dtype=jnp.int32)
        m8 = iota < chunk
        idx8 = jnp.minimum(iota, chunk - 1)

        for s in range(2):
            assoc_hbm = assoc0 if s == 0 else assoc1
            lab_hbm = lab0 if s == 0 else lab1
            gt_tbl = gt0 if s == 0 else gt1
            pltpu.sync_copy(lab_hbm, lab_tbl)
            my_chunks = (nchunks + nw - 1 - wid) // nw

            def chunk_body(n, carry):
                cid = wid + nw * n
                base = cid * chunk
                gbase = s * n_per + base
                pltpu.sync_copy(assoc_hbm.at[pl.ds(base, chunk)],
                                assoc_v.at[pl.ds(0, chunk)])
                pltpu.sync_copy(boxes.at[pl.ds(gbase * 4, 4 * chunk)], boxes_v)
                av16 = assoc_v[...]
                bxi0 = boxes_v[pl.ds(0, LANES)].astype(jnp.int32)
                bxi1 = boxes_v[pl.ds(LANES, LANES)].astype(jnp.int32)

                a16 = jnp.clip(av16, 0, g - 1)
                l16 = plsc.load_gather(lab_tbl, [a16])
                l16 = jnp.clip(l16, 0, c - 1)
                plsc.store_scatter(lab_stage, [idx8], l16, mask=m8)

                for b in range(chunk):
                    tgt = ridxA if b < 4 else ridxB
                    off = (b % 4) * CROP
                    g_s = jnp.clip(av16[b], 0, g - 1)
                    bxh = bxi0 if b < 4 else bxi1
                    y_s = jnp.clip(bxh[(4 * b + 1) % LANES], 0, h - CROP)
                    r0 = _splat(g_s * h + y_s) + iota
                    plsc.store_scatter(tgt, [_splat(off) + iota], r0)
                    plsc.store_scatter(tgt, [_splat(off + 12) + iota], r0 + 12)

                cA = pltpu.async_copy(gt_tbl.at[ridxA], rowsA, semA)
                cB = pltpu.async_copy(gt_tbl.at[ridxB], rowsB, semB)
                pltpu.sync_copy(lab_stage, out_lab.at[pl.ds(gbase, chunk)])
                cA.wait()
                cB.wait()

                for b in range(chunk):
                    rows = rowsA if b < 4 else rowsB
                    bxh = bxi0 if b < 4 else bxi1
                    x_s = jnp.clip(bxh[(4 * b) % LANES], 0, h - CROP)
                    x16 = _splat(x_s)

                    def row_body(r, x16c):
                        rowid = _splat((b % 4) * CROP + r)
                        lo = plsc.load_gather(rows, [rowid, x16c + iota])
                        plsc.store_scatter(
                            stage, [_splat(b * area + r * CROP) + iota], lo)
                        hi = plsc.load_gather(rows,
                                              [rowid, x16c + 12 + iota])
                        plsc.store_scatter(
                            stage, [_splat(b * area + r * CROP + 12) + iota],
                            hi)
                        return x16c

                    lax.fori_loop(0, CROP, row_body, x16)

                pltpu.sync_copy(
                    stage,
                    out_crop.at[pl.ds(pl.multiple_of(gbase * area, 8),
                                      chunk * area)])
                return carry

            lax.fori_loop(0, my_chunks, chunk_body, 0)

    return sc_call


def kernel(mask_scores, pred_mask_boxes_cat, gt_association_0, gt_association_1,
           gt_labels_0, gt_labels_1, gt_masks_0, gt_masks_1):
    n_total, c = mask_scores.shape[:2]
    n_per = gt_association_0.shape[0]
    g, h = gt_masks_0.shape[:2]
    area = CROP * CROP

    boxes = pred_mask_boxes_cat.reshape(-1)
    lab0 = jnp.pad(gt_labels_0, (0, h - g))
    lab1 = jnp.pad(gt_labels_1, (0, h - g))
    gt0 = gt_masks_0.reshape(g * h, h)
    gt1 = gt_masks_1.reshape(g * h, h)

    sc_call = _make_sc_call(n_total, n_per, c, g, h)
    out_crop, out_lab = sc_call(
        boxes, gt_association_0, gt_association_1,
        lab0, lab1, gt0, gt1)

    ms_t = mask_scores.transpose(2, 3, 1, 0)
    labtbl = jnp.concatenate([gt_labels_0, gt_labels_1])
    key = jnp.concatenate([gt_association_0, gt_association_1 + g])
    out_t = _make_tc_pred(n_total, c, g)(labtbl, key, ms_t)
    out_pred = out_t.transpose(2, 0, 1)

    out_crop = out_crop.reshape(n_total, area)
    pred0 = out_pred[:n_per]
    pred1 = out_pred[n_per:]
    crop0 = out_crop[:n_per].reshape(n_per, CROP, CROP)
    crop1 = out_crop[n_per:].reshape(n_per, CROP, CROP)
    return ((pred0, pred1), (crop0, crop1),
            (out_lab[:n_per], out_lab[n_per:]))

# --- scband reference (transcript-rebuilt; emitter-appended) ---
"""Pipeline reference for scband-dense-mask-loss-selector-8358006358551 (READ-ONLY COPY).

The authoritative reference and input builder live on the scoring server;
editing this copy changes nothing except your own understanding.
"""

import jax, jax.numpy as jnp
import numpy as np

CROP = 28
N_PER_SAMPLE = (1000, 1000)


def select_mask(gt_mask, bbox):
    # Crop the full-image GT mask to the (fixed-size) predicted box region.
    H, W = gt_mask.shape
    y1 = jnp.clip(jnp.floor(bbox[1]).astype(jnp.int32), 0, H - CROP)
    x1 = jnp.clip(jnp.floor(bbox[0]).astype(jnp.int32), 0, W - CROP)
    return jax.lax.dynamic_slice(gt_mask, (y1, x1), (CROP, CROP))


def split_list(arr, splits):
    offs = np.cumsum([0] + list(splits))
    return [arr[offs[i]:offs[i + 1]] for i in range(len(splits))]


def setup_inputs(seed: int = 0):
    key = jax.random.key(seed)
    ks = jax.random.split(key, 8)
    N = sum(N_PER_SAMPLE)
    C, G, H = 8, 100, 128
    mask_scores = jax.random.normal(ks[0], (N, C, CROP, CROP), dtype=jnp.float32)
    xy = jax.random.uniform(ks[1], (N, 2), minval=0.0, maxval=float(H - CROP), dtype=jnp.float32)
    pred_mask_boxes_cat = jnp.concatenate([xy, xy + CROP], axis=1)
    gt_association_0 = jax.random.randint(ks[2], (N_PER_SAMPLE[0],), 0, G, dtype=jnp.int32)
    gt_association_1 = jax.random.randint(ks[3], (N_PER_SAMPLE[1],), 0, G, dtype=jnp.int32)
    gt_labels_0 = jax.random.randint(ks[4], (G,), 0, C, dtype=jnp.int32)
    gt_labels_1 = jax.random.randint(ks[5], (G,), 0, C, dtype=jnp.int32)
    gt_masks_0 = jax.random.uniform(ks[6], (G, H, H), dtype=jnp.float32)
    gt_masks_1 = jax.random.uniform(ks[7], (G, H, H), dtype=jnp.float32)
    return {
        'mask_scores': mask_scores,
        'pred_mask_boxes_cat': pred_mask_boxes_cat,
        'gt_association_0': gt_association_0,
        'gt_association_1': gt_association_1,
        'gt_labels_0': gt_labels_0,
        'gt_labels_1': gt_labels_1,
        'gt_masks_0': gt_masks_0,
        'gt_masks_1': gt_masks_1,
    }


def reference(mask_scores, pred_mask_boxes_cat, gt_association_0, gt_association_1,
              gt_labels_0, gt_labels_1, gt_masks_0, gt_masks_1):
    # class_selector_description_list path (gt_association provided per sample):
    box_sample_count = list(N_PER_SAMPLE)
    pred_mask_boxes_raw = split_list(pred_mask_boxes_cat, box_sample_count)
    splits = box_sample_count
    selected_mask_scores = mask_scores
    pred_mask_boxes = pred_mask_boxes_raw
    gt_associations_list = [gt_association_0, gt_association_1]
    gt_labels_list = [gt_labels_0, gt_labels_1]
    gt_masks_list = [gt_masks_0, gt_masks_1]
    # selected_labels = gt_labels[gt_associations]
    selected_labels = [jnp.take(gl, ga, axis=0) for ga, gl in zip(gt_associations_list, gt_labels_list)]
    selected_labels_cat = jnp.concatenate(selected_labels)
    # selected_gt_masks = gt_masks[gt_associations]
    selected_gt_masks = [jnp.take(gm, ga, axis=0) for ga, gm in zip(gt_associations_list, gt_masks_list)]
    assert selected_labels_cat.shape[0] == selected_mask_scores.shape[0]
    # selected_pred_masks = [single_mask[single_label] for ...] (vectorized per-box class-gather)
    N = selected_mask_scores.shape[0]
    idx = jnp.broadcast_to(selected_labels_cat[:, None, None, None].astype(jnp.int32), (N, 1, CROP, CROP))
    selected_pred_masks = jnp.take_along_axis(selected_mask_scores, idx, axis=1)[:, 0]
    # gt_masks = [[select_mask(m, b) for ...] for ...] (vmapped crop per box)
    gt_masks_out = [jax.vmap(select_mask)(sgm, bb) for sgm, bb in zip(selected_gt_masks, pred_mask_boxes)]
    pred_masks = split_list(selected_pred_masks, splits)
    return (tuple(pred_masks), tuple(gt_masks_out), tuple(selected_labels))

if __name__ == "__main__":
    import jax
    _d = setup_inputs()
    print(jax.jit(kernel)(*tuple(_d.values())))

</pallas_src>

<mosaic_0001>
#map = affine_map<(d0, d1) -> (0)>
#map1 = affine_map<(d0, d1) -> (0, 0)>
module attributes {stable_mosaic.version = 14 : i64} {
  func.func @sc_call(%arg0: i32, %arg1: i32, %arg2: memref<8000xf32, #tpu.memory_space<hbm>>, %arg3: memref<1000xi32, #tpu.memory_space<hbm>>, %arg4: memref<1000xi32, #tpu.memory_space<hbm>>, %arg5: memref<128xi32, #tpu.memory_space<hbm>>, %arg6: memref<128xi32, #tpu.memory_space<hbm>>, %arg7: memref<12800x128xf32, #tpu.memory_space<hbm>>, %arg8: memref<12800x128xf32, #tpu.memory_space<hbm>>, %arg9: memref<1568000xf32, #tpu.memory_space<hbm>>, %arg10: memref<2000xi32, #tpu.memory_space<hbm>>, %arg11: memref<16xi32, #tpu.memory_space<vmem>>, %arg12: memref<32xf32, #tpu.memory_space<vmem>>, %arg13: memref<128xi32, #tpu.memory_space<vmem>>, %arg14: memref<112xi32, #tpu.memory_space<vmem>>, %arg15: memref<112xi32, #tpu.memory_space<vmem>>, %arg16: memref<112x128xf32, #tpu.memory_space<vmem>>, %arg17: memref<112x128xf32, #tpu.memory_space<vmem>>, %arg18: memref<6272xf32, #tpu.memory_space<vmem>>, %arg19: memref<8xi32, #tpu.memory_space<vmem>>, %arg20: memref<!tpu.dma_semaphore, #tpu.memory_space<semaphore_mem>>, %arg21: memref<!tpu.dma_semaphore, #tpu.memory_space<semaphore_mem>>) attributes {dimension_semantics = [#tpu.dimension_semantics<core_parallel>, #tpu.dimension_semantics<subcore_parallel>], iteration_bounds = array<i64: 2, 16>, scalar_prefetch = 0 : i64, scratch_operands = 11 : i64, tpu.core_type = #tpu.core_type<sc_vector_subcore>, window_params = [{transform_indices = #map}, {transform_indices = #map}, {transform_indices = #map}, {transform_indices = #map}, {transform_indices = #map}, {transform_indices = #map1}, {transform_indices = #map1}, {transform_indices = #map}, {transform_indices = #map}]} {
    %mul3A = arith.constant 2 : i32
    %mul3A_0 = arith.muli %arg1, %mul3A : i32
    %add3A = arith.addi %mul3A_0, %arg0 : i32
    %iota3A = tpu.iota {dimensions = array<i32: 0>} : vector<16xi32>
    %lt3A = arith.constant 8 : i32
    %lt3A_1 = vector.broadcast %lt3A : i32 to vector<16xi32>
    %lt3A_2 = arith.cmpi slt, %iota3A, %lt3A_1 : vector<16xi32>
    %min3A = arith.constant 7 : i32
    %min3A_3 = vector.broadcast %min3A : i32 to vector<16xi32>
    %min3A_4 = arith.minsi %iota3A, %min3A_3 : vector<16xi32>
    "tpu.region"() ({
      %run_scoped3A = tpu.sem_alloc : memref<!tpu.dma_semaphore, #tpu.memory_space<semaphore_mem>>
      tpu.enqueue_dma source(%arg5 : memref<128xi32, #tpu.memory_space<hbm>>) target(%arg13 : memref<128xi32, #tpu.memory_space<vmem>>) target_semaphore(%run_scoped3A : memref<!tpu.dma_semaphore, #tpu.memory_space<semaphore_mem>>)
      tpu.wait_dma2 semaphore(%run_scoped3A : memref<!tpu.dma_semaphore, #tpu.memory_space<semaphore_mem>>) src(%arg5 : memref<128xi32, #tpu.memory_space<hbm>>) dst(%arg13 : memref<128xi32, #tpu.memory_space<vmem>>)
      tpu.yield
    }) : () -> ()
    %sub3A = arith.constant 156 : i32
    %sub3A_5 = arith.subi %sub3A, %add3A : i32
    %jit3A = arith.constant 32 : i32
    %div3A = arith.divsi %sub3A_5, %jit3A : i32
    %sign3A = arith.constant 0 : i32
    %sign3A_6 = arith.cmpi sgt, %sub3A_5, %sign3A : i32
    %sign3A_7 = arith.extui %sign3A_6 : i1 to i32
    %sign3A_8 = arith.constant 0 : i32
    %sign3A_9 = arith.cmpi slt, %sub3A_5, %sign3A_8 : i32
    %sign3A_10 = arith.extui %sign3A_9 : i1 to i32
    %sign3A_11 = arith.subi %sign3A_7, %sign3A_10 : i32
    %sign3A_12 = arith.constant 0 : i32
    %sign3A_13 = arith.cmpi sgt, %jit3A, %sign3A_12 : i32
    %sign3A_14 = arith.extui %sign3A_13 : i1 to i32
    %sign3A_15 = arith.constant 0 : i32
    %sign3A_16 = arith.cmpi slt, %jit3A, %sign3A_15 : i32
    %sign3A_17 = arith.extui %sign3A_16 : i1 to i32
    %sign3A_18 = arith.subi %sign3A_14, %sign3A_17 : i32
    %ne3A = arith.cmpi ne, %sign3A_11, %sign3A_18 : i32
    %rem3A = arith.remsi %sub3A_5, %jit3A : i32
    %ne3A_19 = arith.constant 0 : i32
    %ne3A_20 = arith.cmpi ne, %rem3A, %ne3A_19 : i32
    %and3A = arith.andi %ne3A, %ne3A_20 : i1
    %sub3A_21 = arith.constant 1 : i32
    %sub3A_22 = arith.subi %div3A, %sub3A_21 : i32
    %select_n3A = arith.select %and3A, %sub3A_22, %div3A : i32
    %while3A = arith.constant 0 : i32
    %while3A_23 = arith.constant 0 : i32
    %while3A_24 = arith.subi %select_n3A, %while3A_23 : i32
    %while3A_25 = arith.addi %while3A_23, %while3A_24 : i32
    %while3A_26 = arith.constant 1 : i32
    %while3A_27 = arith.divsi %while3A_24, %while3A_26 : i32
    %while3A_28 = arith.muli %while3A_27, %while3A_26 : i32
    %while3A_29 = arith.addi %while3A_23, %while3A_28 : i32
    %while3A_30 = arith.constant 1 : i32
    scf.for %while3A_68 = %while3A_23 to %while3A_29 step %while3A_30  : i32 {
      %mul3A_69 = arith.constant 32 : i32
      %mul3A_70 = arith.muli %mul3A_69, %while3A_68 : i32
      %add3A_71 = arith.addi %add3A, %mul3A_70 : i32
      %mul3A_72 = arith.constant 8 : i32
      %mul3A_73 = arith.muli %add3A_71, %mul3A_72 : i32
      %add3A_74 = arith.constant 0 : i32
      %add3A_75 = arith.addi %add3A_74, %mul3A_73 : i32
      "tpu.region"() ({
        %run_scoped3A = tpu.sem_alloc : memref<!tpu.dma_semaphore, #tpu.memory_space<semaphore_mem>>
        %dma_start3A_407 = arith.constant 0 : i32
        %dma_start3A_408 = tpu.memref_slice %arg11[%dma_start3A_407] : memref<16xi32, #tpu.memory_space<vmem>> -> memref<8xi32, #tpu.memory_space<vmem>>
        %dma_start3A_409 = tpu.memref_slice %arg3[%mul3A_73] : memref<1000xi32, #tpu.memory_space<hbm>> -> memref<8xi32, #tpu.memory_space<hbm>>
        %dma_start3A_410 = arith.constant 0 : i32
        %dma_start3A_411 = tpu.memref_slice %arg11[%dma_start3A_410] : memref<16xi32, #tpu.memory_space<vmem>> -> memref<8xi32, #tpu.memory_space<vmem>>
        %dma_start3A_412 = tpu.memref_slice %arg3[%mul3A_73] : memref<1000xi32, #tpu.memory_space<hbm>> -> memref<8xi32, #tpu.memory_space<hbm>>
        tpu.enqueue_dma source(%dma_start3A_412 : memref<8xi32, #tpu.memory_space<hbm>>) target(%dma_start3A_411 : memref<8xi32, #tpu.memory_space<vmem>>) target_semaphore(%run_scoped3A : memref<!tpu.dma_semaphore, #tpu.memory_space<semaphore_mem>>)
        %dma_wait3A_413 = arith.constant 0 : i32
        %dma_wait3A_414 = tpu.memref_slice %arg11[%dma_wait3A_413] : memref<16xi32, #tpu.memory_space<vmem>> -> memref<8xi32, #tpu.memory_space<vmem>>
        %dma_wait3A_415 = tpu.memref_slice %arg3[%mul3A_73] : memref<1000xi32, #tpu.memory_space<hbm>> -> memref<8xi32, #tpu.memory_space<hbm>>
        %dma_wait3A_416 = arith.constant 0 : i32
        %dma_wait3A_417 = tpu.memref_slice %arg11[%dma_wait3A_416] : memref<16xi32, #tpu.memory_space<vmem>> -> memref<8xi32, #tpu.memory_space<vmem>>
        %dma_wait3A_418 = tpu.memref_slice %arg3[%mul3A_73] : memref<1000xi32, #tpu.memory_space<hbm>> -> memref<8xi32, #tpu.memory_space<hbm>>
        tpu.wait_dma2 semaphore(%run_scoped3A : memref<!tpu.dma_semaphore, #tpu.memory_space<semaphore_mem>>) src(%dma_wait3A_418 : memref<8xi32, #tpu.memory_space<hbm>>) dst(%dma_wait3A_417 : memref<8xi32, #tpu.memory_space<vmem>>)
        tpu.yield
      }) : () -> ()
      %mul3A_76 = arith.constant 4 : i32
      %mul3A_77 = arith.muli %add3A_75, %mul3A_76 : i32
      "tpu.region"() ({
        %run_scoped3A = tpu.sem_alloc : memref<!tpu.dma_semaphore, #tpu.memory_space<semaphore_mem>>
        %dma_start3A_407 = tpu.memref_slice %arg2[%mul3A_77] : memref<8000xf32, #tpu.memory_space<hbm>> -> memref<32xf32, #tpu.memory_space<hbm>>
        %dma_start3A_408 = tpu.memref_slice %arg2[%mul3A_77] : memref<8000xf32, #tpu.memory_space<hbm>> -> memref<32xf32, #tpu.memory_space<hbm>>
        tpu.enqueue_dma source(%dma_start3A_408 : memref<32xf32, #tpu.memory_space<hbm>>) target(%arg12 : memref<32xf32, #tpu.memory_space<vmem>>) target_semaphore(%run_scoped3A : memref<!tpu.dma_semaphore, #tpu.memory_space<semaphore_mem>>)
        %dma_wait3A_409 = tpu.memref_slice %arg2[%mul3A_77] : memref<8000xf32, #tpu.memory_space<hbm>> -> memref<32xf32, #tpu.memory_space<hbm>>
        %dma_wait3A_410 = tpu.memref_slice %arg2[%mul3A_77] : memref<8000xf32, #tpu.memory_space<hbm>> -> memref<32xf32, #tpu.memory_space<hbm>>
        tpu.wait_dma2 semaphore(%run_scoped3A : memref<!tpu.dma_semaphore, #tpu.memory_space<semaphore_mem>>) src(%dma_wait3A_410 : memref<32xf32, #tpu.memory_space<hbm>>) dst(%arg12 : memref<32xf32, #tpu.memory_space<vmem>>)
        tpu.yield
      }) : () -> ()
      %get3A = arith.constant 0 : index
      %get3A_78 = tpu.vector_load %arg11[%get3A] {strides = array<i32>} : memref<16xi32, #tpu.memory_space<vmem>>, vector<16xi32>,
      %get3A_79 = arith.constant 0 : index
      %get3A_80 = tpu.vector_load %arg12[%get3A_79] {strides = array<i32>} : memref<32xf32, #tpu.memory_space<vmem>>, vector<16xf32>,
      %convert_element_type3A = arith.fptosi %get3A_80 : vector<16xf32> to vector<16xi32>
      %get3A_81 = arith.constant 16 : index
      %get3A_82 = tpu.vector_load %arg12[%get3A_81] {strides = array<i32>} : memref<32xf32, #tpu.memory_space<vmem>>, vector<16xf32>,
      %convert_element_type3A_83 = arith.fptosi %get3A_82 : vector<16xf32> to vector<16xi32>
      %jit3A_84 = arith.constant 0 : i32
      %jit3A_85 = arith.constant 99 : i32
      %max3A = vector.broadcast %jit3A_84 : i32 to vector<16xi32>
      %max3A_86 = arith.maxsi %max3A, %get3A_78 : vector<16xi32>
      %min3A_87 = vector.broadcast %jit3A_85 : i32 to vector<16xi32>
      %min3A_88 = arith.minsi %min3A_87, %max3A_86 : vector<16xi32>
      %gather3A = tpu.vector_load_idx %arg13[%min3A_88] : memref<128xi32, #tpu.memory_space<vmem>>[vector<16xi32>], vector<16xi32>,
      %jit3A_89 = arith.constant 0 : i32
      %jit3A_90 = arith.constant 7 : i32
      %max3A_91 = vector.broadcast %jit3A_89 : i32 to vector<16xi32>
      %max3A_92 = arith.maxsi %max3A_91, %gather3A : vector<16xi32>
      %min3A_93 = vector.broadcast %jit3A_90 : i32 to vector<16xi32>
      %min3A_94 = arith.minsi %min3A_93, %max3A_92 : vector<16xi32>
      tpu.vector_store_idx %arg19[%min3A_4], %min3A_94 masked %lt3A_2 : memref<8xi32, #tpu.memory_space<vmem>>[vector<16xi32>], vector<16xi32>, vector<16xi1>
      %slice3A = vector.extract_strided_slice %get3A_78 {offsets = [0], sizes = [1], strides = [1]} : vector<16xi32> to vector<1xi32>
      %squeeze3A = vector.extract %slice3A[0] : i32 from vector<1xi32>
      %jit3A_95 = arith.constant 0 : i32
      %jit3A_96 = arith.constant 99 : i32
      %max3A_97 = arith.maxsi %jit3A_95, %squeeze3A : i32
      %min3A_98 = arith.minsi %jit3A_96, %max3A_97 : i32
      %slice3A_99 = vector.extract_strided_slice %convert_element_type3A {offsets = [1], sizes = [1], strides = [1]} : vector<16xi32> to vector<1xi32>
      %squeeze3A_100 = vector.extract %slice3A_99[0] : i32 from vector<1xi32>
      %jit3A_101 = arith.constant 0 : i32
      %jit3A_102 = arith.constant 100 : i32
      %max3A_103 = arith.maxsi %jit3A_101, %squeeze3A_100 : i32
      %min3A_104 = arith.minsi %jit3A_102, %max3A_103 : i32
      %mul3A_105 = arith.constant 128 : i32
      %mul3A_106 = arith.muli %min3A_98, %mul3A_105 : i32
      %add3A_107 = arith.addi %mul3A_106, %min3A_104 : i32
      %broadcast_in_dim3A = vector.broadcast %add3A_107 : i32 to vector<16xi32>
      %add3A_108 = arith.addi %broadcast_in_dim3A, %iota3A : vector<16xi32>
      %broadcast_in_dim3A_109 = arith.constant 0 : i32
      %broadcast_in_dim3A_110 = vector.broadcast %broadcast_in_dim3A_109 : i32 to vector<16xi32>
      %add3A_111 = arith.addi %broadcast_in_dim3A_110, %iota3A : vector<16xi32>
      tpu.vector_store_idx %arg14[%add3A_111], %add3A_108 : memref<112xi32, #tpu.memory_space<vmem>>[vector<16xi32>], vector<16xi32>,
      %broadcast_in_dim3A_112 = arith.constant 12 : i32
      %broadcast_in_dim3A_113 = vector.broadcast %broadcast_in_dim3A_112 : i32 to vector<16xi32>
      %add3A_114 = arith.addi %broadcast_in_dim3A_113, %iota3A : vector<16xi32>
      %add3A_115 = arith.constant 12 : i32
      %add3A_116 = vector.broadcast %add3A_115 : i32 to vector<16xi32>
      %add3A_117 = arith.addi %add3A_108, %add3A_116 : vector<16xi32>
      tpu.vector_store_idx %arg14[%add3A_114], %add3A_117 : memref<112xi32, #tpu.memory_space<vmem>>[vector<16xi32>], vector<16xi32>,
      %slice3A_118 = vector.extract_strided_slice %get3A_78 {offsets = [1], sizes = [1], strides = [1]} : vector<16xi32> to vector<1xi32>
      %squeeze3A_119 = vector.extract %slice3A_118[0] : i32 from vector<1xi32>
      %jit3A_120 = arith.constant 0 : i32
      %jit3A_121 = arith.constant 99 : i32
      %max3A_122 = arith.maxsi %jit3A_120, %squeeze3A_119 : i32
      %min3A_123 = arith.minsi %jit3A_121, %max3A_122 : i32
      %slice3A_124 = vector.extract_strided_slice %convert_element_type3A {offsets = [5], sizes = [1], strides = [1]} : vector<16xi32> to vector<1xi32>
      %squeeze3A_125 = vector.extract %slice3A_124[0] : i32 from vector<1xi32>
      %jit3A_126 = arith.constant 0 : i32
      %jit3A_127 = arith.constant 100 : i32
      %max3A_128 = arith.maxsi %jit3A_126, %squeeze3A_125 : i32
      %min3A_129 = arith.minsi %jit3A_127, %max3A_128 : i32
      %mul3A_130 = arith.constant 128 : i32
      %mul3A_131 = arith.muli %min3A_123, %mul3A_130 : i32
      %add3A_132 = arith.addi %mul3A_131, %min3A_129 : i32
      %broadcast_in_dim3A_133 = vector.broadcast %add3A_132 : i32 to vector<16xi32>
      %add3A_134 = arith.addi %broadcast_in_dim3A_133, %iota3A : vector<16xi32>
      %broadcast_in_dim3A_135 = arith.constant 28 : i32
      %broadcast_in_dim3A_136 = vector.broadcast %broadcast_in_dim3A_135 : i32 to vector<16xi32>
      %add3A_137 = arith.addi %broadcast_in_dim3A_136, %iota3A : vector<16xi32>
      tpu.vector_store_idx %arg14[%add3A_137], %add3A_134 : memref<112xi32, #tpu.memory_space<vmem>>[vector<16xi32>], vector<16xi32>,
      %broadcast_in_dim3A_138 = arith.constant 40 : i32
      %broadcast_in_dim3A_139 = vector.broadcast %broadcast_in_dim3A_138 : i32 to vector<16xi32>
      %add3A_140 = arith.addi %broadcast_in_dim3A_139, %iota3A : vector<16xi32>
      %add3A_141 = arith.constant 12 : i32
      %add3A_142 = vector.broadcast %add3A_141 : i32 to vector<16xi32>
      %add3A_143 = arith.addi %add3A_134, %add3A_142 : vector<16xi32>
      tpu.vector_store_idx %arg14[%add3A_140], %add3A_143 : memref<112xi32, #tpu.memory_space<vmem>>[vector<16xi32>], vector<16xi32>,
      %slice3A_144 = vector.extract_strided_slice %get3A_78 {offsets = [2], sizes = [1], strides = [1]} : vector<16xi32> to vector<1xi32>
      %squeeze3A_145 = vector.extract %slice3A_144[0] : i32 from vector<1xi32>
      %jit3A_146 = arith.constant 0 : i32
      %jit3A_147 = arith.constant 99 : i32
      %max3A_148 = arith.maxsi %jit3A_146, %squeeze3A_145 : i32
      %min3A_149 = arith.minsi %jit3A_147, %max3A_148 : i32
      %slice3A_150 = vector.extract_strided_slice %convert_element_type3A {offsets = [9], sizes = [1], strides = [1]} : vector<16xi32> to vector<1xi32>
      %squeeze3A_151 = vector.extract %slice3A_150[0] : i32 from vector<1xi32>
      %jit3A_152 = arith.constant 0 : i32
      %jit3A_153 = arith.constant 100 : i32
      %max3A_154 = arith.maxsi %jit3A_152, %squeeze3A_151 : i32
      %min3A_155 = arith.minsi %jit3A_153, %max3A_154 : i32
      %mul3A_156 = arith.constant 128 : i32
      %mul3A_157 = arith.muli %min3A_149, %mul3A_156 : i32
      %add3A_158 = arith.addi %mul3A_157, %min3A_155 : i32
      %broadcast_in_dim3A_159 = vector.broadcast %add3A_158 : i32 to vector<16xi32>
      %add3A_160 = arith.addi %broadcast_in_dim3A_159, %iota3A : vector<16xi32>
      %broadcast_in_dim3A_161 = arith.constant 56 : i32
      %broadcast_in_dim3A_162 = vector.broadcast %broadcast_in_dim3A_161 : i32 to vector<16xi32>
      %add3A_163 = arith.addi %broadcast_in_dim3A_162, %iota3A : vector<16xi32>
      tpu.vector_store_idx %arg14[%add3A_163], %add3A_160 : memref<112xi32, #tpu.memory_space<vmem>>[vector<16xi32>], vector<16xi32>,
      %broadcast_in_dim3A_164 = arith.constant 68 : i32
      %broadcast_in_dim3A_165 = vector.broadcast %broadcast_in_dim3A_164 : i32 to vector<16xi32>
      %add3A_166 = arith.addi %broadcast_in_dim3A_165, %iota3A : vector<16xi32>
      %add3A_167 = arith.constant 12 : i32
      %add3A_168 = vector.broadcast %add3A_167 : i32 to vector<16xi32>
      %add3A_169 = arith.addi %add3A_160, %add3A_168 : vector<16xi32>
      tpu.vector_store_idx %arg14[%add3A_166], %add3A_169 : memref<112xi32, #tpu.memory_space<vmem>>[vector<16xi32>], vector<16xi32>,
      %slice3A_170 = vector.extract_strided_slice %get3A_78 {offsets = [3], sizes = [1], strides = [1]} : vector<16xi32> to vector<1xi32>
      %squeeze3A_171 = vector.extract %slice3A_170[0] : i32 from vector<1xi32>
      %jit3A_172 = arith.constant 0 : i32
      %jit3A_173 = arith.constant 99 : i32
      %max3A_174 = arith.maxsi %jit3A_172, %squeeze3A_171 : i32
      %min3A_175 = arith.minsi %jit3A_173, %max3A_174 : i32
      %slice3A_176 = vector.extract_strided_slice %convert_element_type3A {offsets = [13], sizes = [1], strides = [1]} : vector<16xi32> to vector<1xi32>
      %squeeze3A_177 = vector.extract %slice3A_176[0] : i32 from vector<1xi32>
      %jit3A_178 = arith.constant 0 : i32
      %jit3A_179 = arith.constant 100 : i32
      %max3A_180 = arith.maxsi %jit3A_178, %squeeze3A_177 : i32
      %min3A_181 = arith.minsi %jit3A_179, %max3A_180 : i32
      %mul3A_182 = arith.constant 128 : i32
      %mul3A_183 = arith.muli %min3A_175, %mul3A_182 : i32
      %add3A_184 = arith.addi %mul3A_183, %min3A_181 : i32
      %broadcast_in_dim3A_185 = vector.broadcast %add3A_184 : i32 to vector<16xi32>
      %add3A_186 = arith.addi %broadcast_in_dim3A_185, %iota3A : vector<16xi32>
      %broadcast_in_dim3A_187 = arith.constant 84 : i32
      %broadcast_in_dim3A_188 = vector.broadcast %broadcast_in_dim3A_187 : i32 to vector<16xi32>
      %add3A_189 = arith.addi %broadcast_in_dim3A_188, %iota3A : vector<16xi32>
      tpu.vector_store_idx %arg14[%add3A_189], %add3A_186 : memref<112xi32, #tpu.memory_space<vmem>>[vector<16xi32>], vector<16xi32>,
      %broadcast_in_dim3A_190 = arith.constant 96 : i32
      %broadcast_in_dim3A_191 = vector.broadcast %broadcast_in_dim3A_190 : i32 to vector<16xi32>
      %add3A_192 = arith.addi %broadcast_in_dim3A_191, %iota3A : vector<16xi32>
      %add3A_193 = arith.constant 12 : i32
      %add3A_194 = vector.broadcast %add3A_193 : i32 to vector<16xi32>
      %add3A_195 = arith.addi %add3A_186, %add3A_194 : vector<16xi32>
      tpu.vector_store_idx %arg14[%add3A_192], %add3A_195 : memref<112xi32, #tpu.memory_space<vmem>>[vector<16xi32>], vector<16xi32>,
      %slice3A_196 = vector.extract_strided_slice %get3A_78 {offsets = [4], sizes = [1], strides = [1]} : vector<16xi32> to vector<1xi32>
      %squeeze3A_197 = vector.extract %slice3A_196[0] : i32 from vector<1xi32>
      %jit3A_198 = arith.constant 0 : i32
      %jit3A_199 = arith.constant 99 : i32
      %max3A_200 = arith.maxsi %jit3A_198, %squeeze3A_197 : i32
      %min3A_201 = arith.minsi %jit3A_199, %max3A_200 : i32
      %slice3A_202 = vector.extract_strided_slice %convert_element_type3A_83 {offsets = [1], sizes = [1], strides = [1]} : vector<16xi32> to vector<1xi32>
      %squeeze3A_203 = vector.extract %slice3A_202[0] : i32 from vector<1xi32>
      %jit3A_204 = arith.constant 0 : i32
      %jit3A_205 = arith.constant 100 : i32
      %max3A_206 = arith.maxsi %jit3A_204, %squeeze3A_203 : i32
      %min3A_207 = arith.minsi %jit3A_205, %max3A_206 : i32
      %mul3A_208 = arith.constant 128 : i32
      %mul3A_209 = arith.muli %min3A_201, %mul3A_208 : i32
      %add3A_210 = arith.addi %mul3A_209, %min3A_207 : i32
      %broadcast_in_dim3A_211 = vector.broadcast %add3A_210 : i32 to vector<16xi32>
      %add3A_212 = arith.addi %broadcast_in_dim3A_211, %iota3A : vector<16xi32>
      %broadcast_in_dim3A_213 = arith.constant 0 : i32
      %broadcast_in_dim3A_214 = vector.broadcast %broadcast_in_dim3A_213 : i32 to vector<16xi32>
      %add3A_215 = arith.addi %broadcast_in_dim3A_214, %iota3A : vector<16xi32>
      tpu.vector_store_idx %arg15[%add3A_215], %add3A_212 : memref<112xi32, #tpu.memory_space<vmem>>[vector<16xi32>], vector<16xi32>,
      %broadcast_in_dim3A_216 = arith.constant 12 : i32
      %broadcast_in_dim3A_217 = vector.broadcast %broadcast_in_dim3A_216 : i32 to vector<16xi32>
      %add3A_218 = arith.addi %broadcast_in_dim3A_217, %iota3A : vector<16xi32>
      %add3A_219 = arith.constant 12 : i32
      %add3A_220 = vector.broadcast %add3A_219 : i32 to vector<16xi32>
      %add3A_221 = arith.addi %add3A_212, %add3A_220 : vector<16xi32>
      tpu.vector_store_idx %arg15[%add3A_218], %add3A_221 : memref<112xi32, #tpu.memory_space<vmem>>[vector<16xi32>], vector<16xi32>,
      %slice3A_222 = vector.extract_strided_slice %get3A_78 {offsets = [5], sizes = [1], strides = [1]} : vector<16xi32> to vector<1xi32>
      %squeeze3A_223 = vector.extract %slice3A_222[0] : i32 from vector<1xi32>
      %jit3A_224 = arith.constant 0 : i32
      %jit3A_225 = arith.constant 99 : i32
      %max3A_226 = arith.maxsi %jit3A_224, %squeeze3A_223 : i32
      %min3A_227 = arith.minsi %jit3A_225, %max3A_226 : i32
      %slice3A_228 = vector.extract_strided_slice %convert_element_type3A_83 {offsets = [5], sizes = [1], strides = [1]} : vector<16xi32> to vector<1xi32>
      %squeeze3A_229 = vector.extract %slice3A_228[0] : i32 from vector<1xi32>
      %jit3A_230 = arith.constant 0 : i32
      %jit3A_231 = arith.constant 100 : i32
      %max3A_232 = arith.maxsi %jit3A_230, %squeeze3A_229 : i32
      %min3A_233 = arith.minsi %jit3A_231, %max3A_232 : i32
      %mul3A_234 = arith.constant 128 : i32
      %mul3A_235 = arith.muli %min3A_227, %mul3A_234 : i32
      %add3A_236 = arith.addi %mul3A_235, %min3A_233 : i32
      %broadcast_in_dim3A_237 = vector.broadcast %add3A_236 : i32 to vector<16xi32>
      %add3A_238 = arith.addi %broadcast_in_dim3A_237, %iota3A : vector<16xi32>
      %broadcast_in_dim3A_239 = arith.constant 28 : i32
      %broadcast_in_dim3A_240 = vector.broadcast %broadcast_in_dim3A_239 : i32 to vector<16xi32>
      %add3A_241 = arith.addi %broadcast_in_dim3A_240, %iota3A : vector<16xi32>
      tpu.vector_store_idx %arg15[%add3A_241], %add3A_238 : memref<112xi32, #tpu.memory_space<vmem>>[vector<16xi32>], vector<16xi32>,
      %broadcast_in_dim3A_242 = arith.constant 40 : i32
      %broadcast_in_dim3A_243 = vector.broadcast %broadcast_in_dim3A_242 : i32 to vector<16xi32>
      %add3A_244 = arith.addi %broadcast_in_dim3A_243, %iota3A : vector<16xi32>
      %add3A_245 = arith.constant 12 : i32
      %add3A_246 = vector.broadcast %add3A_245 : i32 to vector<16xi32>
      %add3A_247 = arith.addi %add3A_238, %add3A_246 : vector<16xi32>
      tpu.vector_store_idx %arg15[%add3A_244], %add3A_247 : memref<112xi32, #tpu.memory_space<vmem>>[vector<16xi32>], vector<16xi32>,
      %slice3A_248 = vector.extract_strided_slice %get3A_78 {offsets = [6], sizes = [1], strides = [1]} : vector<16xi32> to vector<1xi32>
      %squeeze3A_249 = vector.extract %slice3A_248[0] : i32 from vector<1xi32>
      %jit3A_250 = arith.constant 0 : i32
      %jit3A_251 = arith.constant 99 : i32
      %max3A_252 = arith.maxsi %jit3A_250, %squeeze3A_249 : i32
      %min3A_253 = arith.minsi %jit3A_251, %max3A_252 : i32
      %slice3A_254 = vector.extract_strided_slice %convert_element_type3A_83 {offsets = [9], sizes = [1], strides = [1]} : vector<16xi32> to vector<1xi32>
      %squeeze3A_255 = vector.extract %slice3A_254[0] : i32 from vector<1xi32>
      %jit3A_256 = arith.constant 0 : i32
      %jit3A_257 = arith.constant 100 : i32
      %max3A_258 = arith.maxsi %jit3A_256, %squeeze3A_255 : i32
      %min3A_259 = arith.minsi %jit3A_257, %max3A_258 : i32
      %mul3A_260 = arith.constant 128 : i32
      %mul3A_261 = arith.muli %min3A_253, %mul3A_260 : i32
      %add3A_262 = arith.addi %mul3A_261, %min3A_259 : i32
      %broadcast_in_dim3A_263 = vector.broadcast %add3A_262 : i32 to vector<16xi32>
      %add3A_264 = arith.addi %broadcast_in_dim3A_263, %iota3A : vector<16xi32>
      %broadcast_in_dim3A_265 = arith.constant 56 : i32
      %broadcast_in_dim3A_266 = vector.broadcast %broadcast_in_dim3A_265 : i32 to vector<16xi32>
      %add3A_267 = arith.addi %broadcast_in_dim3A_266, %iota3A : vector<16xi32>
      tpu.vector_store_idx %arg15[%add3A_267], %add3A_264 : memref<112xi32, #tpu.memory_space<vmem>>[vector<16xi32>], vector<16xi32>,
      %broadcast_in_dim3A_268 = arith.constant 68 : i32
      %broadcast_in_dim3A_269 = vector.broadcast %broadcast_in_dim3A_268 : i32 to vector<16xi32>
      %add3A_270 = arith.addi %broadcast_in_dim3A_269, %iota3A : vector<16xi32>
      %add3A_271 = arith.constant 12 : i32
      %add3A_272 = vector.broadcast %add3A_271 : i32 to vector<16xi32>
      %add3A_273 = arith.addi %add3A_264, %add3A_272 : vector<16xi32>
      tpu.vector_store_idx %arg15[%add3A_270], %add3A_273 : memref<112xi32, #tpu.memory_space<vmem>>[vector<16xi32>], vector<16xi32>,
      %slice3A_274 = vector.extract_strided_slice %get3A_78 {offsets = [7], sizes = [1], strides = [1]} : vector<16xi32> to vector<1xi32>
      %squeeze3A_275 = vector.extract %slice3A_274[0] : i32 from vector<1xi32>
      %jit3A_276 = arith.constant 0 : i32
      %jit3A_277 = arith.constant 99 : i32
      %max3A_278 = arith.maxsi %jit3A_276, %squeeze3A_275 : i32
      %min3A_279 = arith.minsi %jit3A_277, %max3A_278 : i32
      %slice3A_280 = vector.extract_strided_slice %convert_element_type3A_83 {offsets = [13], sizes = [1], strides = [1]} : vector<16xi32> to vector<1xi32>
      %squeeze3A_281 = vector.extract %slice3A_280[0] : i32 from vector<1xi32>
      %jit3A_282 = arith.constant 0 : i32
      %jit3A_283 = arith.constant 100 : i32
      %max3A_284 = arith.maxsi %jit3A_282, %squeeze3A_281 : i32
      %min3A_285 = arith.minsi %jit3A_283, %max3A_284 : i32
      %mul3A_286 = arith.constant 128 : i32
      %mul3A_287 = arith.muli %min3A_279, %mul3A_286 : i32
      %add3A_288 = arith.addi %mul3A_287, %min3A_285 : i32
      %broadcast_in_dim3A_289 = vector.broadcast %add3A_288 : i32 to vector<16xi32>
      %add3A_290 = arith.addi %broadcast_in_dim3A_289, %iota3A : vector<16xi32>
      %broadcast_in_dim3A_291 = arith.constant 84 : i32
      %broadcast_in_dim3A_292 = vector.broadcast %broadcast_in_dim3A_291 : i32 to vector<16xi32>
      %add3A_293 = arith.addi %broadcast_in_dim3A_292, %iota3A : vector<16xi32>
      tpu.vector_store_idx %arg15[%add3A_293], %add3A_290 : memref<112xi32, #tpu.memory_space<vmem>>[vector<16xi32>], vector<16xi32>,
      %broadcast_in_dim3A_294 = arith.constant 96 : i32
      %broadcast_in_dim3A_295 = vector.broadcast %broadcast_in_dim3A_294 : i32 to vector<16xi32>
      %add3A_296 = arith.addi %broadcast_in_dim3A_295, %iota3A : vector<16xi32>
      %add3A_297 = arith.constant 12 : i32
      %add3A_298 = vector.broadcast %add3A_297 : i32 to vector<16xi32>
      %add3A_299 = arith.addi %add3A_290, %add3A_298 : vector<16xi32>
      tpu.vector_store_idx %arg15[%add3A_296], %add3A_299 : memref<112xi32, #tpu.memory_space<vmem>>[vector<16xi32>], vector<16xi32>,
      %dma_start3A = arith.constant 0 : i32
      %dma_start3A_300 = arith.constant 0 : i32
      %dma_start3A_301 = tpu.memref_slice %arg7[%dma_start3A, %dma_start3A_300] : memref<12800x128xf32, #tpu.memory_space<hbm>> -> memref<12800x128xf32, #tpu.memory_space<hbm>>
      tpu.enqueue_indirect_dma source(%dma_start3A_301 : memref<12800x128xf32, #tpu.memory_space<hbm>>) target(%arg16 : memref<112x128xf32, #tpu.memory_space<vmem>>) offsets(%arg14 : memref<112xi32, #tpu.memory_space<vmem>>) semaphore(%arg20 : memref<!tpu.dma_semaphore, #tpu.memory_space<semaphore_mem>>)
      %dma_start3A_302 = arith.constant 0 : i32
      %dma_start3A_303 = arith.constant 0 : i32
      %dma_start3A_304 = tpu.memref_slice %arg7[%dma_start3A_302, %dma_start3A_303] : memref<12800x128xf32, #tpu.memory_space<hbm>> -> memref<12800x128xf32, #tpu.memory_space<hbm>>
      tpu.enqueue_indirect_dma source(%dma_start3A_304 : memref<12800x128xf32, #tpu.memory_space<hbm>>) target(%arg17 : memref<112x128xf32, #tpu.memory_space<vmem>>) offsets(%arg15 : memref<112xi32, #tpu.memory_space<vmem>>) semaphore(%arg21 : memref<!tpu.dma_semaphore, #tpu.memory_space<semaphore_mem>>)
      "tpu.region"() ({
        %run_scoped3A = tpu.sem_alloc : memref<!tpu.dma_semaphore, #tpu.memory_space<semaphore_mem>>
        %dma_start3A_407 = tpu.memref_slice %arg10[%add3A_75] : memref<2000xi32, #tpu.memory_space<hbm>> -> memref<8xi32, #tpu.memory_space<hbm>>
        %dma_start3A_408 = tpu.memref_slice %arg10[%add3A_75] : memref<2000xi32, #tpu.memory_space<hbm>> -> memref<8xi32, #tpu.memory_space<hbm>>
        tpu.enqueue_dma source(%arg19 : memref<8xi32, #tpu.memory_space<vmem>>) target(%dma_start3A_408 : memref<8xi32, #tpu.memory_space<hbm>>) target_semaphore(%run_scoped3A : memref<!tpu.dma_semaphore, #tpu.memory_space<semaphore_mem>>)
        %dma_wait3A_409 = tpu.memref_slice %arg10[%add3A_75] : memref<2000xi32, #tpu.memory_space<hbm>> -> memref<8xi32, #tpu.memory_space<hbm>>
        %dma_wait3A_410 = tpu.memref_slice %arg10[%add3A_75] : memref<2000xi32, #tpu.memory_space<hbm>> -> memref<8xi32, #tpu.memory_space<hbm>>
        tpu.wait_dma2 semaphore(%run_scoped3A : memref<!tpu.dma_semaphore, #tpu.memory_space<semaphore_mem>>) src(%arg19 : memref<8xi32, #tpu.memory_space<vmem>>) dst(%dma_wait3A_410 : memref<8xi32, #tpu.memory_space<hbm>>)
        tpu.yield
      }) : () -> ()
      %dma_wait3A = arith.constant 0 : i32
      %dma_wait3A_305 = arith.constant 0 : i32
      %dma_wait3A_306 = tpu.memref_slice %arg7[%dma_wait3A, %dma_wait3A_305] : memref<12800x128xf32, #tpu.memory_space<hbm>> -> memref<12800x128xf32, #tpu.memory_space<hbm>>
      tpu.wait_indirect_dma semaphore(%arg20 : memref<!tpu.dma_semaphore, #tpu.memory_space<semaphore_mem>>) src(%dma_wait3A_306 : memref<12800x128xf32, #tpu.memory_space<hbm>>) dst(%arg16 : memref<112x128xf32, #tpu.memory_space<vmem>>)
      %dma_wait3A_307 = arith.constant 0 : i32
      %dma_wait3A_308 = arith.constant 0 : i32
      %dma_wait3A_309 = tpu.memref_slice %arg7[%dma_wait3A_307, %dma_wait3A_308] : memref<12800x128xf32, #tpu.memory_space<hbm>> -> memref<12800x128xf32, #tpu.memory_space<hbm>>
      tpu.wait_indirect_dma semaphore(%arg21 : memref<!tpu.dma_semaphore, #tpu.memory_space<semaphore_mem>>) src(%dma_wait3A_309 : memref<12800x128xf32, #tpu.memory_space<hbm>>) dst(%arg17 : memref<112x128xf32, #tpu.memory_space<vmem>>)
      %slice3A_310 = vector.extract_strided_slice %convert_element_type3A {offsets = [0], sizes = [1], strides = [1]} : vector<16xi32> to vector<1xi32>
      %squeeze3A_311 = vector.extract %slice3A_310[0] : i32 from vector<1xi32>
      %jit3A_312 = arith.constant 0 : i32
      %jit3A_313 = arith.constant 100 : i32
      %max3A_314 = arith.maxsi %jit3A_312, %squeeze3A_311 : i32
      %min3A_315 = arith.minsi %jit3A_313, %max3A_314 : i32
      %broadcast_in_dim3A_316 = vector.broadcast %min3A_315 : i32 to vector<16xi32>
      %scan3A = arith.constant 0 : i32
      %scan3A_317 = arith.constant 28 : i32
      %scan3A_318 = arith.addi %scan3A, %scan3A_317 : i32
      %scan3A_319 = arith.constant 1 : i32
      scf.for %scan3A_407 = %scan3A to %scan3A_318 step %scan3A_319  : i32 {
        %add3A_408 = arith.constant 0 : i32
        %add3A_409 = arith.addi %add3A_408, %scan3A_407 : i32
        %broadcast_in_dim3A_410 = vector.broadcast %add3A_409 : i32 to vector<16xi32>
        %add3A_411 = arith.addi %broadcast_in_dim3A_316, %iota3A : vector<16xi32>
        %gather3A_412 = tpu.vector_load_idx %arg16[%broadcast_in_dim3A_410, %add3A_411] : memref<112x128xf32, #tpu.memory_space<vmem>>[vector<16xi32>, vector<16xi32>], vector<16xf32>,
        %mul3A_413 = arith.constant 28 : i32
        %mul3A_414 = arith.muli %scan3A_407, %mul3A_413 : i32
        %add3A_415 = arith.constant 0 : i32
        %add3A_416 = arith.addi %add3A_415, %mul3A_414 : i32
        %broadcast_in_dim3A_417 = vector.broadcast %add3A_416 : i32 to vector<16xi32>
        %add3A_418 = arith.addi %broadcast_in_dim3A_417, %iota3A : vector<16xi32>
        tpu.vector_store_idx %arg18[%add3A_418], %gather3A_412 : memref<6272xf32, #tpu.memory_space<vmem>>[vector<16xi32>], vector<16xf32>,
        %add3A_419 = arith.constant 12 : i32
        %add3A_420 = vector.broadcast %add3A_419 : i32 to vector<16xi32>
        %add3A_421 = arith.addi %broadcast_in_dim3A_316, %add3A_420 : vector<16xi32>
        %add3A_422 = arith.addi %add3A_421, %iota3A : vector<16xi32>
        %gather3A_423 = tpu.vector_load_idx %arg16[%broadcast_in_dim3A_410, %add3A_422] : memref<112x128xf32, #tpu.memory_space<vmem>>[vector<16xi32>, vector<16xi32>], vector<16xf32>,
        %mul3A_424 = arith.constant 28 : i32
        %mul3A_425 = arith.muli %scan3A_407, %mul3A_424 : i32
        %add3A_426 = arith.constant 0 : i32
        %add3A_427 = arith.addi %add3A_426, %mul3A_425 : i32
        %add3A_428 = arith.constant 12 : i32
        %add3A_429 = arith.addi %add3A_427, %add3A_428 : i32
        %broadcast_in_dim3A_430 = vector.broadcast %add3A_429 : i32 to vector<16xi32>
        %add3A_431 = arith.addi %broadcast_in_dim3A_430, %iota3A : vector<16xi32>
        tpu.vector_store_idx %arg18[%add3A_431], %gather3A_423 : memref<6272xf32, #tpu.memory_space<vmem>>[vector<16xi32>], vector<16xf32>,
      }
      %scan3A_320 = arith.constant 28 : i32
      %slice3A_321 = vector.extract_strided_slice %convert_element_type3A {offsets = [4], sizes = [1], strides = [1]} : vector<16xi32> to vector<1xi32>
      %squeeze3A_322 = vector.extract %slice3A_321[0] : i32 from vector<1xi32>
      %jit3A_323 = arith.constant 0 : i32
      %jit3A_324 = arith.constant 100 : i32
      %max3A_325 = arith.maxsi %jit3A_323, %squeeze3A_322 : i32
      %min3A_326 = arith.minsi %jit3A_324, %max3A_325 : i32
      %broadcast_in_dim3A_327 = vector.broadcast %min3A_326 : i32 to vector<16xi32>
      %scan3A_328 = arith.constant 0 : i32
      %scan3A_329 = arith.constant 28 : i32
      %scan3A_330 = arith.addi %scan3A_328, %scan3A_329 : i32
      %scan3A_331 = arith.constant 1 : i32
      scf.for %scan3A_407 = %scan3A_328 to %scan3A_330 step %scan3A_331  : i32 {
        %add3A_408 = arith.constant 28 : i32
        %add3A_409 = arith.addi %add3A_408, %scan3A_407 : i32
        %broadcast_in_dim3A_410 = vector.broadcast %add3A_409 : i32 to vector<16xi32>
        %add3A_411 = arith.addi %broadcast_in_dim3A_327, %iota3A : vector<16xi32>
        %gather3A_412 = tpu.vector_load_idx %arg16[%broadcast_in_dim3A_410, %add3A_411] : memref<112x128xf32, #tpu.memory_space<vmem>>[vector<16xi32>, vector<16xi32>], vector<16xf32>,
        %mul3A_413 = arith.constant 28 : i32
        %mul3A_414 = arith.muli %scan3A_407, %mul3A_413 : i32
        %add3A_415 = arith.constant 784 : i32
        %add3A_416 = arith.addi %add3A_415, %mul3A_414 : i32
        %broadcast_in_dim3A_417 = vector.broadcast %add3A_416 : i32 to vector<16xi32>
        %add3A_418 = arith.addi %broadcast_in_dim3A_417, %iota3A : vector<16xi32>
        tpu.vector_store_idx %arg18[%add3A_418], %gather3A_412 : memref<6272xf32, #tpu.memory_space<vmem>>[vector<16xi32>], vector<16xf32>,
        %add3A_419 = arith.constant 12 : i32
        %add3A_420 = vector.broadcast %add3A_419 : i32 to vector<16xi32>
        %add3A_421 = arith.addi %broadcast_in_dim3A_327, %add3A_420 : vector<16xi32>
        %add3A_422 = arith.addi %add3A_421, %iota3A : vector<16xi32>
        %gather3A_423 = tpu.vector_load_idx %arg16[%broadcast_in_dim3A_410, %add3A_422] : memref<112x128xf32, #tpu.memory_space<vmem>>[vector<16xi32>, vector<16xi32>], vector<16xf32>,
        %mul3A_424 = arith.constant 28 : i32
        %mul3A_425 = arith.muli %scan3A_407, %mul3A_424 : i32
        %add3A_426 = arith.constant 784 : i32
        %add3A_427 = arith.addi %add3A_426, %mul3A_425 : i32
        %add3A_428 = arith.constant 12 : i32
        %add3A_429 = arith.addi %add3A_427, %add3A_428 : i32
        %broadcast_in_dim3A_430 = vector.broadcast %add3A_429 : i32 to vector<16xi32>
        %add3A_431 = arith.addi %broadcast_in_dim3A_430, %iota3A : vector<16xi32>
        tpu.vector_store_idx %arg18[%add3A_431], %gather3A_423 : memref<6272xf32, #tpu.memory_space<vmem>>[vector<16xi32>], vector<16xf32>,
      }
      %scan3A_332 = arith.constant 28 : i32
      %slice3A_333 = vector.extract_strided_slice %convert_element_type3A {offsets = [8], sizes = [1], strides = [1]} : vector<16xi32> to vector<1xi32>
      %squeeze3A_334 = vector.extract %slice3A_333[0] : i32 from vector<1xi32>
      %jit3A_335 = arith.constant 0 : i32
      %jit3A_336 = arith.constant 100 : i32
      %max3A_337 = arith.maxsi %jit3A_335, %squeeze3A_334 : i32
      %min3A_338 = arith.minsi %jit3A_336, %max3A_337 : i32
      %broadcast_in_dim3A_339 = vector.broadcast %min3A_338 : i32 to vector<16xi32>
      %scan3A_340 = arith.constant 0 : i32
      %scan3A_341 = arith.constant 28 : i32
      %scan3A_342 = arith.addi %scan3A_340, %scan3A_341 : i32
      %scan3A_343 = arith.constant 1 : i32
      scf.for %scan3A_407 = %scan3A_340 to %scan3A_342 step %scan3A_343  : i32 {
        %add3A_408 = arith.constant 56 : i32
        %add3A_409 = arith.addi %add3A_408, %scan3A_407 : i32
        %broadcast_in_dim3A_410 = vector.broadcast %add3A_409 : i32 to vector<16xi32>
        %add3A_411 = arith.addi %broadcast_in_dim3A_339, %iota3A : vector<16xi32>
        %gather3A_412 = tpu.vector_load_idx %arg16[%broadcast_in_dim3A_410, %add3A_411] : memref<112x128xf32, #tpu.memory_space<vmem>>[vector<16xi32>, vector<16xi32>], vector<16xf32>,
        %mul3A_413 = arith.constant 28 : i32
        %mul3A_414 = arith.muli %scan3A_407, %mul3A_413 : i32
        %add3A_415 = arith.constant 1568 : i32
        %add3A_416 = arith.addi %add3A_415, %mul3A_414 : i32
        %broadcast_in_dim3A_417 = vector.broadcast %add3A_416 : i32 to vector<16xi32>
        %add3A_418 = arith.addi %broadcast_in_dim3A_417, %iota3A : vector<16xi32>
        tpu.vector_store_idx %arg18[%add3A_418], %gather3A_412 : memref<6272xf32, #tpu.memory_space<vmem>>[vector<16xi32>], vector<16xf32>,
        %add3A_419 = arith.constant 12 : i32
        %add3A_420 = vector.broadcast %add3A_419 : i32 to vector<16xi32>
        %add3A_421 = arith.addi %broadcast_in_dim3A_339, %add3A_420 : vector<16xi32>
        %add3A_422 = arith.addi %add3A_421, %iota3A : vector<16xi32>
        %gather3A_423 = tpu.vector_load_idx %arg16[%broadcast_in_dim3A_410, %add3A_422] : memref<112x128xf32, #tpu.memory_space<vmem>>[vector<16xi32>, vector<16xi32>], vector<16xf32>,
        %mul3A_424 = arith.constant 28 : i32
        %mul3A_425 = arith.muli %scan3A_407, %mul3A_424 : i32
        %add3A_426 = arith.constant 1568 : i32
        %add3A_427 = arith.addi %add3A_426, %mul3A_425 : i32
        %add3A_428 = arith.constant 12 : i32
        %add3A_429 = arith.addi %add3A_427, %add3A_428 : i32
        %broadcast_in_dim3A_430 = vector.broadcast %add3A_429 : i32 to vector<16xi32>
        %add3A_431 = arith.addi %broadcast_in_dim3A_430, %iota3A : vector<16xi32>
        tpu.vector_store_idx %arg18[%add3A_431], %gather3A_423 : memref<6272xf32, #tpu.memory_space<vmem>>[vector<16xi32>], vector<16xf32>,
      }
      %scan3A_344 = arith.constant 28 : i32
      %slice3A_345 = vector.extract_strided_slice %convert_element_type3A {offsets = [12], sizes = [1], strides = [1]} : vector<16xi32> to vector<1xi32>
      %squeeze3A_346 = vector.extract %slice3A_345[0] : i32 from vector<1xi32>
      %jit3A_347 = arith.constant 0 : i32
      %jit3A_348 = arith.constant 100 : i32
      %max3A_349 = arith.maxsi %jit3A_347, %squeeze3A_346 : i32
      %min3A_350 = arith.minsi %jit3A_348, %max3A_349 : i32
      %broadcast_in_dim3A_351 = vector.broadcast %min3A_350 : i32 to vector<16xi32>
      %scan3A_352 = arith.constant 0 : i32
      %scan3A_353 = arith.constant 28 : i32
      %scan3A_354 = arith.addi %scan3A_352, %scan3A_353 : i32
      %scan3A_355 = arith.constant 1 : i32
      scf.for %scan3A_407 = %scan3A_352 to %scan3A_354 step %scan3A_355  : i32 {
        %add3A_408 = arith.constant 84 : i32
        %add3A_409 = arith.addi %add3A_408, %scan3A_407 : i32
        %broadcast_in_dim3A_410 = vector.broadcast %add3A_409 : i32 to vector<16xi32>
        %add3A_411 = arith.addi %broadcast_in_dim3A_351, %iota3A : vector<16xi32>
        %gather3A_412 = tpu.vector_load_idx %arg16[%broadcast_in_dim3A_410, %add3A_411] : memref<112x128xf32, #tpu.memory_space<vmem>>[vector<16xi32>, vector<16xi32>], vector<16xf32>,
        %mul3A_413 = arith.constant 28 : i32
        %mul3A_414 = arith.muli %scan3A_407, %mul3A_413 : i32
        %add3A_415 = arith.constant 2352 : i32
        %add3A_416 = arith.addi %add3A_415, %mul3A_414 : i32
        %broadcast_in_dim3A_417 = vector.broadcast %add3A_416 : i32 to vector<16xi32>
        %add3A_418 = arith.addi %broadcast_in_dim3A_417, %iota3A : vector<16xi32>
        tpu.vector_store_idx %arg18[%add3A_418], %gather3A_412 : memref<6272xf32, #tpu.memory_space<vmem>>[vector<16xi32>], vector<16xf32>,
        %add3A_419 = arith.constant 12 : i32
        %add3A_420 = vector.broadcast %add3A_419 : i32 to vector<16xi32>
        %add3A_421 = arith.addi %broadcast_in_dim3A_351, %add3A_420 : vector<16xi32>
        %add3A_422 = arith.addi %add3A_421, %iota3A : vector<16xi32>
        %gather3A_423 = tpu.vector_load_idx %arg16[%broadcast_in_dim3A_410, %add3A_422] : memref<112x128xf32, #tpu.memory_space<vmem>>[vector<16xi32>, vector<16xi32>], vector<16xf32>,
        %mul3A_424 = arith.constant 28 : i32
        %mul3A_425 = arith.muli %scan3A_407, %mul3A_424 : i32
        %add3A_426 = arith.constant 2352 : i32
        %add3A_427 = arith.addi %add3A_426, %mul3A_425 : i32
        %add3A_428 = arith.constant 12 : i32
        %add3A_429 = arith.addi %add3A_427, %add3A_428 : i32
        %broadcast_in_dim3A_430 = vector.broadcast %add3A_429 : i32 to vector<16xi32>
        %add3A_431 = arith.addi %broadcast_in_dim3A_430, %iota3A : vector<16xi32>
        tpu.vector_store_idx %arg18[%add3A_431], %gather3A_423 : memref<6272xf32, #tpu.memory_space<vmem>>[vector<16xi32>], vector<16xf32>,
      }
      %scan3A_356 = arith.constant 28 : i32
      %slice3A_357 = vector.extract_strided_slice %convert_element_type3A_83 {offsets = [0], sizes = [1], strides = [1]} : vector<16xi32> to vector<1xi32>
      %squeeze3A_358 = vector.extract %slice3A_357[0] : i32 from vector<1xi32>
      %jit3A_359 = arith.constant 0 : i32
      %jit3A_360 = arith.constant 100 : i32
      %max3A_361 = arith.maxsi %jit3A_359, %squeeze3A_358 : i32
      %min3A_362 = arith.minsi %jit3A_360, %max3A_361 : i32
      %broadcast_in_dim3A_363 = vector.broadcast %min3A_362 : i32 to vector<16xi32>
      %scan3A_364 = arith.constant 0 : i32
      %scan3A_365 = arith.constant 28 : i32
      %scan3A_366 = arith.addi %scan3A_364, %scan3A_365 : i32
      %scan3A_367 = arith.constant 1 : i32
      scf.for %scan3A_407 = %scan3A_364 to %scan3A_366 step %scan3A_367  : i32 {
        %add3A_408 = arith.constant 0 : i32
        %add3A_409 = arith.addi %add3A_408, %scan3A_407 : i32
        %broadcast_in_dim3A_410 = vector.broadcast %add3A_409 : i32 to vector<16xi32>
        %add3A_411 = arith.addi %broadcast_in_dim3A_363, %iota3A : vector<16xi32>
        %gather3A_412 = tpu.vector_load_idx %arg17[%broadcast_in_dim3A_410, %add3A_411] : memref<112x128xf32, #tpu.memory_space<vmem>>[vector<16xi32>, vector<16xi32>], vector<16xf32>,
        %mul3A_413 = arith.constant 28 : i32
        %mul3A_414 = arith.muli %scan3A_407, %mul3A_413 : i32
        %add3A_415 = arith.constant 3136 : i32
        %add3A_416 = arith.addi %add3A_415, %mul3A_414 : i32
        %broadcast_in_dim3A_417 = vector.broadcast %add3A_416 : i32 to vector<16xi32>
        %add3A_418 = arith.addi %broadcast_in_dim3A_417, %iota3A : vector<16xi32>
        tpu.vector_store_idx %arg18[%add3A_418], %gather3A_412 : memref<6272xf32, #tpu.memory_space<vmem>>[vector<16xi32>], vector<16xf32>,
        %add3A_419 = arith.constant 12 : i32
        %add3A_420 = vector.broadcast %add3A_419 : i32 to vector<16xi32>
        %add3A_421 = arith.addi %broadcast_in_dim3A_363, %add3A_420 : vector<16xi32>
        %add3A_422 = arith.addi %add3A_421, %iota3A : vector<16xi32>
        %gather3A_423 = tpu.vector_load_idx %arg17[%broadcast_in_dim3A_410, %add3A_422] : memref<112x128xf32, #tpu.memory_space<vmem>>[vector<16xi32>, vector<16xi32>], vector<16xf32>,
        %mul3A_424 = arith.constant 28 : i32
        %mul3A_425 = arith.muli %scan3A_407, %mul3A_424 : i32
        %add3A_426 = arith.constant 3136 : i32
        %add3A_427 = arith.addi %add3A_426, %mul3A_425 : i32
        %add3A_428 = arith.constant 12 : i32
        %add3A_429 = arith.addi %add3A_427, %add3A_428 : i32
        %broadcast_in_dim3A_430 = vector.broadcast %add3A_429 : i32 to vector<16xi32>
        %add3A_431 = arith.addi %broadcast_in_dim3A_430, %iota3A : vector<16xi32>
        tpu.vector_store_idx %arg18[%add3A_431], %gather3A_423 : memref<6272xf32, #tpu.memory_space<vmem>>[vector<16xi32>], vector<16xf32>,
      }
      %scan3A_368 = arith.constant 28 : i32
      %slice3A_369 = vector.extract_strided_slice %convert_element_type3A_83 {offsets = [4], sizes = [1], strides = [1]} : vector<16xi32> to vector<1xi32>
      %squeeze3A_370 = vector.extract %slice3A_369[0] : i32 from vector<1xi32>
      %jit3A_371 = arith.constant 0 : i32
      %jit3A_372 = arith.constant 100 : i32
      %max3A_373 = arith.maxsi %jit3A_371, %squeeze3A_370 : i32
      %min3A_374 = arith.minsi %jit3A_372, %max3A_373 : i32
      %broadcast_in_dim3A_375 = vector.broadcast %min3A_374 : i32 to vector<16xi32>
      %scan3A_376 = arith.constant 0 : i32
      %scan3A_377 = arith.constant 28 : i32
      %scan3A_378 = arith.addi %scan3A_376, %scan3A_377 : i32
      %scan3A_379 = arith.constant 1 : i32
      scf.for %scan3A_407 = %scan3A_376 to %scan3A_378 step %scan3A_379  : i32 {
        %add3A_408 = arith.constant 28 : i32
        %add3A_409 = arith.addi %add3A_408, %scan3A_407 : i32
        %broadcast_in_dim3A_410 = vector.broadcast %add3A_409 : i32 to vector<16xi32>
        %add3A_411 = arith.addi %broadcast_in_dim3A_375, %iota3A : vector<16xi32>
        %gather3A_412 = tpu.vector_load_idx %arg17[%broadcast_in_dim3A_410, %add3A_411] : memref<112x128xf32, #tpu.memory_space<vmem>>[vector<16xi32>, vector<16xi32>], vector<16xf32>,
        %mul3A_413 = arith.constant 28 : i32
        %mul3A_414 = arith.muli %scan3A_407, %mul3A_413 : i32
        %add3A_415 = arith.constant 3920 : i32
        %add3A_416 = arith.addi %add3A_415, %mul3A_414 : i32
        %broadcast_in_dim3A_417 = vector.broadcast %add3A_416 : i32 to vector<16xi32>
        %add3A_418 = arith.addi %broadcast_in_dim3A_417, %iota3A : vector<16xi32>
        tpu.vector_store_idx %arg18[%add3A_418], %gather3A_412 : memref<6272xf32, #tpu.memory_space<vmem>>[vector<16xi32>], vector<16xf32>,
        %add3A_419 = arith.constant 12 : i32
        %add3A_420 = vector.broadcast %add3A_419 : i32 to vector<16xi32>
        %add3A_421 = arith.addi %broadcast_in_dim3A_375, %add3A_420 : vector<16xi32>
        %add3A_422 = arith.addi %add3A_421, %iota3A : vector<16xi32>
        %gather3A_423 = tpu.vector_load_idx %arg17[%broadcast_in_dim3A_410, %add3A_422] : memref<112x128xf32, #tpu.memory_space<vmem>>[vector<16xi32>, vector<16xi32>], vector<16xf32>,
        %mul3A_424 = arith.constant 28 : i32
        %mul3A_425 = arith.muli %scan3A_407, %mul3A_424 : i32
        %add3A_426 = arith.constant 3920 : i32
        %add3A_427 = arith.addi %add3A_426, %mul3A_425 : i32
        %add3A_428 = arith.constant 12 : i32
        %add3A_429 = arith.addi %add3A_427, %add3A_428 : i32
        %broadcast_in_dim3A_430 = vector.broadcast %add3A_429 : i32 to vector<16xi32>
        %add3A_431 = arith.addi %broadcast_in_dim3A_430, %iota3A : vector<16xi32>
        tpu.vector_store_idx %arg18[%add3A_431], %gather3A_423 : memref<6272xf32, #tpu.memory_space<vmem>>[vector<16xi32>], vector<16xf32>,
      }
      %scan3A_380 = arith.constant 28 : i32
      %slice3A_381 = vector.extract_strided_slice %convert_element_type3A_83 {offsets = [8], sizes = [1], strides = [1]} : vector<16xi32> to vector<1xi32>
      %squeeze3A_382 = vector.extract %slice3A_381[0] : i32 from vector<1xi32>
      %jit3A_383 = arith.constant 0 : i32
      %jit3A_384 = arith.constant 100 : i32
      %max3A_385 = arith.maxsi %jit3A_383, %squeeze3A_382 : i32
      %min3A_386 = arith.minsi %jit3A_384, %max3A_385 : i32
      %broadcast_in_dim3A_387 = vector.broadcast %min3A_386 : i32 to vector<16xi32>
      %scan3A_388 = arith.constant 0 : i32
      %scan3A_389 = arith.constant 28 : i32
      %scan3A_390 = arith.addi %scan3A_388, %scan3A_389 : i32
      %scan3A_391 = arith.constant 1 : i32
      scf.for %scan3A_407 = %scan3A_388 to %scan3A_390 step %scan3A_391  : i32 {
        %add3A_408 = arith.constant 56 : i32
        %add3A_409 = arith.addi %add3A_408, %scan3A_407 : i32
        %broadcast_in_dim3A_410 = vector.broadcast %add3A_409 : i32 to vector<16xi32>
        %add3A_411 = arith.addi %broadcast_in_dim3A_387, %iota3A : vector<16xi32>
        %gather3A_412 = tpu.vector_load_idx %arg17[%broadcast_in_dim3A_410, %add3A_411] : memref<112x128xf32, #tpu.memory_space<vmem>>[vector<16xi32>, vector<16xi32>], vector<16xf32>,
        %mul3A_413 = arith.constant 28 : i32
        %mul3A_414 = arith.muli %scan3A_407, %mul3A_413 : i32
        %add3A_415 = arith.constant 4704 : i32
        %add3A_416 = arith.addi %add3A_415, %mul3A_414 : i32
        %broadcast_in_dim3A_417 = vector.broadcast %add3A_416 : i32 to vector<16xi32>
        %add3A_418 = arith.addi %broadcast_in_dim3A_417, %iota3A : vector<16xi32>
        tpu.vector_store_idx %arg18[%add3A_418], %gather3A_412 : memref<6272xf32, #tpu.memory_space<vmem>>[vector<16xi32>], vector<16xf32>,
        %add3A_419 = arith.constant 12 : i32
        %add3A_420 = vector.broadcast %add3A_419 : i32 to vector<16xi32>
        %add3A_421 = arith.addi %broadcast_in_dim3A_387, %add3A_420 : vector<16xi32>
        %add3A_422 = arith.addi %add3A_421, %iota3A : vector<16xi32>
        %gather3A_423 = tpu.vector_load_idx %arg17[%broadcast_in_dim3A_410, %add3A_422] : memref<112x128xf32, #tpu.memory_space<vmem>>[vector<16xi32>, vector<16xi32>], vector<16xf32>,
        %mul3A_424 = arith.constant 28 : i32
        %mul3A_425 = arith.muli %scan3A_407, %mul3A_424 : i32
        %add3A_426 = arith.constant 4704 : i32
        %add3A_427 = arith.addi %add3A_426, %mul3A_425 : i32
        %add3A_428 = arith.constant 12 : i32
        %add3A_429 = arith.addi %add3A_427, %add3A_428 : i32
        %broadcast_in_dim3A_430 = vector.broadcast %add3A_429 : i32 to vector<16xi32>
        %add3A_431 = arith.addi %broadcast_in_dim3A_430, %iota3A : vector<16xi32>
        tpu.vector_store_idx %arg18[%add3A_431], %gather3A_423 : memref<6272xf32, #tpu.memory_space<vmem>>[vector<16xi32>], vector<16xf32>,
      }
      %scan3A_392 = arith.constant 28 : i32
      %slice3A_393 = vector.extract_strided_slice %convert_element_type3A_83 {offsets = [12], sizes = [1], strides = [1]} : vector<16xi32> to vector<1xi32>
      %squeeze3A_394 = vector.extract %slice3A_393[0] : i32 from vector<1xi32>
      %jit3A_395 = arith.constant 0 : i32
      %jit3A_396 = arith.constant 100 : i32
      %max3A_397 = arith.maxsi %jit3A_395, %squeeze3A_394 : i32
      %min3A_398 = arith.minsi %jit3A_396, %max3A_397 : i32
      %broadcast_in_dim3A_399 = vector.broadcast %min3A_398 : i32 to vector<16xi32>
      %scan3A_400 = arith.constant 0 : i32
      %scan3A_401 = arith.constant 28 : i32
      %scan3A_402 = arith.addi %scan3A_400, %scan3A_401 : i32
      %scan3A_403 = arith.constant 1 : i32
      scf.for %scan3A_407 = %scan3A_400 to %scan3A_402 step %scan3A_403  : i32 {
        %add3A_408 = arith.constant 84 : i32
        %add3A_409 = arith.addi %add3A_408, %scan3A_407 : i32
        %broadcast_in_dim3A_410 = vector.broadcast %add3A_409 : i32 to vector<16xi32>
        %add3A_411 = arith.addi %broadcast_in_dim3A_399, %iota3A : vector<16xi32>
        %gather3A_412 = tpu.vector_load_idx %arg17[%broadcast_in_dim3A_410, %add3A_411] : memref<112x128xf32, #tpu.memory_space<vmem>>[vector<16xi32>, vector<16xi32>], vector<16xf32>,
        %mul3A_413 = arith.constant 28 : i32
        %mul3A_414 = arith.muli %scan3A_407, %mul3A_413 : i32
        %add3A_415 = arith.constant 5488 : i32
        %add3A_416 = arith.addi %add3A_415, %mul3A_414 : i32
        %broadcast_in_dim3A_417 = vector.broadcast %add3A_416 : i32 to vector<16xi32>
        %add3A_418 = arith.addi %broadcast_in_dim3A_417, %iota3A : vector<16xi32>
        tpu.vector_store_idx %arg18[%add3A_418], %gather3A_412 : memref<6272xf32, #tpu.memory_space<vmem>>[vector<16xi32>], vector<16xf32>,
        %add3A_419 = arith.constant 12 : i32
        %add3A_420 = vector.broadcast %add3A_419 : i32 to vector<16xi32>
        %add3A_421 = arith.addi %broadcast_in_dim3A_399, %add3A_420 : vector<16xi32>
        %add3A_422 = arith.addi %add3A_421, %iota3A : vector<16xi32>
        %gather3A_423 = tpu.vector_load_idx %arg17[%broadcast_in_dim3A_410, %add3A_422] : memref<112x128xf32, #tpu.memory_space<vmem>>[vector<16xi32>, vector<16xi32>], vector<16xf32>,
        %mul3A_424 = arith.constant 28 : i32
        %mul3A_425 = arith.muli %scan3A_407, %mul3A_424 : i32
        %add3A_426 = arith.constant 5488 : i32
        %add3A_427 = arith.addi %add3A_426, %mul3A_425 : i32
        %add3A_428 = arith.constant 12 : i32
        %add3A_429 = arith.addi %add3A_427, %add3A_428 : i32
        %broadcast_in_dim3A_430 = vector.broadcast %add3A_429 : i32 to vector<16xi32>
        %add3A_431 = arith.addi %broadcast_in_dim3A_430, %iota3A : vector<16xi32>
        tpu.vector_store_idx %arg18[%add3A_431], %gather3A_423 : memref<6272xf32, #tpu.memory_space<vmem>>[vector<16xi32>], vector<16xf32>,
      }
      %scan3A_404 = arith.constant 28 : i32
      %mul3A_405 = arith.constant 784 : i32
      %mul3A_406 = arith.muli %add3A_75, %mul3A_405 : i32
      %multiple_of3A = tpu.assume_multiple %mul3A_406, 8 : i32
      "tpu.region"() ({
        %run_scoped3A = tpu.sem_alloc : memref<!tpu.dma_semaphore, #tpu.memory_space<semaphore_mem>>
        %dma_start3A_407 = tpu.memref_slice %arg9[%multiple_of3A] : memref<1568000xf32, #tpu.memory_space<hbm>> -> memref<6272xf32, #tpu.memory_space<hbm>>
        %dma_start3A_408 = tpu.memref_slice %arg9[%multiple_of3A] : memref<1568000xf32, #tpu.memory_space<hbm>> -> memref<6272xf32, #tpu.memory_space<hbm>>
        tpu.enqueue_dma source(%arg18 : memref<6272xf32, #tpu.memory_space<vmem>>) target(%dma_start3A_408 : memref<6272xf32, #tpu.memory_space<hbm>>) target_semaphore(%run_scoped3A : memref<!tpu.dma_semaphore, #tpu.memory_space<semaphore_mem>>)
        %dma_wait3A_409 = tpu.memref_slice %arg9[%multiple_of3A] : memref<1568000xf32, #tpu.memory_space<hbm>> -> memref<6272xf32, #tpu.memory_space<hbm>>
        %dma_wait3A_410 = tpu.memref_slice %arg9[%multiple_of3A] : memref<1568000xf32, #tpu.memory_space<hbm>> -> memref<6272xf32, #tpu.memory_space<hbm>>
        tpu.wait_dma2 semaphore(%run_scoped3A : memref<!tpu.dma_semaphore, #tpu.memory_space<semaphore_mem>>) src(%arg18 : memref<6272xf32, #tpu.memory_space<vmem>>) dst(%dma_wait3A_410 : memref<6272xf32, #tpu.memory_space<hbm>>)
        tpu.yield
      }) : () -> ()
    }
    %while3A_31 = arith.constant 1 : i32
    scf.for %while3A_68 = %while3A_29 to %while3A_25 step %while3A_31  : i32 {
      %mul3A_69 = arith.constant 32 : i32
      %mul3A_70 = arith.muli %mul3A_69, %while3A_68 : i32
      %add3A_71 = arith.addi %add3A, %mul3A_70 : i32
      %mul3A_72 = arith.constant 8 : i32
      %mul3A_73 = arith.muli %add3A_71, %mul3A_72 : i32
      %add3A_74 = arith.constant 0 : i32
      %add3A_75 = arith.addi %add3A_74, %mul3A_73 : i32
      "tpu.region"() ({
        %run_scoped3A = tpu.sem_alloc : memref<!tpu.dma_semaphore, #tpu.memory_space<semaphore_mem>>
        %dma_start3A_407 = arith.constant 0 : i32
        %dma_start3A_408 = tpu.memref_slice %arg11[%dma_start3A_407] : memref<16xi32, #tpu.memory_space<vmem>> -> memref<8xi32, #tpu.memory_space<vmem>>
        %dma_start3A_409 = tpu.memref_slice %arg3[%mul3A_73] : memref<1000xi32, #tpu.memory_space<hbm>> -> memref<8xi32, #tpu.memory_space<hbm>>
        %dma_start3A_410 = arith.constant 0 : i32
        %dma_start3A_411 = tpu.memref_slice %arg11[%dma_start3A_410] : memref<16xi32, #tpu.memory_space<vmem>> -> memref<8xi32, #tpu.memory_space<vmem>>
        %dma_start3A_412 = tpu.memref_slice %arg3[%mul3A_73] : memref<1000xi32, #tpu.memory_space<hbm>> -> memref<8xi32, #tpu.memory_space<hbm>>
        tpu.enqueue_dma source(%dma_start3A_412 : memref<8xi32, #tpu.memory_space<hbm>>) target(%dma_start3A_411 : memref<8xi32, #tpu.memory_space<vmem>>) target_semaphore(%run_scoped3A : memref<!tpu.dma_semaphore, #tpu.memory_space<semaphore_mem>>)
        %dma_wait3A_413 = arith.constant 0 : i32
        %dma_wait3A_414 = tpu.memref_slice %arg11[%dma_wait3A_413] : memref<16xi32, #tpu.memory_space<vmem>> -> memref<8xi32, #tpu.memory_space<vmem>>
        %dma_wait3A_415 = tpu.memref_slice %arg3[%mul3A_73] : memref<1000xi32, #tpu.memory_space<hbm>> -> memref<8xi32, #tpu.memory_space<hbm>>
        %dma_wait3A_416 = arith.constant 0 : i32
        %dma_wait3A_417 = tpu.memref_slice %arg11[%dma_wait3A_416] : memref<16xi32, #tpu.memory_space<vmem>> -> memref<8xi32, #tpu.memory_space<vmem>>
        %dma_wait3A_418 = tpu.memref_slice %arg3[%mul3A_73] : memref<1000xi32, #tpu.memory_space<hbm>> -> memref<8xi32, #tpu.memory_space<hbm>>
        tpu.wait_dma2 semaphore(%run_scoped3A : memref<!tpu.dma_semaphore, #tpu.memory_space<semaphore_mem>>) src(%dma_wait3A_418 : memref<8xi32, #tpu.memory_space<hbm>>) dst(%dma_wait3A_417 : memref<8xi32, #tpu.memory_space<vmem>>)
        tpu.yield
      }) : () -> ()
      %mul3A_76 = arith.constant 4 : i32
      %mul3A_77 = arith.muli %add3A_75, %mul3A_76 : i32
      "tpu.region"() ({
        %run_scoped3A = tpu.sem_alloc : memref<!tpu.dma_semaphore, #tpu.memory_space<semaphore_mem>>
        %dma_start3A_407 = tpu.memref_slice %arg2[%mul3A_77] : memref<8000xf32, #tpu.memory_space<hbm>> -> memref<32xf32, #tpu.memory_space<hbm>>
        %dma_start3A_408 = tpu.memref_slice %arg2[%mul3A_77] : memref<8000xf32, #tpu.memory_space<hbm>> -> memref<32xf32, #tpu.memory_space<hbm>>
        tpu.enqueue_dma source(%dma_start3A_408 : memref<32xf32, #tpu.memory_space<hbm>>) target(%arg12 : memref<32xf32, #tpu.memory_space<vmem>>) target_semaphore(%run_scoped3A : memref<!tpu.dma_semaphore, #tpu.memory_space<semaphore_mem>>)
        %dma_wait3A_409 = tpu.memref_slice %arg2[%mul3A_77] : memref<8000xf32, #tpu.memory_space<hbm>> -> memref<32xf32, #tpu.memory_space<hbm>>
        %dma_wait3A_410 = tpu.memref_slice %arg2[%mul3A_77] : memref<8000xf32, #tpu.memory_space<hbm>> -> memref<32xf32, #tpu.memory_space<hbm>>
        tpu.wait_dma2 semaphore(%run_scoped3A : memref<!tpu.dma_semaphore, #tpu.memory_space<semaphore_mem>>) src(%dma_wait3A_410 : memref<32xf32, #tpu.memory_space<hbm>>) dst(%arg12 : memref<32xf32, #tpu.memory_space<vmem>>)
        tpu.yield
      }) : () -> ()
      %get3A = arith.constant 0 : index
      %get3A_78 = tpu.vector_load %arg11[%get3A] {strides = array<i32>} : memref<16xi32, #tpu.memory_space<vmem>>, vector<16xi32>,
      %get3A_79 = arith.constant 0 : index
      %get3A_80 = tpu.vector_load %arg12[%get3A_79] {strides = array<i32>} : memref<32xf32, #tpu.memory_space<vmem>>, vector<16xf32>,
      %convert_element_type3A = arith.fptosi %get3A_80 : vector<16xf32> to vector<16xi32>
      %get3A_81 = arith.constant 16 : index
      %get3A_82 = tpu.vector_load %arg12[%get3A_81] {strides = array<i32>} : memref<32xf32, #tpu.memory_space<vmem>>, vector<16xf32>,
      %convert_element_type3A_83 = arith.fptosi %get3A_82 : vector<16xf32> to vector<16xi32>
      %jit3A_84 = arith.constant 0 : i32
      %jit3A_85 = arith.constant 99 : i32
      %max3A = vector.broadcast %jit3A_84 : i32 to vector<16xi32>
      %max3A_86 = arith.maxsi %max3A, %get3A_78 : vector<16xi32>
      %min3A_87 = vector.broadcast %jit3A_85 : i32 to vector<16xi32>
      %min3A_88 = arith.minsi %min3A_87, %max3A_86 : vector<16xi32>
      %gather3A = tpu.vector_load_idx %arg13[%min3A_88] : memref<128xi32, #tpu.memory_space<vmem>>[vector<16xi32>], vector<16xi32>,
      %jit3A_89 = arith.constant 0 : i32
      %jit3A_90 = arith.constant 7 : i32
      %max3A_91 = vector.broadcast %jit3A_89 : i32 to vector<16xi32>
      %max3A_92 = arith.maxsi %max3A_91, %gather3A : vector<16xi32>
      %min3A_93 = vector.broadcast %jit3A_90 : i32 to vector<16xi32>
      %min3A_94 = arith.minsi %min3A_93, %max3A_92 : vector<16xi32>
      tpu.vector_store_idx %arg19[%min3A_4], %min3A_94 masked %lt3A_2 : memref<8xi32, #tpu.memory_space<vmem>>[vector<16xi32>], vector<16xi32>, vector<16xi1>
      %slice3A = vector.extract_strided_slice %get3A_78 {offsets = [0], sizes = [1], strides = [1]} : vector<16xi32> to vector<1xi32>
      %squeeze3A = vector.extract %slice3A[0] : i32 from vector<1xi32>
      %jit3A_95 = arith.constant 0 : i32
      %jit3A_96 = arith.constant 99 : i32
      %max3A_97 = arith.maxsi %jit3A_95, %squeeze3A : i32
      %min3A_98 = arith.minsi %jit3A_96, %max3A_97 : i32
      %slice3A_99 = vector.extract_strided_slice %convert_element_type3A {offsets = [1], sizes = [1], strides = [1]} : vector<16xi32> to vector<1xi32>
      %squeeze3A_100 = vector.extract %slice3A_99[0] : i32 from vector<1xi32>
      %jit3A_101 = arith.constant 0 : i32
      %jit3A_102 = arith.constant 100 : i32
      %max3A_103 = arith.maxsi %jit3A_101, %squeeze3A_100 : i32
      %min3A_104 = arith.minsi %jit3A_102, %max3A_103 : i32
      %mul3A_105 = arith.constant 128 : i32
      %mul3A_106 = arith.muli %min3A_98, %mul3A_105 : i32
      %add3A_107 = arith.addi %mul3A_106, %min3A_104 : i32
      %broadcast_in_dim3A = vector.broadcast %add3A_107 : i32 to vector<16xi32>
      %add3A_108 = arith.addi %broadcast_in_dim3A, %iota3A : vector<16xi32>
      %broadcast_in_dim3A_109 = arith.constant 0 : i32
      %broadcast_in_dim3A_110 = vector.broadcast %broadcast_in_dim3A_109 : i32 to vector<16xi32>
      %add3A_111 = arith.addi %broadcast_in_dim3A_110, %iota3A : vector<16xi32>
      tpu.vector_store_idx %arg14[%add3A_111], %add3A_108 : memref<112xi32, #tpu.memory_space<vmem>>[vector<16xi32>], vector<16xi32>,
      %broadcast_in_dim3A_112 = arith.constant 12 : i32
      %broadcast_in_dim3A_113 = vector.broadcast %broadcast_in_dim3A_112 : i32 to vector<16xi32>
      %add3A_114 = arith.addi %broadcast_in_dim3A_113, %iota3A : vector<16xi32>
      %add3A_115 = arith.constant 12 : i32
      %add3A_116 = vector.broadcast %add3A_115 : i32 to vector<16xi32>
      %add3A_117 = arith.addi %add3A_108, %add3A_116 : vector<16xi32>
      tpu.vector_store_idx %arg14[%add3A_114], %add3A_117 : memref<112xi32, #tpu.memory_space<vmem>>[vector<16xi32>], vector<16xi32>,
      %slice3A_118 = vector.extract_strided_slice %get3A_78 {offsets = [1], sizes = [1], strides = [1]} : vector<16xi32> to vector<1xi32>
      %squeeze3A_119 = vector.extract %slice3A_118[0] : i32 from vector<1xi32>
      %jit3A_120 = arith.constant 0 : i32
      %jit3A_121 = arith.constant 99 : i32
      %max3A_122 = arith.maxsi %jit3A_120, %squeeze3A_119 : i32
      %min3A_123 = arith.minsi %jit3A_121, %max3A_122 : i32
      %slice3A_124 = vector.extract_strided_slice %convert_element_type3A {offsets = [5], sizes = [1], strides = [1]} : vector<16xi32> to vector<1xi32>
      %squeeze3A_125 = vector.extract %slice3A_124[0] : i32 from vector<1xi32>
      %jit3A_126 = arith.constant 0 : i32
      %jit3A_127 = arith.constant 100 : i32
      %max3A_128 = arith.maxsi %jit3A_126, %squeeze3A_125 : i32
      %min3A_129 = arith.minsi %jit3A_127, %max3A_128 : i32
      %mul3A_130 = arith.constant 128 : i32
      %mul3A_131 = arith.muli %min3A_123, %mul3A_130 : i32
      %add3A_132 = arith.addi %mul3A_131, %min3A_129 : i32
      %broadcast_in_dim3A_133 = vector.broadcast %add3A_132 : i32 to vector<16xi32>
      %add3A_134 = arith.addi %broadcast_in_dim3A_133, %iota3A : vector<16xi32>
      %broadcast_in_dim3A_135 = arith.constant 28 : i32
      %broadcast_in_dim3A_136 = vector.broadcast %broadcast_in_dim3A_135 : i32 to vector<16xi32>
      %add3A_137 = arith.addi %broadcast_in_dim3A_136, %iota3A : vector<16xi32>
      tpu.vector_store_idx %arg14[%add3A_137], %add3A_134 : memref<112xi32, #tpu.memory_space<vmem>>[vector<16xi32>], vector<16xi32>,
      %broadcast_in_dim3A_138 = arith.constant 40 : i32
      %broadcast_in_dim3A_139 = vector.broadcast %broadcast_in_dim3A_138 : i32 to vector<16xi32>
      %add3A_140 = arith.addi %broadcast_in_dim3A_139, %iota3A : vector<16xi32>
      %add3A_141 = arith.constant 12 : i32
      %add3A_142 = vector.broadcast %add3A_141 : i32 to vector<16xi32>
      %add3A_143 = arith.addi %add3A_134, %add3A_142 : vector<16xi32>
      tpu.vector_store_idx %arg14[%add3A_140], %add3A_143 : memref<112xi32, #tpu.memory_space<vmem>>[vector<16xi32>], vector<16xi32>,
      %slice3A_144 = vector.extract_strided_slice %get3A_78 {offsets = [2], sizes = [1], strides = [1]} : vector<16xi32> to vector<1xi32>
      %squeeze3A_145 = vector.extract %slice3A_144[0] : i32 from vector<1xi32>
      %jit3A_146 = arith.constant 0 : i32
      %jit3A_147 = arith.constant 99 : i32
      %max3A_148 = arith.maxsi %jit3A_146, %squeeze3A_145 : i32
      %min3A_149 = arith.minsi %jit3A_147, %max3A_148 : i32
      %slice3A_150 = vector.extract_strided_slice %convert_element_type3A {offsets = [9], sizes = [1], strides = [1]} : vector<16xi32> to vector<1xi32>
      %squeeze3A_151 = vector.extract %slice3A_150[0] : i32 from vector<1xi32>
      %jit3A_152 = arith.constant 0 : i32
      %jit3A_153 = arith.constant 100 : i32
      %max3A_154 = arith.maxsi %jit3A_152, %squeeze3A_151 : i32
      %min3A_155 = arith.minsi %jit3A_153, %max3A_154 : i32
      %mul3A_156 = arith.constant 128 : i32
      %mul3A_157 = arith.muli %min3A_149, %mul3A_156 : i32
      %add3A_158 = arith.addi %mul3A_157, %min3A_155 : i32
      %broadcast_in_dim3A_159 = vector.broadcast %add3A_158 : i32 to vector<16xi32>
      %add3A_160 = arith.addi %broadcast_in_dim3A_159, %iota3A : vector<16xi32>
      %broadcast_in_dim3A_161 = arith.constant 56 : i32
      %broadcast_in_dim3A_162 = vector.broadcast %broadcast_in_dim3A_161 : i32 to vector<16xi32>
      %add3A_163 = arith.addi %broadcast_in_dim3A_162, %iota3A : vector<16xi32>
      tpu.vector_store_idx %arg14[%add3A_163], %add3A_160 : memref<112xi32, #tpu.memory_space<vmem>>[vector<16xi32>], vector<16xi32>,
      %broadcast_in_dim3A_164 = arith.constant 68 : i32
      %broadcast_in_dim3A_165 = vector.broadcast %broadcast_in_dim3A_164 : i32 to vector<16xi32>
      %add3A_166 = arith.addi %broadcast_in_dim3A_165, %iota3A : vector<16xi32>
      %add3A_167 = arith.constant 12 : i32
      %add3A_168 = vector.broadcast %add3A_167 : i32 to vector<16xi32>
      %add3A_169 = arith.addi %add3A_160, %add3A_168 : vector<16xi32>
      tpu.vector_store_idx %arg14[%add3A_166], %add3A_169 : memref<112xi32, #tpu.memory_space<vmem>>[vector<16xi32>], vector<16xi32>,
      %slice3A_170 = vector.extract_strided_slice %get3A_78 {offsets = [3], sizes = [1], strides = [1]} : vector<16xi32> to vector<1xi32>
      %squeeze3A_171 = vector.extract %slice3A_170[0] : i32 from vector<1xi32>
      %jit3A_172 = arith.constant 0 : i32
      %jit3A_173 = arith.constant 99 : i32
      %max3A_174 = arith.maxsi %jit3A_172, %squeeze3A_171 : i32
      %min3A_175 = arith.minsi %jit3A_173, %max3A_174 : i32
      %slice3A_176 = vector.extract_strided_slice %convert_element_type3A {offsets = [13], sizes = [1], strides = [1]} : vector<16xi32> to vector<1xi32>
      %squeeze3A_177 = vector.extract %slice3A_176[0] : i32 from vector<1xi32>
      %jit3A_178 = arith.constant 0 : i32
      %jit3A_179 = arith.constant 100 : i32
      %max3A_180 = arith.maxsi %jit3A_178, %squeeze3A_177 : i32
      %min3A_181 = arith.minsi %jit3A_179, %max3A_180 : i32
      %mul3A_182 = arith.constant 128 : i32
      %mul3A_183 = arith.muli %min3A_175, %mul3A_182 : i32
      %add3A_184 = arith.addi %mul3A_183, %min3A_181 : i32
      %broadcast_in_dim3A_185 = vector.broadcast %add3A_184 : i32 to vector<16xi32>
      %add3A_186 = arith.addi %broadcast_in_dim3A_185, %iota3A : vector<16xi32>
      %broadcast_in_dim3A_187 = arith.constant 84 : i32
      %broadcast_in_dim3A_188 = vector.broadcast %broadcast_in_dim3A_187 : i32 to vector<16xi32>
      %add3A_189 = arith.addi %broadcast_in_dim3A_188, %iota3A : vector<16xi32>
      tpu.vector_store_idx %arg14[%add3A_189], %add3A_186 : memref<112xi32, #tpu.memory_space<vmem>>[vector<16xi32>], vector<16xi32>,
      %broadcast_in_dim3A_190 = arith.constant 96 : i32
      %broadcast_in_dim3A_191 = vector.broadcast %broadcast_in_dim3A_190 : i32 to vector<16xi32>
      %add3A_192 = arith.addi %broadcast_in_dim3A_191, %iota3A : vector<16xi32>
      %add3A_193 = arith.constant 12 : i32
      %add3A_194 = vector.broadcast %add3A_193 : i32 to vector<16xi32>
      %add3A_195 = arith.addi %add3A_186, %add3A_194 : vector<16xi32>
      tpu.vector_store_idx %arg14[%add3A_192], %add3A_195 : memref<112xi32, #tpu.memory_space<vmem>>[vector<16xi32>], vector<16xi32>,
      %slice3A_196 = vector.extract_strided_slice %get3A_78 {offsets = [4], sizes = [1], strides = [1]} : vector<16xi32> to vector<1xi32>
      %squeeze3A_197 = vector.extract %slice3A_196[0] : i32 from vector<1xi32>
      %jit3A_198 = arith.constant 0 : i32
      %jit3A_199 = arith.constant 99 : i32
      %max3A_200 = arith.maxsi %jit3A_198, %squeeze3A_197 : i32
      %min3A_201 = arith.minsi %jit3A_199, %max3A_200 : i32
      %slice3A_202 = vector.extract_strided_slice %convert_element_type3A_83 {offsets = [1], sizes = [1], strides = [1]} : vector<16xi32> to vector<1xi32>
      %squeeze3A_203 = vector.extract %slice3A_202[0] : i32 from vector<1xi32>
      %jit3A_204 = arith.constant 0 : i32
      %jit3A_205 = arith.constant 100 : i32
      %max3A_206 = arith.maxsi %jit3A_204, %squeeze3A_203 : i32
      %min3A_207 = arith.minsi %jit3A_205, %max3A_206 : i32
      %mul3A_208 = arith.constant 128 : i32
      %mul3A_209 = arith.muli %min3A_201, %mul3A_208 : i32
      %add3A_210 = arith.addi %mul3A_209, %min3A_207 : i32
      %broadcast_in_dim3A_211 = vector.broadcast %add3A_210 : i32 to vector<16xi32>
      %add3A_212 = arith.addi %broadcast_in_dim3A_211, %iota3A : vector<16xi32>
      %broadcast_in_dim3A_213 = arith.constant 0 : i32
      %broadcast_in_dim3A_214 = vector.broadcast %broadcast_in_dim3A_213 : i32 to vector<16xi32>
      %add3A_215 = arith.addi %broadcast_in_dim3A_214, %iota3A : vector<16xi32>
      tpu.vector_store_idx %arg15[%add3A_215], %add3A_212 : memref<112xi32, #tpu.memory_space<vmem>>[vector<16xi32>], vector<16xi32>,
      %broadcast_in_dim3A_216 = arith.constant 12 : i32
      %broadcast_in_dim3A_217 = vector.broadcast %broadcast_in_dim3A_216 : i32 to vector<16xi32>
      %add3A_218 = arith.addi %broadcast_in_dim3A_217, %iota3A : vector<16xi32>
      %add3A_219 = arith.constant 12 : i32
      %add3A_220 = vector.broadcast %add3A_219 : i32 to vector<16xi32>
      %add3A_221 = arith.addi %add3A_212, %add3A_220 : vector<16xi32>
      tpu.vector_store_idx %arg15[%add3A_218], %add3A_221 : memref<112xi32, #tpu.memory_space<vmem>>[vector<16xi32>], vector<16xi32>,
      %slice3A_222 = vector.extract_strided_slice %get3A_78 {offsets = [5], sizes = [1], strides = [1]} : vector<16xi32> to vector<1xi32>
      %squeeze3A_223 = vector.extract %slice3A_222[0] : i32 from vector<1xi32>
      %jit3A_224 = arith.constant 0 : i32
      %jit3A_225 = arith.constant 99 : i32
      %max3A_226 = arith.maxsi %jit3A_224, %squeeze3A_223 : i32
      %min3A_227 = arith.minsi %jit3A_225, %max3A_226 : i32
      %slice3A_228 = vector.extract_strided_slice %convert_element_type3A_83 {offsets = [5], sizes = [1], strides = [1]} : vector<16xi32> to vector<1xi32>
      %squeeze3A_229 = vector.extract %slice3A_228[0] : i32 from vector<1xi32>
      %jit3A_230 = arith.constant 0 : i32
      %jit3A_231 = arith.constant 100 : i32
      %max3A_232 = arith.maxsi %jit3A_230, %squeeze3A_229 : i32
      %min3A_233 = arith.minsi %jit3A_231, %max3A_232 : i32
      %mul3A_234 = arith.constant 128 : i32
      %mul3A_235 = arith.muli %min3A_227, %mul3A_234 : i32
      %add3A_236 = arith.addi %mul3A_235, %min3A_233 : i32
      %broadcast_in_dim3A_237 = vector.broadcast %add3A_236 : i32 to vector<16xi32>
      %add3A_238 = arith.addi %broadcast_in_dim3A_237, %iota3A : vector<16xi32>
      %broadcast_in_dim3A_239 = arith.constant 28 : i32
      %broadcast_in_dim3A_240 = vector.broadcast %broadcast_in_dim3A_239 : i32 to vector<16xi32>
      %add3A_241 = arith.addi %broadcast_in_dim3A_240, %iota3A : vector<16xi32>
      tpu.vector_store_idx %arg15[%add3A_241], %add3A_238 : memref<112xi32, #tpu.memory_space<vmem>>[vector<16xi32>], vector<16xi32>,
      %broadcast_in_dim3A_242 = arith.constant 40 : i32
      %broadcast_in_dim3A_243 = vector.broadcast %broadcast_in_dim3A_242 : i32 to vector<16xi32>
      %add3A_244 = arith.addi %broadcast_in_dim3A_243, %iota3A : vector<16xi32>
      %add3A_245 = arith.constant 12 : i32
      %add3A_246 = vector.broadcast %add3A_245 : i32 to vector<16xi32>
      %add3A_247 = arith.addi %add3A_238, %add3A_246 : vector<16xi32>
      tpu.vector_store_idx %arg15[%add3A_244], %add3A_247 : memref<112xi32, #tpu.memory_space<vmem>>[vector<16xi32>], vector<16xi32>,
      %slice3A_248 = vector.extract_strided_slice %get3A_78 {offsets = [6], sizes = [1], strides = [1]} : vector<16xi32> to vector<1xi32>
      %squeeze3A_249 = vector.extract %slice3A_248[0] : i32 from vector<1xi32>
      %jit3A_250 = arith.constant 0 : i32
      %jit3A_251 = arith.constant 99 : i32
      %max3A_252 = arith.maxsi %jit3A_250, %squeeze3A_249 : i32
      %min3A_253 = arith.minsi %jit3A_251, %max3A_252 : i32
      %slice3A_254 = vector.extract_strided_slice %convert_element_type3A_83 {offsets = [9], sizes = [1], strides = [1]} : vector<16xi32> to vector<1xi32>
      %squeeze3A_255 = vector.extract %slice3A_254[0] : i32 from vector<1xi32>
      %jit3A_256 = arith.constant 0 : i32
      %jit3A_257 = arith.constant 100 : i32
      %max3A_258 = arith.maxsi %jit3A_256, %squeeze3A_255 : i32
      %min3A_259 = arith.minsi %jit3A_257, %max3A_258 : i32
      %mul3A_260 = arith.constant 128 : i32
      %mul3A_261 = arith.muli %min3A_253, %mul3A_260 : i32
      %add3A_262 = arith.addi %mul3A_261, %min3A_259 : i32
      %broadcast_in_dim3A_263 = vector.broadcast %add3A_262 : i32 to vector<16xi32>
      %add3A_264 = arith.addi %broadcast_in_dim3A_263, %iota3A : vector<16xi32>
      %broadcast_in_dim3A_265 = arith.constant 56 : i32
      %broadcast_in_dim3A_266 = vector.broadcast %broadcast_in_dim3A_265 : i32 to vector<16xi32>
      %add3A_267 = arith.addi %broadcast_in_dim3A_266, %iota3A : vector<16xi32>
      tpu.vector_store_idx %arg15[%add3A_267], %add3A_264 : memref<112xi32, #tpu.memory_space<vmem>>[vector<16xi32>], vector<16xi32>,
      %broadcast_in_dim3A_268 = arith.constant 68 : i32
      %broadcast_in_dim3A_269 = vector.broadcast %broadcast_in_dim3A_268 : i32 to vector<16xi32>
      %add3A_270 = arith.addi %broadcast_in_dim3A_269, %iota3A : vector<16xi32>
      %add3A_271 = arith.constant 12 : i32
      %add3A_272 = vector.broadcast %add3A_271 : i32 to vector<16xi32>
      %add3A_273 = arith.addi %add3A_264, %add3A_272 : vector<16xi32>
      tpu.vector_store_idx %arg15[%add3A_270], %add3A_273 : memref<112xi32, #tpu.memory_space<vmem>>[vector<16xi32>], vector<16xi32>,
      %slice3A_274 = vector.extract_strided_slice %get3A_78 {offsets = [7], sizes = [1], strides = [1]} : vector<16xi32> to vector<1xi32>
      %squeeze3A_275 = vector.extract %slice3A_274[0] : i32 from vector<1xi32>
      %jit3A_276 = arith.constant 0 : i32
      %jit3A_277 = arith.constant 99 : i32
      %max3A_278 = arith.maxsi %jit3A_276, %squeeze3A_275 : i32
      %min3A_279 = arith.minsi %jit3A_277, %max3A_278 : i32
      %slice3A_280 = vector.extract_strided_slice %convert_element_type3A_83 {offsets = [13], sizes = [1], strides = [1]} : vector<16xi32> to vector<1xi32>
      %squeeze3A_281 = vector.extract %slice3A_280[0] : i32 from vector<1xi32>
      %jit3A_282 = arith.constant 0 : i32
      %jit3A_283 = arith.constant 100 : i32
      %max3A_284 = arith.maxsi %jit3A_282, %squeeze3A_281 : i32
      %min3A_285 = arith.minsi %jit3A_283, %max3A_284 : i32
      %mul3A_286 = arith.constant 128 : i32
      %mul3A_287 = arith.muli %min3A_279, %mul3A_286 : i32
      %add3A_288 = arith.addi %mul3A_287, %min3A_285 : i32
      %broadcast_in_dim3A_289 = vector.broadcast %add3A_288 : i32 to vector<16xi32>
      %add3A_290 = arith.addi %broadcast_in_dim3A_289, %iota3A : vector<16xi32>
      %broadcast_in_dim3A_291 = arith.constant 84 : i32
      %broadcast_in_dim3A_292 = vector.broadcast %broadcast_in_dim3A_291 : i32 to vector<16xi32>
      %add3A_293 = arith.addi %broadcast_in_dim3A_292, %iota3A : vector<16xi32>
      tpu.vector_store_idx %arg15[%add3A_293], %add3A_290 : memref<112xi32, #tpu.memory_space<vmem>>[vector<16xi32>], vector<16xi32>,
      %broadcast_in_dim3A_294 = arith.constant 96 : i32
      %broadcast_in_dim3A_295 = vector.broadcast %broadcast_in_dim3A_294 : i32 to vector<16xi32>
      %add3A_296 = arith.addi %broadcast_in_dim3A_295, %iota3A : vector<16xi32>
      %add3A_297 = arith.constant 12 : i32
      %add3A_298 = vector.broadcast %add3A_297 : i32 to vector<16xi32>
      %add3A_299 = arith.addi %add3A_290, %add3A_298 : vector<16xi32>
      tpu.vector_store_idx %arg15[%add3A_296], %add3A_299 : memref<112xi32, #tpu.memory_space<vmem>>[vector<16xi32>], vector<16xi32>,
      %dma_start3A = arith.constant 0 : i32
      %dma_start3A_300 = arith.constant 0 : i32
      %dma_start3A_301 = tpu.memref_slice %arg7[%dma_start3A, %dma_start3A_300] : memref<12800x128xf32, #tpu.memory_space<hbm>> -> memref<12800x128xf32, #tpu.memory_space<hbm>>
      tpu.enqueue_indirect_dma source(%dma_start3A_301 : memref<12800x128xf32, #tpu.memory_space<hbm>>) target(%arg16 : memref<112x128xf32, #tpu.memory_space<vmem>>) offsets(%arg14 : memref<112xi32, #tpu.memory_space<vmem>>) semaphore(%arg20 : memref<!tpu.dma_semaphore, #tpu.memory_space<semaphore_mem>>)
      %dma_start3A_302 = arith.constant 0 : i32
      %dma_start3A_303 = arith.constant 0 : i32
      %dma_start3A_304 = tpu.memref_slice %arg7[%dma_start3A_302, %dma_start3A_303] : memref<12800x128xf32, #tpu.memory_space<hbm>> -> memref<12800x128xf32, #tpu.memory_space<hbm>>
      tpu.enqueue_indirect_dma source(%dma_start3A_304 : memref<12800x128xf32, #tpu.memory_space<hbm>>) target(%arg17 : memref<112x128xf32, #tpu.memory_space<vmem>>) offsets(%arg15 : memref<112xi32, #tpu.memory_space<vmem>>) semaphore(%arg21 : memref<!tpu.dma_semaphore, #tpu.memory_space<semaphore_mem>>)
      "tpu.region"() ({
        %run_scoped3A = tpu.sem_alloc : memref<!tpu.dma_semaphore, #tpu.memory_space<semaphore_mem>>
        %dma_start3A_407 = tpu.memref_slice %arg10[%add3A_75] : memref<2000xi32, #tpu.memory_space<hbm>> -> memref<8xi32, #tpu.memory_space<hbm>>
        %dma_start3A_408 = tpu.memref_slice %arg10[%add3A_75] : memref<2000xi32, #tpu.memory_space<hbm>> -> memref<8xi32, #tpu.memory_space<hbm>>
        tpu.enqueue_dma source(%arg19 : memref<8xi32, #tpu.memory_space<vmem>>) target(%dma_start3A_408 : memref<8xi32, #tpu.memory_space<hbm>>) target_semaphore(%run_scoped3A : memref<!tpu.dma_semaphore, #tpu.memory_space<semaphore_mem>>)
        %dma_wait3A_409 = tpu.memref_slice %arg10[%add3A_75] : memref<2000xi32, #tpu.memory_space<hbm>> -> memref<8xi32, #tpu.memory_space<hbm>>
        %dma_wait3A_410 = tpu.memref_slice %arg10[%add3A_75] : memref<2000xi32, #tpu.memory_space<hbm>> -> memref<8xi32, #tpu.memory_space<hbm>>
        tpu.wait_dma2 semaphore(%run_scoped3A : memref<!tpu.dma_semaphore, #tpu.memory_space<semaphore_mem>>) src(%arg19 : memref<8xi32, #tpu.memory_space<vmem>>) dst(%dma_wait3A_410 : memref<8xi32, #tpu.memory_space<hbm>>)
        tpu.yield
      }) : () -> ()
      %dma_wait3A = arith.constant 0 : i32
      %dma_wait3A_305 = arith.constant 0 : i32
      %dma_wait3A_306 = tpu.memref_slice %arg7[%dma_wait3A, %dma_wait3A_305] : memref<12800x128xf32, #tpu.memory_space<hbm>> -> memref<12800x128xf32, #tpu.memory_space<hbm>>
      tpu.wait_indirect_dma semaphore(%arg20 : memref<!tpu.dma_semaphore, #tpu.memory_space<semaphore_mem>>) src(%dma_wait3A_306 : memref<12800x128xf32, #tpu.memory_space<hbm>>) dst(%arg16 : memref<112x128xf32, #tpu.memory_space<vmem>>)
      %dma_wait3A_307 = arith.constant 0 : i32
      %dma_wait3A_308 = arith.constant 0 : i32
      %dma_wait3A_309 = tpu.memref_slice %arg7[%dma_wait3A_307, %dma_wait3A_308] : memref<12800x128xf32, #tpu.memory_space<hbm>> -> memref<12800x128xf32, #tpu.memory_space<hbm>>
      tpu.wait_indirect_dma semaphore(%arg21 : memref<!tpu.dma_semaphore, #tpu.memory_space<semaphore_mem>>) src(%dma_wait3A_309 : memref<12800x128xf32, #tpu.memory_space<hbm>>) dst(%arg17 : memref<112x128xf32, #tpu.memory_space<vmem>>)
      %slice3A_310 = vector.extract_strided_slice %convert_element_type3A {offsets = [0], sizes = [1], strides = [1]} : vector<16xi32> to vector<1xi32>
      %squeeze3A_311 = vector.extract %slice3A_310[0] : i32 from vector<1xi32>
      %jit3A_312 = arith.constant 0 : i32
      %jit3A_313 = arith.constant 100 : i32
      %max3A_314 = arith.maxsi %jit3A_312, %squeeze3A_311 : i32
      %min3A_315 = arith.minsi %jit3A_313, %max3A_314 : i32
      %broadcast_in_dim3A_316 = vector.broadcast %min3A_315 : i32 to vector<16xi32>
      %scan3A = arith.constant 0 : i32
      %scan3A_317 = arith.constant 28 : i32
      %scan3A_318 = arith.addi %scan3A, %scan3A_317 : i32
      %scan3A_319 = arith.constant 1 : i32
      scf.for %scan3A_407 = %scan3A to %scan3A_318 step %scan3A_319  : i32 {
        %add3A_408 = arith.constant 0 : i32
        %add3A_409 = arith.addi %add3A_408, %scan3A_407 : i32
        %broadcast_in_dim3A_410 = vector.broadcast %add3A_409 : i32 to vector<16xi32>
        %add3A_411 = arith.addi %broadcast_in_dim3A_316, %iota3A : vector<16xi32>
        %gather3A_412 = tpu.vector_load_idx %arg16[%broadcast_in_dim3A_410, %add3A_411] : memref<112x128xf32, #tpu.memory_space<vmem>>[vector<16xi32>, vector<16xi32>], vector<16xf32>,
        %mul3A_413 = arith.constant 28 : i32
        %mul3A_414 = arith.muli %scan3A_407, %mul3A_413 : i32
        %add3A_415 = arith.constant 0 : i32
        %add3A_416 = arith.addi %add3A_415, %mul3A_414 : i32
        %broadcast_in_dim3A_417 = vector.broadcast %add3A_416 : i32 to vector<16xi32>
        %add3A_418 = arith.addi %broadcast_in_dim3A_417, %iota3A : vector<16xi32>
        tpu.vector_store_idx %arg18[%add3A_418], %gather3A_412 : memref<6272xf32, #tpu.memory_space<vmem>>[vector<16xi32>], vector<16xf32>,
        %add3A_419 = arith.constant 12 : i32
        %add3A_420 = vector.broadcast %add3A_419 : i32 to vector<16xi32>
        %add3A_421 = arith.addi %broadcast_in_dim3A_316, %add3A_420 : vector<16xi32>
        %add3A_422 = arith.addi %add3A_421, %iota3A : vector<16xi32>
        %gather3A_423 = tpu.vector_load_idx %arg16[%broadcast_in_dim3A_410, %add3A_422] : memref<112x128xf32, #tpu.memory_space<vmem>>[vector<16xi32>, vector<16xi32>], vector<16xf32>,
        %mul3A_424 = arith.constant 28 : i32
        %mul3A_425 = arith.muli %scan3A_407, %mul3A_424 : i32
        %add3A_426 = arith.constant 0 : i32
        %add3A_427 = arith.addi %add3A_426, %mul3A_425 : i32
        %add3A_428 = arith.constant 12 : i32
        %add3A_429 = arith.addi %add3A_427, %add3A_428 : i32
        %broadcast_in_dim3A_430 = vector.broadcast %add3A_429 : i32 to vector<16xi32>
        %add3A_431 = arith.addi %broadcast_in_dim3A_430, %iota3A : vector<16xi32>
        tpu.vector_store_idx %arg18[%add3A_431], %gather3A_423 : memref<6272xf32, #tpu.memory_space<vmem>>[vector<16xi32>], vector<16xf32>,
      }
      %scan3A_320 = arith.constant 28 : i32
      %slice3A_321 = vector.extract_strided_slice %convert_element_type3A {offsets = [4], sizes = [1], strides = [1]} : vector<16xi32> to vector<1xi32>
      %squeeze3A_322 = vector.extract %slice3A_321[0] : i32 from vector<1xi32>
      %jit3A_323 = arith.constant 0 : i32
      %jit3A_324 = arith.constant 100 : i32
      %max3A_325 = arith.maxsi %jit3A_323, %squeeze3A_322 : i32
      %min3A_326 = arith.minsi %jit3A_324, %max3A_325 : i32
      %broadcast_in_dim3A_327 = vector.broadcast %min3A_326 : i32 to vector<16xi32>
      %scan3A_328 = arith.constant 0 : i32
      %scan3A_329 = arith.constant 28 : i32
      %scan3A_330 = arith.addi %scan3A_328, %scan3A_329 : i32
      %scan3A_331 = arith.constant 1 : i32
      scf.for %scan3A_407 = %scan3A_328 to %scan3A_330 step %scan3A_331  : i32 {
        %add3A_408 = arith.constant 28 : i32
        %add3A_409 = arith.addi %add3A_408, %scan3A_407 : i32
        %broadcast_in_dim3A_410 = vector.broadcast %add3A_409 : i32 to vector<16xi32>
        %add3A_411 = arith.addi %broadcast_in_dim3A_327, %iota3A : vector<16xi32>
        %gather3A_412 = tpu.vector_load_idx %arg16[%broadcast_in_dim3A_410, %add3A_411] : memref<112x128xf32, #tpu.memory_space<vmem>>[vector<16xi32>, vector<16xi32>], vector<16xf32>,
        %mul3A_413 = arith.constant 28 : i32
        %mul3A_414 = arith.muli %scan3A_407, %mul3A_413 : i32
        %add3A_415 = arith.constant 784 : i32
        %add3A_416 = arith.addi %add3A_415, %mul3A_414 : i32
        %broadcast_in_dim3A_417 = vector.broadcast %add3A_416 : i32 to vector<16xi32>
        %add3A_418 = arith.addi %broadcast_in_dim3A_417, %iota3A : vector<16xi32>
        tpu.vector_store_idx %arg18[%add3A_418], %gather3A_412 : memref<6272xf32, #tpu.memory_space<vmem>>[vector<16xi32>], vector<16xf32>,
        %add3A_419 = arith.constant 12 : i32
        %add3A_420 = vector.broadcast %add3A_419 : i32 to vector<16xi32>
        %add3A_421 = arith.addi %broadcast_in_dim3A_327, %add3A_420 : vector<16xi32>
        %add3A_422 = arith.addi %add3A_421, %iota3A : vector<16xi32>
        %gather3A_423 = tpu.vector_load_idx %arg16[%broadcast_in_dim3A_410, %add3A_422] : memref<112x128xf32, #tpu.memory_space<vmem>>[vector<16xi32>, vector<16xi32>], vector<16xf32>,
        %mul3A_424 = arith.constant 28 : i32
        %mul3A_425 = arith.muli %scan3A_407, %mul3A_424 : i32
        %add3A_426 = arith.constant 784 : i32
        %add3A_427 = arith.addi %add3A_426, %mul3A_425 : i32
        %add3A_428 = arith.constant 12 : i32
        %add3A_429 = arith.addi %add3A_427, %add3A_428 : i32
        %broadcast_in_dim3A_430 = vector.broadcast %add3A_429 : i32 to vector<16xi32>
        %add3A_431 = arith.addi %broadcast_in_dim3A_430, %iota3A : vector<16xi32>
        tpu.vector_store_idx %arg18[%add3A_431], %gather3A_423 : memref<6272xf32, #tpu.memory_space<vmem>>[vector<16xi32>], vector<16xf32>,
      }
      %scan3A_332 = arith.constant 28 : i32
      %slice3A_333 = vector.extract_strided_slice %convert_element_type3A {offsets = [8], sizes = [1], strides = [1]} : vector<16xi32> to vector<1xi32>
      %squeeze3A_334 = vector.extract %slice3A_333[0] : i32 from vector<1xi32>
      %jit3A_335 = arith.constant 0 : i32
      %jit3A_336 = arith.constant 100 : i32
      %max3A_337 = arith.maxsi %jit3A_335, %squeeze3A_334 : i32
      %min3A_338 = arith.minsi %jit3A_336, %max3A_337 : i32
      %broadcast_in_dim3A_339 = vector.broadcast %min3A_338 : i32 to vector<16xi32>
      %scan3A_340 = arith.constant 0 : i32
      %scan3A_341 = arith.constant 28 : i32
      %scan3A_342 = arith.addi %scan3A_340, %scan3A_341 : i32
      %scan3A_343 = arith.constant 1 : i32
      scf.for %scan3A_407 = %scan3A_340 to %scan3A_342 step %scan3A_343  : i32 {
        %add3A_408 = arith.constant 56 : i32
        %add3A_409 = arith.addi %add3A_408, %scan3A_407 : i32
        %broadcast_in_dim3A_410 = vector.broadcast %add3A_409 : i32 to vector<16xi32>
        %add3A_411 = arith.addi %broadcast_in_dim3A_339, %iota3A : vector<16xi32>
        %gather3A_412 = tpu.vector_load_idx %arg16[%broadcast_in_dim3A_410, %add3A_411] : memref<112x128xf32, #tpu.memory_space<vmem>>[vector<16xi32>, vector<16xi32>], vector<16xf32>,
        %mul3A_413 = arith.constant 28 : i32
        %mul3A_414 = arith.muli %scan3A_407, %mul3A_413 : i32
        %add3A_415 = arith.constant 1568 : i32
        %add3A_416 = arith.addi %add3A_415, %mul3A_414 : i32
        %broadcast_in_dim3A_417 = vector.broadcast %add3A_416 : i32 to vector<16xi32>
        %add3A_418 = arith.addi %broadcast_in_dim3A_417, %iota3A : vector<16xi32>
        tpu.vector_store_idx %arg18[%add3A_418], %gather3A_412 : memref<6272xf32, #tpu.memory_space<vmem>>[vector<16xi32>], vector<16xf32>,
        %add3A_419 = arith.constant 12 : i32
        %add3A_420 = vector.broadcast %add3A_419 : i32 to vector<16xi32>
        %add3A_421 = arith.addi %broadcast_in_dim3A_339, %add3A_420 : vector<16xi32>
        %add3A_422 = arith.addi %add3A_421, %iota3A : vector<16xi32>
        %gather3A_423 = tpu.vector_load_idx %arg16[%broadcast_in_dim3A_410, %add3A_422] : memref<112x128xf32, #tpu.memory_space<vmem>>[vector<16xi32>, vector<16xi32>], vector<16xf32>,
        %mul3A_424 = arith.constant 28 : i32
        %mul3A_425 = arith.muli %scan3A_407, %mul3A_424 : i32
        %add3A_426 = arith.constant 1568 : i32
        %add3A_427 = arith.addi %add3A_426, %mul3A_425 : i32
        %add3A_428 = arith.constant 12 : i32
        %add3A_429 = arith.addi %add3A_427, %add3A_428 : i32
        %broadcast_in_dim3A_430 = vector.broadcast %add3A_429 : i32 to vector<16xi32>
        %add3A_431 = arith.addi %broadcast_in_dim3A_430, %iota3A : vector<16xi32>
        tpu.vector_store_idx %arg18[%add3A_431], %gather3A_423 : memref<6272xf32, #tpu.memory_space<vmem>>[vector<16xi32>], vector<16xf32>,
      }
      %scan3A_344 = arith.constant 28 : i32
      %slice3A_345 = vector.extract_strided_slice %convert_element_type3A {offsets = [12], sizes = [1], strides = [1]} : vector<16xi32> to vector<1xi32>
      %squeeze3A_346 = vector.extract %slice3A_345[0] : i32 from vector<1xi32>
      %jit3A_347 = arith.constant 0 : i32
      %jit3A_348 = arith.constant 100 : i32
      %max3A_349 = arith.maxsi %jit3A_347, %squeeze3A_346 : i32
      %min3A_350 = arith.minsi %jit3A_348, %max3A_349 : i32
      %broadcast_in_dim3A_351 = vector.broadcast %min3A_350 : i32 to vector<16xi32>
      %scan3A_352 = arith.constant 0 : i32
      %scan3A_353 = arith.constant 28 : i32
      %scan3A_354 = arith.addi %scan3A_352, %scan3A_353 : i32
      %scan3A_355 = arith.constant 1 : i32
      scf.for %scan3A_407 = %scan3A_352 to %scan3A_354 step %scan3A_355  : i32 {
        %add3A_408 = arith.constant 84 : i32
        %add3A_409 = arith.addi %add3A_408, %scan3A_407 : i32
        %broadcast_in_dim3A_410 = vector.broadcast %add3A_409 : i32 to vector<16xi32>
        %add3A_411 = arith.addi %broadcast_in_dim3A_351, %iota3A : vector<16xi32>
        %gather3A_412 = tpu.vector_load_idx %arg16[%broadcast_in_dim3A_410, %add3A_411] : memref<112x128xf32, #tpu.memory_space<vmem>>[vector<16xi32>, vector<16xi32>], vector<16xf32>,
        %mul3A_413 = arith.constant 28 : i32
        %mul3A_414 = arith.muli %scan3A_407, %mul3A_413 : i32
        %add3A_415 = arith.constant 2352 : i32
        %add3A_416 = arith.addi %add3A_415, %mul3A_414 : i32
        %broadcast_in_dim3A_417 = vector.broadcast %add3A_416 : i32 to vector<16xi32>
        %add3A_418 = arith.addi %broadcast_in_dim3A_417, %iota3A : vector<16xi32>
        tpu.vector_store_idx %arg18[%add3A_418], %gather3A_412 : memref<6272xf32, #tpu.memory_space<vmem>>[vector<16xi32>], vector<16xf32>,
        %add3A_419 = arith.constant 12 : i32
        %add3A_420 = vector.broadcast %add3A_419 : i32 to vector<16xi32>
        %add3A_421 = arith.addi %broadcast_in_dim3A_351, %add3A_420 : vector<16xi32>
        %add3A_422 = arith.addi %add3A_421, %iota3A : vector<16xi32>
        %gather3A_423 = tpu.vector_load_idx %arg16[%broadcast_in_dim3A_410, %add3A_422] : memref<112x128xf32, #tpu.memory_space<vmem>>[vector<16xi32>, vector<16xi32>], vector<16xf32>,
        %mul3A_424 = arith.constant 28 : i32
        %mul3A_425 = arith.muli %scan3A_407, %mul3A_424 : i32
        %add3A_426 = arith.constant 2352 : i32
        %add3A_427 = arith.addi %add3A_426, %mul3A_425 : i32
        %add3A_428 = arith.constant 12 : i32
        %add3A_429 = arith.addi %add3A_427, %add3A_428 : i32
        %broadcast_in_dim3A_430 = vector.broadcast %add3A_429 : i32 to vector<16xi32>
        %add3A_431 = arith.addi %broadcast_in_dim3A_430, %iota3A : vector<16xi32>
        tpu.vector_store_idx %arg18[%add3A_431], %gather3A_423 : memref<6272xf32, #tpu.memory_space<vmem>>[vector<16xi32>], vector<16xf32>,
      }
      %scan3A_356 = arith.constant 28 : i32
      %slice3A_357 = vector.extract_strided_slice %convert_element_type3A_83 {offsets = [0], sizes = [1], strides = [1]} : vector<16xi32> to vector<1xi32>
      %squeeze3A_358 = vector.extract %slice3A_357[0] : i32 from vector<1xi32>
      %jit3A_359 = arith.constant 0 : i32
      %jit3A_360 = arith.constant 100 : i32
      %max3A_361 = arith.maxsi %jit3A_359, %squeeze3A_358 : i32
      %min3A_362 = arith.minsi %jit3A_360, %max3A_361 : i32
      %broadcast_in_dim3A_363 = vector.broadcast %min3A_362 : i32 to vector<16xi32>
      %scan3A_364 = arith.constant 0 : i32
      %scan3A_365 = arith.constant 28 : i32
      %scan3A_366 = arith.addi %scan3A_364, %scan3A_365 : i32
      %scan3A_367 = arith.constant 1 : i32
      scf.for %scan3A_407 = %scan3A_364 to %scan3A_366 step %scan3A_367  : i32 {
        %add3A_408 = arith.constant 0 : i32
        %add3A_409 = arith.addi %add3A_408, %scan3A_407 : i32
        %broadcast_in_dim3A_410 = vector.broadcast %add3A_409 : i32 to vector<16xi32>
        %add3A_411 = arith.addi %broadcast_in_dim3A_363, %iota3A : vector<16xi32>
        %gather3A_412 = tpu.vector_load_idx %arg17[%broadcast_in_dim3A_410, %add3A_411] : memref<112x128xf32, #tpu.memory_space<vmem>>[vector<16xi32>, vector<16xi32>], vector<16xf32>,
        %mul3A_413 = arith.constant 28 : i32
        %mul3A_414 = arith.muli %scan3A_407, %mul3A_413 : i32
        %add3A_415 = arith.constant 3136 : i32
        %add3A_416 = arith.addi %add3A_415, %mul3A_414 : i32
        %broadcast_in_dim3A_417 = vector.broadcast %add3A_416 : i32 to vector<16xi32>
        %add3A_418 = arith.addi %broadcast_in_dim3A_417, %iota3A : vector<16xi32>
        tpu.vector_store_idx %arg18[%add3A_418], %gather3A_412 : memref<6272xf32, #tpu.memory_space<vmem>>[vector<16xi32>], vector<16xf32>,
        %add3A_419 = arith.constant 12 : i32
        %add3A_420 = vector.broadcast %add3A_419 : i32 to vector<16xi32>
        %add3A_421 = arith.addi %broadcast_in_dim3A_363, %add3A_420 : vector<16xi32>
        %add3A_422 = arith.addi %add3A_421, %iota3A : vector<16xi32>
        %gather3A_423 = tpu.vector_load_idx %arg17[%broadcast_in_dim3A_410, %add3A_422] : memref<112x128xf32, #tpu.memory_space<vmem>>[vector<16xi32>, vector<16xi32>], vector<16xf32>,
        %mul3A_424 = arith.constant 28 : i32
        %mul3A_425 = arith.muli %scan3A_407, %mul3A_424 : i32
        %add3A_426 = arith.constant 3136 : i32
        %add3A_427 = arith.addi %add3A_426, %mul3A_425 : i32
        %add3A_428 = arith.constant 12 : i32
        %add3A_429 = arith.addi %add3A_427, %add3A_428 : i32
        %broadcast_in_dim3A_430 = vector.broadcast %add3A_429 : i32 to vector<16xi32>
        %add3A_431 = arith.addi %broadcast_in_dim3A_430, %iota3A : vector<16xi32>
        tpu.vector_store_idx %arg18[%add3A_431], %gather3A_423 : memref<6272xf32, #tpu.memory_space<vmem>>[vector<16xi32>], vector<16xf32>,
      }
      %scan3A_368 = arith.constant 28 : i32
      %slice3A_369 = vector.extract_strided_slice %convert_element_type3A_83 {offsets = [4], sizes = [1], strides = [1]} : vector<16xi32> to vector<1xi32>
      %squeeze3A_370 = vector.extract %slice3A_369[0] : i32 from vector<1xi32>
      %jit3A_371 = arith.constant 0 : i32
      %jit3A_372 = arith.constant 100 : i32
      %max3A_373 = arith.maxsi %jit3A_371, %squeeze3A_370 : i32
      %min3A_374 = arith.minsi %jit3A_372, %max3A_373 : i32
      %broadcast_in_dim3A_375 = vector.broadcast %min3A_374 : i32 to vector<16xi32>
      %scan3A_376 = arith.constant 0 : i32
      %scan3A_377 = arith.constant 28 : i32
      %scan3A_378 = arith.addi %scan3A_376, %scan3A_377 : i32
      %scan3A_379 = arith.constant 1 : i32
      scf.for %scan3A_407 = %scan3A_376 to %scan3A_378 step %scan3A_379  : i32 {
        %add3A_408 = arith.constant 28 : i32
        %add3A_409 = arith.addi %add3A_408, %scan3A_407 : i32
        %broadcast_in_dim3A_410 = vector.broadcast %add3A_409 : i32 to vector<16xi32>
        %add3A_411 = arith.addi %broadcast_in_dim3A_375, %iota3A : vector<16xi32>
        %gather3A_412 = tpu.vector_load_idx %arg17[%broadcast_in_dim3A_410, %add3A_411] : memref<112x128xf32, #tpu.memory_space<vmem>>[vector<16xi32>, vector<16xi32>], vector<16xf32>,
        %mul3A_413 = arith.constant 28 : i32
        %mul3A_414 = arith.muli %scan3A_407, %mul3A_413 : i32
        %add3A_415 = arith.constant 3920 : i32
        %add3A_416 = arith.addi %add3A_415, %mul3A_414 : i32
        %broadcast_in_dim3A_417 = vector.broadcast %add3A_416 : i32 to vector<16xi32>
        %add3A_418 = arith.addi %broadcast_in_dim3A_417, %iota3A : vector<16xi32>
        tpu.vector_store_idx %arg18[%add3A_418], %gather3A_412 : memref<6272xf32, #tpu.memory_space<vmem>>[vector<16xi32>], vector<16xf32>,
        %add3A_419 = arith.constant 12 : i32
        %add3A_420 = vector.broadcast %add3A_419 : i32 to vector<16xi32>
        %add3A_421 = arith.addi %broadcast_in_dim3A_375, %add3A_420 : vector<16xi32>
        %add3A_422 = arith.addi %add3A_421, %iota3A : vector<16xi32>
        %gather3A_423 = tpu.vector_load_idx %arg17[%broadcast_in_dim3A_410, %add3A_422] : memref<112x128xf32, #tpu.memory_space<vmem>>[vector<16xi32>, vector<16xi32>], vector<16xf32>,
        %mul3A_424 = arith.constant 28 : i32
        %mul3A_425 = arith.muli %scan3A_407, %mul3A_424 : i32
        %add3A_426 = arith.constant 3920 : i32
        %add3A_427 = arith.addi %add3A_426, %mul3A_425 : i32
        %add3A_428 = arith.constant 12 : i32
        %add3A_429 = arith.addi %add3A_427, %add3A_428 : i32
        %broadcast_in_dim3A_430 = vector.broadcast %add3A_429 : i32 to vector<16xi32>
        %add3A_431 = arith.addi %broadcast_in_dim3A_430, %iota3A : vector<16xi32>
        tpu.vector_store_idx %arg18[%add3A_431], %gather3A_423 : memref<6272xf32, #tpu.memory_space<vmem>>[vector<16xi32>], vector<16xf32>,
      }
      %scan3A_380 = arith.constant 28 : i32
      %slice3A_381 = vector.extract_strided_slice %convert_element_type3A_83 {offsets = [8], sizes = [1], strides = [1]} : vector<16xi32> to vector<1xi32>
      %squeeze3A_382 = vector.extract %slice3A_381[0] : i32 from vector<1xi32>
      %jit3A_383 = arith.constant 0 : i32
      %jit3A_384 = arith.constant 100 : i32
      %max3A_385 = arith.maxsi %jit3A_383, %squeeze3A_382 : i32
      %min3A_386 = arith.minsi %jit3A_384, %max3A_385 : i32
      %broadcast_in_dim3A_387 = vector.broadcast %min3A_386 : i32 to vector<16xi32>
      %scan3A_388 = arith.constant 0 : i32
      %scan3A_389 = arith.constant 28 : i32
      %scan3A_390 = arith.addi %scan3A_388, %scan3A_389 : i32
      %scan3A_391 = arith.constant 1 : i32
      scf.for %scan3A_407 = %scan3A_388 to %scan3A_390 step %scan3A_391  : i32 {
        %add3A_408 = arith.constant 56 : i32
        %add3A_409 = arith.addi %add3A_408, %scan3A_407 : i32
        %broadcast_in_dim3A_410 = vector.broadcast %add3A_409 : i32 to vector<16xi32>
        %add3A_411 = arith.addi %broadcast_in_dim3A_387, %iota3A : vector<16xi32>
        %gather3A_412 = tpu.vector_load_idx %arg17[%broadcast_in_dim3A_410, %add3A_411] : memref<112x128xf32, #tpu.memory_space<vmem>>[vector<16xi32>, vector<16xi32>], vector<16xf32>,
        %mul3A_413 = arith.constant 28 : i32
        %mul3A_414 = arith.muli %scan3A_407, %mul3A_413 : i32
        %add3A_415 = arith.constant 4704 : i32
        %add3A_416 = arith.addi %add3A_415, %mul3A_414 : i32
        %broadcast_in_dim3A_417 = vector.broadcast %add3A_416 : i32 to vector<16xi32>
        %add3A_418 = arith.addi %broadcast_in_dim3A_417, %iota3A : vector<16xi32>
        tpu.vector_store_idx %arg18[%add3A_418], %gather3A_412 : memref<6272xf32, #tpu.memory_space<vmem>>[vector<16xi32>], vector<16xf32>,
        %add3A_419 = arith.constant 12 : i32
        %add3A_420 = vector.broadcast %add3A_419 : i32 to vector<16xi32>
        %add3A_421 = arith.addi %broadcast_in_dim3A_387, %add3A_420 : vector<16xi32>
        %add3A_422 = arith.addi %add3A_421, %iota3A : vector<16xi32>
        %gather3A_423 = tpu.vector_load_idx %arg17[%broadcast_in_dim3A_410, %add3A_422] : memref<112x128xf32, #tpu.memory_space<vmem>>[vector<16xi32>, vector<16xi32>], vector<16xf32>,
        %mul3A_424 = arith.constant 28 : i32
        %mul3A_425 = arith.muli %scan3A_407, %mul3A_424 : i32
        %add3A_426 = arith.constant 4704 : i32
        %add3A_427 = arith.addi %add3A_426, %mul3A_425 : i32
        %add3A_428 = arith.constant 12 : i32
        %add3A_429 = arith.addi %add3A_427, %add3A_428 : i32
        %broadcast_in_dim3A_430 = vector.broadcast %add3A_429 : i32 to vector<16xi32>
        %add3A_431 = arith.addi %broadcast_in_dim3A_430, %iota3A : vector<16xi32>
        tpu.vector_store_idx %arg18[%add3A_431], %gather3A_423 : memref<6272xf32, #tpu.memory_space<vmem>>[vector<16xi32>], vector<16xf32>,
      }
      %scan3A_392 = arith.constant 28 : i32
      %slice3A_393 = vector.extract_strided_slice %convert_element_type3A_83 {offsets = [12], sizes = [1], strides = [1]} : vector<16xi32> to vector<1xi32>
      %squeeze3A_394 = vector.extract %slice3A_393[0] : i32 from vector<1xi32>
      %jit3A_395 = arith.constant 0 : i32
      %jit3A_396 = arith.constant 100 : i32
      %max3A_397 = arith.maxsi %jit3A_395, %squeeze3A_394 : i32
      %min3A_398 = arith.minsi %jit3A_396, %max3A_397 : i32
      %broadcast_in_dim3A_399 = vector.broadcast %min3A_398 : i32 to vector<16xi32>
      %scan3A_400 = arith.constant 0 : i32
      %scan3A_401 = arith.constant 28 : i32
      %scan3A_402 = arith.addi %scan3A_400, %scan3A_401 : i32
      %scan3A_403 = arith.constant 1 : i32
      scf.for %scan3A_407 = %scan3A_400 to %scan3A_402 step %scan3A_403  : i32 {
        %add3A_408 = arith.constant 84 : i32
        %add3A_409 = arith.addi %add3A_408, %scan3A_407 : i32
        %broadcast_in_dim3A_410 = vector.broadcast %add3A_409 : i32 to vector<16xi32>
        %add3A_411 = arith.addi %broadcast_in_dim3A_399, %iota3A : vector<16xi32>
        %gather3A_412 = tpu.vector_load_idx %arg17[%broadcast_in_dim3A_410, %add3A_411] : memref<112x128xf32, #tpu.memory_space<vmem>>[vector<16xi32>, vector<16xi32>], vector<16xf32>,
        %mul3A_413 = arith.constant 28 : i32
        %mul3A_414 = arith.muli %scan3A_407, %mul3A_413 : i32
        %add3A_415 = arith.constant 5488 : i32
        %add3A_416 = arith.addi %add3A_415, %mul3A_414 : i32
        %broadcast_in_dim3A_417 = vector.broadcast %add3A_416 : i32 to vector<16xi32>
        %add3A_418 = arith.addi %broadcast_in_dim3A_417, %iota3A : vector<16xi32>
        tpu.vector_store_idx %arg18[%add3A_418], %gather3A_412 : memref<6272xf32, #tpu.memory_space<vmem>>[vector<16xi32>], vector<16xf32>,
        %add3A_419 = arith.constant 12 : i32
        %add3A_420 = vector.broadcast %add3A_419 : i32 to vector<16xi32>
        %add3A_421 = arith.addi %broadcast_in_dim3A_399, %add3A_420 : vector<16xi32>
        %add3A_422 = arith.addi %add3A_421, %iota3A : vector<16xi32>
        %gather3A_423 = tpu.vector_load_idx %arg17[%broadcast_in_dim3A_410, %add3A_422] : memref<112x128xf32, #tpu.memory_space<vmem>>[vector<16xi32>, vector<16xi32>], vector<16xf32>,
        %mul3A_424 = arith.constant 28 : i32
        %mul3A_425 = arith.muli %scan3A_407, %mul3A_424 : i32
        %add3A_426 = arith.constant 5488 : i32
        %add3A_427 = arith.addi %add3A_426, %mul3A_425 : i32
        %add3A_428 = arith.constant 12 : i32
        %add3A_429 = arith.addi %add3A_427, %add3A_428 : i32
        %broadcast_in_dim3A_430 = vector.broadcast %add3A_429 : i32 to vector<16xi32>
        %add3A_431 = arith.addi %broadcast_in_dim3A_430, %iota3A : vector<16xi32>
        tpu.vector_store_idx %arg18[%add3A_431], %gather3A_423 : memref<6272xf32, #tpu.memory_space<vmem>>[vector<16xi32>], vector<16xf32>,
      }
      %scan3A_404 = arith.constant 28 : i32
      %mul3A_405 = arith.constant 784 : i32
      %mul3A_406 = arith.muli %add3A_75, %mul3A_405 : i32
      %multiple_of3A = tpu.assume_multiple %mul3A_406, 8 : i32
      "tpu.region"() ({
        %run_scoped3A = tpu.sem_alloc : memref<!tpu.dma_semaphore, #tpu.memory_space<semaphore_mem>>
        %dma_start3A_407 = tpu.memref_slice %arg9[%multiple_of3A] : memref<1568000xf32, #tpu.memory_space<hbm>> -> memref<6272xf32, #tpu.memory_space<hbm>>
        %dma_start3A_408 = tpu.memref_slice %arg9[%multiple_of3A] : memref<1568000xf32, #tpu.memory_space<hbm>> -> memref<6272xf32, #tpu.memory_space<hbm>>
        tpu.enqueue_dma source(%arg18 : memref<6272xf32, #tpu.memory_space<vmem>>) target(%dma_start3A_408 : memref<6272xf32, #tpu.memory_space<hbm>>) target_semaphore(%run_scoped3A : memref<!tpu.dma_semaphore, #tpu.memory_space<semaphore_mem>>)
        %dma_wait3A_409 = tpu.memref_slice %arg9[%multiple_of3A] : memref<1568000xf32, #tpu.memory_space<hbm>> -> memref<6272xf32, #tpu.memory_space<hbm>>
        %dma_wait3A_410 = tpu.memref_slice %arg9[%multiple_of3A] : memref<1568000xf32, #tpu.memory_space<hbm>> -> memref<6272xf32, #tpu.memory_space<hbm>>
        tpu.wait_dma2 semaphore(%run_scoped3A : memref<!tpu.dma_semaphore, #tpu.memory_space<semaphore_mem>>) src(%arg18 : memref<6272xf32, #tpu.memory_space<vmem>>) dst(%dma_wait3A_410 : memref<6272xf32, #tpu.memory_space<hbm>>)
        tpu.yield
      }) : () -> ()
    }
    "tpu.region"() ({
      %run_scoped3A = tpu.sem_alloc : memref<!tpu.dma_semaphore, #tpu.memory_space<semaphore_mem>>
      tpu.enqueue_dma source(%arg6 : memref<128xi32, #tpu.memory_space<hbm>>) target(%arg13 : memref<128xi32, #tpu.memory_space<vmem>>) target_semaphore(%run_scoped3A : memref<!tpu.dma_semaphore, #tpu.memory_space<semaphore_mem>>)
      tpu.wait_dma2 semaphore(%run_scoped3A : memref<!tpu.dma_semaphore, #tpu.memory_space<semaphore_mem>>) src(%arg6 : memref<128xi32, #tpu.memory_space<hbm>>) dst(%arg13 : memref<128xi32, #tpu.memory_space<vmem>>)
      tpu.yield
    }) : () -> ()
    %sub3A_32 = arith.constant 156 : i32
    %sub3A_33 = arith.subi %sub3A_32, %add3A : i32
    %jit3A_34 = arith.constant 32 : i32
    %div3A_35 = arith.divsi %sub3A_33, %jit3A_34 : i32
    %sign3A_36 = arith.constant 0 : i32
    %sign3A_37 = arith.cmpi sgt, %sub3A_33, %sign3A_36 : i32
    %sign3A_38 = arith.extui %sign3A_37 : i1 to i32
    %sign3A_39 = arith.constant 0 : i32
    %sign3A_40 = arith.cmpi slt, %sub3A_33, %sign3A_39 : i32
    %sign3A_41 = arith.extui %sign3A_40 : i1 to i32
    %sign3A_42 = arith.subi %sign3A_38, %sign3A_41 : i32
    %sign3A_43 = arith.constant 0 : i32
    %sign3A_44 = arith.cmpi sgt, %jit3A_34, %sign3A_43 : i32
    %sign3A_45 = arith.extui %sign3A_44 : i1 to i32
    %sign3A_46 = arith.constant 0 : i32
    %sign3A_47 = arith.cmpi slt, %jit3A_34, %sign3A_46 : i32
    %sign3A_48 = arith.extui %sign3A_47 : i1 to i32
    %sign3A_49 = arith.subi %sign3A_45, %sign3A_48 : i32
    %ne3A_50 = arith.cmpi ne, %sign3A_42, %sign3A_49 : i32
    %rem3A_51 = arith.remsi %sub3A_33, %jit3A_34 : i32
    %ne3A_52 = arith.constant 0 : i32
    %ne3A_53 = arith.cmpi ne, %rem3A_51, %ne3A_52 : i32
    %and3A_54 = arith.andi %ne3A_50, %ne3A_53 : i1
    %sub3A_55 = arith.constant 1 : i32
    %sub3A_56 = arith.subi %div3A_35, %sub3A_55 : i32
    %select_n3A_57 = arith.select %and3A_54, %sub3A_56, %div3A_35 : i32
    %while3A_58 = arith.constant 0 : i32
    %while3A_59 = arith.constant 0 : i32
    %while3A_60 = arith.subi %select_n3A_57, %while3A_59 : i32
    %while3A_61 = arith.addi %while3A_59, %while3A_60 : i32
    %while3A_62 = arith.constant 1 : i32
    %while3A_63 = arith.divsi %while3A_60, %while3A_62 : i32
    %while3A_64 = arith.muli %while3A_63, %while3A_62 : i32
    %while3A_65 = arith.addi %while3A_59, %while3A_64 : i32
    %while3A_66 = arith.constant 1 : i32
    scf.for %while3A_68 = %while3A_59 to %while3A_65 step %while3A_66  : i32 {
      %mul3A_69 = arith.constant 32 : i32
      %mul3A_70 = arith.muli %mul3A_69, %while3A_68 : i32
      %add3A_71 = arith.addi %add3A, %mul3A_70 : i32
      %mul3A_72 = arith.constant 8 : i32
      %mul3A_73 = arith.muli %add3A_71, %mul3A_72 : i32
      %add3A_74 = arith.constant 1000 : i32
      %add3A_75 = arith.addi %add3A_74, %mul3A_73 : i32
      "tpu.region"() ({
        %run_scoped3A = tpu.sem_alloc : memref<!tpu.dma_semaphore, #tpu.memory_space<semaphore_mem>>
        %dma_start3A_407 = arith.constant 0 : i32
        %dma_start3A_408 = tpu.memref_slice %arg11[%dma_start3A_407] : memref<16xi32, #tpu.memory_space<vmem>> -> memref<8xi32, #tpu.memory_space<vmem>>
        %dma_start3A_409 = tpu.memref_slice %arg4[%mul3A_73] : memref<1000xi32, #tpu.memory_space<hbm>> -> memref<8xi32, #tpu.memory_space<hbm>>
        %dma_start3A_410 = arith.constant 0 : i32
        %dma_start3A_411 = tpu.memref_slice %arg11[%dma_start3A_410] : memref<16xi32, #tpu.memory_space<vmem>> -> memref<8xi32, #tpu.memory_space<vmem>>
        %dma_start3A_412 = tpu.memref_slice %arg4[%mul3A_73] : memref<1000xi32, #tpu.memory_space<hbm>> -> memref<8xi32, #tpu.memory_space<hbm>>
        tpu.enqueue_dma source(%dma_start3A_412 : memref<8xi32, #tpu.memory_space<hbm>>) target(%dma_start3A_411 : memref<8xi32, #tpu.memory_space<vmem>>) target_semaphore(%run_scoped3A : memref<!tpu.dma_semaphore, #tpu.memory_space<semaphore_mem>>)
        %dma_wait3A_413 = arith.constant 0 : i32
        %dma_wait3A_414 = tpu.memref_slice %arg11[%dma_wait3A_413] : memref<16xi32, #tpu.memory_space<vmem>> -> memref<8xi32, #tpu.memory_space<vmem>>
        %dma_wait3A_415 = tpu.memref_slice %arg4[%mul3A_73] : memref<1000xi32, #tpu.memory_space<hbm>> -> memref<8xi32, #tpu.memory_space<hbm>>
        %dma_wait3A_416 = arith.constant 0 : i32
        %dma_wait3A_417 = tpu.memref_slice %arg11[%dma_wait3A_416] : memref<16xi32, #tpu.memory_space<vmem>> -> memref<8xi32, #tpu.memory_space<vmem>>
        %dma_wait3A_418 = tpu.memref_slice %arg4[%mul3A_73] : memref<1000xi32, #tpu.memory_space<hbm>> -> memref<8xi32, #tpu.memory_space<hbm>>
        tpu.wait_dma2 semaphore(%run_scoped3A : memref<!tpu.dma_semaphore, #tpu.memory_space<semaphore_mem>>) src(%dma_wait3A_418 : memref<8xi32, #tpu.memory_space<hbm>>) dst(%dma_wait3A_417 : memref<8xi32, #tpu.memory_space<vmem>>)
        tpu.yield
      }) : () -> ()
      %mul3A_76 = arith.constant 4 : i32
      %mul3A_77 = arith.muli %add3A_75, %mul3A_76 : i32
      "tpu.region"() ({
        %run_scoped3A = tpu.sem_alloc : memref<!tpu.dma_semaphore, #tpu.memory_space<semaphore_mem>>
        %dma_start3A_407 = tpu.memref_slice %arg2[%mul3A_77] : memref<8000xf32, #tpu.memory_space<hbm>> -> memref<32xf32, #tpu.memory_space<hbm>>
        %dma_start3A_408 = tpu.memref_slice %arg2[%mul3A_77] : memref<8000xf32, #tpu.memory_space<hbm>> -> memref<32xf32, #tpu.memory_space<hbm>>
        tpu.enqueue_dma source(%dma_start3A_408 : memref<32xf32, #tpu.memory_space<hbm>>) target(%arg12 : memref<32xf32, #tpu.memory_space<vmem>>) target_semaphore(%run_scoped3A : memref<!tpu.dma_semaphore, #tpu.memory_space<semaphore_mem>>)
        %dma_wait3A_409 = tpu.memref_slice %arg2[%mul3A_77] : memref<8000xf32, #tpu.memory_space<hbm>> -> memref<32xf32, #tpu.memory_space<hbm>>
        %dma_wait3A_410 = tpu.memref_slice %arg2[%mul3A_77] : memref<8000xf32, #tpu.memory_space<hbm>> -> memref<32xf32, #tpu.memory_space<hbm>>
        tpu.wait_dma2 semaphore(%run_scoped3A : memref<!tpu.dma_semaphore, #tpu.memory_space<semaphore_mem>>) src(%dma_wait3A_410 : memref<32xf32, #tpu.memory_space<hbm>>) dst(%arg12 : memref<32xf32, #tpu.memory_space<vmem>>)
        tpu.yield
      }) : () -> ()
      %get3A = arith.constant 0 : index
      %get3A_78 = tpu.vector_load %arg11[%get3A] {strides = array<i32>} : memref<16xi32, #tpu.memory_space<vmem>>, vector<16xi32>,
      %get3A_79 = arith.constant 0 : index
      %get3A_80 = tpu.vector_load %arg12[%get3A_79] {strides = array<i32>} : memref<32xf32, #tpu.memory_space<vmem>>, vector<16xf32>,
      %convert_element_type3A = arith.fptosi %get3A_80 : vector<16xf32> to vector<16xi32>
      %get3A_81 = arith.constant 16 : index
      %get3A_82 = tpu.vector_load %arg12[%get3A_81] {strides = array<i32>} : memref<32xf32, #tpu.memory_space<vmem>>, vector<16xf32>,
      %convert_element_type3A_83 = arith.fptosi %get3A_82 : vector<16xf32> to vector<16xi32>
      %jit3A_84 = arith.constant 0 : i32
      %jit3A_85 = arith.constant 99 : i32
      %max3A = vector.broadcast %jit3A_84 : i32 to vector<16xi32>
      %max3A_86 = arith.maxsi %max3A, %get3A_78 : vector<16xi32>
      %min3A_87 = vector.broadcast %jit3A_85 : i32 to vector<16xi32>
      %min3A_88 = arith.minsi %min3A_87, %max3A_86 : vector<16xi32>
      %gather3A = tpu.vector_load_idx %arg13[%min3A_88] : memref<128xi32, #tpu.memory_space<vmem>>[vector<16xi32>], vector<16xi32>,
      %jit3A_89 = arith.constant 0 : i32
      %jit3A_90 = arith.constant 7 : i32
      %max3A_91 = vector.broadcast %jit3A_89 : i32 to vector<16xi32>
      %max3A_92 = arith.maxsi %max3A_91, %gather3A : vector<16xi32>
      %min3A_93 = vector.broadcast %jit3A_90 : i32 to vector<16xi32>
      %min3A_94 = arith.minsi %min3A_93, %max3A_92 : vector<16xi32>
      tpu.vector_store_idx %arg19[%min3A_4], %min3A_94 masked %lt3A_2 : memref<8xi32, #tpu.memory_space<vmem>>[vector<16xi32>], vector<16xi32>, vector<16xi1>
      %slice3A = vector.extract_strided_slice %get3A_78 {offsets = [0], sizes = [1], strides = [1]} : vector<16xi32> to vector<1xi32>
      %squeeze3A = vector.extract %slice3A[0] : i32 from vector<1xi32>
      %jit3A_95 = arith.constant 0 : i32
      %jit3A_96 = arith.constant 99 : i32
      %max3A_97 = arith.maxsi %jit3A_95, %squeeze3A : i32
      %min3A_98 = arith.minsi %jit3A_96, %max3A_97 : i32
      %slice3A_99 = vector.extract_strided_slice %convert_element_type3A {offsets = [1], sizes = [1], strides = [1]} : vector<16xi32> to vector<1xi32>
      %squeeze3A_100 = vector.extract %slice3A_99[0] : i32 from vector<1xi32>
      %jit3A_101 = arith.constant 0 : i32
      %jit3A_102 = arith.constant 100 : i32
      %max3A_103 = arith.maxsi %jit3A_101, %squeeze3A_100 : i32
      %min3A_104 = arith.minsi %jit3A_102, %max3A_103 : i32
      %mul3A_105 = arith.constant 128 : i32
      %mul3A_106 = arith.muli %min3A_98, %mul3A_105 : i32
      %add3A_107 = arith.addi %mul3A_106, %min3A_104 : i32
      %broadcast_in_dim3A = vector.broadcast %add3A_107 : i32 to vector<16xi32>
      %add3A_108 = arith.addi %broadcast_in_dim3A, %iota3A : vector<16xi32>
      %broadcast_in_dim3A_109 = arith.constant 0 : i32
      %broadcast_in_dim3A_110 = vector.broadcast %broadcast_in_dim3A_109 : i32 to vector<16xi32>
      %add3A_111 = arith.addi %broadcast_in_dim3A_110, %iota3A : vector<16xi32>
      tpu.vector_store_idx %arg14[%add3A_111], %add3A_108 : memref<112xi32, #tpu.memory_space<vmem>>[vector<16xi32>], vector<16xi32>,
      %broadcast_in_dim3A_112 = arith.constant 12 : i32
      %broadcast_in_dim3A_113 = vector.broadcast %broadcast_in_dim3A_112 : i32 to vector<16xi32>
      %add3A_114 = arith.addi %broadcast_in_dim3A_113, %iota3A : vector<16xi32>
      %add3A_115 = arith.constant 12 : i32
      %add3A_116 = vector.broadcast %add3A_115 : i32 to vector<16xi32>
      %add3A_117 = arith.addi %add3A_108, %add3A_116 : vector<16xi32>
      tpu.vector_store_idx %arg14[%add3A_114], %add3A_117 : memref<112xi32, #tpu.memory_space<vmem>>[vector<16xi32>], vector<16xi32>,
      %slice3A_118 = vector.extract_strided_slice %get3A_78 {offsets = [1], sizes = [1], strides = [1]} : vector<16xi32> to vector<1xi32>
      %squeeze3A_119 = vector.extract %slice3A_118[0] : i32 from vector<1xi32>
      %jit3A_120 = arith.constant 0 : i32
      %jit3A_121 = arith.constant 99 : i32
      %max3A_122 = arith.maxsi %jit3A_120, %squeeze3A_119 : i32
      %min3A_123 = arith.minsi %jit3A_121, %max3A_122 : i32
      %slice3A_124 = vector.extract_strided_slice %convert_element_type3A {offsets = [5], sizes = [1], strides = [1]} : vector<16xi32> to vector<1xi32>
      %squeeze3A_125 = vector.extract %slice3A_124[0] : i32 from vector<1xi32>
      %jit3A_126 = arith.constant 0 : i32
      %jit3A_127 = arith.constant 100 : i32
      %max3A_128 = arith.maxsi %jit3A_126, %squeeze3A_125 : i32
      %min3A_129 = arith.minsi %jit3A_127, %max3A_128 : i32
      %mul3A_130 = arith.constant 128 : i32
      %mul3A_131 = arith.muli %min3A_123, %mul3A_130 : i32
      %add3A_132 = arith.addi %mul3A_131, %min3A_129 : i32
      %broadcast_in_dim3A_133 = vector.broadcast %add3A_132 : i32 to vector<16xi32>
      %add3A_134 = arith.addi %broadcast_in_dim3A_133, %iota3A : vector<16xi32>
      %broadcast_in_dim3A_135 = arith.constant 28 : i32
      %broadcast_in_dim3A_136 = vector.broadcast %broadcast_in_dim3A_135 : i32 to vector<16xi32>
      %add3A_137 = arith.addi %broadcast_in_dim3A_136, %iota3A : vector<16xi32>
      tpu.vector_store_idx %arg14[%add3A_137], %add3A_134 : memref<112xi32, #tpu.memory_space<vmem>>[vector<16xi32>], vector<16xi32>,
      %broadcast_in_dim3A_138 = arith.constant 40 : i32
      %broadcast_in_dim3A_139 = vector.broadcast %broadcast_in_dim3A_138 : i32 to vector<16xi32>
      %add3A_140 = arith.addi %broadcast_in_dim3A_139, %iota3A : vector<16xi32>
      %add3A_141 = arith.constant 12 : i32
      %add3A_142 = vector.broadcast %add3A_141 : i32 to vector<16xi32>
      %add3A_143 = arith.addi %add3A_134, %add3A_142 : vector<16xi32>
      tpu.vector_store_idx %arg14[%add3A_140], %add3A_143 : memref<112xi32, #tpu.memory_space<vmem>>[vector<16xi32>], vector<16xi32>,
      %slice3A_144 = vector.extract_strided_slice %get3A_78 {offsets = [2], sizes = [1], strides = [1]} : vector<16xi32> to vector<1xi32>
      %squeeze3A_145 = vector.extract %slice3A_144[0] : i32 from vector<1xi32>
      %jit3A_146 = arith.constant 0 : i32
      %jit3A_147 = arith.constant 99 : i32
      %max3A_148 = arith.maxsi %jit3A_146, %squeeze3A_145 : i32
      %min3A_149 = arith.minsi %jit3A_147, %max3A_148 : i32
      %slice3A_150 = vector.extract_strided_slice %convert_element_type3A {offsets = [9], sizes = [1], strides = [1]} : vector<16xi32> to vector<1xi32>
      %squeeze3A_151 = vector.extract %slice3A_150[0] : i32 from vector<1xi32>
      %jit3A_152 = arith.constant 0 : i32
      %jit3A_153 = arith.constant 100 : i32
      %max3A_154 = arith.maxsi %jit3A_152, %squeeze3A_151 : i32
      %min3A_155 = arith.minsi %jit3A_153, %max3A_154 : i32
      %mul3A_156 = arith.constant 128 : i32
      %mul3A_157 = arith.muli %min3A_149, %mul3A_156 : i32
      %add3A_158 = arith.addi %mul3A_157, %min3A_155 : i32
      %broadcast_in_dim3A_159 = vector.broadcast %add3A_158 : i32 to vector<16xi32>
      %add3A_160 = arith.addi %broadcast_in_dim3A_159, %iota3A : vector<16xi32>
      %broadcast_in_dim3A_161 = arith.constant 56 : i32
      %broadcast_in_dim3A_162 = vector.broadcast %broadcast_in_dim3A_161 : i32 to vector<16xi32>
      %add3A_163 = arith.addi %broadcast_in_dim3A_162, %iota3A : vector<16xi32>
      tpu.vector_store_idx %arg14[%add3A_163], %add3A_160 : memref<112xi32, #tpu.memory_space<vmem>>[vector<16xi32>], vector<16xi32>,
      %broadcast_in_dim3A_164 = arith.constant 68 : i32
      %broadcast_in_dim3A_165 = vector.broadcast %broadcast_in_dim3A_164 : i32 to vector<16xi32>
      %add3A_166 = arith.addi %broadcast_in_dim3A_165, %iota3A : vector<16xi32>
      %add3A_167 = arith.constant 12 : i32
      %add3A_168 = vector.broadcast %add3A_167 : i32 to vector<16xi32>
      %add3A_169 = arith.addi %add3A_160, %add3A_168 : vector<16xi32>
      tpu.vector_store_idx %arg14[%add3A_166], %add3A_169 : memref<112xi32, #tpu.memory_space<vmem>>[vector<16xi32>], vector<16xi32>,
      %slice3A_170 = vector.extract_strided_slice %get3A_78 {offsets = [3], sizes = [1], strides = [1]} : vector<16xi32> to vector<1xi32>
      %squeeze3A_171 = vector.extract %slice3A_170[0] : i32 from vector<1xi32>
      %jit3A_172 = arith.constant 0 : i32
      %jit3A_173 = arith.constant 99 : i32
      %max3A_174 = arith.maxsi %jit3A_172, %squeeze3A_171 : i32
      %min3A_175 = arith.minsi %jit3A_173, %max3A_174 : i32
      %slice3A_176 = vector.extract_strided_slice %convert_element_type3A {offsets = [13], sizes = [1], strides = [1]} : vector<16xi32> to vector<1xi32>
      %squeeze3A_177 = vector.extract %slice3A_176[0] : i32 from vector<1xi32>
      %jit3A_178 = arith.constant 0 : i32
      %jit3A_179 = arith.constant 100 : i32
      %max3A_180 = arith.maxsi %jit3A_178, %squeeze3A_177 : i32
      %min3A_181 = arith.minsi %jit3A_179, %max3A_180 : i32
      %mul3A_182 = arith.constant 128 : i32
      %mul3A_183 = arith.muli %min3A_175, %mul3A_182 : i32
      %add3A_184 = arith.addi %mul3A_183, %min3A_181 : i32
      %broadcast_in_dim3A_185 = vector.broadcast %add3A_184 : i32 to vector<16xi32>
      %add3A_186 = arith.addi %broadcast_in_dim3A_185, %iota3A : vector<16xi32>
      %broadcast_in_dim3A_187 = arith.constant 84 : i32
      %broadcast_in_dim3A_188 = vector.broadcast %broadcast_in_dim3A_187 : i32 to vector<16xi32>
      %add3A_189 = arith.addi %broadcast_in_dim3A_188, %iota3A : vector<16xi32>
      tpu.vector_store_idx %arg14[%add3A_189], %add3A_186 : memref<112xi32, #tpu.memory_space<vmem>>[vector<16xi32>], vector<16xi32>,
      %broadcast_in_dim3A_190 = arith.constant 96 : i32
      %broadcast_in_dim3A_191 = vector.broadcast %broadcast_in_dim3A_190 : i32 to vector<16xi32>
      %add3A_192 = arith.addi %broadcast_in_dim3A_191, %iota3A : vector<16xi32>
      %add3A_193 = arith.constant 12 : i32
      %add3A_194 = vector.broadcast %add3A_193 : i32 to vector<16xi32>
      %add3A_195 = arith.addi %add3A_186, %add3A_194 : vector<16xi32>
      tpu.vector_store_idx %arg14[%add3A_192], %add3A_195 : memref<112xi32, #tpu.memory_space<vmem>>[vector<16xi32>], vector<16xi32>,
      %slice3A_196 = vector.extract_strided_slice %get3A_78 {offsets = [4], sizes = [1], strides = [1]} : vector<16xi32> to vector<1xi32>
      %squeeze3A_197 = vector.extract %slice3A_196[0] : i32 from vector<1xi32>
      %jit3A_198 = arith.constant 0 : i32
      %jit3A_199 = arith.constant 99 : i32
      %max3A_200 = arith.maxsi %jit3A_198, %squeeze3A_197 : i32
      %min3A_201 = arith.minsi %jit3A_199, %max3A_200 : i32
      %slice3A_202 = vector.extract_strided_slice %convert_element_type3A_83 {offsets = [1], sizes = [1], strides = [1]} : vector<16xi32> to vector<1xi32>
      %squeeze3A_203 = vector.extract %slice3A_202[0] : i32 from vector<1xi32>
      %jit3A_204 = arith.constant 0 : i32
      %jit3A_205 = arith.constant 100 : i32
      %max3A_206 = arith.maxsi %jit3A_204, %squeeze3A_203 : i32
      %min3A_207 = arith.minsi %jit3A_205, %max3A_206 : i32
      %mul3A_208 = arith.constant 128 : i32
      %mul3A_209 = arith.muli %min3A_201, %mul3A_208 : i32
      %add3A_210 = arith.addi %mul3A_209, %min3A_207 : i32
      %broadcast_in_dim3A_211 = vector.broadcast %add3A_210 : i32 to vector<16xi32>
      %add3A_212 = arith.addi %broadcast_in_dim3A_211, %iota3A : vector<16xi32>
      %broadcast_in_dim3A_213 = arith.constant 0 : i32
      %broadcast_in_dim3A_214 = vector.broadcast %broadcast_in_dim3A_213 : i32 to vector<16xi32>
      %add3A_215 = arith.addi %broadcast_in_dim3A_214, %iota3A : vector<16xi32>
      tpu.vector_store_idx %arg15[%add3A_215], %add3A_212 : memref<112xi32, #tpu.memory_space<vmem>>[vector<16xi32>], vector<16xi32>,
      %broadcast_in_dim3A_216 = arith.constant 12 : i32
      %broadcast_in_dim3A_217 = vector.broadcast %broadcast_in_dim3A_216 : i32 to vector<16xi32>
      %add3A_218 = arith.addi %broadcast_in_dim3A_217, %iota3A : vector<16xi32>
      %add3A_219 = arith.constant 12 : i32
      %add3A_220 = vector.broadcast %add3A_219 : i32 to vector<16xi32>
      %add3A_221 = arith.addi %add3A_212, %add3A_220 : vector<16xi32>
      tpu.vector_store_idx %arg15[%add3A_218], %add3A_221 : memref<112xi32, #tpu.memory_space<vmem>>[vector<16xi32>], vector<16xi32>,
      %slice3A_222 = vector.extract_strided_slice %get3A_78 {offsets = [5], sizes = [1], strides = [1]} : vector<16xi32> to vector<1xi32>
      %squeeze3A_223 = vector.extract %slice3A_222[0] : i32 from vector<1xi32>
      %jit3A_224 = arith.constant 0 : i32
      %jit3A_225 = arith.constant 99 : i32
      %max3A_226 = arith.maxsi %jit3A_224, %squeeze3A_223 : i32
      %min3A_227 = arith.minsi %jit3A_225, %max3A_226 : i32
      %slice3A_228 = vector.extract_strided_slice %convert_element_type3A_83 {offsets = [5], sizes = [1], strides = [1]} : vector<16xi32> to vector<1xi32>
      %squeeze3A_229 = vector.extract %slice3A_228[0] : i32 from vector<1xi32>
      %jit3A_230 = arith.constant 0 : i32
      %jit3A_231 = arith.constant 100 : i32
      %max3A_232 = arith.maxsi %jit3A_230, %squeeze3A_229 : i32
      %min3A_233 = arith.minsi %jit3A_231, %max3A_232 : i32
      %mul3A_234 = arith.constant 128 : i32
      %mul3A_235 = arith.muli %min3A_227, %mul3A_234 : i32
      %add3A_236 = arith.addi %mul3A_235, %min3A_233 : i32
      %broadcast_in_dim3A_237 = vector.broadcast %add3A_236 : i32 to vector<16xi32>
      %add3A_238 = arith.addi %broadcast_in_dim3A_237, %iota3A : vector<16xi32>
      %broadcast_in_dim3A_239 = arith.constant 28 : i32
      %broadcast_in_dim3A_240 = vector.broadcast %broadcast_in_dim3A_239 : i32 to vector<16xi32>
      %add3A_241 = arith.addi %broadcast_in_dim3A_240, %iota3A : vector<16xi32>
      tpu.vector_store_idx %arg15[%add3A_241], %add3A_238 : memref<112xi32, #tpu.memory_space<vmem>>[vector<16xi32>], vector<16xi32>,
      %broadcast_in_dim3A_242 = arith.constant 40 : i32
      %broadcast_in_dim3A_243 = vector.broadcast %broadcast_in_dim3A_242 : i32 to vector<16xi32>
      %add3A_244 = arith.addi %broadcast_in_dim3A_243, %iota3A : vector<16xi32>
      %add3A_245 = arith.constant 12 : i32
      %add3A_246 = vector.broadcast %add3A_245 : i32 to vector<16xi32>
      %add3A_247 = arith.addi %add3A_238, %add3A_246 : vector<16xi32>
      tpu.vector_store_idx %arg15[%add3A_244], %add3A_247 : memref<112xi32, #tpu.memory_space<vmem>>[vector<16xi32>], vector<16xi32>,
      %slice3A_248 = vector.extract_strided_slice %get3A_78 {offsets = [6], sizes = [1], strides = [1]} : vector<16xi32> to vector<1xi32>
      %squeeze3A_249 = vector.extract %slice3A_248[0] : i32 from vector<1xi32>
      %jit3A_250 = arith.constant 0 : i32
      %jit3A_251 = arith.constant 99 : i32
      %max3A_252 = arith.maxsi %jit3A_250, %squeeze3A_249 : i32
      %min3A_253 = arith.minsi %jit3A_251, %max3A_252 : i32
      %slice3A_254 = vector.extract_strided_slice %convert_element_type3A_83 {offsets = [9], sizes = [1], strides = [1]} : vector<16xi32> to vector<1xi32>
      %squeeze3A_255 = vector.extract %slice3A_254[0] : i32 from vector<1xi32>
      %jit3A_256 = arith.constant 0 : i32
      %jit3A_257 = arith.constant 100 : i32
      %max3A_258 = arith.maxsi %jit3A_256, %squeeze3A_255 : i32
      %min3A_259 = arith.minsi %jit3A_257, %max3A_258 : i32
      %mul3A_260 = arith.constant 128 : i32
      %mul3A_261 = arith.muli %min3A_253, %mul3A_260 : i32
      %add3A_262 = arith.addi %mul3A_261, %min3A_259 : i32
      %broadcast_in_dim3A_263 = vector.broadcast %add3A_262 : i32 to vector<16xi32>
      %add3A_264 = arith.addi %broadcast_in_dim3A_263, %iota3A : vector<16xi32>
      %broadcast_in_dim3A_265 = arith.constant 56 : i32
      %broadcast_in_dim3A_266 = vector.broadcast %broadcast_in_dim3A_265 : i32 to vector<16xi32>
      %add3A_267 = arith.addi %broadcast_in_dim3A_266, %iota3A : vector<16xi32>
      tpu.vector_store_idx %arg15[%add3A_267], %add3A_264 : memref<112xi32, #tpu.memory_space<vmem>>[vector<16xi32>], vector<16xi32>,
      %broadcast_in_dim3A_268 = arith.constant 68 : i32
      %broadcast_in_dim3A_269 = vector.broadcast %broadcast_in_dim3A_268 : i32 to vector<16xi32>
      %add3A_270 = arith.addi %broadcast_in_dim3A_269, %iota3A : vector<16xi32>
      %add3A_271 = arith.constant 12 : i32
      %add3A_272 = vector.broadcast %add3A_271 : i32 to vector<16xi32>
      %add3A_273 = arith.addi %add3A_264, %add3A_272 : vector<16xi32>
      tpu.vector_store_idx %arg15[%add3A_270], %add3A_273 : memref<112xi32, #tpu.memory_space<vmem>>[vector<16xi32>], vector<16xi32>,
      %slice3A_274 = vector.extract_strided_slice %get3A_78 {offsets = [7], sizes = [1], strides = [1]} : vector<16xi32> to vector<1xi32>
      %squeeze3A_275 = vector.extract %slice3A_274[0] : i32 from vector<1xi32>
      %jit3A_276 = arith.constant 0 : i32
      %jit3A_277 = arith.constant 99 : i32
      %max3A_278 = arith.maxsi %jit3A_276, %squeeze3A_275 : i32
      %min3A_279 = arith.minsi %jit3A_277, %max3A_278 : i32
      %slice3A_280 = vector.extract_strided_slice %convert_element_type3A_83 {offsets = [13], sizes = [1], strides = [1]} : vector<16xi32> to vector<1xi32>
      %squeeze3A_281 = vector.extract %slice3A_280[0] : i32 from vector<1xi32>
      %jit3A_282 = arith.constant 0 : i32
      %jit3A_283 = arith.constant 100 : i32
      %max3A_284 = arith.maxsi %jit3A_282, %squeeze3A_281 : i32
      %min3A_285 = arith.minsi %jit3A_283, %max3A_284 : i32
      %mul3A_286 = arith.constant 128 : i32
      %mul3A_287 = arith.muli %min3A_279, %mul3A_286 : i32
      %add3A_288 = arith.addi %mul3A_287, %min3A_285 : i32
      %broadcast_in_dim3A_289 = vector.broadcast %add3A_288 : i32 to vector<16xi32>
      %add3A_290 = arith.addi %broadcast_in_dim3A_289, %iota3A : vector<16xi32>
      %broadcast_in_dim3A_291 = arith.constant 84 : i32
      %broadcast_in_dim3A_292 = vector.broadcast %broadcast_in_dim3A_291 : i32 to vector<16xi32>
      %add3A_293 = arith.addi %broadcast_in_dim3A_292, %iota3A : vector<16xi32>
      tpu.vector_store_idx %arg15[%add3A_293], %add3A_290 : memref<112xi32, #tpu.memory_space<vmem>>[vector<16xi32>], vector<16xi32>,
      %broadcast_in_dim3A_294 = arith.constant 96 : i32
      %broadcast_in_dim3A_295 = vector.broadcast %broadcast_in_dim3A_294 : i32 to vector<16xi32>
      %add3A_296 = arith.addi %broadcast_in_dim3A_295, %iota3A : vector<16xi32>
      %add3A_297 = arith.constant 12 : i32
      %add3A_298 = vector.broadcast %add3A_297 : i32 to vector<16xi32>
      %add3A_299 = arith.addi %add3A_290, %add3A_298 : vector<16xi32>
      tpu.vector_store_idx %arg15[%add3A_296], %add3A_299 : memref<112xi32, #tpu.memory_space<vmem>>[vector<16xi32>], vector<16xi32>,
      %dma_start3A = arith.constant 0 : i32
      %dma_start3A_300 = arith.constant 0 : i32
      %dma_start3A_301 = tpu.memref_slice %arg8[%dma_start3A, %dma_start3A_300] : memref<12800x128xf32, #tpu.memory_space<hbm>> -> memref<12800x128xf32, #tpu.memory_space<hbm>>
      tpu.enqueue_indirect_dma source(%dma_start3A_301 : memref<12800x128xf32, #tpu.memory_space<hbm>>) target(%arg16 : memref<112x128xf32, #tpu.memory_space<vmem>>) offsets(%arg14 : memref<112xi32, #tpu.memory_space<vmem>>) semaphore(%arg20 : memref<!tpu.dma_semaphore, #tpu.memory_space<semaphore_mem>>)
      %dma_start3A_302 = arith.constant 0 : i32
      %dma_start3A_303 = arith.constant 0 : i32
      %dma_start3A_304 = tpu.memref_slice %arg8[%dma_start3A_302, %dma_start3A_303] : memref<12800x128xf32, #tpu.memory_space<hbm>> -> memref<12800x128xf32, #tpu.memory_space<hbm>>
      tpu.enqueue_indirect_dma source(%dma_start3A_304 : memref<12800x128xf32, #tpu.memory_space<hbm>>) target(%arg17 : memref<112x128xf32, #tpu.memory_space<vmem>>) offsets(%arg15 : memref<112xi32, #tpu.memory_space<vmem>>) semaphore(%arg21 : memref<!tpu.dma_semaphore, #tpu.memory_space<semaphore_mem>>)
      "tpu.region"() ({
        %run_scoped3A = tpu.sem_alloc : memref<!tpu.dma_semaphore, #tpu.memory_space<semaphore_mem>>
        %dma_start3A_407 = tpu.memref_slice %arg10[%add3A_75] : memref<2000xi32, #tpu.memory_space<hbm>> -> memref<8xi32, #tpu.memory_space<hbm>>
        %dma_start3A_408 = tpu.memref_slice %arg10[%add3A_75] : memref<2000xi32, #tpu.memory_space<hbm>> -> memref<8xi32, #tpu.memory_space<hbm>>
        tpu.enqueue_dma source(%arg19 : memref<8xi32, #tpu.memory_space<vmem>>) target(%dma_start3A_408 : memref<8xi32, #tpu.memory_space<hbm>>) target_semaphore(%run_scoped3A : memref<!tpu.dma_semaphore, #tpu.memory_space<semaphore_mem>>)
        %dma_wait3A_409 = tpu.memref_slice %arg10[%add3A_75] : memref<2000xi32, #tpu.memory_space<hbm>> -> memref<8xi32, #tpu.memory_space<hbm>>
        %dma_wait3A_410 = tpu.memref_slice %arg10[%add3A_75] : memref<2000xi32, #tpu.memory_space<hbm>> -> memref<8xi32, #tpu.memory_space<hbm>>
        tpu.wait_dma2 semaphore(%run_scoped3A : memref<!tpu.dma_semaphore, #tpu.memory_space<semaphore_mem>>) src(%arg19 : memref<8xi32, #tpu.memory_space<vmem>>) dst(%dma_wait3A_410 : memref<8xi32, #tpu.memory_space<hbm>>)
        tpu.yield
      }) : () -> ()
      %dma_wait3A = arith.constant 0 : i32
      %dma_wait3A_305 = arith.constant 0 : i32
      %dma_wait3A_306 = tpu.memref_slice %arg8[%dma_wait3A, %dma_wait3A_305] : memref<12800x128xf32, #tpu.memory_space<hbm>> -> memref<12800x128xf32, #tpu.memory_space<hbm>>
      tpu.wait_indirect_dma semaphore(%arg20 : memref<!tpu.dma_semaphore, #tpu.memory_space<semaphore_mem>>) src(%dma_wait3A_306 : memref<12800x128xf32, #tpu.memory_space<hbm>>) dst(%arg16 : memref<112x128xf32, #tpu.memory_space<vmem>>)
      %dma_wait3A_307 = arith.constant 0 : i32
      %dma_wait3A_308 = arith.constant 0 : i32
      %dma_wait3A_309 = tpu.memref_slice %arg8[%dma_wait3A_307, %dma_wait3A_308] : memref<12800x128xf32, #tpu.memory_space<hbm>> -> memref<12800x128xf32, #tpu.memory_space<hbm>>
      tpu.wait_indirect_dma semaphore(%arg21 : memref<!tpu.dma_semaphore, #tpu.memory_space<semaphore_mem>>) src(%dma_wait3A_309 : memref<12800x128xf32, #tpu.memory_space<hbm>>) dst(%arg17 : memref<112x128xf32, #tpu.memory_space<vmem>>)
      %slice3A_310 = vector.extract_strided_slice %convert_element_type3A {offsets = [0], sizes = [1], strides = [1]} : vector<16xi32> to vector<1xi32>
      %squeeze3A_311 = vector.extract %slice3A_310[0] : i32 from vector<1xi32>
      %jit3A_312 = arith.constant 0 : i32
      %jit3A_313 = arith.constant 100 : i32
      %max3A_314 = arith.maxsi %jit3A_312, %squeeze3A_311 : i32
      %min3A_315 = arith.minsi %jit3A_313, %max3A_314 : i32
      %broadcast_in_dim3A_316 = vector.broadcast %min3A_315 : i32 to vector<16xi32>
      %scan3A = arith.constant 0 : i32
      %scan3A_317 = arith.constant 28 : i32
      %scan3A_318 = arith.addi %scan3A, %scan3A_317 : i32
      %scan3A_319 = arith.constant 1 : i32
      scf.for %scan3A_407 = %scan3A to %scan3A_318 step %scan3A_319  : i32 {
        %add3A_408 = arith.constant 0 : i32
        %add3A_409 = arith.addi %add3A_408, %scan3A_407 : i32
        %broadcast_in_dim3A_410 = vector.broadcast %add3A_409 : i32 to vector<16xi32>
        %add3A_411 = arith.addi %broadcast_in_dim3A_316, %iota3A : vector<16xi32>
        %gather3A_412 = tpu.vector_load_idx %arg16[%broadcast_in_dim3A_410, %add3A_411] : memref<112x128xf32, #tpu.memory_space<vmem>>[vector<16xi32>, vector<16xi32>], vector<16xf32>,
        %mul3A_413 = arith.constant 28 : i32
        %mul3A_414 = arith.muli %scan3A_407, %mul3A_413 : i32
        %add3A_415 = arith.constant 0 : i32
        %add3A_416 = arith.addi %add3A_415, %mul3A_414 : i32
        %broadcast_in_dim3A_417 = vector.broadcast %add3A_416 : i32 to vector<16xi32>
        %add3A_418 = arith.addi %broadcast_in_dim3A_417, %iota3A : vector<16xi32>
        tpu.vector_store_idx %arg18[%add3A_418], %gather3A_412 : memref<6272xf32, #tpu.memory_space<vmem>>[vector<16xi32>], vector<16xf32>,
        %add3A_419 = arith.constant 12 : i32
        %add3A_420 = vector.broadcast %add3A_419 : i32 to vector<16xi32>
        %add3A_421 = arith.addi %broadcast_in_dim3A_316, %add3A_420 : vector<16xi32>
        %add3A_422 = arith.addi %add3A_421, %iota3A : vector<16xi32>
        %gather3A_423 = tpu.vector_load_idx %arg16[%broadcast_in_dim3A_410, %add3A_422] : memref<112x128xf32, #tpu.memory_space<vmem>>[vector<16xi32>, vector<16xi32>], vector<16xf32>,
        %mul3A_424 = arith.constant 28 : i32
        %mul3A_425 = arith.muli %scan3A_407, %mul3A_424 : i32
        %add3A_426 = arith.constant 0 : i32
        %add3A_427 = arith.addi %add3A_426, %mul3A_425 : i32
        %add3A_428 = arith.constant 12 : i32
        %add3A_429 = arith.addi %add3A_427, %add3A_428 : i32
        %broadcast_in_dim3A_430 = vector.broadcast %add3A_429 : i32 to vector<16xi32>
        %add3A_431 = arith.addi %broadcast_in_dim3A_430, %iota3A : vector<16xi32>
        tpu.vector_store_idx %arg18[%add3A_431], %gather3A_423 : memref<6272xf32, #tpu.memory_space<vmem>>[vector<16xi32>], vector<16xf32>,
      }
      %scan3A_320 = arith.constant 28 : i32
      %slice3A_321 = vector.extract_strided_slice %convert_element_type3A {offsets = [4], sizes = [1], strides = [1]} : vector<16xi32> to vector<1xi32>
      %squeeze3A_322 = vector.extract %slice3A_321[0] : i32 from vector<1xi32>
      %jit3A_323 = arith.constant 0 : i32
      %jit3A_324 = arith.constant 100 : i32
      %max3A_325 = arith.maxsi %jit3A_323, %squeeze3A_322 : i32
      %min3A_326 = arith.minsi %jit3A_324, %max3A_325 : i32
      %broadcast_in_dim3A_327 = vector.broadcast %min3A_326 : i32 to vector<16xi32>
      %scan3A_328 = arith.constant 0 : i32
      %scan3A_329 = arith.constant 28 : i32
      %scan3A_330 = arith.addi %scan3A_328, %scan3A_329 : i32
      %scan3A_331 = arith.constant 1 : i32
      scf.for %scan3A_407 = %scan3A_328 to %scan3A_330 step %scan3A_331  : i32 {
        %add3A_408 = arith.constant 28 : i32
        %add3A_409 = arith.addi %add3A_408, %scan3A_407 : i32
        %broadcast_in_dim3A_410 = vector.broadcast %add3A_409 : i32 to vector<16xi32>
        %add3A_411 = arith.addi %broadcast_in_dim3A_327, %iota3A : vector<16xi32>
        %gather3A_412 = tpu.vector_load_idx %arg16[%broadcast_in_dim3A_410, %add3A_411] : memref<112x128xf32, #tpu.memory_space<vmem>>[vector<16xi32>, vector<16xi32>], vector<16xf32>,
        %mul3A_413 = arith.constant 28 : i32
        %mul3A_414 = arith.muli %scan3A_407, %mul3A_413 : i32
        %add3A_415 = arith.constant 784 : i32
        %add3A_416 = arith.addi %add3A_415, %mul3A_414 : i32
        %broadcast_in_dim3A_417 = vector.broadcast %add3A_416 : i32 to vector<16xi32>
        %add3A_418 = arith.addi %broadcast_in_dim3A_417, %iota3A : vector<16xi32>
        tpu.vector_store_idx %arg18[%add3A_418], %gather3A_412 : memref<6272xf32, #tpu.memory_space<vmem>>[vector<16xi32>], vector<16xf32>,
        %add3A_419 = arith.constant 12 : i32
        %add3A_420 = vector.broadcast %add3A_419 : i32 to vector<16xi32>
        %add3A_421 = arith.addi %broadcast_in_dim3A_327, %add3A_420 : vector<16xi32>
        %add3A_422 = arith.addi %add3A_421, %iota3A : vector<16xi32>
        %gather3A_423 = tpu.vector_load_idx %arg16[%broadcast_in_dim3A_410, %add3A_422] : memref<112x128xf32, #tpu.memory_space<vmem>>[vector<16xi32>, vector<16xi32>], vector<16xf32>,
        %mul3A_424 = arith.constant 28 : i32
        %mul3A_425 = arith.muli %scan3A_407, %mul3A_424 : i32
        %add3A_426 = arith.constant 784 : i32
        %add3A_427 = arith.addi %add3A_426, %mul3A_425 : i32
        %add3A_428 = arith.constant 12 : i32
        %add3A_429 = arith.addi %add3A_427, %add3A_428 : i32
        %broadcast_in_dim3A_430 = vector.broadcast %add3A_429 : i32 to vector<16xi32>
        %add3A_431 = arith.addi %broadcast_in_dim3A_430, %iota3A : vector<16xi32>
        tpu.vector_store_idx %arg18[%add3A_431], %gather3A_423 : memref<6272xf32, #tpu.memory_space<vmem>>[vector<16xi32>], vector<16xf32>,
      }
      %scan3A_332 = arith.constant 28 : i32
      %slice3A_333 = vector.extract_strided_slice %convert_element_type3A {offsets = [8], sizes = [1], strides = [1]} : vector<16xi32> to vector<1xi32>
      %squeeze3A_334 = vector.extract %slice3A_333[0] : i32 from vector<1xi32>
      %jit3A_335 = arith.constant 0 : i32
      %jit3A_336 = arith.constant 100 : i32
      %max3A_337 = arith.maxsi %jit3A_335, %squeeze3A_334 : i32
      %min3A_338 = arith.minsi %jit3A_336, %max3A_337 : i32
      %broadcast_in_dim3A_339 = vector.broadcast %min3A_338 : i32 to vector<16xi32>
      %scan3A_340 = arith.constant 0 : i32
      %scan3A_341 = arith.constant 28 : i32
      %scan3A_342 = arith.addi %scan3A_340, %scan3A_341 : i32
      %scan3A_343 = arith.constant 1 : i32
      scf.for %scan3A_407 = %scan3A_340 to %scan3A_342 step %scan3A_343  : i32 {
        %add3A_408 = arith.constant 56 : i32
        %add3A_409 = arith.addi %add3A_408, %scan3A_407 : i32
        %broadcast_in_dim3A_410 = vector.broadcast %add3A_409 : i32 to vector<16xi32>
        %add3A_411 = arith.addi %broadcast_in_dim3A_339, %iota3A : vector<16xi32>
        %gather3A_412 = tpu.vector_load_idx %arg16[%broadcast_in_dim3A_410, %add3A_411] : memref<112x128xf32, #tpu.memory_space<vmem>>[vector<16xi32>, vector<16xi32>], vector<16xf32>,
        %mul3A_413 = arith.constant 28 : i32
        %mul3A_414 = arith.muli %scan3A_407, %mul3A_413 : i32
        %add3A_415 = arith.constant 1568 : i32
        %add3A_416 = arith.addi %add3A_415, %mul3A_414 : i32
        %broadcast_in_dim3A_417 = vector.broadcast %add3A_416 : i32 to vector<16xi32>
        %add3A_418 = arith.addi %broadcast_in_dim3A_417, %iota3A : vector<16xi32>
        tpu.vector_store_idx %arg18[%add3A_418], %gather3A_412 : memref<6272xf32, #tpu.memory_space<vmem>>[vector<16xi32>], vector<16xf32>,
        %add3A_419 = arith.constant 12 : i32
        %add3A_420 = vector.broadcast %add3A_419 : i32 to vector<16xi32>
        %add3A_421 = arith.addi %broadcast_in_dim3A_339, %add3A_420 : vector<16xi32>
        %add3A_422 = arith.addi %add3A_421, %iota3A : vector<16xi32>
        %gather3A_423 = tpu.vector_load_idx %arg16[%broadcast_in_dim3A_410, %add3A_422] : memref<112x128xf32, #tpu.memory_space<vmem>>[vector<16xi32>, vector<16xi32>], vector<16xf32>,
        %mul3A_424 = arith.constant 28 : i32
        %mul3A_425 = arith.muli %scan3A_407, %mul3A_424 : i32
        %add3A_426 = arith.constant 1568 : i32
        %add3A_427 = arith.addi %add3A_426, %mul3A_425 : i32
        %add3A_428 = arith.constant 12 : i32
        %add3A_429 = arith.addi %add3A_427, %add3A_428 : i32
        %broadcast_in_dim3A_430 = vector.broadcast %add3A_429 : i32 to vector<16xi32>
        %add3A_431 = arith.addi %broadcast_in_dim3A_430, %iota3A : vector<16xi32>
        tpu.vector_store_idx %arg18[%add3A_431], %gather3A_423 : memref<6272xf32, #tpu.memory_space<vmem>>[vector<16xi32>], vector<16xf32>,
      }
      %scan3A_344 = arith.constant 28 : i32
      %slice3A_345 = vector.extract_strided_slice %convert_element_type3A {offsets = [12], sizes = [1], strides = [1]} : vector<16xi32> to vector<1xi32>
      %squeeze3A_346 = vector.extract %slice3A_345[0] : i32 from vector<1xi32>
      %jit3A_347 = arith.constant 0 : i32
      %jit3A_348 = arith.constant 100 : i32
      %max3A_349 = arith.maxsi %jit3A_347, %squeeze3A_346 : i32
      %min3A_350 = arith.minsi %jit3A_348, %max3A_349 : i32
      %broadcast_in_dim3A_351 = vector.broadcast %min3A_350 : i32 to vector<16xi32>
      %scan3A_352 = arith.constant 0 : i32
      %scan3A_353 = arith.constant 28 : i32
      %scan3A_354 = arith.addi %scan3A_352, %scan3A_353 : i32
      %scan3A_355 = arith.constant 1 : i32
      scf.for %scan3A_407 = %scan3A_352 to %scan3A_354 step %scan3A_355  : i32 {
        %add3A_408 = arith.constant 84 : i32
        %add3A_409 = arith.addi %add3A_408, %scan3A_407 : i32
        %broadcast_in_dim3A_410 = vector.broadcast %add3A_409 : i32 to vector<16xi32>
        %add3A_411 = arith.addi %broadcast_in_dim3A_351, %iota3A : vector<16xi32>
        %gather3A_412 = tpu.vector_load_idx %arg16[%broadcast_in_dim3A_410, %add3A_411] : memref<112x128xf32, #tpu.memory_space<vmem>>[vector<16xi32>, vector<16xi32>], vector<16xf32>,
        %mul3A_413 = arith.constant 28 : i32
        %mul3A_414 = arith.muli %scan3A_407, %mul3A_413 : i32
        %add3A_415 = arith.constant 2352 : i32
        %add3A_416 = arith.addi %add3A_415, %mul3A_414 : i32
        %broadcast_in_dim3A_417 = vector.broadcast %add3A_416 : i32 to vector<16xi32>
        %add3A_418 = arith.addi %broadcast_in_dim3A_417, %iota3A : vector<16xi32>
        tpu.vector_store_idx %arg18[%add3A_418], %gather3A_412 : memref<6272xf32, #tpu.memory_space<vmem>>[vector<16xi32>], vector<16xf32>,
        %add3A_419 = arith.constant 12 : i32
        %add3A_420 = vector.broadcast %add3A_419 : i32 to vector<16xi32>
        %add3A_421 = arith.addi %broadcast_in_dim3A_351, %add3A_420 : vector<16xi32>
        %add3A_422 = arith.addi %add3A_421, %iota3A : vector<16xi32>
        %gather3A_423 = tpu.vector_load_idx %arg16[%broadcast_in_dim3A_410, %add3A_422] : memref<112x128xf32, #tpu.memory_space<vmem>>[vector<16xi32>, vector<16xi32>], vector<16xf32>,
        %mul3A_424 = arith.constant 28 : i32
        %mul3A_425 = arith.muli %scan3A_407, %mul3A_424 : i32
        %add3A_426 = arith.constant 2352 : i32
        %add3A_427 = arith.addi %add3A_426, %mul3A_425 : i32
        %add3A_428 = arith.constant 12 : i32
        %add3A_429 = arith.addi %add3A_427, %add3A_428 : i32
        %broadcast_in_dim3A_430 = vector.broadcast %add3A_429 : i32 to vector<16xi32>
        %add3A_431 = arith.addi %broadcast_in_dim3A_430, %iota3A : vector<16xi32>
        tpu.vector_store_idx %arg18[%add3A_431], %gather3A_423 : memref<6272xf32, #tpu.memory_space<vmem>>[vector<16xi32>], vector<16xf32>,
      }
      %scan3A_356 = arith.constant 28 : i32
      %slice3A_357 = vector.extract_strided_slice %convert_element_type3A_83 {offsets = [0], sizes = [1], strides = [1]} : vector<16xi32> to vector<1xi32>
      %squeeze3A_358 = vector.extract %slice3A_357[0] : i32 from vector<1xi32>
      %jit3A_359 = arith.constant 0 : i32
      %jit3A_360 = arith.constant 100 : i32
      %max3A_361 = arith.maxsi %jit3A_359, %squeeze3A_358 : i32
      %min3A_362 = arith.minsi %jit3A_360, %max3A_361 : i32
      %broadcast_in_dim3A_363 = vector.broadcast %min3A_362 : i32 to vector<16xi32>
      %scan3A_364 = arith.constant 0 : i32
      %scan3A_365 = arith.constant 28 : i32
      %scan3A_366 = arith.addi %scan3A_364, %scan3A_365 : i32
      %scan3A_367 = arith.constant 1 : i32
      scf.for %scan3A_407 = %scan3A_364 to %scan3A_366 step %scan3A_367  : i32 {
        %add3A_408 = arith.constant 0 : i32
        %add3A_409 = arith.addi %add3A_408, %scan3A_407 : i32
        %broadcast_in_dim3A_410 = vector.broadcast %add3A_409 : i32 to vector<16xi32>
        %add3A_411 = arith.addi %broadcast_in_dim3A_363, %iota3A : vector<16xi32>
        %gather3A_412 = tpu.vector_load_idx %arg17[%broadcast_in_dim3A_410, %add3A_411] : memref<112x128xf32, #tpu.memory_space<vmem>>[vector<16xi32>, vector<16xi32>], vector<16xf32>,
        %mul3A_413 = arith.constant 28 : i32
        %mul3A_414 = arith.muli %scan3A_407, %mul3A_413 : i32
        %add3A_415 = arith.constant 3136 : i32
        %add3A_416 = arith.addi %add3A_415, %mul3A_414 : i32
        %broadcast_in_dim3A_417 = vector.broadcast %add3A_416 : i32 to vector<16xi32>
        %add3A_418 = arith.addi %broadcast_in_dim3A_417, %iota3A : vector<16xi32>
        tpu.vector_store_idx %arg18[%add3A_418], %gather3A_412 : memref<6272xf32, #tpu.memory_space<vmem>>[vector<16xi32>], vector<16xf32>,
        %add3A_419 = arith.constant 12 : i32
        %add3A_420 = vector.broadcast %add3A_419 : i32 to vector<16xi32>
        %add3A_421 = arith.addi %broadcast_in_dim3A_363, %add3A_420 : vector<16xi32>
        %add3A_422 = arith.addi %add3A_421, %iota3A : vector<16xi32>
        %gather3A_423 = tpu.vector_load_idx %arg17[%broadcast_in_dim3A_410, %add3A_422] : memref<112x128xf32, #tpu.memory_space<vmem>>[vector<16xi32>, vector<16xi32>], vector<16xf32>,
        %mul3A_424 = arith.constant 28 : i32
        %mul3A_425 = arith.muli %scan3A_407, %mul3A_424 : i32
        %add3A_426 = arith.constant 3136 : i32
        %add3A_427 = arith.addi %add3A_426, %mul3A_425 : i32
        %add3A_428 = arith.constant 12 : i32
        %add3A_429 = arith.addi %add3A_427, %add3A_428 : i32
        %broadcast_in_dim3A_430 = vector.broadcast %add3A_429 : i32 to vector<16xi32>
        %add3A_431 = arith.addi %broadcast_in_dim3A_430, %iota3A : vector<16xi32>
        tpu.vector_store_idx %arg18[%add3A_431], %gather3A_423 : memref<6272xf32, #tpu.memory_space<vmem>>[vector<16xi32>], vector<16xf32>,
      }
      %scan3A_368 = arith.constant 28 : i32
      %slice3A_369 = vector.extract_strided_slice %convert_element_type3A_83 {offsets = [4], sizes = [1], strides = [1]} : vector<16xi32> to vector<1xi32>
      %squeeze3A_370 = vector.extract %slice3A_369[0] : i32 from vector<1xi32>
      %jit3A_371 = arith.constant 0 : i32
      %jit3A_372 = arith.constant 100 : i32
      %max3A_373 = arith.maxsi %jit3A_371, %squeeze3A_370 : i32
      %min3A_374 = arith.minsi %jit3A_372, %max3A_373 : i32
      %broadcast_in_dim3A_375 = vector.broadcast %min3A_374 : i32 to vector<16xi32>
      %scan3A_376 = arith.constant 0 : i32
      %scan3A_377 = arith.constant 28 : i32
      %scan3A_378 = arith.addi %scan3A_376, %scan3A_377 : i32
      %scan3A_379 = arith.constant 1 : i32
      scf.for %scan3A_407 = %scan3A_376 to %scan3A_378 step %scan3A_379  : i32 {
        %add3A_408 = arith.constant 28 : i32
        %add3A_409 = arith.addi %add3A_408, %scan3A_407 : i32
        %broadcast_in_dim3A_410 = vector.broadcast %add3A_409 : i32 to vector<16xi32>
        %add3A_411 = arith.addi %broadcast_in_dim3A_375, %iota3A : vector<16xi32>
        %gather3A_412 = tpu.vector_load_idx %arg17[%broadcast_in_dim3A_410, %add3A_411] : memref<112x128xf32, #tpu.memory_space<vmem>>[vector<16xi32>, vector<16xi32>], vector<16xf32>,
        %mul3A_413 = arith.constant 28 : i32
        %mul3A_414 = arith.muli %scan3A_407, %mul3A_413 : i32
        %add3A_415 = arith.constant 3920 : i32
        %add3A_416 = arith.addi %add3A_415, %mul3A_414 : i32
        %broadcast_in_dim3A_417 = vector.broadcast %add3A_416 : i32 to vector<16xi32>
        %add3A_418 = arith.addi %broadcast_in_dim3A_417, %iota3A : vector<16xi32>
        tpu.vector_store_idx %arg18[%add3A_418], %gather3A_412 : memref<6272xf32, #tpu.memory_space<vmem>>[vector<16xi32>], vector<16xf32>,
        %add3A_419 = arith.constant 12 : i32
        %add3A_420 = vector.broadcast %add3A_419 : i32 to vector<16xi32>
        %add3A_421 = arith.addi %broadcast_in_dim3A_375, %add3A_420 : vector<16xi32>
        %add3A_422 = arith.addi %add3A_421, %iota3A : vector<16xi32>
        %gather3A_423 = tpu.vector_load_idx %arg17[%broadcast_in_dim3A_410, %add3A_422] : memref<112x128xf32, #tpu.memory_space<vmem>>[vector<16xi32>, vector<16xi32>], vector<16xf32>,
        %mul3A_424 = arith.constant 28 : i32
        %mul3A_425 = arith.muli %scan3A_407, %mul3A_424 : i32
        %add3A_426 = arith.constant 3920 : i32
        %add3A_427 = arith.addi %add3A_426, %mul3A_425 : i32
        %add3A_428 = arith.constant 12 : i32
        %add3A_429 = arith.addi %add3A_427, %add3A_428 : i32
        %broadcast_in_dim3A_430 = vector.broadcast %add3A_429 : i32 to vector<16xi32>
        %add3A_431 = arith.addi %broadcast_in_dim3A_430, %iota3A : vector<16xi32>
        tpu.vector_store_idx %arg18[%add3A_431], %gather3A_423 : memref<6272xf32, #tpu.memory_space<vmem>>[vector<16xi32>], vector<16xf32>,
      }
      %scan3A_380 = arith.constant 28 : i32
      %slice3A_381 = vector.extract_strided_slice %convert_element_type3A_83 {offsets = [8], sizes = [1], strides = [1]} : vector<16xi32> to vector<1xi32>
      %squeeze3A_382 = vector.extract %slice3A_381[0] : i32 from vector<1xi32>
      %jit3A_383 = arith.constant 0 : i32
      %jit3A_384 = arith.constant 100 : i32
      %max3A_385 = arith.maxsi %jit3A_383, %squeeze3A_382 : i32
      %min3A_386 = arith.minsi %jit3A_384, %max3A_385 : i32
      %broadcast_in_dim3A_387 = vector.broadcast %min3A_386 : i32 to vector<16xi32>
      %scan3A_388 = arith.constant 0 : i32
      %scan3A_389 = arith.constant 28 : i32
      %scan3A_390 = arith.addi %scan3A_388, %scan3A_389 : i32
      %scan3A_391 = arith.constant 1 : i32
      scf.for %scan3A_407 = %scan3A_388 to %scan3A_390 step %scan3A_391  : i32 {
        %add3A_408 = arith.constant 56 : i32
        %add3A_409 = arith.addi %add3A_408, %scan3A_407 : i32
        %broadcast_in_dim3A_410 = vector.broadcast %add3A_409 : i32 to vector<16xi32>
        %add3A_411 = arith.addi %broadcast_in_dim3A_387, %iota3A : vector<16xi32>
        %gather3A_412 = tpu.vector_load_idx %arg17[%broadcast_in_dim3A_410, %add3A_411] : memref<112x128xf32, #tpu.memory_space<vmem>>[vector<16xi32>, vector<16xi32>], vector<16xf32>,
        %mul3A_413 = arith.constant 28 : i32
        %mul3A_414 = arith.muli %scan3A_407, %mul3A_413 : i32
        %add3A_415 = arith.constant 4704 : i32
        %add3A_416 = arith.addi %add3A_415, %mul3A_414 : i32
        %broadcast_in_dim3A_417 = vector.broadcast %add3A_416 : i32 to vector<16xi32>
        %add3A_418 = arith.addi %broadcast_in_dim3A_417, %iota3A : vector<16xi32>
        tpu.vector_store_idx %arg18[%add3A_418], %gather3A_412 : memref<6272xf32, #tpu.memory_space<vmem>>[vector<16xi32>], vector<16xf32>,
        %add3A_419 = arith.constant 12 : i32
        %add3A_420 = vector.broadcast %add3A_419 : i32 to vector<16xi32>
        %add3A_421 = arith.addi %broadcast_in_dim3A_387, %add3A_420 : vector<16xi32>
        %add3A_422 = arith.addi %add3A_421, %iota3A : vector<16xi32>
        %gather3A_423 = tpu.vector_load_idx %arg17[%broadcast_in_dim3A_410, %add3A_422] : memref<112x128xf32, #tpu.memory_space<vmem>>[vector<16xi32>, vector<16xi32>], vector<16xf32>,
        %mul3A_424 = arith.constant 28 : i32
        %mul3A_425 = arith.muli %scan3A_407, %mul3A_424 : i32
        %add3A_426 = arith.constant 4704 : i32
        %add3A_427 = arith.addi %add3A_426, %mul3A_425 : i32
        %add3A_428 = arith.constant 12 : i32
        %add3A_429 = arith.addi %add3A_427, %add3A_428 : i32
        %broadcast_in_dim3A_430 = vector.broadcast %add3A_429 : i32 to vector<16xi32>
        %add3A_431 = arith.addi %broadcast_in_dim3A_430, %iota3A : vector<16xi32>
        tpu.vector_store_idx %arg18[%add3A_431], %gather3A_423 : memref<6272xf32, #tpu.memory_space<vmem>>[vector<16xi32>], vector<16xf32>,
      }
      %scan3A_392 = arith.constant 28 : i32
      %slice3A_393 = vector.extract_strided_slice %convert_element_type3A_83 {offsets = [12], sizes = [1], strides = [1]} : vector<16xi32> to vector<1xi32>
      %squeeze3A_394 = vector.extract %slice3A_393[0] : i32 from vector<1xi32>
      %jit3A_395 = arith.constant 0 : i32
      %jit3A_396 = arith.constant 100 : i32
      %max3A_397 = arith.maxsi %jit3A_395, %squeeze3A_394 : i32
      %min3A_398 = arith.minsi %jit3A_396, %max3A_397 : i32
      %broadcast_in_dim3A_399 = vector.broadcast %min3A_398 : i32 to vector<16xi32>
      %scan3A_400 = arith.constant 0 : i32
      %scan3A_401 = arith.constant 28 : i32
      %scan3A_402 = arith.addi %scan3A_400, %scan3A_401 : i32
      %scan3A_403 = arith.constant 1 : i32
      scf.for %scan3A_407 = %scan3A_400 to %scan3A_402 step %scan3A_403  : i32 {
        %add3A_408 = arith.constant 84 : i32
        %add3A_409 = arith.addi %add3A_408, %scan3A_407 : i32
        %broadcast_in_dim3A_410 = vector.broadcast %add3A_409 : i32 to vector<16xi32>
        %add3A_411 = arith.addi %broadcast_in_dim3A_399, %iota3A : vector<16xi32>
        %gather3A_412 = tpu.vector_load_idx %arg17[%broadcast_in_dim3A_410, %add3A_411] : memref<112x128xf32, #tpu.memory_space<vmem>>[vector<16xi32>, vector<16xi32>], vector<16xf32>,
        %mul3A_413 = arith.constant 28 : i32
        %mul3A_414 = arith.muli %scan3A_407, %mul3A_413 : i32
        %add3A_415 = arith.constant 5488 : i32
        %add3A_416 = arith.addi %add3A_415, %mul3A_414 : i32
        %broadcast_in_dim3A_417 = vector.broadcast %add3A_416 : i32 to vector<16xi32>
        %add3A_418 = arith.addi %broadcast_in_dim3A_417, %iota3A : vector<16xi32>
        tpu.vector_store_idx %arg18[%add3A_418], %gather3A_412 : memref<6272xf32, #tpu.memory_space<vmem>>[vector<16xi32>], vector<16xf32>,
        %add3A_419 = arith.constant 12 : i32
        %add3A_420 = vector.broadcast %add3A_419 : i32 to vector<16xi32>
        %add3A_421 = arith.addi %broadcast_in_dim3A_399, %add3A_420 : vector<16xi32>
        %add3A_422 = arith.addi %add3A_421, %iota3A : vector<16xi32>
        %gather3A_423 = tpu.vector_load_idx %arg17[%broadcast_in_dim3A_410, %add3A_422] : memref<112x128xf32, #tpu.memory_space<vmem>>[vector<16xi32>, vector<16xi32>], vector<16xf32>,
        %mul3A_424 = arith.constant 28 : i32
        %mul3A_425 = arith.muli %scan3A_407, %mul3A_424 : i32
        %add3A_426 = arith.constant 5488 : i32
        %add3A_427 = arith.addi %add3A_426, %mul3A_425 : i32
        %add3A_428 = arith.constant 12 : i32
        %add3A_429 = arith.addi %add3A_427, %add3A_428 : i32
        %broadcast_in_dim3A_430 = vector.broadcast %add3A_429 : i32 to vector<16xi32>
        %add3A_431 = arith.addi %broadcast_in_dim3A_430, %iota3A : vector<16xi32>
        tpu.vector_store_idx %arg18[%add3A_431], %gather3A_423 : memref<6272xf32, #tpu.memory_space<vmem>>[vector<16xi32>], vector<16xf32>,
      }
      %scan3A_404 = arith.constant 28 : i32
      %mul3A_405 = arith.constant 784 : i32
      %mul3A_406 = arith.muli %add3A_75, %mul3A_405 : i32
      %multiple_of3A = tpu.assume_multiple %mul3A_406, 8 : i32
      "tpu.region"() ({
        %run_scoped3A = tpu.sem_alloc : memref<!tpu.dma_semaphore, #tpu.memory_space<semaphore_mem>>
        %dma_start3A_407 = tpu.memref_slice %arg9[%multiple_of3A] : memref<1568000xf32, #tpu.memory_space<hbm>> -> memref<6272xf32, #tpu.memory_space<hbm>>
        %dma_start3A_408 = tpu.memref_slice %arg9[%multiple_of3A] : memref<1568000xf32, #tpu.memory_space<hbm>> -> memref<6272xf32, #tpu.memory_space<hbm>>
        tpu.enqueue_dma source(%arg18 : memref<6272xf32, #tpu.memory_space<vmem>>) target(%dma_start3A_408 : memref<6272xf32, #tpu.memory_space<hbm>>) target_semaphore(%run_scoped3A : memref<!tpu.dma_semaphore, #tpu.memory_space<semaphore_mem>>)
        %dma_wait3A_409 = tpu.memref_slice %arg9[%multiple_of3A] : memref<1568000xf32, #tpu.memory_space<hbm>> -> memref<6272xf32, #tpu.memory_space<hbm>>
        %dma_wait3A_410 = tpu.memref_slice %arg9[%multiple_of3A] : memref<1568000xf32, #tpu.memory_space<hbm>> -> memref<6272xf32, #tpu.memory_space<hbm>>
        tpu.wait_dma2 semaphore(%run_scoped3A : memref<!tpu.dma_semaphore, #tpu.memory_space<semaphore_mem>>) src(%arg18 : memref<6272xf32, #tpu.memory_space<vmem>>) dst(%dma_wait3A_410 : memref<6272xf32, #tpu.memory_space<hbm>>)
        tpu.yield
      }) : () -> ()
    }
    %while3A_67 = arith.constant 1 : i32
    scf.for %while3A_68 = %while3A_65 to %while3A_61 step %while3A_67  : i32 {
      %mul3A_69 = arith.constant 32 : i32
      %mul3A_70 = arith.muli %mul3A_69, %while3A_68 : i32
      %add3A_71 = arith.addi %add3A, %mul3A_70 : i32
      %mul3A_72 = arith.constant 8 : i32
      %mul3A_73 = arith.muli %add3A_71, %mul3A_72 : i32
      %add3A_74 = arith.constant 1000 : i32
      %add3A_75 = arith.addi %add3A_74, %mul3A_73 : i32
      "tpu.region"() ({
        %run_scoped3A = tpu.sem_alloc : memref<!tpu.dma_semaphore, #tpu.memory_space<semaphore_mem>>
        %dma_start3A_407 = arith.constant 0 : i32
        %dma_start3A_408 = tpu.memref_slice %arg11[%dma_start3A_407] : memref<16xi32, #tpu.memory_space<vmem>> -> memref<8xi32, #tpu.memory_space<vmem>>
        %dma_start3A_409 = tpu.memref_slice %arg4[%mul3A_73] : memref<1000xi32, #tpu.memory_space<hbm>> -> memref<8xi32, #tpu.memory_space<hbm>>
        %dma_start3A_410 = arith.constant 0 : i32
        %dma_start3A_411 = tpu.memref_slice %arg11[%dma_start3A_410] : memref<16xi32, #tpu.memory_space<vmem>> -> memref<8xi32, #tpu.memory_space<vmem>>
        %dma_start3A_412 = tpu.memref_slice %arg4[%mul3A_73] : memref<1000xi32, #tpu.memory_space<hbm>> -> memref<8xi32, #tpu.memory_space<hbm>>
        tpu.enqueue_dma source(%dma_start3A_412 : memref<8xi32, #tpu.memory_space<hbm>>) target(%dma_start3A_411 : memref<8xi32, #tpu.memory_space<vmem>>) target_semaphore(%run_scoped3A : memref<!tpu.dma_semaphore, #tpu.memory_space<semaphore_mem>>)
        %dma_wait3A_413 = arith.constant 0 : i32
        %dma_wait3A_414 = tpu.memref_slice %arg11[%dma_wait3A_413] : memref<16xi32, #tpu.memory_space<vmem>> -> memref<8xi32, #tpu.memory_space<vmem>>
        %dma_wait3A_415 = tpu.memref_slice %arg4[%mul3A_73] : memref<1000xi32, #tpu.memory_space<hbm>> -> memref<8xi32, #tpu.memory_space<hbm>>
        %dma_wait3A_416 = arith.constant 0 : i32
        %dma_wait3A_417 = tpu.memref_slice %arg11[%dma_wait3A_416] : memref<16xi32, #tpu.memory_space<vmem>> -> memref<8xi32, #tpu.memory_space<vmem>>
        %dma_wait3A_418 = tpu.memref_slice %arg4[%mul3A_73] : memref<1000xi32, #tpu.memory_space<hbm>> -> memref<8xi32, #tpu.memory_space<hbm>>
        tpu.wait_dma2 semaphore(%run_scoped3A : memref<!tpu.dma_semaphore, #tpu.memory_space<semaphore_mem>>) src(%dma_wait3A_418 : memref<8xi32, #tpu.memory_space<hbm>>) dst(%dma_wait3A_417 : memref<8xi32, #tpu.memory_space<vmem>>)
        tpu.yield
      }) : () -> ()
      %mul3A_76 = arith.constant 4 : i32
      %mul3A_77 = arith.muli %add3A_75, %mul3A_76 : i32
      "tpu.region"() ({
        %run_scoped3A = tpu.sem_alloc : memref<!tpu.dma_semaphore, #tpu.memory_space<semaphore_mem>>
        %dma_start3A_407 = tpu.memref_slice %arg2[%mul3A_77] : memref<8000xf32, #tpu.memory_space<hbm>> -> memref<32xf32, #tpu.memory_space<hbm>>
        %dma_start3A_408 = tpu.memref_slice %arg2[%mul3A_77] : memref<8000xf32, #tpu.memory_space<hbm>> -> memref<32xf32, #tpu.memory_space<hbm>>
        tpu.enqueue_dma source(%dma_start3A_408 : memref<32xf32, #tpu.memory_space<hbm>>) target(%arg12 : memref<32xf32, #tpu.memory_space<vmem>>) target_semaphore(%run_scoped3A : memref<!tpu.dma_semaphore, #tpu.memory_space<semaphore_mem>>)
        %dma_wait3A_409 = tpu.memref_slice %arg2[%mul3A_77] : memref<8000xf32, #tpu.memory_space<hbm>> -> memref<32xf32, #tpu.memory_space<hbm>>
        %dma_wait3A_410 = tpu.memref_slice %arg2[%mul3A_77] : memref<8000xf32, #tpu.memory_space<hbm>> -> memref<32xf32, #tpu.memory_space<hbm>>
        tpu.wait_dma2 semaphore(%run_scoped3A : memref<!tpu.dma_semaphore, #tpu.memory_space<semaphore_mem>>) src(%dma_wait3A_410 : memref<32xf32, #tpu.memory_space<hbm>>) dst(%arg12 : memref<32xf32, #tpu.memory_space<vmem>>)
        tpu.yield
      }) : () -> ()
      %get3A = arith.constant 0 : index
      %get3A_78 = tpu.vector_load %arg11[%get3A] {strides = array<i32>} : memref<16xi32, #tpu.memory_space<vmem>>, vector<16xi32>,
      %get3A_79 = arith.constant 0 : index
      %get3A_80 = tpu.vector_load %arg12[%get3A_79] {strides = array<i32>} : memref<32xf32, #tpu.memory_space<vmem>>, vector<16xf32>,
      %convert_element_type3A = arith.fptosi %get3A_80 : vector<16xf32> to vector<16xi32>
      %get3A_81 = arith.constant 16 : index
      %get3A_82 = tpu.vector_load %arg12[%get3A_81] {strides = array<i32>} : memref<32xf32, #tpu.memory_space<vmem>>, vector<16xf32>,
      %convert_element_type3A_83 = arith.fptosi %get3A_82 : vector<16xf32> to vector<16xi32>
      %jit3A_84 = arith.constant 0 : i32
      %jit3A_85 = arith.constant 99 : i32
      %max3A = vector.broadcast %jit3A_84 : i32 to vector<16xi32>
      %max3A_86 = arith.maxsi %max3A, %get3A_78 : vector<16xi32>
      %min3A_87 = vector.broadcast %jit3A_85 : i32 to vector<16xi32>
      %min3A_88 = arith.minsi %min3A_87, %max3A_86 : vector<16xi32>
      %gather3A = tpu.vector_load_idx %arg13[%min3A_88] : memref<128xi32, #tpu.memory_space<vmem>>[vector<16xi32>], vector<16xi32>,
      %jit3A_89 = arith.constant 0 : i32
      %jit3A_90 = arith.constant 7 : i32
      %max3A_91 = vector.broadcast %jit3A_89 : i32 to vector<16xi32>
      %max3A_92 = arith.maxsi %max3A_91, %gather3A : vector<16xi32>
      %min3A_93 = vector.broadcast %jit3A_90 : i32 to vector<16xi32>
      %min3A_94 = arith.minsi %min3A_93, %max3A_92 : vector<16xi32>
      tpu.vector_store_idx %arg19[%min3A_4], %min3A_94 masked %lt3A_2 : memref<8xi32, #tpu.memory_space<vmem>>[vector<16xi32>], vector<16xi32>, vector<16xi1>
      %slice3A = vector.extract_strided_slice %get3A_78 {offsets = [0], sizes = [1], strides = [1]} : vector<16xi32> to vector<1xi32>
      %squeeze3A = vector.extract %slice3A[0] : i32 from vector<1xi32>
      %jit3A_95 = arith.constant 0 : i32
      %jit3A_96 = arith.constant 99 : i32
      %max3A_97 = arith.maxsi %jit3A_95, %squeeze3A : i32
      %min3A_98 = arith.minsi %jit3A_96, %max3A_97 : i32
      %slice3A_99 = vector.extract_strided_slice %convert_element_type3A {offsets = [1], sizes = [1], strides = [1]} : vector<16xi32> to vector<1xi32>
      %squeeze3A_100 = vector.extract %slice3A_99[0] : i32 from vector<1xi32>
      %jit3A_101 = arith.constant 0 : i32
      %jit3A_102 = arith.constant 100 : i32
      %max3A_103 = arith.maxsi %jit3A_101, %squeeze3A_100 : i32
      %min3A_104 = arith.minsi %jit3A_102, %max3A_103 : i32
      %mul3A_105 = arith.constant 128 : i32
      %mul3A_106 = arith.muli %min3A_98, %mul3A_105 : i32
      %add3A_107 = arith.addi %mul3A_106, %min3A_104 : i32
      %broadcast_in_dim3A = vector.broadcast %add3A_107 : i32 to vector<16xi32>
      %add3A_108 = arith.addi %broadcast_in_dim3A, %iota3A : vector<16xi32>
      %broadcast_in_dim3A_109 = arith.constant 0 : i32
      %broadcast_in_dim3A_110 = vector.broadcast %broadcast_in_dim3A_109 : i32 to vector<16xi32>
      %add3A_111 = arith.addi %broadcast_in_dim3A_110, %iota3A : vector<16xi32>
      tpu.vector_store_idx %arg14[%add3A_111], %add3A_108 : memref<112xi32, #tpu.memory_space<vmem>>[vector<16xi32>], vector<16xi32>,
      %broadcast_in_dim3A_112 = arith.constant 12 : i32
      %broadcast_in_dim3A_113 = vector.broadcast %broadcast_in_dim3A_112 : i32 to vector<16xi32>
      %add3A_114 = arith.addi %broadcast_in_dim3A_113, %iota3A : vector<16xi32>
      %add3A_115 = arith.constant 12 : i32
      %add3A_116 = vector.broadcast %add3A_115 : i32 to vector<16xi32>
      %add3A_117 = arith.addi %add3A_108, %add3A_116 : vector<16xi32>
      tpu.vector_store_idx %arg14[%add3A_114], %add3A_117 : memref<112xi32, #tpu.memory_space<vmem>>[vector<16xi32>], vector<16xi32>,
      %slice3A_118 = vector.extract_strided_slice %get3A_78 {offsets = [1], sizes = [1], strides = [1]} : vector<16xi32> to vector<1xi32>
      %squeeze3A_119 = vector.extract %slice3A_118[0] : i32 from vector<1xi32>
      %jit3A_120 = arith.constant 0 : i32
      %jit3A_121 = arith.constant 99 : i32
      %max3A_122 = arith.maxsi %jit3A_120, %squeeze3A_119 : i32
      %min3A_123 = arith.minsi %jit3A_121, %max3A_122 : i32
      %slice3A_124 = vector.extract_strided_slice %convert_element_type3A {offsets = [5], sizes = [1], strides = [1]} : vector<16xi32> to vector<1xi32>
      %squeeze3A_125 = vector.extract %slice3A_124[0] : i32 from vector<1xi32>
      %jit3A_126 = arith.constant 0 : i32
      %jit3A_127 = arith.constant 100 : i32
      %max3A_128 = arith.maxsi %jit3A_126, %squeeze3A_125 : i32
      %min3A_129 = arith.minsi %jit3A_127, %max3A_128 : i32
      %mul3A_130 = arith.constant 128 : i32
      %mul3A_131 = arith.muli %min3A_123, %mul3A_130 : i32
      %add3A_132 = arith.addi %mul3A_131, %min3A_129 : i32
      %broadcast_in_dim3A_133 = vector.broadcast %add3A_132 : i32 to vector<16xi32>
      %add3A_134 = arith.addi %broadcast_in_dim3A_133, %iota3A : vector<16xi32>
      %broadcast_in_dim3A_135 = arith.constant 28 : i32
      %broadcast_in_dim3A_136 = vector.broadcast %broadcast_in_dim3A_135 : i32 to vector<16xi32>
      %add3A_137 = arith.addi %broadcast_in_dim3A_136, %iota3A : vector<16xi32>
      tpu.vector_store_idx %arg14[%add3A_137], %add3A_134 : memref<112xi32, #tpu.memory_space<vmem>>[vector<16xi32>], vector<16xi32>,
      %broadcast_in_dim3A_138 = arith.constant 40 : i32
      %broadcast_in_dim3A_139 = vector.broadcast %broadcast_in_dim3A_138 : i32 to vector<16xi32>
      %add3A_140 = arith.addi %broadcast_in_dim3A_139, %iota3A : vector<16xi32>
      %add3A_141 = arith.constant 12 : i32
      %add3A_142 = vector.broadcast %add3A_141 : i32 to vector<16xi32>
      %add3A_143 = arith.addi %add3A_134, %add3A_142 : vector<16xi32>
      tpu.vector_store_idx %arg14[%add3A_140], %add3A_143 : memref<112xi32, #tpu.memory_space<vmem>>[vector<16xi32>], vector<16xi32>,
      %slice3A_144 = vector.extract_strided_slice %get3A_78 {offsets = [2], sizes = [1], strides = [1]} : vector<16xi32> to vector<1xi32>
      %squeeze3A_145 = vector.extract %slice3A_144[0] : i32 from vector<1xi32>
      %jit3A_146 = arith.constant 0 : i32
      %jit3A_147 = arith.constant 99 : i32
      %max3A_148 = arith.maxsi %jit3A_146, %squeeze3A_145 : i32
      %min3A_149 = arith.minsi %jit3A_147, %max3A_148 : i32
      %slice3A_150 = vector.extract_strided_slice %convert_element_type3A {offsets = [9], sizes = [1], strides = [1]} : vector<16xi32> to vector<1xi32>
      %squeeze3A_151 = vector.extract %slice3A_150[0] : i32 from vector<1xi32>
      %jit3A_152 = arith.constant 0 : i32
      %jit3A_153 = arith.constant 100 : i32
      %max3A_154 = arith.maxsi %jit3A_152, %squeeze3A_151 : i32
      %min3A_155 = arith.minsi %jit3A_153, %max3A_154 : i32
      %mul3A_156 = arith.constant 128 : i32
      %mul3A_157 = arith.muli %min3A_149, %mul3A_156 : i32
      %add3A_158 = arith.addi %mul3A_157, %min3A_155 : i32
      %broadcast_in_dim3A_159 = vector.broadcast %add3A_158 : i32 to vector<16xi32>
      %add3A_160 = arith.addi %broadcast_in_dim3A_159, %iota3A : vector<16xi32>
      %broadcast_in_dim3A_161 = arith.constant 56 : i32
      %broadcast_in_dim3A_162 = vector.broadcast %broadcast_in_dim3A_161 : i32 to vector<16xi32>
      %add3A_163 = arith.addi %broadcast_in_dim3A_162, %iota3A : vector<16xi32>
      tpu.vector_store_idx %arg14[%add3A_163], %add3A_160 : memref<112xi32, #tpu.memory_space<vmem>>[vector<16xi32>], vector<16xi32>,
      %broadcast_in_dim3A_164 = arith.constant 68 : i32
      %broadcast_in_dim3A_165 = vector.broadcast %broadcast_in_dim3A_164 : i32 to vector<16xi32>
      %add3A_166 = arith.addi %broadcast_in_dim3A_165, %iota3A : vector<16xi32>
      %add3A_167 = arith.constant 12 : i32
      %add3A_168 = vector.broadcast %add3A_167 : i32 to vector<16xi32>
      %add3A_169 = arith.addi %add3A_160, %add3A_168 : vector<16xi32>
      tpu.vector_store_idx %arg14[%add3A_166], %add3A_169 : memref<112xi32, #tpu.memory_space<vmem>>[vector<16xi32>], vector<16xi32>,
      %slice3A_170 = vector.extract_strided_slice %get3A_78 {offsets = [3], sizes = [1], strides = [1]} : vector<16xi32> to vector<1xi32>
      %squeeze3A_171 = vector.extract %slice3A_170[0] : i32 from vector<1xi32>
      %jit3A_172 = arith.constant 0 : i32
      %jit3A_173 = arith.constant 99 : i32
      %max3A_174 = arith.maxsi %jit3A_172, %squeeze3A_171 : i32
      %min3A_175 = arith.minsi %jit3A_173, %max3A_174 : i32
      %slice3A_176 = vector.extract_strided_slice %convert_element_type3A {offsets = [13], sizes = [1], strides = [1]} : vector<16xi32> to vector<1xi32>
      %squeeze3A_177 = vector.extract %slice3A_176[0] : i32 from vector<1xi32>
      %jit3A_178 = arith.constant 0 : i32
      %jit3A_179 = arith.constant 100 : i32
      %max3A_180 = arith.maxsi %jit3A_178, %squeeze3A_177 : i32
      %min3A_181 = arith.minsi %jit3A_179, %max3A_180 : i32
      %mul3A_182 = arith.constant 128 : i32
      %mul3A_183 = arith.muli %min3A_175, %mul3A_182 : i32
      %add3A_184 = arith.addi %mul3A_183, %min3A_181 : i32
      %broadcast_in_dim3A_185 = vector.broadcast %add3A_184 : i32 to vector<16xi32>
      %add3A_186 = arith.addi %broadcast_in_dim3A_185, %iota3A : vector<16xi32>
      %broadcast_in_dim3A_187 = arith.constant 84 : i32
      %broadcast_in_dim3A_188 = vector.broadcast %broadcast_in_dim3A_187 : i32 to vector<16xi32>
      %add3A_189 = arith.addi %broadcast_in_dim3A_188, %iota3A : vector<16xi32>
      tpu.vector_store_idx %arg14[%add3A_189], %add3A_186 : memref<112xi32, #tpu.memory_space<vmem>>[vector<16xi32>], vector<16xi32>,
      %broadcast_in_dim3A_190 = arith.constant 96 : i32
      %broadcast_in_dim3A_191 = vector.broadcast %broadcast_in_dim3A_190 : i32 to vector<16xi32>
      %add3A_192 = arith.addi %broadcast_in_dim3A_191, %iota3A : vector<16xi32>
      %add3A_193 = arith.constant 12 : i32
      %add3A_194 = vector.broadcast %add3A_193 : i32 to vector<16xi32>
      %add3A_195 = arith.addi %add3A_186, %add3A_194 : vector<16xi32>
      tpu.vector_store_idx %arg14[%add3A_192], %add3A_195 : memref<112xi32, #tpu.memory_space<vmem>>[vector<16xi32>], vector<16xi32>,
      %slice3A_196 = vector.extract_strided_slice %get3A_78 {offsets = [4], sizes = [1], strides = [1]} : vector<16xi32> to vector<1xi32>
      %squeeze3A_197 = vector.extract %slice3A_196[0] : i32 from vector<1xi32>
      %jit3A_198 = arith.constant 0 : i32
      %jit3A_199 = arith.constant 99 : i32
      %max3A_200 = arith.maxsi %jit3A_198, %squeeze3A_197 : i32
      %min3A_201 = arith.minsi %jit3A_199, %max3A_200 : i32
      %slice3A_202 = vector.extract_strided_slice %convert_element_type3A_83 {offsets = [1], sizes = [1], strides = [1]} : vector<16xi32> to vector<1xi32>
      %squeeze3A_203 = vector.extract %slice3A_202[0] : i32 from vector<1xi32>
      %jit3A_204 = arith.constant 0 : i32
      %jit3A_205 = arith.constant 100 : i32
      %max3A_206 = arith.maxsi %jit3A_204, %squeeze3A_203 : i32
      %min3A_207 = arith.minsi %jit3A_205, %max3A_206 : i32
      %mul3A_208 = arith.constant 128 : i32
      %mul3A_209 = arith.muli %min3A_201, %mul3A_208 : i32
      %add3A_210 = arith.addi %mul3A_209, %min3A_207 : i32
      %broadcast_in_dim3A_211 = vector.broadcast %add3A_210 : i32 to vector<16xi32>
      %add3A_212 = arith.addi %broadcast_in_dim3A_211, %iota3A : vector<16xi32>
      %broadcast_in_dim3A_213 = arith.constant 0 : i32
      %broadcast_in_dim3A_214 = vector.broadcast %broadcast_in_dim3A_213 : i32 to vector<16xi32>
      %add3A_215 = arith.addi %broadcast_in_dim3A_214, %iota3A : vector<16xi32>
      tpu.vector_store_idx %arg15[%add3A_215], %add3A_212 : memref<112xi32, #tpu.memory_space<vmem>>[vector<16xi32>], vector<16xi32>,
      %broadcast_in_dim3A_216 = arith.constant 12 : i32
      %broadcast_in_dim3A_217 = vector.broadcast %broadcast_in_dim3A_216 : i32 to vector<16xi32>
      %add3A_218 = arith.addi %broadcast_in_dim3A_217, %iota3A : vector<16xi32>
      %add3A_219 = arith.constant 12 : i32
      %add3A_220 = vector.broadcast %add3A_219 : i32 to vector<16xi32>
      %add3A_221 = arith.addi %add3A_212, %add3A_220 : vector<16xi32>
      tpu.vector_store_idx %arg15[%add3A_218], %add3A_221 : memref<112xi32, #tpu.memory_space<vmem>>[vector<16xi32>], vector<16xi32>,
      %slice3A_222 = vector.extract_strided_slice %get3A_78 {offsets = [5], sizes = [1], strides = [1]} : vector<16xi32> to vector<1xi32>
      %squeeze3A_223 = vector.extract %slice3A_222[0] : i32 from vector<1xi32>
      %jit3A_224 = arith.constant 0 : i32
      %jit3A_225 = arith.constant 99 : i32
      %max3A_226 = arith.maxsi %jit3A_224, %squeeze3A_223 : i32
      %min3A_227 = arith.minsi %jit3A_225, %max3A_226 : i32
      %slice3A_228 = vector.extract_strided_slice %convert_element_type3A_83 {offsets = [5], sizes = [1], strides = [1]} : vector<16xi32> to vector<1xi32>
      %squeeze3A_229 = vector.extract %slice3A_228[0] : i32 from vector<1xi32>
      %jit3A_230 = arith.constant 0 : i32
      %jit3A_231 = arith.constant 100 : i32
      %max3A_232 = arith.maxsi %jit3A_230, %squeeze3A_229 : i32
      %min3A_233 = arith.minsi %jit3A_231, %max3A_232 : i32
      %mul3A_234 = arith.constant 128 : i32
      %mul3A_235 = arith.muli %min3A_227, %mul3A_234 : i32
      %add3A_236 = arith.addi %mul3A_235, %min3A_233 : i32
      %broadcast_in_dim3A_237 = vector.broadcast %add3A_236 : i32 to vector<16xi32>
      %add3A_238 = arith.addi %broadcast_in_dim3A_237, %iota3A : vector<16xi32>
      %broadcast_in_dim3A_239 = arith.constant 28 : i32
      %broadcast_in_dim3A_240 = vector.broadcast %broadcast_in_dim3A_239 : i32 to vector<16xi32>
      %add3A_241 = arith.addi %broadcast_in_dim3A_240, %iota3A : vector<16xi32>
      tpu.vector_store_idx %arg15[%add3A_241], %add3A_238 : memref<112xi32, #tpu.memory_space<vmem>>[vector<16xi32>], vector<16xi32>,
      %broadcast_in_dim3A_242 = arith.constant 40 : i32
      %broadcast_in_dim3A_243 = vector.broadcast %broadcast_in_dim3A_242 : i32 to vector<16xi32>
      %add3A_244 = arith.addi %broadcast_in_dim3A_243, %iota3A : vector<16xi32>
      %add3A_245 = arith.constant 12 : i32
      %add3A_246 = vector.broadcast %add3A_245 : i32 to vector<16xi32>
      %add3A_247 = arith.addi %add3A_238, %add3A_246 : vector<16xi32>
      tpu.vector_store_idx %arg15[%add3A_244], %add3A_247 : memref<112xi32, #tpu.memory_space<vmem>>[vector<16xi32>], vector<16xi32>,
      %slice3A_248 = vector.extract_strided_slice %get3A_78 {offsets = [6], sizes = [1], strides = [1]} : vector<16xi32> to vector<1xi32>
      %squeeze3A_249 = vector.extract %slice3A_248[0] : i32 from vector<1xi32>
      %jit3A_250 = arith.constant 0 : i32
      %jit3A_251 = arith.constant 99 : i32
      %max3A_252 = arith.maxsi %jit3A_250, %squeeze3A_249 : i32
      %min3A_253 = arith.minsi %jit3A_251, %max3A_252 : i32
      %slice3A_254 = vector.extract_strided_slice %convert_element_type3A_83 {offsets = [9], sizes = [1], strides = [1]} : vector<16xi32> to vector<1xi32>
      %squeeze3A_255 = vector.extract %slice3A_254[0] : i32 from vector<1xi32>
      %jit3A_256 = arith.constant 0 : i32
      %jit3A_257 = arith.constant 100 : i32
      %max3A_258 = arith.maxsi %jit3A_256, %squeeze3A_255 : i32
      %min3A_259 = arith.minsi %jit3A_257, %max3A_258 : i32
      %mul3A_260 = arith.constant 128 : i32
      %mul3A_261 = arith.muli %min3A_253, %mul3A_260 : i32
      %add3A_262 = arith.addi %mul3A_261, %min3A_259 : i32
      %broadcast_in_dim3A_263 = vector.broadcast %add3A_262 : i32 to vector<16xi32>
      %add3A_264 = arith.addi %broadcast_in_dim3A_263, %iota3A : vector<16xi32>
      %broadcast_in_dim3A_265 = arith.constant 56 : i32
      %broadcast_in_dim3A_266 = vector.broadcast %broadcast_in_dim3A_265 : i32 to vector<16xi32>
      %add3A_267 = arith.addi %broadcast_in_dim3A_266, %iota3A : vector<16xi32>
      tpu.vector_store_idx %arg15[%add3A_267], %add3A_264 : memref<112xi32, #tpu.memory_space<vmem>>[vector<16xi32>], vector<16xi32>,
      %broadcast_in_dim3A_268 = arith.constant 68 : i32
      %broadcast_in_dim3A_269 = vector.broadcast %broadcast_in_dim3A_268 : i32 to vector<16xi32>
      %add3A_270 = arith.addi %broadcast_in_dim3A_269, %iota3A : vector<16xi32>
      %add3A_271 = arith.constant 12 : i32
      %add3A_272 = vector.broadcast %add3A_271 : i32 to vector<16xi32>
      %add3A_273 = arith.addi %add3A_264, %add3A_272 : vector<16xi32>
      tpu.vector_store_idx %arg15[%add3A_270], %add3A_273 : memref<112xi32, #tpu.memory_space<vmem>>[vector<16xi32>], vector<16xi32>,
      %slice3A_274 = vector.extract_strided_slice %get3A_78 {offsets = [7], sizes = [1], strides = [1]} : vector<16xi32> to vector<1xi32>
      %squeeze3A_275 = vector.extract %slice3A_274[0] : i32 from vector<1xi32>
      %jit3A_276 = arith.constant 0 : i32
      %jit3A_277 = arith.constant 99 : i32
      %max3A_278 = arith.maxsi %jit3A_276, %squeeze3A_275 : i32
      %min3A_279 = arith.minsi %jit3A_277, %max3A_278 : i32
      %slice3A_280 = vector.extract_strided_slice %convert_element_type3A_83 {offsets = [13], sizes = [1], strides = [1]} : vector<16xi32> to vector<1xi32>
      %squeeze3A_281 = vector.extract %slice3A_280[0] : i32 from vector<1xi32>
      %jit3A_282 = arith.constant 0 : i32
      %jit3A_283 = arith.constant 100 : i32
      %max3A_284 = arith.maxsi %jit3A_282, %squeeze3A_281 : i32
      %min3A_285 = arith.minsi %jit3A_283, %max3A_284 : i32
      %mul3A_286 = arith.constant 128 : i32
      %mul3A_287 = arith.muli %min3A_279, %mul3A_286 : i32
      %add3A_288 = arith.addi %mul3A_287, %min3A_285 : i32
      %broadcast_in_dim3A_289 = vector.broadcast %add3A_288 : i32 to vector<16xi32>
      %add3A_290 = arith.addi %broadcast_in_dim3A_289, %iota3A : vector<16xi32>
      %broadcast_in_dim3A_291 = arith.constant 84 : i32
      %broadcast_in_dim3A_292 = vector.broadcast %broadcast_in_dim3A_291 : i32 to vector<16xi32>
      %add3A_293 = arith.addi %broadcast_in_dim3A_292, %iota3A : vector<16xi32>
      tpu.vector_store_idx %arg15[%add3A_293], %add3A_290 : memref<112xi32, #tpu.memory_space<vmem>>[vector<16xi32>], vector<16xi32>,
      %broadcast_in_dim3A_294 = arith.constant 96 : i32
      %broadcast_in_dim3A_295 = vector.broadcast %broadcast_in_dim3A_294 : i32 to vector<16xi32>
      %add3A_296 = arith.addi %broadcast_in_dim3A_295, %iota3A : vector<16xi32>
      %add3A_297 = arith.constant 12 : i32
      %add3A_298 = vector.broadcast %add3A_297 : i32 to vector<16xi32>
      %add3A_299 = arith.addi %add3A_290, %add3A_298 : vector<16xi32>
      tpu.vector_store_idx %arg15[%add3A_296], %add3A_299 : memref<112xi32, #tpu.memory_space<vmem>>[vector<16xi32>], vector<16xi32>,
      %dma_start3A = arith.constant 0 : i32
      %dma_start3A_300 = arith.constant 0 : i32
      %dma_start3A_301 = tpu.memref_slice %arg8[%dma_start3A, %dma_start3A_300] : memref<12800x128xf32, #tpu.memory_space<hbm>> -> memref<12800x128xf32, #tpu.memory_space<hbm>>
      tpu.enqueue_indirect_dma source(%dma_start3A_301 : memref<12800x128xf32, #tpu.memory_space<hbm>>) target(%arg16 : memref<112x128xf32, #tpu.memory_space<vmem>>) offsets(%arg14 : memref<112xi32, #tpu.memory_space<vmem>>) semaphore(%arg20 : memref<!tpu.dma_semaphore, #tpu.memory_space<semaphore_mem>>)
      %dma_start3A_302 = arith.constant 0 : i32
      %dma_start3A_303 = arith.constant 0 : i32
      %dma_start3A_304 = tpu.memref_slice %arg8[%dma_start3A_302, %dma_start3A_303] : memref<12800x128xf32, #tpu.memory_space<hbm>> -> memref<12800x128xf32, #tpu.memory_space<hbm>>
      tpu.enqueue_indirect_dma source(%dma_start3A_304 : memref<12800x128xf32, #tpu.memory_space<hbm>>) target(%arg17 : memref<112x128xf32, #tpu.memory_space<vmem>>) offsets(%arg15 : memref<112xi32, #tpu.memory_space<vmem>>) semaphore(%arg21 : memref<!tpu.dma_semaphore, #tpu.memory_space<semaphore_mem>>)
      "tpu.region"() ({
        %run_scoped3A = tpu.sem_alloc : memref<!tpu.dma_semaphore, #tpu.memory_space<semaphore_mem>>
        %dma_start3A_407 = tpu.memref_slice %arg10[%add3A_75] : memref<2000xi32, #tpu.memory_space<hbm>> -> memref<8xi32, #tpu.memory_space<hbm>>
        %dma_start3A_408 = tpu.memref_slice %arg10[%add3A_75] : memref<2000xi32, #tpu.memory_space<hbm>> -> memref<8xi32, #tpu.memory_space<hbm>>
        tpu.enqueue_dma source(%arg19 : memref<8xi32, #tpu.memory_space<vmem>>) target(%dma_start3A_408 : memref<8xi32, #tpu.memory_space<hbm>>) target_semaphore(%run_scoped3A : memref<!tpu.dma_semaphore, #tpu.memory_space<semaphore_mem>>)
        %dma_wait3A_409 = tpu.memref_slice %arg10[%add3A_75] : memref<2000xi32, #tpu.memory_space<hbm>> -> memref<8xi32, #tpu.memory_space<hbm>>
        %dma_wait3A_410 = tpu.memref_slice %arg10[%add3A_75] : memref<2000xi32, #tpu.memory_space<hbm>> -> memref<8xi32, #tpu.memory_space<hbm>>
        tpu.wait_dma2 semaphore(%run_scoped3A : memref<!tpu.dma_semaphore, #tpu.memory_space<semaphore_mem>>) src(%arg19 : memref<8xi32, #tpu.memory_space<vmem>>) dst(%dma_wait3A_410 : memref<8xi32, #tpu.memory_space<hbm>>)
        tpu.yield
      }) : () -> ()
      %dma_wait3A = arith.constant 0 : i32
      %dma_wait3A_305 = arith.constant 0 : i32
      %dma_wait3A_306 = tpu.memref_slice %arg8[%dma_wait3A, %dma_wait3A_305] : memref<12800x128xf32, #tpu.memory_space<hbm>> -> memref<12800x128xf32, #tpu.memory_space<hbm>>
      tpu.wait_indirect_dma semaphore(%arg20 : memref<!tpu.dma_semaphore, #tpu.memory_space<semaphore_mem>>) src(%dma_wait3A_306 : memref<12800x128xf32, #tpu.memory_space<hbm>>) dst(%arg16 : memref<112x128xf32, #tpu.memory_space<vmem>>)
      %dma_wait3A_307 = arith.constant 0 : i32
      %dma_wait3A_308 = arith.constant 0 : i32
      %dma_wait3A_309 = tpu.memref_slice %arg8[%dma_wait3A_307, %dma_wait3A_308] : memref<12800x128xf32, #tpu.memory_space<hbm>> -> memref<12800x128xf32, #tpu.memory_space<hbm>>
      tpu.wait_indirect_dma semaphore(%arg21 : memref<!tpu.dma_semaphore, #tpu.memory_space<semaphore_mem>>) src(%dma_wait3A_309 : memref<12800x128xf32, #tpu.memory_space<hbm>>) dst(%arg17 : memref<112x128xf32, #tpu.memory_space<vmem>>)
      %slice3A_310 = vector.extract_strided_slice %convert_element_type3A {offsets = [0], sizes = [1], strides = [1]} : vector<16xi32> to vector<1xi32>
      %squeeze3A_311 = vector.extract %slice3A_310[0] : i32 from vector<1xi32>
      %jit3A_312 = arith.constant 0 : i32
      %jit3A_313 = arith.constant 100 : i32
      %max3A_314 = arith.maxsi %jit3A_312, %squeeze3A_311 : i32
      %min3A_315 = arith.minsi %jit3A_313, %max3A_314 : i32
      %broadcast_in_dim3A_316 = vector.broadcast %min3A_315 : i32 to vector<16xi32>
      %scan3A = arith.constant 0 : i32
      %scan3A_317 = arith.constant 28 : i32
      %scan3A_318 = arith.addi %scan3A, %scan3A_317 : i32
      %scan3A_319 = arith.constant 1 : i32
      scf.for %scan3A_407 = %scan3A to %scan3A_318 step %scan3A_319  : i32 {
        %add3A_408 = arith.constant 0 : i32
        %add3A_409 = arith.addi %add3A_408, %scan3A_407 : i32
        %broadcast_in_dim3A_410 = vector.broadcast %add3A_409 : i32 to vector<16xi32>
        %add3A_411 = arith.addi %broadcast_in_dim3A_316, %iota3A : vector<16xi32>
        %gather3A_412 = tpu.vector_load_idx %arg16[%broadcast_in_dim3A_410, %add3A_411] : memref<112x128xf32, #tpu.memory_space<vmem>>[vector<16xi32>, vector<16xi32>], vector<16xf32>,
        %mul3A_413 = arith.constant 28 : i32
        %mul3A_414 = arith.muli %scan3A_407, %mul3A_413 : i32
        %add3A_415 = arith.constant 0 : i32
        %add3A_416 = arith.addi %add3A_415, %mul3A_414 : i32
        %broadcast_in_dim3A_417 = vector.broadcast %add3A_416 : i32 to vector<16xi32>
        %add3A_418 = arith.addi %broadcast_in_dim3A_417, %iota3A : vector<16xi32>
        tpu.vector_store_idx %arg18[%add3A_418], %gather3A_412 : memref<6272xf32, #tpu.memory_space<vmem>>[vector<16xi32>], vector<16xf32>,
        %add3A_419 = arith.constant 12 : i32
        %add3A_420 = vector.broadcast %add3A_419 : i32 to vector<16xi32>
        %add3A_421 = arith.addi %broadcast_in_dim3A_316, %add3A_420 : vector<16xi32>
        %add3A_422 = arith.addi %add3A_421, %iota3A : vector<16xi32>
        %gather3A_423 = tpu.vector_load_idx %arg16[%broadcast_in_dim3A_410, %add3A_422] : memref<112x128xf32, #tpu.memory_space<vmem>>[vector<16xi32>, vector<16xi32>], vector<16xf32>,
        %mul3A_424 = arith.constant 28 : i32
        %mul3A_425 = arith.muli %scan3A_407, %mul3A_424 : i32
        %add3A_426 = arith.constant 0 : i32
        %add3A_427 = arith.addi %add3A_426, %mul3A_425 : i32
        %add3A_428 = arith.constant 12 : i32
        %add3A_429 = arith.addi %add3A_427, %add3A_428 : i32
        %broadcast_in_dim3A_430 = vector.broadcast %add3A_429 : i32 to vector<16xi32>
        %add3A_431 = arith.addi %broadcast_in_dim3A_430, %iota3A : vector<16xi32>
        tpu.vector_store_idx %arg18[%add3A_431], %gather3A_423 : memref<6272xf32, #tpu.memory_space<vmem>>[vector<16xi32>], vector<16xf32>,
      }
      %scan3A_320 = arith.constant 28 : i32
      %slice3A_321 = vector.extract_strided_slice %convert_element_type3A {offsets = [4], sizes = [1], strides = [1]} : vector<16xi32> to vector<1xi32>
      %squeeze3A_322 = vector.extract %slice3A_321[0] : i32 from vector<1xi32>
      %jit3A_323 = arith.constant 0 : i32
      %jit3A_324 = arith.constant 100 : i32
      %max3A_325 = arith.maxsi %jit3A_323, %squeeze3A_322 : i32
      %min3A_326 = arith.minsi %jit3A_324, %max3A_325 : i32
      %broadcast_in_dim3A_327 = vector.broadcast %min3A_326 : i32 to vector<16xi32>
      %scan3A_328 = arith.constant 0 : i32
      %scan3A_329 = arith.constant 28 : i32
      %scan3A_330 = arith.addi %scan3A_328, %scan3A_329 : i32
      %scan3A_331 = arith.constant 1 : i32
      scf.for %scan3A_407 = %scan3A_328 to %scan3A_330 step %scan3A_331  : i32 {
        %add3A_408 = arith.constant 28 : i32
        %add3A_409 = arith.addi %add3A_408, %scan3A_407 : i32
        %broadcast_in_dim3A_410 = vector.broadcast %add3A_409 : i32 to vector<16xi32>
        %add3A_411 = arith.addi %broadcast_in_dim3A_327, %iota3A : vector<16xi32>
        %gather3A_412 = tpu.vector_load_idx %arg16[%broadcast_in_dim3A_410, %add3A_411] : memref<112x128xf32, #tpu.memory_space<vmem>>[vector<16xi32>, vector<16xi32>], vector<16xf32>,
        %mul3A_413 = arith.constant 28 : i32
        %mul3A_414 = arith.muli %scan3A_407, %mul3A_413 : i32
        %add3A_415 = arith.constant 784 : i32
        %add3A_416 = arith.addi %add3A_415, %mul3A_414 : i32
        %broadcast_in_dim3A_417 = vector.broadcast %add3A_416 : i32 to vector<16xi32>
        %add3A_418 = arith.addi %broadcast_in_dim3A_417, %iota3A : vector<16xi32>
        tpu.vector_store_idx %arg18[%add3A_418], %gather3A_412 : memref<6272xf32, #tpu.memory_space<vmem>>[vector<16xi32>], vector<16xf32>,
        %add3A_419 = arith.constant 12 : i32
        %add3A_420 = vector.broadcast %add3A_419 : i32 to vector<16xi32>
        %add3A_421 = arith.addi %broadcast_in_dim3A_327, %add3A_420 : vector<16xi32>
        %add3A_422 = arith.addi %add3A_421, %iota3A : vector<16xi32>
        %gather3A_423 = tpu.vector_load_idx %arg16[%broadcast_in_dim3A_410, %add3A_422] : memref<112x128xf32, #tpu.memory_space<vmem>>[vector<16xi32>, vector<16xi32>], vector<16xf32>,
        %mul3A_424 = arith.constant 28 : i32
        %mul3A_425 = arith.muli %scan3A_407, %mul3A_424 : i32
        %add3A_426 = arith.constant 784 : i32
        %add3A_427 = arith.addi %add3A_426, %mul3A_425 : i32
        %add3A_428 = arith.constant 12 : i32
        %add3A_429 = arith.addi %add3A_427, %add3A_428 : i32
        %broadcast_in_dim3A_430 = vector.broadcast %add3A_429 : i32 to vector<16xi32>
        %add3A_431 = arith.addi %broadcast_in_dim3A_430, %iota3A : vector<16xi32>
        tpu.vector_store_idx %arg18[%add3A_431], %gather3A_423 : memref<6272xf32, #tpu.memory_space<vmem>>[vector<16xi32>], vector<16xf32>,
      }
      %scan3A_332 = arith.constant 28 : i32
      %slice3A_333 = vector.extract_strided_slice %convert_element_type3A {offsets = [8], sizes = [1], strides = [1]} : vector<16xi32> to vector<1xi32>
      %squeeze3A_334 = vector.extract %slice3A_333[0] : i32 from vector<1xi32>
      %jit3A_335 = arith.constant 0 : i32
      %jit3A_336 = arith.constant 100 : i32
      %max3A_337 = arith.maxsi %jit3A_335, %squeeze3A_334 : i32
      %min3A_338 = arith.minsi %jit3A_336, %max3A_337 : i32
      %broadcast_in_dim3A_339 = vector.broadcast %min3A_338 : i32 to vector<16xi32>
      %scan3A_340 = arith.constant 0 : i32
      %scan3A_341 = arith.constant 28 : i32
      %scan3A_342 = arith.addi %scan3A_340, %scan3A_341 : i32
      %scan3A_343 = arith.constant 1 : i32
      scf.for %scan3A_407 = %scan3A_340 to %scan3A_342 step %scan3A_343  : i32 {
        %add3A_408 = arith.constant 56 : i32
        %add3A_409 = arith.addi %add3A_408, %scan3A_407 : i32
        %broadcast_in_dim3A_410 = vector.broadcast %add3A_409 : i32 to vector<16xi32>
        %add3A_411 = arith.addi %broadcast_in_dim3A_339, %iota3A : vector<16xi32>
        %gather3A_412 = tpu.vector_load_idx %arg16[%broadcast_in_dim3A_410, %add3A_411] : memref<112x128xf32, #tpu.memory_space<vmem>>[vector<16xi32>, vector<16xi32>], vector<16xf32>,
        %mul3A_413 = arith.constant 28 : i32
        %mul3A_414 = arith.muli %scan3A_407, %mul3A_413 : i32
        %add3A_415 = arith.constant 1568 : i32
        %add3A_416 = arith.addi %add3A_415, %mul3A_414 : i32
        %broadcast_in_dim3A_417 = vector.broadcast %add3A_416 : i32 to vector<16xi32>
        %add3A_418 = arith.addi %broadcast_in_dim3A_417, %iota3A : vector<16xi32>
        tpu.vector_store_idx %arg18[%add3A_418], %gather3A_412 : memref<6272xf32, #tpu.memory_space<vmem>>[vector<16xi32>], vector<16xf32>,
        %add3A_419 = arith.constant 12 : i32
        %add3A_420 = vector.broadcast %add3A_419 : i32 to vector<16xi32>
        %add3A_421 = arith.addi %broadcast_in_dim3A_339, %add3A_420 : vector<16xi32>
        %add3A_422 = arith.addi %add3A_421, %iota3A : vector<16xi32>
        %gather3A_423 = tpu.vector_load_idx %arg16[%broadcast_in_dim3A_410, %add3A_422] : memref<112x128xf32, #tpu.memory_space<vmem>>[vector<16xi32>, vector<16xi32>], vector<16xf32>,
        %mul3A_424 = arith.constant 28 : i32
        %mul3A_425 = arith.muli %scan3A_407, %mul3A_424 : i32
        %add3A_426 = arith.constant 1568 : i32
        %add3A_427 = arith.addi %add3A_426, %mul3A_425 : i32
        %add3A_428 = arith.constant 12 : i32
        %add3A_429 = arith.addi %add3A_427, %add3A_428 : i32
        %broadcast_in_dim3A_430 = vector.broadcast %add3A_429 : i32 to vector<16xi32>
        %add3A_431 = arith.addi %broadcast_in_dim3A_430, %iota3A : vector<16xi32>
        tpu.vector_store_idx %arg18[%add3A_431], %gather3A_423 : memref<6272xf32, #tpu.memory_space<vmem>>[vector<16xi32>], vector<16xf32>,
      }
      %scan3A_344 = arith.constant 28 : i32
      %slice3A_345 = vector.extract_strided_slice %convert_element_type3A {offsets = [12], sizes = [1], strides = [1]} : vector<16xi32> to vector<1xi32>
      %squeeze3A_346 = vector.extract %slice3A_345[0] : i32 from vector<1xi32>
      %jit3A_347 = arith.constant 0 : i32
      %jit3A_348 = arith.constant 100 : i32
      %max3A_349 = arith.maxsi %jit3A_347, %squeeze3A_346 : i32
      %min3A_350 = arith.minsi %jit3A_348, %max3A_349 : i32
      %broadcast_in_dim3A_351 = vector.broadcast %min3A_350 : i32 to vector<16xi32>
      %scan3A_352 = arith.constant 0 : i32
      %scan3A_353 = arith.constant 28 : i32
      %scan3A_354 = arith.addi %scan3A_352, %scan3A_353 : i32
      %scan3A_355 = arith.constant 1 : i32
      scf.for %scan3A_407 = %scan3A_352 to %scan3A_354 step %scan3A_355  : i32 {
        %add3A_408 = arith.constant 84 : i32
        %add3A_409 = arith.addi %add3A_408, %scan3A_407 : i32
        %broadcast_in_dim3A_410 = vector.broadcast %add3A_409 : i32 to vector<16xi32>
        %add3A_411 = arith.addi %broadcast_in_dim3A_351, %iota3A : vector<16xi32>
        %gather3A_412 = tpu.vector_load_idx %arg16[%broadcast_in_dim3A_410, %add3A_411] : memref<112x128xf32, #tpu.memory_space<vmem>>[vector<16xi32>, vector<16xi32>], vector<16xf32>,
        %mul3A_413 = arith.constant 28 : i32
        %mul3A_414 = arith.muli %scan3A_407, %mul3A_413 : i32
        %add3A_415 = arith.constant 2352 : i32
        %add3A_416 = arith.addi %add3A_415, %mul3A_414 : i32
        %broadcast_in_dim3A_417 = vector.broadcast %add3A_416 : i32 to vector<16xi32>
        %add3A_418 = arith.addi %broadcast_in_dim3A_417, %iota3A : vector<16xi32>
        tpu.vector_store_idx %arg18[%add3A_418], %gather3A_412 : memref<6272xf32, #tpu.memory_space<vmem>>[vector<16xi32>], vector<16xf32>,
        %add3A_419 = arith.constant 12 : i32
        %add3A_420 = vector.broadcast %add3A_419 : i32 to vector<16xi32>
        %add3A_421 = arith.addi %broadcast_in_dim3A_351, %add3A_420 : vector<16xi32>
        %add3A_422 = arith.addi %add3A_421, %iota3A : vector<16xi32>
        %gather3A_423 = tpu.vector_load_idx %arg16[%broadcast_in_dim3A_410, %add3A_422] : memref<112x128xf32, #tpu.memory_space<vmem>>[vector<16xi32>, vector<16xi32>], vector<16xf32>,
        %mul3A_424 = arith.constant 28 : i32
        %mul3A_425 = arith.muli %scan3A_407, %mul3A_424 : i32
        %add3A_426 = arith.constant 2352 : i32
        %add3A_427 = arith.addi %add3A_426, %mul3A_425 : i32
        %add3A_428 = arith.constant 12 : i32
        %add3A_429 = arith.addi %add3A_427, %add3A_428 : i32
        %broadcast_in_dim3A_430 = vector.broadcast %add3A_429 : i32 to vector<16xi32>
        %add3A_431 = arith.addi %broadcast_in_dim3A_430, %iota3A : vector<16xi32>
        tpu.vector_store_idx %arg18[%add3A_431], %gather3A_423 : memref<6272xf32, #tpu.memory_space<vmem>>[vector<16xi32>], vector<16xf32>,
      }
      %scan3A_356 = arith.constant 28 : i32
      %slice3A_357 = vector.extract_strided_slice %convert_element_type3A_83 {offsets = [0], sizes = [1], strides = [1]} : vector<16xi32> to vector<1xi32>
      %squeeze3A_358 = vector.extract %slice3A_357[0] : i32 from vector<1xi32>
      %jit3A_359 = arith.constant 0 : i32
      %jit3A_360 = arith.constant 100 : i32
      %max3A_361 = arith.maxsi %jit3A_359, %squeeze3A_358 : i32
      %min3A_362 = arith.minsi %jit3A_360, %max3A_361 : i32
      %broadcast_in_dim3A_363 = vector.broadcast %min3A_362 : i32 to vector<16xi32>
      %scan3A_364 = arith.constant 0 : i32
      %scan3A_365 = arith.constant 28 : i32
      %scan3A_366 = arith.addi %scan3A_364, %scan3A_365 : i32
      %scan3A_367 = arith.constant 1 : i32
      scf.for %scan3A_407 = %scan3A_364 to %scan3A_366 step %scan3A_367  : i32 {
        %add3A_408 = arith.constant 0 : i32
        %add3A_409 = arith.addi %add3A_408, %scan3A_407 : i32
        %broadcast_in_dim3A_410 = vector.broadcast %add3A_409 : i32 to vector<16xi32>
        %add3A_411 = arith.addi %broadcast_in_dim3A_363, %iota3A : vector<16xi32>
        %gather3A_412 = tpu.vector_load_idx %arg17[%broadcast_in_dim3A_410, %add3A_411] : memref<112x128xf32, #tpu.memory_space<vmem>>[vector<16xi32>, vector<16xi32>], vector<16xf32>,
        %mul3A_413 = arith.constant 28 : i32
        %mul3A_414 = arith.muli %scan3A_407, %mul3A_413 : i32
        %add3A_415 = arith.constant 3136 : i32
        %add3A_416 = arith.addi %add3A_415, %mul3A_414 : i32
        %broadcast_in_dim3A_417 = vector.broadcast %add3A_416 : i32 to vector<16xi32>
        %add3A_418 = arith.addi %broadcast_in_dim3A_417, %iota3A : vector<16xi32>
        tpu.vector_store_idx %arg18[%add3A_418], %gather3A_412 : memref<6272xf32, #tpu.memory_space<vmem>>[vector<16xi32>], vector<16xf32>,
        %add3A_419 = arith.constant 12 : i32
        %add3A_420 = vector.broadcast %add3A_419 : i32 to vector<16xi32>
        %add3A_421 = arith.addi %broadcast_in_dim3A_363, %add3A_420 : vector<16xi32>
        %add3A_422 = arith.addi %add3A_421, %iota3A : vector<16xi32>
        %gather3A_423 = tpu.vector_load_idx %arg17[%broadcast_in_dim3A_410, %add3A_422] : memref<112x128xf32, #tpu.memory_space<vmem>>[vector<16xi32>, vector<16xi32>], vector<16xf32>,
        %mul3A_424 = arith.constant 28 : i32
        %mul3A_425 = arith.muli %scan3A_407, %mul3A_424 : i32
        %add3A_426 = arith.constant 3136 : i32
        %add3A_427 = arith.addi %add3A_426, %mul3A_425 : i32
        %add3A_428 = arith.constant 12 : i32
        %add3A_429 = arith.addi %add3A_427, %add3A_428 : i32
        %broadcast_in_dim3A_430 = vector.broadcast %add3A_429 : i32 to vector<16xi32>
        %add3A_431 = arith.addi %broadcast_in_dim3A_430, %iota3A : vector<16xi32>
        tpu.vector_store_idx %arg18[%add3A_431], %gather3A_423 : memref<6272xf32, #tpu.memory_space<vmem>>[vector<16xi32>], vector<16xf32>,
      }
      %scan3A_368 = arith.constant 28 : i32
      %slice3A_369 = vector.extract_strided_slice %convert_element_type3A_83 {offsets = [4], sizes = [1], strides = [1]} : vector<16xi32> to vector<1xi32>
      %squeeze3A_370 = vector.extract %slice3A_369[0] : i32 from vector<1xi32>
      %jit3A_371 = arith.constant 0 : i32
      %jit3A_372 = arith.constant 100 : i32
      %max3A_373 = arith.maxsi %jit3A_371, %squeeze3A_370 : i32
      %min3A_374 = arith.minsi %jit3A_372, %max3A_373 : i32
      %broadcast_in_dim3A_375 = vector.broadcast %min3A_374 : i32 to vector<16xi32>
      %scan3A_376 = arith.constant 0 : i32
      %scan3A_377 = arith.constant 28 : i32
      %scan3A_378 = arith.addi %scan3A_376, %scan3A_377 : i32
      %scan3A_379 = arith.constant 1 : i32
      scf.for %scan3A_407 = %scan3A_376 to %scan3A_378 step %scan3A_379  : i32 {
        %add3A_408 = arith.constant 28 : i32
        %add3A_409 = arith.addi %add3A_408, %scan3A_407 : i32
        %broadcast_in_dim3A_410 = vector.broadcast %add3A_409 : i32 to vector<16xi32>
        %add3A_411 = arith.addi %broadcast_in_dim3A_375, %iota3A : vector<16xi32>
        %gather3A_412 = tpu.vector_load_idx %arg17[%broadcast_in_dim3A_410, %add3A_411] : memref<112x128xf32, #tpu.memory_space<vmem>>[vector<16xi32>, vector<16xi32>], vector<16xf32>,
        %mul3A_413 = arith.constant 28 : i32
        %mul3A_414 = arith.muli %scan3A_407, %mul3A_413 : i32
        %add3A_415 = arith.constant 3920 : i32
        %add3A_416 = arith.addi %add3A_415, %mul3A_414 : i32
        %broadcast_in_dim3A_417 = vector.broadcast %add3A_416 : i32 to vector<16xi32>
        %add3A_418 = arith.addi %broadcast_in_dim3A_417, %iota3A : vector<16xi32>
        tpu.vector_store_idx %arg18[%add3A_418], %gather3A_412 : memref<6272xf32, #tpu.memory_space<vmem>>[vector<16xi32>], vector<16xf32>,
        %add3A_419 = arith.constant 12 : i32
        %add3A_420 = vector.broadcast %add3A_419 : i32 to vector<16xi32>
        %add3A_421 = arith.addi %broadcast_in_dim3A_375, %add3A_420 : vector<16xi32>
        %add3A_422 = arith.addi %add3A_421, %iota3A : vector<16xi32>
        %gather3A_423 = tpu.vector_load_idx %arg17[%broadcast_in_dim3A_410, %add3A_422] : memref<112x128xf32, #tpu.memory_space<vmem>>[vector<16xi32>, vector<16xi32>], vector<16xf32>,
        %mul3A_424 = arith.constant 28 : i32
        %mul3A_425 = arith.muli %scan3A_407, %mul3A_424 : i32
        %add3A_426 = arith.constant 3920 : i32
        %add3A_427 = arith.addi %add3A_426, %mul3A_425 : i32
        %add3A_428 = arith.constant 12 : i32
        %add3A_429 = arith.addi %add3A_427, %add3A_428 : i32
        %broadcast_in_dim3A_430 = vector.broadcast %add3A_429 : i32 to vector<16xi32>
        %add3A_431 = arith.addi %broadcast_in_dim3A_430, %iota3A : vector<16xi32>
        tpu.vector_store_idx %arg18[%add3A_431], %gather3A_423 : memref<6272xf32, #tpu.memory_space<vmem>>[vector<16xi32>], vector<16xf32>,
      }
      %scan3A_380 = arith.constant 28 : i32
      %slice3A_381 = vector.extract_strided_slice %convert_element_type3A_83 {offsets = [8], sizes = [1], strides = [1]} : vector<16xi32> to vector<1xi32>
      %squeeze3A_382 = vector.extract %slice3A_381[0] : i32 from vector<1xi32>
      %jit3A_383 = arith.constant 0 : i32
      %jit3A_384 = arith.constant 100 : i32
      %max3A_385 = arith.maxsi %jit3A_383, %squeeze3A_382 : i32
      %min3A_386 = arith.minsi %jit3A_384, %max3A_385 : i32
      %broadcast_in_dim3A_387 = vector.broadcast %min3A_386 : i32 to vector<16xi32>
      %scan3A_388 = arith.constant 0 : i32
      %scan3A_389 = arith.constant 28 : i32
      %scan3A_390 = arith.addi %scan3A_388, %scan3A_389 : i32
      %scan3A_391 = arith.constant 1 : i32
      scf.for %scan3A_407 = %scan3A_388 to %scan3A_390 step %scan3A_391  : i32 {
        %add3A_408 = arith.constant 56 : i32
        %add3A_409 = arith.addi %add3A_408, %scan3A_407 : i32
        %broadcast_in_dim3A_410 = vector.broadcast %add3A_409 : i32 to vector<16xi32>
        %add3A_411 = arith.addi %broadcast_in_dim3A_387, %iota3A : vector<16xi32>
        %gather3A_412 = tpu.vector_load_idx %arg17[%broadcast_in_dim3A_410, %add3A_411] : memref<112x128xf32, #tpu.memory_space<vmem>>[vector<16xi32>, vector<16xi32>], vector<16xf32>,
        %mul3A_413 = arith.constant 28 : i32
        %mul3A_414 = arith.muli %scan3A_407, %mul3A_413 : i32
        %add3A_415 = arith.constant 4704 : i32
        %add3A_416 = arith.addi %add3A_415, %mul3A_414 : i32
        %broadcast_in_dim3A_417 = vector.broadcast %add3A_416 : i32 to vector<16xi32>
        %add3A_418 = arith.addi %broadcast_in_dim3A_417, %iota3A : vector<16xi32>
        tpu.vector_store_idx %arg18[%add3A_418], %gather3A_412 : memref<6272xf32, #tpu.memory_space<vmem>>[vector<16xi32>], vector<16xf32>,
        %add3A_419 = arith.constant 12 : i32
        %add3A_420 = vector.broadcast %add3A_419 : i32 to vector<16xi32>
        %add3A_421 = arith.addi %broadcast_in_dim3A_387, %add3A_420 : vector<16xi32>
        %add3A_422 = arith.addi %add3A_421, %iota3A : vector<16xi32>
        %gather3A_423 = tpu.vector_load_idx %arg17[%broadcast_in_dim3A_410, %add3A_422] : memref<112x128xf32, #tpu.memory_space<vmem>>[vector<16xi32>, vector<16xi32>], vector<16xf32>,
        %mul3A_424 = arith.constant 28 : i32
        %mul3A_425 = arith.muli %scan3A_407, %mul3A_424 : i32
        %add3A_426 = arith.constant 4704 : i32
        %add3A_427 = arith.addi %add3A_426, %mul3A_425 : i32
        %add3A_428 = arith.constant 12 : i32
        %add3A_429 = arith.addi %add3A_427, %add3A_428 : i32
        %broadcast_in_dim3A_430 = vector.broadcast %add3A_429 : i32 to vector<16xi32>
        %add3A_431 = arith.addi %broadcast_in_dim3A_430, %iota3A : vector<16xi32>
        tpu.vector_store_idx %arg18[%add3A_431], %gather3A_423 : memref<6272xf32, #tpu.memory_space<vmem>>[vector<16xi32>], vector<16xf32>,
      }
      %scan3A_392 = arith.constant 28 : i32
      %slice3A_393 = vector.extract_strided_slice %convert_element_type3A_83 {offsets = [12], sizes = [1], strides = [1]} : vector<16xi32> to vector<1xi32>
      %squeeze3A_394 = vector.extract %slice3A_393[0] : i32 from vector<1xi32>
      %jit3A_395 = arith.constant 0 : i32
      %jit3A_396 = arith.constant 100 : i32
      %max3A_397 = arith.maxsi %jit3A_395, %squeeze3A_394 : i32
      %min3A_398 = arith.minsi %jit3A_396, %max3A_397 : i32
      %broadcast_in_dim3A_399 = vector.broadcast %min3A_398 : i32 to vector<16xi32>
      %scan3A_400 = arith.constant 0 : i32
      %scan3A_401 = arith.constant 28 : i32
      %scan3A_402 = arith.addi %scan3A_400, %scan3A_401 : i32
      %scan3A_403 = arith.constant 1 : i32
      scf.for %scan3A_407 = %scan3A_400 to %scan3A_402 step %scan3A_403  : i32 {
        %add3A_408 = arith.constant 84 : i32
        %add3A_409 = arith.addi %add3A_408, %scan3A_407 : i32
        %broadcast_in_dim3A_410 = vector.broadcast %add3A_409 : i32 to vector<16xi32>
        %add3A_411 = arith.addi %broadcast_in_dim3A_399, %iota3A : vector<16xi32>
        %gather3A_412 = tpu.vector_load_idx %arg17[%broadcast_in_dim3A_410, %add3A_411] : memref<112x128xf32, #tpu.memory_space<vmem>>[vector<16xi32>, vector<16xi32>], vector<16xf32>,
        %mul3A_413 = arith.constant 28 : i32
        %mul3A_414 = arith.muli %scan3A_407, %mul3A_413 : i32
        %add3A_415 = arith.constant 5488 : i32
        %add3A_416 = arith.addi %add3A_415, %mul3A_414 : i32
        %broadcast_in_dim3A_417 = vector.broadcast %add3A_416 : i32 to vector<16xi32>
        %add3A_418 = arith.addi %broadcast_in_dim3A_417, %iota3A : vector<16xi32>
        tpu.vector_store_idx %arg18[%add3A_418], %gather3A_412 : memref<6272xf32, #tpu.memory_space<vmem>>[vector<16xi32>], vector<16xf32>,
        %add3A_419 = arith.constant 12 : i32
        %add3A_420 = vector.broadcast %add3A_419 : i32 to vector<16xi32>
        %add3A_421 = arith.addi %broadcast_in_dim3A_399, %add3A_420 : vector<16xi32>
        %add3A_422 = arith.addi %add3A_421, %iota3A : vector<16xi32>
        %gather3A_423 = tpu.vector_load_idx %arg17[%broadcast_in_dim3A_410, %add3A_422] : memref<112x128xf32, #tpu.memory_space<vmem>>[vector<16xi32>, vector<16xi32>], vector<16xf32>,
        %mul3A_424 = arith.constant 28 : i32
        %mul3A_425 = arith.muli %scan3A_407, %mul3A_424 : i32
        %add3A_426 = arith.constant 5488 : i32
        %add3A_427 = arith.addi %add3A_426, %mul3A_425 : i32
        %add3A_428 = arith.constant 12 : i32
        %add3A_429 = arith.addi %add3A_427, %add3A_428 : i32
        %broadcast_in_dim3A_430 = vector.broadcast %add3A_429 : i32 to vector<16xi32>
        %add3A_431 = arith.addi %broadcast_in_dim3A_430, %iota3A : vector<16xi32>
        tpu.vector_store_idx %arg18[%add3A_431], %gather3A_423 : memref<6272xf32, #tpu.memory_space<vmem>>[vector<16xi32>], vector<16xf32>,
      }
      %scan3A_404 = arith.constant 28 : i32
      %mul3A_405 = arith.constant 784 : i32
      %mul3A_406 = arith.muli %add3A_75, %mul3A_405 : i32
      %multiple_of3A = tpu.assume_multiple %mul3A_406, 8 : i32
      "tpu.region"() ({
        %run_scoped3A = tpu.sem_alloc : memref<!tpu.dma_semaphore, #tpu.memory_space<semaphore_mem>>
        %dma_start3A_407 = tpu.memref_slice %arg9[%multiple_of3A] : memref<1568000xf32, #tpu.memory_space<hbm>> -> memref<6272xf32, #tpu.memory_space<hbm>>
        %dma_start3A_408 = tpu.memref_slice %arg9[%multiple_of3A] : memref<1568000xf32, #tpu.memory_space<hbm>> -> memref<6272xf32, #tpu.memory_space<hbm>>
        tpu.enqueue_dma source(%arg18 : memref<6272xf32, #tpu.memory_space<vmem>>) target(%dma_start3A_408 : memref<6272xf32, #tpu.memory_space<hbm>>) target_semaphore(%run_scoped3A : memref<!tpu.dma_semaphore, #tpu.memory_space<semaphore_mem>>)
        %dma_wait3A_409 = tpu.memref_slice %arg9[%multiple_of3A] : memref<1568000xf32, #tpu.memory_space<hbm>> -> memref<6272xf32, #tpu.memory_space<hbm>>
        %dma_wait3A_410 = tpu.memref_slice %arg9[%multiple_of3A] : memref<1568000xf32, #tpu.memory_space<hbm>> -> memref<6272xf32, #tpu.memory_space<hbm>>
        tpu.wait_dma2 semaphore(%run_scoped3A : memref<!tpu.dma_semaphore, #tpu.memory_space<semaphore_mem>>) src(%arg18 : memref<6272xf32, #tpu.memory_space<vmem>>) dst(%dma_wait3A_410 : memref<6272xf32, #tpu.memory_space<hbm>>)
        tpu.yield
      }) : () -> ()
    }
    return
  }
}

module attributes {stable_mosaic.version = 14 : i64} {
  func.func @body(%arg0: i32, %arg1: memref<200xi32, #tpu.memory_space<smem>>, %arg2: memref<2000xi32, #tpu.memory_space<vmem>>, %arg3: memref<1x28x8x2000xf32, #tpu.memory_space<vmem>>, %arg4: memref<1x28x2000xf32, #tpu.memory_space<vmem>>, %arg5: memref<2000xi32, #tpu.memory_space<vmem>>) attributes {dimension_semantics = [#tpu.dimension_semantics<arbitrary>], iteration_bounds = array<i64: 28>, scalar_prefetch = 0 : i64, scratch_operands = 1 : i64, tpu.core_type = #tpu.core_type<tc>, window_params = [{transform_indices = @transform_0, window_bounds = array<i64: 200>}, {pipeline_mode = #tpu.pipeline_mode<synchronous>, transform_indices = @transform_1, window_bounds = array<i64: 2000>}, {transform_indices = @transform_2, window_bounds = array<i64: 1, 28, 8, 2000>}, {transform_indices = @transform_3, window_bounds = array<i64: 1, 28, 2000>}]} {
    %eq3A = arith.constant 0 : i32
    %eq3A_0 = arith.cmpi eq, %arg0, %eq3A : i32
    %convert_element_type3A = arith.extui %eq3A_0 : i1 to i32
    %cond3A = arith.constant 0 : i32
    %cond3A_1 = arith.cmpi ne, %convert_element_type3A, %cond3A : i32
    scf.if %cond3A_1 {
      %get3A_106 = arith.constant 0 : index
      %get3A_107 = vector.load %arg2[%get3A_106] : memref<2000xi32, #tpu.memory_space<vmem>>, vector<2000xi32>
      %broadcast_in_dim3A_108 = arith.constant 0 : i32
      %broadcast_in_dim3A_109 = vector.broadcast %broadcast_in_dim3A_108 : i32 to vector<2000xi32>
      %eq3A_110 = arith.constant 0 : i32
      %eq3A_111 = vector.broadcast %eq3A_110 : i32 to vector<2000xi32>
      %eq3A_112 = arith.cmpi eq, %get3A_107, %eq3A_111 : vector<2000xi32>
      %get3A_113 = arith.constant 0 : index
      %get3A_114 = memref.load %arg1[%get3A_113] : memref<200xi32, #tpu.memory_space<smem>>
      %jit3A_115 = arith.constant 0 : i32
      %broadcast_in_dim3A_116 = vector.broadcast %get3A_114 : i32 to vector<2000xi32>
      %broadcast_in_dim3A_117 = vector.broadcast %jit3A_115 : i32 to vector<2000xi32>
      %select_n3A_118 = arith.select %eq3A_112, %broadcast_in_dim3A_116, %broadcast_in_dim3A_117 : vector<2000xi1>, vector<2000xi32>
      %add3A_119 = arith.addi %broadcast_in_dim3A_109, %select_n3A_118 : vector<2000xi32>
      %eq3A_120 = arith.constant 1 : i32
      %eq3A_121 = vector.broadcast %eq3A_120 : i32 to vector<2000xi32>
      %eq3A_122 = arith.cmpi eq, %get3A_107, %eq3A_121 : vector<2000xi32>
      %get3A_123 = arith.constant 1 : index
      %get3A_124 = memref.load %arg1[%get3A_123] : memref<200xi32, #tpu.memory_space<smem>>
      %jit3A_125 = arith.constant 0 : i32
      %broadcast_in_dim3A_126 = vector.broadcast %get3A_124 : i32 to vector<2000xi32>
      %broadcast_in_dim3A_127 = vector.broadcast %jit3A_125 : i32 to vector<2000xi32>
      %select_n3A_128 = arith.select %eq3A_122, %broadcast_in_dim3A_126, %broadcast_in_dim3A_127 : vector<2000xi1>, vector<2000xi32>
      %add3A_129 = arith.addi %add3A_119, %select_n3A_128 : vector<2000xi32>
      %eq3A_130 = arith.constant 2 : i32
      %eq3A_131 = vector.broadcast %eq3A_130 : i32 to vector<2000xi32>
      %eq3A_132 = arith.cmpi eq, %get3A_107, %eq3A_131 : vector<2000xi32>
      %get3A_133 = arith.constant 2 : index
      %get3A_134 = memref.load %arg1[%get3A_133] : memref<200xi32, #tpu.memory_space<smem>>
      %jit3A_135 = arith.constant 0 : i32
      %broadcast_in_dim3A_136 = vector.broadcast %get3A_134 : i32 to vector<2000xi32>
      %broadcast_in_dim3A_137 = vector.broadcast %jit3A_135 : i32 to vector<2000xi32>
      %select_n3A_138 = arith.select %eq3A_132, %broadcast_in_dim3A_136, %broadcast_in_dim3A_137 : vector<2000xi1>, vector<2000xi32>
      %add3A_139 = arith.addi %add3A_129, %select_n3A_138 : vector<2000xi32>
      %eq3A_140 = arith.constant 3 : i32
      %eq3A_141 = vector.broadcast %eq3A_140 : i32 to vector<2000xi32>
      %eq3A_142 = arith.cmpi eq, %get3A_107, %eq3A_141 : vector<2000xi32>
      %get3A_143 = arith.constant 3 : index
      %get3A_144 = memref.load %arg1[%get3A_143] : memref<200xi32, #tpu.memory_space<smem>>
      %jit3A_145 = arith.constant 0 : i32
      %broadcast_in_dim3A_146 = vector.broadcast %get3A_144 : i32 to vector<2000xi32>
      %broadcast_in_dim3A_147 = vector.broadcast %jit3A_145 : i32 to vector<2000xi32>
      %select_n3A_148 = arith.select %eq3A_142, %broadcast_in_dim3A_146, %broadcast_in_dim3A_147 : vector<2000xi1>, vector<2000xi32>
      %add3A_149 = arith.addi %add3A_139, %select_n3A_148 : vector<2000xi32>
      %eq3A_150 = arith.constant 4 : i32
      %eq3A_151 = vector.broadcast %eq3A_150 : i32 to vector<2000xi32>
      %eq3A_152 = arith.cmpi eq, %get3A_107, %eq3A_151 : vector<2000xi32>
      %get3A_153 = arith.constant 4 : index
      %get3A_154 = memref.load %arg1[%get3A_153] : memref<200xi32, #tpu.memory_space<smem>>
      %jit3A_155 = arith.constant 0 : i32
      %broadcast_in_dim3A_156 = vector.broadcast %get3A_154 : i32 to vector<2000xi32>
      %broadcast_in_dim3A_157 = vector.broadcast %jit3A_155 : i32 to vector<2000xi32>
      %select_n3A_158 = arith.select %eq3A_152, %broadcast_in_dim3A_156, %broadcast_in_dim3A_157 : vector<2000xi1>, vector<2000xi32>
      %add3A_159 = arith.addi %add3A_149, %select_n3A_158 : vector<2000xi32>
      %eq3A_160 = arith.constant 5 : i32
      %eq3A_161 = vector.broadcast %eq3A_160 : i32 to vector<2000xi32>
      %eq3A_162 = arith.cmpi eq, %get3A_107, %eq3A_161 : vector<2000xi32>
      %get3A_163 = arith.constant 5 : index
      %get3A_164 = memref.load %arg1[%get3A_163] : memref<200xi32, #tpu.memory_space<smem>>
      %jit3A_165 = arith.constant 0 : i32
      %broadcast_in_dim3A_166 = vector.broadcast %get3A_164 : i32 to vector<2000xi32>
      %broadcast_in_dim3A_167 = vector.broadcast %jit3A_165 : i32 to vector<2000xi32>
      %select_n3A_168 = arith.select %eq3A_162, %broadcast_in_dim3A_166, %broadcast_in_dim3A_167 : vector<2000xi1>, vector<2000xi32>
      %add3A_169 = arith.addi %add3A_159, %select_n3A_168 : vector<2000xi32>
      %eq3A_170 = arith.constant 6 : i32
      %eq3A_171 = vector.broadcast %eq3A_170 : i32 to vector<2000xi32>
      %eq3A_172 = arith.cmpi eq, %get3A_107, %eq3A_171 : vector<2000xi32>
      %get3A_173 = arith.constant 6 : index
      %get3A_174 = memref.load %arg1[%get3A_173] : memref<200xi32, #tpu.memory_space<smem>>
      %jit3A_175 = arith.constant 0 : i32
      %broadcast_in_dim3A_176 = vector.broadcast %get3A_174 : i32 to vector<2000xi32>
      %broadcast_in_dim3A_177 = vector.broadcast %jit3A_175 : i32 to vector<2000xi32>
      %select_n3A_178 = arith.select %eq3A_172, %broadcast_in_dim3A_176, %broadcast_in_dim3A_177 : vector<2000xi1>, vector<2000xi32>
      %add3A_179 = arith.addi %add3A_169, %select_n3A_178 : vector<2000xi32>
      %eq3A_180 = arith.constant 7 : i32
      %eq3A_181 = vector.broadcast %eq3A_180 : i32 to vector<2000xi32>
      %eq3A_182 = arith.cmpi eq, %get3A_107, %eq3A_181 : vector<2000xi32>
      %get3A_183 = arith.constant 7 : index
      %get3A_184 = memref.load %arg1[%get3A_183] : memref<200xi32, #tpu.memory_space<smem>>
      %jit3A_185 = arith.constant 0 : i32
      %broadcast_in_dim3A_186 = vector.broadcast %get3A_184 : i32 to vector<2000xi32>
      %broadcast_in_dim3A_187 = vector.broadcast %jit3A_185 : i32 to vector<2000xi32>
      %select_n3A_188 = arith.select %eq3A_182, %broadcast_in_dim3A_186, %broadcast_in_dim3A_187 : vector<2000xi1>, vector<2000xi32>
      %add3A_189 = arith.addi %add3A_179, %select_n3A_188 : vector<2000xi32>
      %eq3A_190 = arith.constant 8 : i32
      %eq3A_191 = vector.broadcast %eq3A_190 : i32 to vector<2000xi32>
      %eq3A_192 = arith.cmpi eq, %get3A_107, %eq3A_191 : vector<2000xi32>
      %get3A_193 = arith.constant 8 : index
      %get3A_194 = memref.load %arg1[%get3A_193] : memref<200xi32, #tpu.memory_space<smem>>
      %jit3A_195 = arith.constant 0 : i32
      %broadcast_in_dim3A_196 = vector.broadcast %get3A_194 : i32 to vector<2000xi32>
      %broadcast_in_dim3A_197 = vector.broadcast %jit3A_195 : i32 to vector<2000xi32>
      %select_n3A_198 = arith.select %eq3A_192, %broadcast_in_dim3A_196, %broadcast_in_dim3A_197 : vector<2000xi1>, vector<2000xi32>
      %add3A_199 = arith.addi %add3A_189, %select_n3A_198 : vector<2000xi32>
      %eq3A_200 = arith.constant 9 : i32
      %eq3A_201 = vector.broadcast %eq3A_200 : i32 to vector<2000xi32>
      %eq3A_202 = arith.cmpi eq, %get3A_107, %eq3A_201 : vector<2000xi32>
      %get3A_203 = arith.constant 9 : index
      %get3A_204 = memref.load %arg1[%get3A_203] : memref<200xi32, #tpu.memory_space<smem>>
      %jit3A_205 = arith.constant 0 : i32
      %broadcast_in_dim3A_206 = vector.broadcast %get3A_204 : i32 to vector<2000xi32>
      %broadcast_in_dim3A_207 = vector.broadcast %jit3A_205 : i32 to vector<2000xi32>
      %select_n3A_208 = arith.select %eq3A_202, %broadcast_in_dim3A_206, %broadcast_in_dim3A_207 : vector<2000xi1>, vector<2000xi32>
      %add3A_209 = arith.addi %add3A_199, %select_n3A_208 : vector<2000xi32>
      %eq3A_210 = arith.constant 10 : i32
      %eq3A_211 = vector.broadcast %eq3A_210 : i32 to vector<2000xi32>
      %eq3A_212 = arith.cmpi eq, %get3A_107, %eq3A_211 : vector<2000xi32>
      %get3A_213 = arith.constant 10 : index
      %get3A_214 = memref.load %arg1[%get3A_213] : memref<200xi32, #tpu.memory_space<smem>>
      %jit3A_215 = arith.constant 0 : i32
      %broadcast_in_dim3A_216 = vector.broadcast %get3A_214 : i32 to vector<2000xi32>
      %broadcast_in_dim3A_217 = vector.broadcast %jit3A_215 : i32 to vector<2000xi32>
      %select_n3A_218 = arith.select %eq3A_212, %broadcast_in_dim3A_216, %broadcast_in_dim3A_217 : vector<2000xi1>, vector<2000xi32>
      %add3A_219 = arith.addi %add3A_209, %select_n3A_218 : vector<2000xi32>
      %eq3A_220 = arith.constant 11 : i32
      %eq3A_221 = vector.broadcast %eq3A_220 : i32 to vector<2000xi32>
      %eq3A_222 = arith.cmpi eq, %get3A_107, %eq3A_221 : vector<2000xi32>
      %get3A_223 = arith.constant 11 : index
      %get3A_224 = memref.load %arg1[%get3A_223] : memref<200xi32, #tpu.memory_space<smem>>
      %jit3A_225 = arith.constant 0 : i32
      %broadcast_in_dim3A_226 = vector.broadcast %get3A_224 : i32 to vector<2000xi32>
      %broadcast_in_dim3A_227 = vector.broadcast %jit3A_225 : i32 to vector<2000xi32>
      %select_n3A_228 = arith.select %eq3A_222, %broadcast_in_dim3A_226, %broadcast_in_dim3A_227 : vector<2000xi1>, vector<2000xi32>
      %add3A_229 = arith.addi %add3A_219, %select_n3A_228 : vector<2000xi32>
      %eq3A_230 = arith.constant 12 : i32
      %eq3A_231 = vector.broadcast %eq3A_230 : i32 to vector<2000xi32>
      %eq3A_232 = arith.cmpi eq, %get3A_107, %eq3A_231 : vector<2000xi32>
      %get3A_233 = arith.constant 12 : index
      %get3A_234 = memref.load %arg1[%get3A_233] : memref<200xi32, #tpu.memory_space<smem>>
      %jit3A_235 = arith.constant 0 : i32
      %broadcast_in_dim3A_236 = vector.broadcast %get3A_234 : i32 to vector<2000xi32>
      %broadcast_in_dim3A_237 = vector.broadcast %jit3A_235 : i32 to vector<2000xi32>
      %select_n3A_238 = arith.select %eq3A_232, %broadcast_in_dim3A_236, %broadcast_in_dim3A_237 : vector<2000xi1>, vector<2000xi32>
      %add3A_239 = arith.addi %add3A_229, %select_n3A_238 : vector<2000xi32>
      %eq3A_240 = arith.constant 13 : i32
      %eq3A_241 = vector.broadcast %eq3A_240 : i32 to vector<2000xi32>
      %eq3A_242 = arith.cmpi eq, %get3A_107, %eq3A_241 : vector<2000xi32>
      %get3A_243 = arith.constant 13 : index
      %get3A_244 = memref.load %arg1[%get3A_243] : memref<200xi32, #tpu.memory_space<smem>>
      %jit3A_245 = arith.constant 0 : i32
      %broadcast_in_dim3A_246 = vector.broadcast %get3A_244 : i32 to vector<2000xi32>
      %broadcast_in_dim3A_247 = vector.broadcast %jit3A_245 : i32 to vector<2000xi32>
      %select_n3A_248 = arith.select %eq3A_242, %broadcast_in_dim3A_246, %broadcast_in_dim3A_247 : vector<2000xi1>, vector<2000xi32>
      %add3A_249 = arith.addi %add3A_239, %select_n3A_248 : vector<2000xi32>
      %eq3A_250 = arith.constant 14 : i32
      %eq3A_251 = vector.broadcast %eq3A_250 : i32 to vector<2000xi32>
      %eq3A_252 = arith.cmpi eq, %get3A_107, %eq3A_251 : vector<2000xi32>
      %get3A_253 = arith.constant 14 : index
      %get3A_254 = memref.load %arg1[%get3A_253] : memref<200xi32, #tpu.memory_space<smem>>
      %jit3A_255 = arith.constant 0 : i32
      %broadcast_in_dim3A_256 = vector.broadcast %get3A_254 : i32 to vector<2000xi32>
      %broadcast_in_dim3A_257 = vector.broadcast %jit3A_255 : i32 to vector<2000xi32>
      %select_n3A_258 = arith.select %eq3A_252, %broadcast_in_dim3A_256, %broadcast_in_dim3A_257 : vector<2000xi1>, vector<2000xi32>
      %add3A_259 = arith.addi %add3A_249, %select_n3A_258 : vector<2000xi32>
      %eq3A_260 = arith.constant 15 : i32
      %eq3A_261 = vector.broadcast %eq3A_260 : i32 to vector<2000xi32>
      %eq3A_262 = arith.cmpi eq, %get3A_107, %eq3A_261 : vector<2000xi32>
      %get3A_263 = arith.constant 15 : index
      %get3A_264 = memref.load %arg1[%get3A_263] : memref<200xi32, #tpu.memory_space<smem>>
      %jit3A_265 = arith.constant 0 : i32
      %broadcast_in_dim3A_266 = vector.broadcast %get3A_264 : i32 to vector<2000xi32>
      %broadcast_in_dim3A_267 = vector.broadcast %jit3A_265 : i32 to vector<2000xi32>
      %select_n3A_268 = arith.select %eq3A_262, %broadcast_in_dim3A_266, %broadcast_in_dim3A_267 : vector<2000xi1>, vector<2000xi32>
      %add3A_269 = arith.addi %add3A_259, %select_n3A_268 : vector<2000xi32>
      %eq3A_270 = arith.constant 16 : i32
      %eq3A_271 = vector.broadcast %eq3A_270 : i32 to vector<2000xi32>
      %eq3A_272 = arith.cmpi eq, %get3A_107, %eq3A_271 : vector<2000xi32>
      %get3A_273 = arith.constant 16 : index
      %get3A_274 = memref.load %arg1[%get3A_273] : memref<200xi32, #tpu.memory_space<smem>>
      %jit3A_275 = arith.constant 0 : i32
      %broadcast_in_dim3A_276 = vector.broadcast %get3A_274 : i32 to vector<2000xi32>
      %broadcast_in_dim3A_277 = vector.broadcast %jit3A_275 : i32 to vector<2000xi32>
      %select_n3A_278 = arith.select %eq3A_272, %broadcast_in_dim3A_276, %broadcast_in_dim3A_277 : vector<2000xi1>, vector<2000xi32>
      %add3A_279 = arith.addi %add3A_269, %select_n3A_278 : vector<2000xi32>
      %eq3A_280 = arith.constant 17 : i32
      %eq3A_281 = vector.broadcast %eq3A_280 : i32 to vector<2000xi32>
      %eq3A_282 = arith.cmpi eq, %get3A_107, %eq3A_281 : vector<2000xi32>
      %get3A_283 = arith.constant 17 : index
      %get3A_284 = memref.load %arg1[%get3A_283] : memref<200xi32, #tpu.memory_space<smem>>
      %jit3A_285 = arith.constant 0 : i32
      %broadcast_in_dim3A_286 = vector.broadcast %get3A_284 : i32 to vector<2000xi32>
      %broadcast_in_dim3A_287 = vector.broadcast %jit3A_285 : i32 to vector<2000xi32>
      %select_n3A_288 = arith.select %eq3A_282, %broadcast_in_dim3A_286, %broadcast_in_dim3A_287 : vector<2000xi1>, vector<2000xi32>
      %add3A_289 = arith.addi %add3A_279, %select_n3A_288 : vector<2000xi32>
      %eq3A_290 = arith.constant 18 : i32
      %eq3A_291 = vector.broadcast %eq3A_290 : i32 to vector<2000xi32>
      %eq3A_292 = arith.cmpi eq, %get3A_107, %eq3A_291 : vector<2000xi32>
      %get3A_293 = arith.constant 18 : index
      %get3A_294 = memref.load %arg1[%get3A_293] : memref<200xi32, #tpu.memory_space<smem>>
      %jit3A_295 = arith.constant 0 : i32
      %broadcast_in_dim3A_296 = vector.broadcast %get3A_294 : i32 to vector<2000xi32>
      %broadcast_in_dim3A_297 = vector.broadcast %jit3A_295 : i32 to vector<2000xi32>
      %select_n3A_298 = arith.select %eq3A_292, %broadcast_in_dim3A_296, %broadcast_in_dim3A_297 : vector<2000xi1>, vector<2000xi32>
      %add3A_299 = arith.addi %add3A_289, %select_n3A_298 : vector<2000xi32>
      %eq3A_300 = arith.constant 19 : i32
      %eq3A_301 = vector.broadcast %eq3A_300 : i32 to vector<2000xi32>
      %eq3A_302 = arith.cmpi eq, %get3A_107, %eq3A_301 : vector<2000xi32>
      %get3A_303 = arith.constant 19 : index
      %get3A_304 = memref.load %arg1[%get3A_303] : memref<200xi32, #tpu.memory_space<smem>>
      %jit3A_305 = arith.constant 0 : i32
      %broadcast_in_dim3A_306 = vector.broadcast %get3A_304 : i32 to vector<2000xi32>
      %broadcast_in_dim3A_307 = vector.broadcast %jit3A_305 : i32 to vector<2000xi32>
      %select_n3A_308 = arith.select %eq3A_302, %broadcast_in_dim3A_306, %broadcast_in_dim3A_307 : vector<2000xi1>, vector<2000xi32>
      %add3A_309 = arith.addi %add3A_299, %select_n3A_308 : vector<2000xi32>
      %eq3A_310 = arith.constant 20 : i32
      %eq3A_311 = vector.broadcast %eq3A_310 : i32 to vector<2000xi32>
      %eq3A_312 = arith.cmpi eq, %get3A_107, %eq3A_311 : vector<2000xi32>
      %get3A_313 = arith.constant 20 : index
      %get3A_314 = memref.load %arg1[%get3A_313] : memref<200xi32, #tpu.memory_space<smem>>
      %jit3A_315 = arith.constant 0 : i32
      %broadcast_in_dim3A_316 = vector.broadcast %get3A_314 : i32 to vector<2000xi32>
      %broadcast_in_dim3A_317 = vector.broadcast %jit3A_315 : i32 to vector<2000xi32>
      %select_n3A_318 = arith.select %eq3A_312, %broadcast_in_dim3A_316, %broadcast_in_dim3A_317 : vector<2000xi1>, vector<2000xi32>
      %add3A_319 = arith.addi %add3A_309, %select_n3A_318 : vector<2000xi32>
      %eq3A_320 = arith.constant 21 : i32
      %eq3A_321 = vector.broadcast %eq3A_320 : i32 to vector<2000xi32>
      %eq3A_322 = arith.cmpi eq, %get3A_107, %eq3A_321 : vector<2000xi32>
      %get3A_323 = arith.constant 21 : index
      %get3A_324 = memref.load %arg1[%get3A_323] : memref<200xi32, #tpu.memory_space<smem>>
      %jit3A_325 = arith.constant 0 : i32
      %broadcast_in_dim3A_326 = vector.broadcast %get3A_324 : i32 to vector<2000xi32>
      %broadcast_in_dim3A_327 = vector.broadcast %jit3A_325 : i32 to vector<2000xi32>
      %select_n3A_328 = arith.select %eq3A_322, %broadcast_in_dim3A_326, %broadcast_in_dim3A_327 : vector<2000xi1>, vector<2000xi32>
      %add3A_329 = arith.addi %add3A_319, %select_n3A_328 : vector<2000xi32>
      %eq3A_330 = arith.constant 22 : i32
      %eq3A_331 = vector.broadcast %eq3A_330 : i32 to vector<2000xi32>
      %eq3A_332 = arith.cmpi eq, %get3A_107, %eq3A_331 : vector<2000xi32>
      %get3A_333 = arith.constant 22 : index
      %get3A_334 = memref.load %arg1[%get3A_333] : memref<200xi32, #tpu.memory_space<smem>>
      %jit3A_335 = arith.constant 0 : i32
      %broadcast_in_dim3A_336 = vector.broadcast %get3A_334 : i32 to vector<2000xi32>
      %broadcast_in_dim3A_337 = vector.broadcast %jit3A_335 : i32 to vector<2000xi32>
      %select_n3A_338 = arith.select %eq3A_332, %broadcast_in_dim3A_336, %broadcast_in_dim3A_337 : vector<2000xi1>, vector<2000xi32>
      %add3A_339 = arith.addi %add3A_329, %select_n3A_338 : vector<2000xi32>
      %eq3A_340 = arith.constant 23 : i32
      %eq3A_341 = vector.broadcast %eq3A_340 : i32 to vector<2000xi32>
      %eq3A_342 = arith.cmpi eq, %get3A_107, %eq3A_341 : vector<2000xi32>
      %get3A_343 = arith.constant 23 : index
      %get3A_344 = memref.load %arg1[%get3A_343] : memref<200xi32, #tpu.memory_space<smem>>
      %jit3A_345 = arith.constant 0 : i32
      %broadcast_in_dim3A_346 = vector.broadcast %get3A_344 : i32 to vector<2000xi32>
      %broadcast_in_dim3A_347 = vector.broadcast %jit3A_345 : i32 to vector<2000xi32>
      %select_n3A_348 = arith.select %eq3A_342, %broadcast_in_dim3A_346, %broadcast_in_dim3A_347 : vector<2000xi1>, vector<2000xi32>
      %add3A_349 = arith.addi %add3A_339, %select_n3A_348 : vector<2000xi32>
      %eq3A_350 = arith.constant 24 : i32
      %eq3A_351 = vector.broadcast %eq3A_350 : i32 to vector<2000xi32>
      %eq3A_352 = arith.cmpi eq, %get3A_107, %eq3A_351 : vector<2000xi32>
      %get3A_353 = arith.constant 24 : index
      %get3A_354 = memref.load %arg1[%get3A_353] : memref<200xi32, #tpu.memory_space<smem>>
      %jit3A_355 = arith.constant 0 : i32
      %broadcast_in_dim3A_356 = vector.broadcast %get3A_354 : i32 to vector<2000xi32>
      %broadcast_in_dim3A_357 = vector.broadcast %jit3A_355 : i32 to vector<2000xi32>
      %select_n3A_358 = arith.select %eq3A_352, %broadcast_in_dim3A_356, %broadcast_in_dim3A_357 : vector<2000xi1>, vector<2000xi32>
      %add3A_359 = arith.addi %add3A_349, %select_n3A_358 : vector<2000xi32>
      %eq3A_360 = arith.constant 25 : i32
      %eq3A_361 = vector.broadcast %eq3A_360 : i32 to vector<2000xi32>
      %eq3A_362 = arith.cmpi eq, %get3A_107, %eq3A_361 : vector<2000xi32>
      %get3A_363 = arith.constant 25 : index
      %get3A_364 = memref.load %arg1[%get3A_363] : memref<200xi32, #tpu.memory_space<smem>>
      %jit3A_365 = arith.constant 0 : i32
      %broadcast_in_dim3A_366 = vector.broadcast %get3A_364 : i32 to vector<2000xi32>
      %broadcast_in_dim3A_367 = vector.broadcast %jit3A_365 : i32 to vector<2000xi32>
      %select_n3A_368 = arith.select %eq3A_362, %broadcast_in_dim3A_366, %broadcast_in_dim3A_367 : vector<2000xi1>, vector<2000xi32>
      %add3A_369 = arith.addi %add3A_359, %select_n3A_368 : vector<2000xi32>
      %eq3A_370 = arith.constant 26 : i32
      %eq3A_371 = vector.broadcast %eq3A_370 : i32 to vector<2000xi32>
      %eq3A_372 = arith.cmpi eq, %get3A_107, %eq3A_371 : vector<2000xi32>
      %get3A_373 = arith.constant 26 : index
      %get3A_374 = memref.load %arg1[%get3A_373] : memref<200xi32, #tpu.memory_space<smem>>
      %jit3A_375 = arith.constant 0 : i32
      %broadcast_in_dim3A_376 = vector.broadcast %get3A_374 : i32 to vector<2000xi32>
      %broadcast_in_dim3A_377 = vector.broadcast %jit3A_375 : i32 to vector<2000xi32>
      %select_n3A_378 = arith.select %eq3A_372, %broadcast_in_dim3A_376, %broadcast_in_dim3A_377 : vector<2000xi1>, vector<2000xi32>
      %add3A_379 = arith.addi %add3A_369, %select_n3A_378 : vector<2000xi32>
      %eq3A_380 = arith.constant 27 : i32
      %eq3A_381 = vector.broadcast %eq3A_380 : i32 to vector<2000xi32>
      %eq3A_382 = arith.cmpi eq, %get3A_107, %eq3A_381 : vector<2000xi32>
      %get3A_383 = arith.constant 27 : index
      %get3A_384 = memref.load %arg1[%get3A_383] : memref<200xi32, #tpu.memory_space<smem>>
      %jit3A_385 = arith.constant 0 : i32
      %broadcast_in_dim3A_386 = vector.broadcast %get3A_384 : i32 to vector<2000xi32>
      %broadcast_in_dim3A_387 = vector.broadcast %jit3A_385 : i32 to vector<2000xi32>
      %select_n3A_388 = arith.select %eq3A_382, %broadcast_in_dim3A_386, %broadcast_in_dim3A_387 : vector<2000xi1>, vector<2000xi32>
      %add3A_389 = arith.addi %add3A_379, %select_n3A_388 : vector<2000xi32>
      %eq3A_390 = arith.constant 28 : i32
      %eq3A_391 = vector.broadcast %eq3A_390 : i32 to vector<2000xi32>
      %eq3A_392 = arith.cmpi eq, %get3A_107, %eq3A_391 : vector<2000xi32>
      %get3A_393 = arith.constant 28 : index
      %get3A_394 = memref.load %arg1[%get3A_393] : memref<200xi32, #tpu.memory_space<smem>>
      %jit3A_395 = arith.constant 0 : i32
      %broadcast_in_dim3A_396 = vector.broadcast %get3A_394 : i32 to vector<2000xi32>
      %broadcast_in_dim3A_397 = vector.broadcast %jit3A_395 : i32 to vector<2000xi32>
      %select_n3A_398 = arith.select %eq3A_392, %broadcast_in_dim3A_396, %broadcast_in_dim3A_397 : vector<2000xi1>, vector<2000xi32>
      %add3A_399 = arith.addi %add3A_389, %select_n3A_398 : vector<2000xi32>
      %eq3A_400 = arith.constant 29 : i32
      %eq3A_401 = vector.broadcast %eq3A_400 : i32 to vector<2000xi32>
      %eq3A_402 = arith.cmpi eq, %get3A_107, %eq3A_401 : vector<2000xi32>
      %get3A_403 = arith.constant 29 : index
      %get3A_404 = memref.load %arg1[%get3A_403] : memref<200xi32, #tpu.memory_space<smem>>
      %jit3A_405 = arith.constant 0 : i32
      %broadcast_in_dim3A_406 = vector.broadcast %get3A_404 : i32 to vector<2000xi32>
      %broadcast_in_dim3A_407 = vector.broadcast %jit3A_405 : i32 to vector<2000xi32>
      %select_n3A_408 = arith.select %eq3A_402, %broadcast_in_dim3A_406, %broadcast_in_dim3A_407 : vector<2000xi1>, vector<2000xi32>
      %add3A_409 = arith.addi %add3A_399, %select_n3A_408 : vector<2000xi32>
      %eq3A_410 = arith.constant 30 : i32
      %eq3A_411 = vector.broadcast %eq3A_410 : i32 to vector<2000xi32>
      %eq3A_412 = arith.cmpi eq, %get3A_107, %eq3A_411 : vector<2000xi32>
      %get3A_413 = arith.constant 30 : index
      %get3A_414 = memref.load %arg1[%get3A_413] : memref<200xi32, #tpu.memory_space<smem>>
      %jit3A_415 = arith.constant 0 : i32
      %broadcast_in_dim3A_416 = vector.broadcast %get3A_414 : i32 to vector<2000xi32>
      %broadcast_in_dim3A_417 = vector.broadcast %jit3A_415 : i32 to vector<2000xi32>
      %select_n3A_418 = arith.select %eq3A_412, %broadcast_in_dim3A_416, %broadcast_in_dim3A_417 : vector<2000xi1>, vector<2000xi32>
      %add3A_419 = arith.addi %add3A_409, %select_n3A_418 : vector<2000xi32>
      %eq3A_420 = arith.constant 31 : i32
      %eq3A_421 = vector.broadcast %eq3A_420 : i32 to vector<2000xi32>
      %eq3A_422 = arith.cmpi eq, %get3A_107, %eq3A_421 : vector<2000xi32>
      %get3A_423 = arith.constant 31 : index
      %get3A_424 = memref.load %arg1[%get3A_423] : memref<200xi32, #tpu.memory_space<smem>>
      %jit3A_425 = arith.constant 0 : i32
      %broadcast_in_dim3A_426 = vector.broadcast %get3A_424 : i32 to vector<2000xi32>
      %broadcast_in_dim3A_427 = vector.broadcast %jit3A_425 : i32 to vector<2000xi32>
      %select_n3A_428 = arith.select %eq3A_422, %broadcast_in_dim3A_426, %broadcast_in_dim3A_427 : vector<2000xi1>, vector<2000xi32>
      %add3A_429 = arith.addi %add3A_419, %select_n3A_428 : vector<2000xi32>
      %eq3A_430 = arith.constant 32 : i32
      %eq3A_431 = vector.broadcast %eq3A_430 : i32 to vector<2000xi32>
      %eq3A_432 = arith.cmpi eq, %get3A_107, %eq3A_431 : vector<2000xi32>
      %get3A_433 = arith.constant 32 : index
      %get3A_434 = memref.load %arg1[%get3A_433] : memref<200xi32, #tpu.memory_space<smem>>
      %jit3A_435 = arith.constant 0 : i32
      %broadcast_in_dim3A_436 = vector.broadcast %get3A_434 : i32 to vector<2000xi32>
      %broadcast_in_dim3A_437 = vector.broadcast %jit3A_435 : i32 to vector<2000xi32>
      %select_n3A_438 = arith.select %eq3A_432, %broadcast_in_dim3A_436, %broadcast_in_dim3A_437 : vector<2000xi1>, vector<2000xi32>
      %add3A_439 = arith.addi %add3A_429, %select_n3A_438 : vector<2000xi32>
      %eq3A_440 = arith.constant 33 : i32
      %eq3A_441 = vector.broadcast %eq3A_440 : i32 to vector<2000xi32>
      %eq3A_442 = arith.cmpi eq, %get3A_107, %eq3A_441 : vector<2000xi32>
      %get3A_443 = arith.constant 33 : index
      %get3A_444 = memref.load %arg1[%get3A_443] : memref<200xi32, #tpu.memory_space<smem>>
      %jit3A_445 = arith.constant 0 : i32
      %broadcast_in_dim3A_446 = vector.broadcast %get3A_444 : i32 to vector<2000xi32>
      %broadcast_in_dim3A_447 = vector.broadcast %jit3A_445 : i32 to vector<2000xi32>
      %select_n3A_448 = arith.select %eq3A_442, %broadcast_in_dim3A_446, %broadcast_in_dim3A_447 : vector<2000xi1>, vector<2000xi32>
      %add3A_449 = arith.addi %add3A_439, %select_n3A_448 : vector<2000xi32>
      %eq3A_450 = arith.constant 34 : i32
      %eq3A_451 = vector.broadcast %eq3A_450 : i32 to vector<2000xi32>
      %eq3A_452 = arith.cmpi eq, %get3A_107, %eq3A_451 : vector<2000xi32>
      %get3A_453 = arith.constant 34 : index
      %get3A_454 = memref.load %arg1[%get3A_453] : memref<200xi32, #tpu.memory_space<smem>>
      %jit3A_455 = arith.constant 0 : i32
      %broadcast_in_dim3A_456 = vector.broadcast %get3A_454 : i32 to vector<2000xi32>
      %broadcast_in_dim3A_457 = vector.broadcast %jit3A_455 : i32 to vector<2000xi32>
      %select_n3A_458 = arith.select %eq3A_452, %broadcast_in_dim3A_456, %broadcast_in_dim3A_457 : vector<2000xi1>, vector<2000xi32>
      %add3A_459 = arith.addi %add3A_449, %select_n3A_458 : vector<2000xi32>
      %eq3A_460 = arith.constant 35 : i32
      %eq3A_461 = vector.broadcast %eq3A_460 : i32 to vector<2000xi32>
      %eq3A_462 = arith.cmpi eq, %get3A_107, %eq3A_461 : vector<2000xi32>
      %get3A_463 = arith.constant 35 : index
      %get3A_464 = memref.load %arg1[%get3A_463] : memref<200xi32, #tpu.memory_space<smem>>
      %jit3A_465 = arith.constant 0 : i32
      %broadcast_in_dim3A_466 = vector.broadcast %get3A_464 : i32 to vector<2000xi32>
      %broadcast_in_dim3A_467 = vector.broadcast %jit3A_465 : i32 to vector<2000xi32>
      %select_n3A_468 = arith.select %eq3A_462, %broadcast_in_dim3A_466, %broadcast_in_dim3A_467 : vector<2000xi1>, vector<2000xi32>
      %add3A_469 = arith.addi %add3A_459, %select_n3A_468 : vector<2000xi32>
      %eq3A_470 = arith.constant 36 : i32
      %eq3A_471 = vector.broadcast %eq3A_470 : i32 to vector<2000xi32>
      %eq3A_472 = arith.cmpi eq, %get3A_107, %eq3A_471 : vector<2000xi32>
      %get3A_473 = arith.constant 36 : index
      %get3A_474 = memref.load %arg1[%get3A_473] : memref<200xi32, #tpu.memory_space<smem>>
      %jit3A_475 = arith.constant 0 : i32
      %broadcast_in_dim3A_476 = vector.broadcast %get3A_474 : i32 to vector<2000xi32>
      %broadcast_in_dim3A_477 = vector.broadcast %jit3A_475 : i32 to vector<2000xi32>
      %select_n3A_478 = arith.select %eq3A_472, %broadcast_in_dim3A_476, %broadcast_in_dim3A_477 : vector<2000xi1>, vector<2000xi32>
      %add3A_479 = arith.addi %add3A_469, %select_n3A_478 : vector<2000xi32>
      %eq3A_480 = arith.constant 37 : i32
      %eq3A_481 = vector.broadcast %eq3A_480 : i32 to vector<2000xi32>
      %eq3A_482 = arith.cmpi eq, %get3A_107, %eq3A_481 : vector<2000xi32>
      %get3A_483 = arith.constant 37 : index
      %get3A_484 = memref.load %arg1[%get3A_483] : memref<200xi32, #tpu.memory_space<smem>>
      %jit3A_485 = arith.constant 0 : i32
      %broadcast_in_dim3A_486 = vector.broadcast %get3A_484 : i32 to vector<2000xi32>
      %broadcast_in_dim3A_487 = vector.broadcast %jit3A_485 : i32 to vector<2000xi32>
      %select_n3A_488 = arith.select %eq3A_482, %broadcast_in_dim3A_486, %broadcast_in_dim3A_487 : vector<2000xi1>, vector<2000xi32>
      %add3A_489 = arith.addi %add3A_479, %select_n3A_488 : vector<2000xi32>
      %eq3A_490 = arith.constant 38 : i32
      %eq3A_491 = vector.broadcast %eq3A_490 : i32 to vector<2000xi32>
      %eq3A_492 = arith.cmpi eq, %get3A_107, %eq3A_491 : vector<2000xi32>
      %get3A_493 = arith.constant 38 : index
      %get3A_494 = memref.load %arg1[%get3A_493] : memref<200xi32, #tpu.memory_space<smem>>
      %jit3A_495 = arith.constant 0 : i32
      %broadcast_in_dim3A_496 = vector.broadcast %get3A_494 : i32 to vector<2000xi32>
      %broadcast_in_dim3A_497 = vector.broadcast %jit3A_495 : i32 to vector<2000xi32>
      %select_n3A_498 = arith.select %eq3A_492, %broadcast_in_dim3A_496, %broadcast_in_dim3A_497 : vector<2000xi1>, vector<2000xi32>
      %add3A_499 = arith.addi %add3A_489, %select_n3A_498 : vector<2000xi32>
      %eq3A_500 = arith.constant 39 : i32
      %eq3A_501 = vector.broadcast %eq3A_500 : i32 to vector<2000xi32>
      %eq3A_502 = arith.cmpi eq, %get3A_107, %eq3A_501 : vector<2000xi32>
      %get3A_503 = arith.constant 39 : index
      %get3A_504 = memref.load %arg1[%get3A_503] : memref<200xi32, #tpu.memory_space<smem>>
      %jit3A_505 = arith.constant 0 : i32
      %broadcast_in_dim3A_506 = vector.broadcast %get3A_504 : i32 to vector<2000xi32>
      %broadcast_in_dim3A_507 = vector.broadcast %jit3A_505 : i32 to vector<2000xi32>
      %select_n3A_508 = arith.select %eq3A_502, %broadcast_in_dim3A_506, %broadcast_in_dim3A_507 : vector<2000xi1>, vector<2000xi32>
      %add3A_509 = arith.addi %add3A_499, %select_n3A_508 : vector<2000xi32>
      %eq3A_510 = arith.constant 40 : i32
      %eq3A_511 = vector.broadcast %eq3A_510 : i32 to vector<2000xi32>
      %eq3A_512 = arith.cmpi eq, %get3A_107, %eq3A_511 : vector<2000xi32>
      %get3A_513 = arith.constant 40 : index
      %get3A_514 = memref.load %arg1[%get3A_513] : memref<200xi32, #tpu.memory_space<smem>>
      %jit3A_515 = arith.constant 0 : i32
      %broadcast_in_dim3A_516 = vector.broadcast %get3A_514 : i32 to vector<2000xi32>
      %broadcast_in_dim3A_517 = vector.broadcast %jit3A_515 : i32 to vector<2000xi32>
      %select_n3A_518 = arith.select %eq3A_512, %broadcast_in_dim3A_516, %broadcast_in_dim3A_517 : vector<2000xi1>, vector<2000xi32>
      %add3A_519 = arith.addi %add3A_509, %select_n3A_518 : vector<2000xi32>
      %eq3A_520 = arith.constant 41 : i32
      %eq3A_521 = vector.broadcast %eq3A_520 : i32 to vector<2000xi32>
      %eq3A_522 = arith.cmpi eq, %get3A_107, %eq3A_521 : vector<2000xi32>
      %get3A_523 = arith.constant 41 : index
      %get3A_524 = memref.load %arg1[%get3A_523] : memref<200xi32, #tpu.memory_space<smem>>
      %jit3A_525 = arith.constant 0 : i32
      %broadcast_in_dim3A_526 = vector.broadcast %get3A_524 : i32 to vector<2000xi32>
      %broadcast_in_dim3A_527 = vector.broadcast %jit3A_525 : i32 to vector<2000xi32>
      %select_n3A_528 = arith.select %eq3A_522, %broadcast_in_dim3A_526, %broadcast_in_dim3A_527 : vector<2000xi1>, vector<2000xi32>
      %add3A_529 = arith.addi %add3A_519, %select_n3A_528 : vector<2000xi32>
      %eq3A_530 = arith.constant 42 : i32
      %eq3A_531 = vector.broadcast %eq3A_530 : i32 to vector<2000xi32>
      %eq3A_532 = arith.cmpi eq, %get3A_107, %eq3A_531 : vector<2000xi32>
      %get3A_533 = arith.constant 42 : index
      %get3A_534 = memref.load %arg1[%get3A_533] : memref<200xi32, #tpu.memory_space<smem>>
      %jit3A_535 = arith.constant 0 : i32
      %broadcast_in_dim3A_536 = vector.broadcast %get3A_534 : i32 to vector<2000xi32>
      %broadcast_in_dim3A_537 = vector.broadcast %jit3A_535 : i32 to vector<2000xi32>
      %select_n3A_538 = arith.select %eq3A_532, %broadcast_in_dim3A_536, %broadcast_in_dim3A_537 : vector<2000xi1>, vector<2000xi32>
      %add3A_539 = arith.addi %add3A_529, %select_n3A_538 : vector<2000xi32>
      %eq3A_540 = arith.constant 43 : i32
      %eq3A_541 = vector.broadcast %eq3A_540 : i32 to vector<2000xi32>
      %eq3A_542 = arith.cmpi eq, %get3A_107, %eq3A_541 : vector<2000xi32>
      %get3A_543 = arith.constant 43 : index
      %get3A_544 = memref.load %arg1[%get3A_543] : memref<200xi32, #tpu.memory_space<smem>>
      %jit3A_545 = arith.constant 0 : i32
      %broadcast_in_dim3A_546 = vector.broadcast %get3A_544 : i32 to vector<2000xi32>
      %broadcast_in_dim3A_547 = vector.broadcast %jit3A_545 : i32 to vector<2000xi32>
      %select_n3A_548 = arith.select %eq3A_542, %broadcast_in_dim3A_546, %broadcast_in_dim3A_547 : vector<2000xi1>, vector<2000xi32>
      %add3A_549 = arith.addi %add3A_539, %select_n3A_548 : vector<2000xi32>
      %eq3A_550 = arith.constant 44 : i32
      %eq3A_551 = vector.broadcast %eq3A_550 : i32 to vector<2000xi32>
      %eq3A_552 = arith.cmpi eq, %get3A_107, %eq3A_551 : vector<2000xi32>
      %get3A_553 = arith.constant 44 : index
      %get3A_554 = memref.load %arg1[%get3A_553] : memref<200xi32, #tpu.memory_space<smem>>
      %jit3A_555 = arith.constant 0 : i32
      %broadcast_in_dim3A_556 = vector.broadcast %get3A_554 : i32 to vector<2000xi32>
      %broadcast_in_dim3A_557 = vector.broadcast %jit3A_555 : i32 to vector<2000xi32>
      %select_n3A_558 = arith.select %eq3A_552, %broadcast_in_dim3A_556, %broadcast_in_dim3A_557 : vector<2000xi1>, vector<2000xi32>
      %add3A_559 = arith.addi %add3A_549, %select_n3A_558 : vector<2000xi32>
      %eq3A_560 = arith.constant 45 : i32
      %eq3A_561 = vector.broadcast %eq3A_560 : i32 to vector<2000xi32>
      %eq3A_562 = arith.cmpi eq, %get3A_107, %eq3A_561 : vector<2000xi32>
      %get3A_563 = arith.constant 45 : index
      %get3A_564 = memref.load %arg1[%get3A_563] : memref<200xi32, #tpu.memory_space<smem>>
      %jit3A_565 = arith.constant 0 : i32
      %broadcast_in_dim3A_566 = vector.broadcast %get3A_564 : i32 to vector<2000xi32>
      %broadcast_in_dim3A_567 = vector.broadcast %jit3A_565 : i32 to vector<2000xi32>
      %select_n3A_568 = arith.select %eq3A_562, %broadcast_in_dim3A_566, %broadcast_in_dim3A_567 : vector<2000xi1>, vector<2000xi32>
      %add3A_569 = arith.addi %add3A_559, %select_n3A_568 : vector<2000xi32>
      %eq3A_570 = arith.constant 46 : i32
      %eq3A_571 = vector.broadcast %eq3A_570 : i32 to vector<2000xi32>
      %eq3A_572 = arith.cmpi eq, %get3A_107, %eq3A_571 : vector<2000xi32>
      %get3A_573 = arith.constant 46 : index
      %get3A_574 = memref.load %arg1[%get3A_573] : memref<200xi32, #tpu.memory_space<smem>>
      %jit3A_575 = arith.constant 0 : i32
      %broadcast_in_dim3A_576 = vector.broadcast %get3A_574 : i32 to vector<2000xi32>
      %broadcast_in_dim3A_577 = vector.broadcast %jit3A_575 : i32 to vector<2000xi32>
      %select_n3A_578 = arith.select %eq3A_572, %broadcast_in_dim3A_576, %broadcast_in_dim3A_577 : vector<2000xi1>, vector<2000xi32>
      %add3A_579 = arith.addi %add3A_569, %select_n3A_578 : vector<2000xi32>
      %eq3A_580 = arith.constant 47 : i32
      %eq3A_581 = vector.broadcast %eq3A_580 : i32 to vector<2000xi32>
      %eq3A_582 = arith.cmpi eq, %get3A_107, %eq3A_581 : vector<2000xi32>
      %get3A_583 = arith.constant 47 : index
      %get3A_584 = memref.load %arg1[%get3A_583] : memref<200xi32, #tpu.memory_space<smem>>
      %jit3A_585 = arith.constant 0 : i32
      %broadcast_in_dim3A_586 = vector.broadcast %get3A_584 : i32 to vector<2000xi32>
      %broadcast_in_dim3A_587 = vector.broadcast %jit3A_585 : i32 to vector<2000xi32>
      %select_n3A_588 = arith.select %eq3A_582, %broadcast_in_dim3A_586, %broadcast_in_dim3A_587 : vector<2000xi1>, vector<2000xi32>
      %add3A_589 = arith.addi %add3A_579, %select_n3A_588 : vector<2000xi32>
      %eq3A_590 = arith.constant 48 : i32
      %eq3A_591 = vector.broadcast %eq3A_590 : i32 to vector<2000xi32>
      %eq3A_592 = arith.cmpi eq, %get3A_107, %eq3A_591 : vector<2000xi32>
      %get3A_593 = arith.constant 48 : index
      %get3A_594 = memref.load %arg1[%get3A_593] : memref<200xi32, #tpu.memory_space<smem>>
      %jit3A_595 = arith.constant 0 : i32
      %broadcast_in_dim3A_596 = vector.broadcast %get3A_594 : i32 to vector<2000xi32>
      %broadcast_in_dim3A_597 = vector.broadcast %jit3A_595 : i32 to vector<2000xi32>
      %select_n3A_598 = arith.select %eq3A_592, %broadcast_in_dim3A_596, %broadcast_in_dim3A_597 : vector<2000xi1>, vector<2000xi32>
      %add3A_599 = arith.addi %add3A_589, %select_n3A_598 : vector<2000xi32>
      %eq3A_600 = arith.constant 49 : i32
      %eq3A_601 = vector.broadcast %eq3A_600 : i32 to vector<2000xi32>
      %eq3A_602 = arith.cmpi eq, %get3A_107, %eq3A_601 : vector<2000xi32>
      %get3A_603 = arith.constant 49 : index
      %get3A_604 = memref.load %arg1[%get3A_603] : memref<200xi32, #tpu.memory_space<smem>>
      %jit3A_605 = arith.constant 0 : i32
      %broadcast_in_dim3A_606 = vector.broadcast %get3A_604 : i32 to vector<2000xi32>
      %broadcast_in_dim3A_607 = vector.broadcast %jit3A_605 : i32 to vector<2000xi32>
      %select_n3A_608 = arith.select %eq3A_602, %broadcast_in_dim3A_606, %broadcast_in_dim3A_607 : vector<2000xi1>, vector<2000xi32>
      %add3A_609 = arith.addi %add3A_599, %select_n3A_608 : vector<2000xi32>
      %eq3A_610 = arith.constant 50 : i32
      %eq3A_611 = vector.broadcast %eq3A_610 : i32 to vector<2000xi32>
      %eq3A_612 = arith.cmpi eq, %get3A_107, %eq3A_611 : vector<2000xi32>
      %get3A_613 = arith.constant 50 : index
      %get3A_614 = memref.load %arg1[%get3A_613] : memref<200xi32, #tpu.memory_space<smem>>
      %jit3A_615 = arith.constant 0 : i32
      %broadcast_in_dim3A_616 = vector.broadcast %get3A_614 : i32 to vector<2000xi32>
      %broadcast_in_dim3A_617 = vector.broadcast %jit3A_615 : i32 to vector<2000xi32>
      %select_n3A_618 = arith.select %eq3A_612, %broadcast_in_dim3A_616, %broadcast_in_dim3A_617 : vector<2000xi1>, vector<2000xi32>
      %add3A_619 = arith.addi %add3A_609, %select_n3A_618 : vector<2000xi32>
      %eq3A_620 = arith.constant 51 : i32
      %eq3A_621 = vector.broadcast %eq3A_620 : i32 to vector<2000xi32>
      %eq3A_622 = arith.cmpi eq, %get3A_107, %eq3A_621 : vector<2000xi32>
      %get3A_623 = arith.constant 51 : index
      %get3A_624 = memref.load %arg1[%get3A_623] : memref<200xi32, #tpu.memory_space<smem>>
      %jit3A_625 = arith.constant 0 : i32
      %broadcast_in_dim3A_626 = vector.broadcast %get3A_624 : i32 to vector<2000xi32>
      %broadcast_in_dim3A_627 = vector.broadcast %jit3A_625 : i32 to vector<2000xi32>
      %select_n3A_628 = arith.select %eq3A_622, %broadcast_in_dim3A_626, %broadcast_in_dim3A_627 : vector<2000xi1>, vector<2000xi32>
      %add3A_629 = arith.addi %add3A_619, %select_n3A_628 : vector<2000xi32>
      %eq3A_630 = arith.constant 52 : i32
      %eq3A_631 = vector.broadcast %eq3A_630 : i32 to vector<2000xi32>
      %eq3A_632 = arith.cmpi eq, %get3A_107, %eq3A_631 : vector<2000xi32>
      %get3A_633 = arith.constant 52 : index
      %get3A_634 = memref.load %arg1[%get3A_633] : memref<200xi32, #tpu.memory_space<smem>>
      %jit3A_635 = arith.constant 0 : i32
      %broadcast_in_dim3A_636 = vector.broadcast %get3A_634 : i32 to vector<2000xi32>
      %broadcast_in_dim3A_637 = vector.broadcast %jit3A_635 : i32 to vector<2000xi32>
      %select_n3A_638 = arith.select %eq3A_632, %broadcast_in_dim3A_636, %broadcast_in_dim3A_637 : vector<2000xi1>, vector<2000xi32>
      %add3A_639 = arith.addi %add3A_629, %select_n3A_638 : vector<2000xi32>
      %eq3A_640 = arith.constant 53 : i32
      %eq3A_641 = vector.broadcast %eq3A_640 : i32 to vector<2000xi32>
      %eq3A_642 = arith.cmpi eq, %get3A_107, %eq3A_641 : vector<2000xi32>
      %get3A_643 = arith.constant 53 : index
      %get3A_644 = memref.load %arg1[%get3A_643] : memref<200xi32, #tpu.memory_space<smem>>
      %jit3A_645 = arith.constant 0 : i32
      %broadcast_in_dim3A_646 = vector.broadcast %get3A_644 : i32 to vector<2000xi32>
      %broadcast_in_dim3A_647 = vector.broadcast %jit3A_645 : i32 to vector<2000xi32>
      %select_n3A_648 = arith.select %eq3A_642, %broadcast_in_dim3A_646, %broadcast_in_dim3A_647 : vector<2000xi1>, vector<2000xi32>
      %add3A_649 = arith.addi %add3A_639, %select_n3A_648 : vector<2000xi32>
      %eq3A_650 = arith.constant 54 : i32
      %eq3A_651 = vector.broadcast %eq3A_650 : i32 to vector<2000xi32>
      %eq3A_652 = arith.cmpi eq, %get3A_107, %eq3A_651 : vector<2000xi32>
      %get3A_653 = arith.constant 54 : index
      %get3A_654 = memref.load %arg1[%get3A_653] : memref<200xi32, #tpu.memory_space<smem>>
      %jit3A_655 = arith.constant 0 : i32
      %broadcast_in_dim3A_656 = vector.broadcast %get3A_654 : i32 to vector<2000xi32>
      %broadcast_in_dim3A_657 = vector.broadcast %jit3A_655 : i32 to vector<2000xi32>
      %select_n3A_658 = arith.select %eq3A_652, %broadcast_in_dim3A_656, %broadcast_in_dim3A_657 : vector<2000xi1>, vector<2000xi32>
      %add3A_659 = arith.addi %add3A_649, %select_n3A_658 : vector<2000xi32>
      %eq3A_660 = arith.constant 55 : i32
      %eq3A_661 = vector.broadcast %eq3A_660 : i32 to vector<2000xi32>
      %eq3A_662 = arith.cmpi eq, %get3A_107, %eq3A_661 : vector<2000xi32>
      %get3A_663 = arith.constant 55 : index
      %get3A_664 = memref.load %arg1[%get3A_663] : memref<200xi32, #tpu.memory_space<smem>>
      %jit3A_665 = arith.constant 0 : i32
      %broadcast_in_dim3A_666 = vector.broadcast %get3A_664 : i32 to vector<2000xi32>
      %broadcast_in_dim3A_667 = vector.broadcast %jit3A_665 : i32 to vector<2000xi32>
      %select_n3A_668 = arith.select %eq3A_662, %broadcast_in_dim3A_666, %broadcast_in_dim3A_667 : vector<2000xi1>, vector<2000xi32>
      %add3A_669 = arith.addi %add3A_659, %select_n3A_668 : vector<2000xi32>
      %eq3A_670 = arith.constant 56 : i32
      %eq3A_671 = vector.broadcast %eq3A_670 : i32 to vector<2000xi32>
      %eq3A_672 = arith.cmpi eq, %get3A_107, %eq3A_671 : vector<2000xi32>
      %get3A_673 = arith.constant 56 : index
      %get3A_674 = memref.load %arg1[%get3A_673] : memref<200xi32, #tpu.memory_space<smem>>
      %jit3A_675 = arith.constant 0 : i32
      %broadcast_in_dim3A_676 = vector.broadcast %get3A_674 : i32 to vector<2000xi32>
      %broadcast_in_dim3A_677 = vector.broadcast %jit3A_675 : i32 to vector<2000xi32>
      %select_n3A_678 = arith.select %eq3A_672, %broadcast_in_dim3A_676, %broadcast_in_dim3A_677 : vector<2000xi1>, vector<2000xi32>
      %add3A_679 = arith.addi %add3A_669, %select_n3A_678 : vector<2000xi32>
      %eq3A_680 = arith.constant 57 : i32
      %eq3A_681 = vector.broadcast %eq3A_680 : i32 to vector<2000xi32>
      %eq3A_682 = arith.cmpi eq, %get3A_107, %eq3A_681 : vector<2000xi32>
      %get3A_683 = arith.constant 57 : index
      %get3A_684 = memref.load %arg1[%get3A_683] : memref<200xi32, #tpu.memory_space<smem>>
      %jit3A_685 = arith.constant 0 : i32
      %broadcast_in_dim3A_686 = vector.broadcast %get3A_684 : i32 to vector<2000xi32>
      %broadcast_in_dim3A_687 = vector.broadcast %jit3A_685 : i32 to vector<2000xi32>
      %select_n3A_688 = arith.select %eq3A_682, %broadcast_in_dim3A_686, %broadcast_in_dim3A_687 : vector<2000xi1>, vector<2000xi32>
      %add3A_689 = arith.addi %add3A_679, %select_n3A_688 : vector<2000xi32>
      %eq3A_690 = arith.constant 58 : i32
      %eq3A_691 = vector.broadcast %eq3A_690 : i32 to vector<2000xi32>
      %eq3A_692 = arith.cmpi eq, %get3A_107, %eq3A_691 : vector<2000xi32>
      %get3A_693 = arith.constant 58 : index
      %get3A_694 = memref.load %arg1[%get3A_693] : memref<200xi32, #tpu.memory_space<smem>>
      %jit3A_695 = arith.constant 0 : i32
      %broadcast_in_dim3A_696 = vector.broadcast %get3A_694 : i32 to vector<2000xi32>
      %broadcast_in_dim3A_697 = vector.broadcast %jit3A_695 : i32 to vector<2000xi32>
      %select_n3A_698 = arith.select %eq3A_692, %broadcast_in_dim3A_696, %broadcast_in_dim3A_697 : vector<2000xi1>, vector<2000xi32>
      %add3A_699 = arith.addi %add3A_689, %select_n3A_698 : vector<2000xi32>
      %eq3A_700 = arith.constant 59 : i32
      %eq3A_701 = vector.broadcast %eq3A_700 : i32 to vector<2000xi32>
      %eq3A_702 = arith.cmpi eq, %get3A_107, %eq3A_701 : vector<2000xi32>
      %get3A_703 = arith.constant 59 : index
      %get3A_704 = memref.load %arg1[%get3A_703] : memref<200xi32, #tpu.memory_space<smem>>
      %jit3A_705 = arith.constant 0 : i32
      %broadcast_in_dim3A_706 = vector.broadcast %get3A_704 : i32 to vector<2000xi32>
      %broadcast_in_dim3A_707 = vector.broadcast %jit3A_705 : i32 to vector<2000xi32>
      %select_n3A_708 = arith.select %eq3A_702, %broadcast_in_dim3A_706, %broadcast_in_dim3A_707 : vector<2000xi1>, vector<2000xi32>
      %add3A_709 = arith.addi %add3A_699, %select_n3A_708 : vector<2000xi32>
      %eq3A_710 = arith.constant 60 : i32
      %eq3A_711 = vector.broadcast %eq3A_710 : i32 to vector<2000xi32>
      %eq3A_712 = arith.cmpi eq, %get3A_107, %eq3A_711 : vector<2000xi32>
      %get3A_713 = arith.constant 60 : index
      %get3A_714 = memref.load %arg1[%get3A_713] : memref<200xi32, #tpu.memory_space<smem>>
      %jit3A_715 = arith.constant 0 : i32
      %broadcast_in_dim3A_716 = vector.broadcast %get3A_714 : i32 to vector<2000xi32>
      %broadcast_in_dim3A_717 = vector.broadcast %jit3A_715 : i32 to vector<2000xi32>
      %select_n3A_718 = arith.select %eq3A_712, %broadcast_in_dim3A_716, %broadcast_in_dim3A_717 : vector<2000xi1>, vector<2000xi32>
      %add3A_719 = arith.addi %add3A_709, %select_n3A_718 : vector<2000xi32>
      %eq3A_720 = arith.constant 61 : i32
      %eq3A_721 = vector.broadcast %eq3A_720 : i32 to vector<2000xi32>
      %eq3A_722 = arith.cmpi eq, %get3A_107, %eq3A_721 : vector<2000xi32>
      %get3A_723 = arith.constant 61 : index
      %get3A_724 = memref.load %arg1[%get3A_723] : memref<200xi32, #tpu.memory_space<smem>>
      %jit3A_725 = arith.constant 0 : i32
      %broadcast_in_dim3A_726 = vector.broadcast %get3A_724 : i32 to vector<2000xi32>
      %broadcast_in_dim3A_727 = vector.broadcast %jit3A_725 : i32 to vector<2000xi32>
      %select_n3A_728 = arith.select %eq3A_722, %broadcast_in_dim3A_726, %broadcast_in_dim3A_727 : vector<2000xi1>, vector<2000xi32>
      %add3A_729 = arith.addi %add3A_719, %select_n3A_728 : vector<2000xi32>
      %eq3A_730 = arith.constant 62 : i32
      %eq3A_731 = vector.broadcast %eq3A_730 : i32 to vector<2000xi32>
      %eq3A_732 = arith.cmpi eq, %get3A_107, %eq3A_731 : vector<2000xi32>
      %get3A_733 = arith.constant 62 : index
      %get3A_734 = memref.load %arg1[%get3A_733] : memref<200xi32, #tpu.memory_space<smem>>
      %jit3A_735 = arith.constant 0 : i32
      %broadcast_in_dim3A_736 = vector.broadcast %get3A_734 : i32 to vector<2000xi32>
      %broadcast_in_dim3A_737 = vector.broadcast %jit3A_735 : i32 to vector<2000xi32>
      %select_n3A_738 = arith.select %eq3A_732, %broadcast_in_dim3A_736, %broadcast_in_dim3A_737 : vector<2000xi1>, vector<2000xi32>
      %add3A_739 = arith.addi %add3A_729, %select_n3A_738 : vector<2000xi32>
      %eq3A_740 = arith.constant 63 : i32
      %eq3A_741 = vector.broadcast %eq3A_740 : i32 to vector<2000xi32>
      %eq3A_742 = arith.cmpi eq, %get3A_107, %eq3A_741 : vector<2000xi32>
      %get3A_743 = arith.constant 63 : index
      %get3A_744 = memref.load %arg1[%get3A_743] : memref<200xi32, #tpu.memory_space<smem>>
      %jit3A_745 = arith.constant 0 : i32
      %broadcast_in_dim3A_746 = vector.broadcast %get3A_744 : i32 to vector<2000xi32>
      %broadcast_in_dim3A_747 = vector.broadcast %jit3A_745 : i32 to vector<2000xi32>
      %select_n3A_748 = arith.select %eq3A_742, %broadcast_in_dim3A_746, %broadcast_in_dim3A_747 : vector<2000xi1>, vector<2000xi32>
      %add3A_749 = arith.addi %add3A_739, %select_n3A_748 : vector<2000xi32>
      %eq3A_750 = arith.constant 64 : i32
      %eq3A_751 = vector.broadcast %eq3A_750 : i32 to vector<2000xi32>
      %eq3A_752 = arith.cmpi eq, %get3A_107, %eq3A_751 : vector<2000xi32>
      %get3A_753 = arith.constant 64 : index
      %get3A_754 = memref.load %arg1[%get3A_753] : memref<200xi32, #tpu.memory_space<smem>>
      %jit3A_755 = arith.constant 0 : i32
      %broadcast_in_dim3A_756 = vector.broadcast %get3A_754 : i32 to vector<2000xi32>
      %broadcast_in_dim3A_757 = vector.broadcast %jit3A_755 : i32 to vector<2000xi32>
      %select_n3A_758 = arith.select %eq3A_752, %broadcast_in_dim3A_756, %broadcast_in_dim3A_757 : vector<2000xi1>, vector<2000xi32>
      %add3A_759 = arith.addi %add3A_749, %select_n3A_758 : vector<2000xi32>
      %eq3A_760 = arith.constant 65 : i32
      %eq3A_761 = vector.broadcast %eq3A_760 : i32 to vector<2000xi32>
      %eq3A_762 = arith.cmpi eq, %get3A_107, %eq3A_761 : vector<2000xi32>
      %get3A_763 = arith.constant 65 : index
      %get3A_764 = memref.load %arg1[%get3A_763] : memref<200xi32, #tpu.memory_space<smem>>
      %jit3A_765 = arith.constant 0 : i32
      %broadcast_in_dim3A_766 = vector.broadcast %get3A_764 : i32 to vector<2000xi32>
      %broadcast_in_dim3A_767 = vector.broadcast %jit3A_765 : i32 to vector<2000xi32>
      %select_n3A_768 = arith.select %eq3A_762, %broadcast_in_dim3A_766, %broadcast_in_dim3A_767 : vector<2000xi1>, vector<2000xi32>
      %add3A_769 = arith.addi %add3A_759, %select_n3A_768 : vector<2000xi32>
      %eq3A_770 = arith.constant 66 : i32
      %eq3A_771 = vector.broadcast %eq3A_770 : i32 to vector<2000xi32>
      %eq3A_772 = arith.cmpi eq, %get3A_107, %eq3A_771 : vector<2000xi32>
      %get3A_773 = arith.constant 66 : index
      %get3A_774 = memref.load %arg1[%get3A_773] : memref<200xi32, #tpu.memory_space<smem>>
      %jit3A_775 = arith.constant 0 : i32
      %broadcast_in_dim3A_776 = vector.broadcast %get3A_774 : i32 to vector<2000xi32>
      %broadcast_in_dim3A_777 = vector.broadcast %jit3A_775 : i32 to vector<2000xi32>
      %select_n3A_778 = arith.select %eq3A_772, %broadcast_in_dim3A_776, %broadcast_in_dim3A_777 : vector<2000xi1>, vector<2000xi32>
      %add3A_779 = arith.addi %add3A_769, %select_n3A_778 : vector<2000xi32>
      %eq3A_780 = arith.constant 67 : i32
      %eq3A_781 = vector.broadcast %eq3A_780 : i32 to vector<2000xi32>
      %eq3A_782 = arith.cmpi eq, %get3A_107, %eq3A_781 : vector<2000xi32>
      %get3A_783 = arith.constant 67 : index
      %get3A_784 = memref.load %arg1[%get3A_783] : memref<200xi32, #tpu.memory_space<smem>>
      %jit3A_785 = arith.constant 0 : i32
      %broadcast_in_dim3A_786 = vector.broadcast %get3A_784 : i32 to vector<2000xi32>
      %broadcast_in_dim3A_787 = vector.broadcast %jit3A_785 : i32 to vector<2000xi32>
      %select_n3A_788 = arith.select %eq3A_782, %broadcast_in_dim3A_786, %broadcast_in_dim3A_787 : vector<2000xi1>, vector<2000xi32>
      %add3A_789 = arith.addi %add3A_779, %select_n3A_788 : vector<2000xi32>
      %eq3A_790 = arith.constant 68 : i32
      %eq3A_791 = vector.broadcast %eq3A_790 : i32 to vector<2000xi32>
      %eq3A_792 = arith.cmpi eq, %get3A_107, %eq3A_791 : vector<2000xi32>
      %get3A_793 = arith.constant 68 : index
      %get3A_794 = memref.load %arg1[%get3A_793] : memref<200xi32, #tpu.memory_space<smem>>
      %jit3A_795 = arith.constant 0 : i32
      %broadcast_in_dim3A_796 = vector.broadcast %get3A_794 : i32 to vector<2000xi32>
      %broadcast_in_dim3A_797 = vector.broadcast %jit3A_795 : i32 to vector<2000xi32>
      %select_n3A_798 = arith.select %eq3A_792, %broadcast_in_dim3A_796, %broadcast_in_dim3A_797 : vector<2000xi1>, vector<2000xi32>
      %add3A_799 = arith.addi %add3A_789, %select_n3A_798 : vector<2000xi32>
      %eq3A_800 = arith.constant 69 : i32
      %eq3A_801 = vector.broadcast %eq3A_800 : i32 to vector<2000xi32>
      %eq3A_802 = arith.cmpi eq, %get3A_107, %eq3A_801 : vector<2000xi32>
      %get3A_803 = arith.constant 69 : index
      %get3A_804 = memref.load %arg1[%get3A_803] : memref<200xi32, #tpu.memory_space<smem>>
      %jit3A_805 = arith.constant 0 : i32
      %broadcast_in_dim3A_806 = vector.broadcast %get3A_804 : i32 to vector<2000xi32>
      %broadcast_in_dim3A_807 = vector.broadcast %jit3A_805 : i32 to vector<2000xi32>
      %select_n3A_808 = arith.select %eq3A_802, %broadcast_in_dim3A_806, %broadcast_in_dim3A_807 : vector<2000xi1>, vector<2000xi32>
      %add3A_809 = arith.addi %add3A_799, %select_n3A_808 : vector<2000xi32>
      %eq3A_810 = arith.constant 70 : i32
      %eq3A_811 = vector.broadcast %eq3A_810 : i32 to vector<2000xi32>
      %eq3A_812 = arith.cmpi eq, %get3A_107, %eq3A_811 : vector<2000xi32>
      %get3A_813 = arith.constant 70 : index
      %get3A_814 = memref.load %arg1[%get3A_813] : memref<200xi32, #tpu.memory_space<smem>>
      %jit3A_815 = arith.constant 0 : i32
      %broadcast_in_dim3A_816 = vector.broadcast %get3A_814 : i32 to vector<2000xi32>
      %broadcast_in_dim3A_817 = vector.broadcast %jit3A_815 : i32 to vector<2000xi32>
      %select_n3A_818 = arith.select %eq3A_812, %broadcast_in_dim3A_816, %broadcast_in_dim3A_817 : vector<2000xi1>, vector<2000xi32>
      %add3A_819 = arith.addi %add3A_809, %select_n3A_818 : vector<2000xi32>
      %eq3A_820 = arith.constant 71 : i32
      %eq3A_821 = vector.broadcast %eq3A_820 : i32 to vector<2000xi32>
      %eq3A_822 = arith.cmpi eq, %get3A_107, %eq3A_821 : vector<2000xi32>
      %get3A_823 = arith.constant 71 : index
      %get3A_824 = memref.load %arg1[%get3A_823] : memref<200xi32, #tpu.memory_space<smem>>
      %jit3A_825 = arith.constant 0 : i32
      %broadcast_in_dim3A_826 = vector.broadcast %get3A_824 : i32 to vector<2000xi32>
      %broadcast_in_dim3A_827 = vector.broadcast %jit3A_825 : i32 to vector<2000xi32>
      %select_n3A_828 = arith.select %eq3A_822, %broadcast_in_dim3A_826, %broadcast_in_dim3A_827 : vector<2000xi1>, vector<2000xi32>
      %add3A_829 = arith.addi %add3A_819, %select_n3A_828 : vector<2000xi32>
      %eq3A_830 = arith.constant 72 : i32
      %eq3A_831 = vector.broadcast %eq3A_830 : i32 to vector<2000xi32>
      %eq3A_832 = arith.cmpi eq, %get3A_107, %eq3A_831 : vector<2000xi32>
      %get3A_833 = arith.constant 72 : index
      %get3A_834 = memref.load %arg1[%get3A_833] : memref<200xi32, #tpu.memory_space<smem>>
      %jit3A_835 = arith.constant 0 : i32
      %broadcast_in_dim3A_836 = vector.broadcast %get3A_834 : i32 to vector<2000xi32>
      %broadcast_in_dim3A_837 = vector.broadcast %jit3A_835 : i32 to vector<2000xi32>
      %select_n3A_838 = arith.select %eq3A_832, %broadcast_in_dim3A_836, %broadcast_in_dim3A_837 : vector<2000xi1>, vector<2000xi32>
      %add3A_839 = arith.addi %add3A_829, %select_n3A_838 : vector<2000xi32>
      %eq3A_840 = arith.constant 73 : i32
      %eq3A_841 = vector.broadcast %eq3A_840 : i32 to vector<2000xi32>
      %eq3A_842 = arith.cmpi eq, %get3A_107, %eq3A_841 : vector<2000xi32>
      %get3A_843 = arith.constant 73 : index
      %get3A_844 = memref.load %arg1[%get3A_843] : memref<200xi32, #tpu.memory_space<smem>>
      %jit3A_845 = arith.constant 0 : i32
      %broadcast_in_dim3A_846 = vector.broadcast %get3A_844 : i32 to vector<2000xi32>
      %broadcast_in_dim3A_847 = vector.broadcast %jit3A_845 : i32 to vector<2000xi32>
      %select_n3A_848 = arith.select %eq3A_842, %broadcast_in_dim3A_846, %broadcast_in_dim3A_847 : vector<2000xi1>, vector<2000xi32>
      %add3A_849 = arith.addi %add3A_839, %select_n3A_848 : vector<2000xi32>
      %eq3A_850 = arith.constant 74 : i32
      %eq3A_851 = vector.broadcast %eq3A_850 : i32 to vector<2000xi32>
      %eq3A_852 = arith.cmpi eq, %get3A_107, %eq3A_851 : vector<2000xi32>
      %get3A_853 = arith.constant 74 : index
      %get3A_854 = memref.load %arg1[%get3A_853] : memref<200xi32, #tpu.memory_space<smem>>
      %jit3A_855 = arith.constant 0 : i32
      %broadcast_in_dim3A_856 = vector.broadcast %get3A_854 : i32 to vector<2000xi32>
      %broadcast_in_dim3A_857 = vector.broadcast %jit3A_855 : i32 to vector<2000xi32>
      %select_n3A_858 = arith.select %eq3A_852, %broadcast_in_dim3A_856, %broadcast_in_dim3A_857 : vector<2000xi1>, vector<2000xi32>
      %add3A_859 = arith.addi %add3A_849, %select_n3A_858 : vector<2000xi32>
      %eq3A_860 = arith.constant 75 : i32
      %eq3A_861 = vector.broadcast %eq3A_860 : i32 to vector<2000xi32>
      %eq3A_862 = arith.cmpi eq, %get3A_107, %eq3A_861 : vector<2000xi32>
      %get3A_863 = arith.constant 75 : index
      %get3A_864 = memref.load %arg1[%get3A_863] : memref<200xi32, #tpu.memory_space<smem>>
      %jit3A_865 = arith.constant 0 : i32
      %broadcast_in_dim3A_866 = vector.broadcast %get3A_864 : i32 to vector<2000xi32>
      %broadcast_in_dim3A_867 = vector.broadcast %jit3A_865 : i32 to vector<2000xi32>
      %select_n3A_868 = arith.select %eq3A_862, %broadcast_in_dim3A_866, %broadcast_in_dim3A_867 : vector<2000xi1>, vector<2000xi32>
      %add3A_869 = arith.addi %add3A_859, %select_n3A_868 : vector<2000xi32>
      %eq3A_870 = arith.constant 76 : i32
      %eq3A_871 = vector.broadcast %eq3A_870 : i32 to vector<2000xi32>
      %eq3A_872 = arith.cmpi eq, %get3A_107, %eq3A_871 : vector<2000xi32>
      %get3A_873 = arith.constant 76 : index
      %get3A_874 = memref.load %arg1[%get3A_873] : memref<200xi32, #tpu.memory_space<smem>>
      %jit3A_875 = arith.constant 0 : i32
      %broadcast_in_dim3A_876 = vector.broadcast %get3A_874 : i32 to vector<2000xi32>
      %broadcast_in_dim3A_877 = vector.broadcast %jit3A_875 : i32 to vector<2000xi32>
      %select_n3A_878 = arith.select %eq3A_872, %broadcast_in_dim3A_876, %broadcast_in_dim3A_877 : vector<2000xi1>, vector<2000xi32>
      %add3A_879 = arith.addi %add3A_869, %select_n3A_878 : vector<2000xi32>
      %eq3A_880 = arith.constant 77 : i32
      %eq3A_881 = vector.broadcast %eq3A_880 : i32 to vector<2000xi32>
      %eq3A_882 = arith.cmpi eq, %get3A_107, %eq3A_881 : vector<2000xi32>
      %get3A_883 = arith.constant 77 : index
      %get3A_884 = memref.load %arg1[%get3A_883] : memref<200xi32, #tpu.memory_space<smem>>
      %jit3A_885 = arith.constant 0 : i32
      %broadcast_in_dim3A_886 = vector.broadcast %get3A_884 : i32 to vector<2000xi32>
      %broadcast_in_dim3A_887 = vector.broadcast %jit3A_885 : i32 to vector<2000xi32>
      %select_n3A_888 = arith.select %eq3A_882, %broadcast_in_dim3A_886, %broadcast_in_dim3A_887 : vector<2000xi1>, vector<2000xi32>
      %add3A_889 = arith.addi %add3A_879, %select_n3A_888 : vector<2000xi32>
      %eq3A_890 = arith.constant 78 : i32
      %eq3A_891 = vector.broadcast %eq3A_890 : i32 to vector<2000xi32>
      %eq3A_892 = arith.cmpi eq, %get3A_107, %eq3A_891 : vector<2000xi32>
      %get3A_893 = arith.constant 78 : index
      %get3A_894 = memref.load %arg1[%get3A_893] : memref<200xi32, #tpu.memory_space<smem>>
      %jit3A_895 = arith.constant 0 : i32
      %broadcast_in_dim3A_896 = vector.broadcast %get3A_894 : i32 to vector<2000xi32>
      %broadcast_in_dim3A_897 = vector.broadcast %jit3A_895 : i32 to vector<2000xi32>
      %select_n3A_898 = arith.select %eq3A_892, %broadcast_in_dim3A_896, %broadcast_in_dim3A_897 : vector<2000xi1>, vector<2000xi32>
      %add3A_899 = arith.addi %add3A_889, %select_n3A_898 : vector<2000xi32>
      %eq3A_900 = arith.constant 79 : i32
      %eq3A_901 = vector.broadcast %eq3A_900 : i32 to vector<2000xi32>
      %eq3A_902 = arith.cmpi eq, %get3A_107, %eq3A_901 : vector<2000xi32>
      %get3A_903 = arith.constant 79 : index
      %get3A_904 = memref.load %arg1[%get3A_903] : memref<200xi32, #tpu.memory_space<smem>>
      %jit3A_905 = arith.constant 0 : i32
      %broadcast_in_dim3A_906 = vector.broadcast %get3A_904 : i32 to vector<2000xi32>
      %broadcast_in_dim3A_907 = vector.broadcast %jit3A_905 : i32 to vector<2000xi32>
      %select_n3A_908 = arith.select %eq3A_902, %broadcast_in_dim3A_906, %broadcast_in_dim3A_907 : vector<2000xi1>, vector<2000xi32>
      %add3A_909 = arith.addi %add3A_899, %select_n3A_908 : vector<2000xi32>
      %eq3A_910 = arith.constant 80 : i32
      %eq3A_911 = vector.broadcast %eq3A_910 : i32 to vector<2000xi32>
      %eq3A_912 = arith.cmpi eq, %get3A_107, %eq3A_911 : vector<2000xi32>
      %get3A_913 = arith.constant 80 : index
      %get3A_914 = memref.load %arg1[%get3A_913] : memref<200xi32, #tpu.memory_space<smem>>
      %jit3A_915 = arith.constant 0 : i32
      %broadcast_in_dim3A_916 = vector.broadcast %get3A_914 : i32 to vector<2000xi32>
      %broadcast_in_dim3A_917 = vector.broadcast %jit3A_915 : i32 to vector<2000xi32>
      %select_n3A_918 = arith.select %eq3A_912, %broadcast_in_dim3A_916, %broadcast_in_dim3A_917 : vector<2000xi1>, vector<2000xi32>
      %add3A_919 = arith.addi %add3A_909, %select_n3A_918 : vector<2000xi32>
      %eq3A_920 = arith.constant 81 : i32
      %eq3A_921 = vector.broadcast %eq3A_920 : i32 to vector<2000xi32>
      %eq3A_922 = arith.cmpi eq, %get3A_107, %eq3A_921 : vector<2000xi32>
      %get3A_923 = arith.constant 81 : index
      %get3A_924 = memref.load %arg1[%get3A_923] : memref<200xi32, #tpu.memory_space<smem>>
      %jit3A_925 = arith.constant 0 : i32
      %broadcast_in_dim3A_926 = vector.broadcast %get3A_924 : i32 to vector<2000xi32>
      %broadcast_in_dim3A_927 = vector.broadcast %jit3A_925 : i32 to vector<2000xi32>
      %select_n3A_928 = arith.select %eq3A_922, %broadcast_in_dim3A_926, %broadcast_in_dim3A_927 : vector<2000xi1>, vector<2000xi32>
      %add3A_929 = arith.addi %add3A_919, %select_n3A_928 : vector<2000xi32>
      %eq3A_930 = arith.constant 82 : i32
      %eq3A_931 = vector.broadcast %eq3A_930 : i32 to vector<2000xi32>
      %eq3A_932 = arith.cmpi eq, %get3A_107, %eq3A_931 : vector<2000xi32>
      %get3A_933 = arith.constant 82 : index
      %get3A_934 = memref.load %arg1[%get3A_933] : memref<200xi32, #tpu.memory_space<smem>>
      %jit3A_935 = arith.constant 0 : i32
      %broadcast_in_dim3A_936 = vector.broadcast %get3A_934 : i32 to vector<2000xi32>
      %broadcast_in_dim3A_937 = vector.broadcast %jit3A_935 : i32 to vector<2000xi32>
      %select_n3A_938 = arith.select %eq3A_932, %broadcast_in_dim3A_936, %broadcast_in_dim3A_937 : vector<2000xi1>, vector<2000xi32>
      %add3A_939 = arith.addi %add3A_929, %select_n3A_938 : vector<2000xi32>
      %eq3A_940 = arith.constant 83 : i32
      %eq3A_941 = vector.broadcast %eq3A_940 : i32 to vector<2000xi32>
      %eq3A_942 = arith.cmpi eq, %get3A_107, %eq3A_941 : vector<2000xi32>
      %get3A_943 = arith.constant 83 : index
      %get3A_944 = memref.load %arg1[%get3A_943] : memref<200xi32, #tpu.memory_space<smem>>
      %jit3A_945 = arith.constant 0 : i32
      %broadcast_in_dim3A_946 = vector.broadcast %get3A_944 : i32 to vector<2000xi32>
      %broadcast_in_dim3A_947 = vector.broadcast %jit3A_945 : i32 to vector<2000xi32>
      %select_n3A_948 = arith.select %eq3A_942, %broadcast_in_dim3A_946, %broadcast_in_dim3A_947 : vector<2000xi1>, vector<2000xi32>
      %add3A_949 = arith.addi %add3A_939, %select_n3A_948 : vector<2000xi32>
      %eq3A_950 = arith.constant 84 : i32
      %eq3A_951 = vector.broadcast %eq3A_950 : i32 to vector<2000xi32>
      %eq3A_952 = arith.cmpi eq, %get3A_107, %eq3A_951 : vector<2000xi32>
      %get3A_953 = arith.constant 84 : index
      %get3A_954 = memref.load %arg1[%get3A_953] : memref<200xi32, #tpu.memory_space<smem>>
      %jit3A_955 = arith.constant 0 : i32
      %broadcast_in_dim3A_956 = vector.broadcast %get3A_954 : i32 to vector<2000xi32>
      %broadcast_in_dim3A_957 = vector.broadcast %jit3A_955 : i32 to vector<2000xi32>
      %select_n3A_958 = arith.select %eq3A_952, %broadcast_in_dim3A_956, %broadcast_in_dim3A_957 : vector<2000xi1>, vector<2000xi32>
      %add3A_959 = arith.addi %add3A_949, %select_n3A_958 : vector<2000xi32>
      %eq3A_960 = arith.constant 85 : i32
      %eq3A_961 = vector.broadcast %eq3A_960 : i32 to vector<2000xi32>
      %eq3A_962 = arith.cmpi eq, %get3A_107, %eq3A_961 : vector<2000xi32>
      %get3A_963 = arith.constant 85 : index
      %get3A_964 = memref.load %arg1[%get3A_963] : memref<200xi32, #tpu.memory_space<smem>>
      %jit3A_965 = arith.constant 0 : i32
      %broadcast_in_dim3A_966 = vector.broadcast %get3A_964 : i32 to vector<2000xi32>
      %broadcast_in_dim3A_967 = vector.broadcast %jit3A_965 : i32 to vector<2000xi32>
      %select_n3A_968 = arith.select %eq3A_962, %broadcast_in_dim3A_966, %broadcast_in_dim3A_967 : vector<2000xi1>, vector<2000xi32>
      %add3A_969 = arith.addi %add3A_959, %select_n3A_968 : vector<2000xi32>
      %eq3A_970 = arith.constant 86 : i32
      %eq3A_971 = vector.broadcast %eq3A_970 : i32 to vector<2000xi32>
      %eq3A_972 = arith.cmpi eq, %get3A_107, %eq3A_971 : vector<2000xi32>
      %get3A_973 = arith.constant 86 : index
      %get3A_974 = memref.load %arg1[%get3A_973] : memref<200xi32, #tpu.memory_space<smem>>
      %jit3A_975 = arith.constant 0 : i32
      %broadcast_in_dim3A_976 = vector.broadcast %get3A_974 : i32 to vector<2000xi32>
      %broadcast_in_dim3A_977 = vector.broadcast %jit3A_975 : i32 to vector<2000xi32>
      %select_n3A_978 = arith.select %eq3A_972, %broadcast_in_dim3A_976, %broadcast_in_dim3A_977 : vector<2000xi1>, vector<2000xi32>
      %add3A_979 = arith.addi %add3A_969, %select_n3A_978 : vector<2000xi32>
      %eq3A_980 = arith.constant 87 : i32
      %eq3A_981 = vector.broadcast %eq3A_980 : i32 to vector<2000xi32>
      %eq3A_982 = arith.cmpi eq, %get3A_107, %eq3A_981 : vector<2000xi32>
      %get3A_983 = arith.constant 87 : index
      %get3A_984 = memref.load %arg1[%get3A_983] : memref<200xi32, #tpu.memory_space<smem>>
      %jit3A_985 = arith.constant 0 : i32
      %broadcast_in_dim3A_986 = vector.broadcast %get3A_984 : i32 to vector<2000xi32>
      %broadcast_in_dim3A_987 = vector.broadcast %jit3A_985 : i32 to vector<2000xi32>
      %select_n3A_988 = arith.select %eq3A_982, %broadcast_in_dim3A_986, %broadcast_in_dim3A_987 : vector<2000xi1>, vector<2000xi32>
      %add3A_989 = arith.addi %add3A_979, %select_n3A_988 : vector<2000xi32>
      %eq3A_990 = arith.constant 88 : i32
      %eq3A_991 = vector.broadcast %eq3A_990 : i32 to vector<2000xi32>
      %eq3A_992 = arith.cmpi eq, %get3A_107, %eq3A_991 : vector<2000xi32>
      %get3A_993 = arith.constant 88 : index
      %get3A_994 = memref.load %arg1[%get3A_993] : memref<200xi32, #tpu.memory_space<smem>>
      %jit3A_995 = arith.constant 0 : i32
      %broadcast_in_dim3A_996 = vector.broadcast %get3A_994 : i32 to vector<2000xi32>
      %broadcast_in_dim3A_997 = vector.broadcast %jit3A_995 : i32 to vector<2000xi32>
      %select_n3A_998 = arith.select %eq3A_992, %broadcast_in_dim3A_996, %broadcast_in_dim3A_997 : vector<2000xi1>, vector<2000xi32>
      %add3A_999 = arith.addi %add3A_989, %select_n3A_998 : vector<2000xi32>
      %eq3A_1000 = arith.constant 89 : i32
      %eq3A_1001 = vector.broadcast %eq3A_1000 : i32 to vector<2000xi32>
      %eq3A_1002 = arith.cmpi eq, %get3A_107, %eq3A_1001 : vector<2000xi32>
      %get3A_1003 = arith.constant 89 : index
      %get3A_1004 = memref.load %arg1[%get3A_1003] : memref<200xi32, #tpu.memory_space<smem>>
      %jit3A_1005 = arith.constant 0 : i32
      %broadcast_in_dim3A_1006 = vector.broadcast %get3A_1004 : i32 to vector<2000xi32>
      %broadcast_in_dim3A_1007 = vector.broadcast %jit3A_1005 : i32 to vector<2000xi32>
      %select_n3A_1008 = arith.select %eq3A_1002, %broadcast_in_dim3A_1006, %broadcast_in_dim3A_1007 : vector<2000xi1>, vector<2000xi32>
      %add3A_1009 = arith.addi %add3A_999, %select_n3A_1008 : vector<2000xi32>
      %eq3A_1010 = arith.constant 90 : i32
      %eq3A_1011 = vector.broadcast %eq3A_1010 : i32 to vector<2000xi32>
      %eq3A_1012 = arith.cmpi eq, %get3A_107, %eq3A_1011 : vector<2000xi32>
      %get3A_1013 = arith.constant 90 : index
      %get3A_1014 = memref.load %arg1[%get3A_1013] : memref<200xi32, #tpu.memory_space<smem>>
      %jit3A_1015 = arith.constant 0 : i32
      %broadcast_in_dim3A_1016 = vector.broadcast %get3A_1014 : i32 to vector<2000xi32>
      %broadcast_in_dim3A_1017 = vector.broadcast %jit3A_1015 : i32 to vector<2000xi32>
      %select_n3A_1018 = arith.select %eq3A_1012, %broadcast_in_dim3A_1016, %broadcast_in_dim3A_1017 : vector<2000xi1>, vector<2000xi32>
      %add3A_1019 = arith.addi %add3A_1009, %select_n3A_1018 : vector<2000xi32>
      %eq3A_1020 = arith.constant 91 : i32
      %eq3A_1021 = vector.broadcast %eq3A_1020 : i32 to vector<2000xi32>
      %eq3A_1022 = arith.cmpi eq, %get3A_107, %eq3A_1021 : vector<2000xi32>
      %get3A_1023 = arith.constant 91 : index
      %get3A_1024 = memref.load %arg1[%get3A_1023] : memref<200xi32, #tpu.memory_space<smem>>
      %jit3A_1025 = arith.constant 0 : i32
      %broadcast_in_dim3A_1026 = vector.broadcast %get3A_1024 : i32 to vector<2000xi32>
      %broadcast_in_dim3A_1027 = vector.broadcast %jit3A_1025 : i32 to vector<2000xi32>
      %select_n3A_1028 = arith.select %eq3A_1022, %broadcast_in_dim3A_1026, %broadcast_in_dim3A_1027 : vector<2000xi1>, vector<2000xi32>
      %add3A_1029 = arith.addi %add3A_1019, %select_n3A_1028 : vector<2000xi32>
      %eq3A_1030 = arith.constant 92 : i32
      %eq3A_1031 = vector.broadcast %eq3A_1030 : i32 to vector<2000xi32>
      %eq3A_1032 = arith.cmpi eq, %get3A_107, %eq3A_1031 : vector<2000xi32>
      %get3A_1033 = arith.constant 92 : index
      %get3A_1034 = memref.load %arg1[%get3A_1033] : memref<200xi32, #tpu.memory_space<smem>>
      %jit3A_1035 = arith.constant 0 : i32
      %broadcast_in_dim3A_1036 = vector.broadcast %get3A_1034 : i32 to vector<2000xi32>
      %broadcast_in_dim3A_1037 = vector.broadcast %jit3A_1035 : i32 to vector<2000xi32>
      %select_n3A_1038 = arith.select %eq3A_1032, %broadcast_in_dim3A_1036, %broadcast_in_dim3A_1037 : vector<2000xi1>, vector<2000xi32>
      %add3A_1039 = arith.addi %add3A_1029, %select_n3A_1038 : vector<2000xi32>
      %eq3A_1040 = arith.constant 93 : i32
      %eq3A_1041 = vector.broadcast %eq3A_1040 : i32 to vector<2000xi32>
      %eq3A_1042 = arith.cmpi eq, %get3A_107, %eq3A_1041 : vector<2000xi32>
      %get3A_1043 = arith.constant 93 : index
      %get3A_1044 = memref.load %arg1[%get3A_1043] : memref<200xi32, #tpu.memory_space<smem>>
      %jit3A_1045 = arith.constant 0 : i32
      %broadcast_in_dim3A_1046 = vector.broadcast %get3A_1044 : i32 to vector<2000xi32>
      %broadcast_in_dim3A_1047 = vector.broadcast %jit3A_1045 : i32 to vector<2000xi32>
      %select_n3A_1048 = arith.select %eq3A_1042, %broadcast_in_dim3A_1046, %broadcast_in_dim3A_1047 : vector<2000xi1>, vector<2000xi32>
      %add3A_1049 = arith.addi %add3A_1039, %select_n3A_1048 : vector<2000xi32>
      %eq3A_1050 = arith.constant 94 : i32
      %eq3A_1051 = vector.broadcast %eq3A_1050 : i32 to vector<2000xi32>
      %eq3A_1052 = arith.cmpi eq, %get3A_107, %eq3A_1051 : vector<2000xi32>
      %get3A_1053 = arith.constant 94 : index
      %get3A_1054 = memref.load %arg1[%get3A_1053] : memref<200xi32, #tpu.memory_space<smem>>
      %jit3A_1055 = arith.constant 0 : i32
      %broadcast_in_dim3A_1056 = vector.broadcast %get3A_1054 : i32 to vector<2000xi32>
      %broadcast_in_dim3A_1057 = vector.broadcast %jit3A_1055 : i32 to vector<2000xi32>
      %select_n3A_1058 = arith.select %eq3A_1052, %broadcast_in_dim3A_1056, %broadcast_in_dim3A_1057 : vector<2000xi1>, vector<2000xi32>
      %add3A_1059 = arith.addi %add3A_1049, %select_n3A_1058 : vector<2000xi32>
      %eq3A_1060 = arith.constant 95 : i32
      %eq3A_1061 = vector.broadcast %eq3A_1060 : i32 to vector<2000xi32>
      %eq3A_1062 = arith.cmpi eq, %get3A_107, %eq3A_1061 : vector<2000xi32>
      %get3A_1063 = arith.constant 95 : index
      %get3A_1064 = memref.load %arg1[%get3A_1063] : memref<200xi32, #tpu.memory_space<smem>>
      %jit3A_1065 = arith.constant 0 : i32
      %broadcast_in_dim3A_1066 = vector.broadcast %get3A_1064 : i32 to vector<2000xi32>
      %broadcast_in_dim3A_1067 = vector.broadcast %jit3A_1065 : i32 to vector<2000xi32>
      %select_n3A_1068 = arith.select %eq3A_1062, %broadcast_in_dim3A_1066, %broadcast_in_dim3A_1067 : vector<2000xi1>, vector<2000xi32>
      %add3A_1069 = arith.addi %add3A_1059, %select_n3A_1068 : vector<2000xi32>
      %eq3A_1070 = arith.constant 96 : i32
      %eq3A_1071 = vector.broadcast %eq3A_1070 : i32 to vector<2000xi32>
      %eq3A_1072 = arith.cmpi eq, %get3A_107, %eq3A_1071 : vector<2000xi32>
      %get3A_1073 = arith.constant 96 : index
      %get3A_1074 = memref.load %arg1[%get3A_1073] : memref<200xi32, #tpu.memory_space<smem>>
      %jit3A_1075 = arith.constant 0 : i32
      %broadcast_in_dim3A_1076 = vector.broadcast %get3A_1074 : i32 to vector<2000xi32>
      %broadcast_in_dim3A_1077 = vector.broadcast %jit3A_1075 : i32 to vector<2000xi32>
      %select_n3A_1078 = arith.select %eq3A_1072, %broadcast_in_dim3A_1076, %broadcast_in_dim3A_1077 : vector<2000xi1>, vector<2000xi32>
      %add3A_1079 = arith.addi %add3A_1069, %select_n3A_1078 : vector<2000xi32>
      %eq3A_1080 = arith.constant 97 : i32
      %eq3A_1081 = vector.broadcast %eq3A_1080 : i32 to vector<2000xi32>
      %eq3A_1082 = arith.cmpi eq, %get3A_107, %eq3A_1081 : vector<2000xi32>
      %get3A_1083 = arith.constant 97 : index
      %get3A_1084 = memref.load %arg1[%get3A_1083] : memref<200xi32, #tpu.memory_space<smem>>
      %jit3A_1085 = arith.constant 0 : i32
      %broadcast_in_dim3A_1086 = vector.broadcast %get3A_1084 : i32 to vector<2000xi32>
      %broadcast_in_dim3A_1087 = vector.broadcast %jit3A_1085 : i32 to vector<2000xi32>
      %select_n3A_1088 = arith.select %eq3A_1082, %broadcast_in_dim3A_1086, %broadcast_in_dim3A_1087 : vector<2000xi1>, vector<2000xi32>
      %add3A_1089 = arith.addi %add3A_1079, %select_n3A_1088 : vector<2000xi32>
      %eq3A_1090 = arith.constant 98 : i32
      %eq3A_1091 = vector.broadcast %eq3A_1090 : i32 to vector<2000xi32>
      %eq3A_1092 = arith.cmpi eq, %get3A_107, %eq3A_1091 : vector<2000xi32>
      %get3A_1093 = arith.constant 98 : index
      %get3A_1094 = memref.load %arg1[%get3A_1093] : memref<200xi32, #tpu.memory_space<smem>>
      %jit3A_1095 = arith.constant 0 : i32
      %broadcast_in_dim3A_1096 = vector.broadcast %get3A_1094 : i32 to vector<2000xi32>
      %broadcast_in_dim3A_1097 = vector.broadcast %jit3A_1095 : i32 to vector<2000xi32>
      %select_n3A_1098 = arith.select %eq3A_1092, %broadcast_in_dim3A_1096, %broadcast_in_dim3A_1097 : vector<2000xi1>, vector<2000xi32>
      %add3A_1099 = arith.addi %add3A_1089, %select_n3A_1098 : vector<2000xi32>
      %eq3A_1100 = arith.constant 99 : i32
      %eq3A_1101 = vector.broadcast %eq3A_1100 : i32 to vector<2000xi32>
      %eq3A_1102 = arith.cmpi eq, %get3A_107, %eq3A_1101 : vector<2000xi32>
      %get3A_1103 = arith.constant 99 : index
      %get3A_1104 = memref.load %arg1[%get3A_1103] : memref<200xi32, #tpu.memory_space<smem>>
      %jit3A_1105 = arith.constant 0 : i32
      %broadcast_in_dim3A_1106 = vector.broadcast %get3A_1104 : i32 to vector<2000xi32>
      %broadcast_in_dim3A_1107 = vector.broadcast %jit3A_1105 : i32 to vector<2000xi32>
      %select_n3A_1108 = arith.select %eq3A_1102, %broadcast_in_dim3A_1106, %broadcast_in_dim3A_1107 : vector<2000xi1>, vector<2000xi32>
      %add3A_1109 = arith.addi %add3A_1099, %select_n3A_1108 : vector<2000xi32>
      %eq3A_1110 = arith.constant 100 : i32
      %eq3A_1111 = vector.broadcast %eq3A_1110 : i32 to vector<2000xi32>
      %eq3A_1112 = arith.cmpi eq, %get3A_107, %eq3A_1111 : vector<2000xi32>
      %get3A_1113 = arith.constant 100 : index
      %get3A_1114 = memref.load %arg1[%get3A_1113] : memref<200xi32, #tpu.memory_space<smem>>
      %jit3A_1115 = arith.constant 0 : i32
      %broadcast_in_dim3A_1116 = vector.broadcast %get3A_1114 : i32 to vector<2000xi32>
      %broadcast_in_dim3A_1117 = vector.broadcast %jit3A_1115 : i32 to vector<2000xi32>
      %select_n3A_1118 = arith.select %eq3A_1112, %broadcast_in_dim3A_1116, %broadcast_in_dim3A_1117 : vector<2000xi1>, vector<2000xi32>
      %add3A_1119 = arith.addi %add3A_1109, %select_n3A_1118 : vector<2000xi32>
      %eq3A_1120 = arith.constant 101 : i32
      %eq3A_1121 = vector.broadcast %eq3A_1120 : i32 to vector<2000xi32>
      %eq3A_1122 = arith.cmpi eq, %get3A_107, %eq3A_1121 : vector<2000xi32>
      %get3A_1123 = arith.constant 101 : index
      %get3A_1124 = memref.load %arg1[%get3A_1123] : memref<200xi32, #tpu.memory_space<smem>>
      %jit3A_1125 = arith.constant 0 : i32
      %broadcast_in_dim3A_1126 = vector.broadcast %get3A_1124 : i32 to vector<2000xi32>
      %broadcast_in_dim3A_1127 = vector.broadcast %jit3A_1125 : i32 to vector<2000xi32>
      %select_n3A_1128 = arith.select %eq3A_1122, %broadcast_in_dim3A_1126, %broadcast_in_dim3A_1127 : vector<2000xi1>, vector<2000xi32>
      %add3A_1129 = arith.addi %add3A_1119, %select_n3A_1128 : vector<2000xi32>
      %eq3A_1130 = arith.constant 102 : i32
      %eq3A_1131 = vector.broadcast %eq3A_1130 : i32 to vector<2000xi32>
      %eq3A_1132 = arith.cmpi eq, %get3A_107, %eq3A_1131 : vector<2000xi32>
      %get3A_1133 = arith.constant 102 : index
      %get3A_1134 = memref.load %arg1[%get3A_1133] : memref<200xi32, #tpu.memory_space<smem>>
      %jit3A_1135 = arith.constant 0 : i32
      %broadcast_in_dim3A_1136 = vector.broadcast %get3A_1134 : i32 to vector<2000xi32>
      %broadcast_in_dim3A_1137 = vector.broadcast %jit3A_1135 : i32 to vector<2000xi32>
      %select_n3A_1138 = arith.select %eq3A_1132, %broadcast_in_dim3A_1136, %broadcast_in_dim3A_1137 : vector<2000xi1>, vector<2000xi32>
      %add3A_1139 = arith.addi %add3A_1129, %select_n3A_1138 : vector<2000xi32>
      %eq3A_1140 = arith.constant 103 : i32
      %eq3A_1141 = vector.broadcast %eq3A_1140 : i32 to vector<2000xi32>
      %eq3A_1142 = arith.cmpi eq, %get3A_107, %eq3A_1141 : vector<2000xi32>
      %get3A_1143 = arith.constant 103 : index
      %get3A_1144 = memref.load %arg1[%get3A_1143] : memref<200xi32, #tpu.memory_space<smem>>
      %jit3A_1145 = arith.constant 0 : i32
      %broadcast_in_dim3A_1146 = vector.broadcast %get3A_1144 : i32 to vector<2000xi32>
      %broadcast_in_dim3A_1147 = vector.broadcast %jit3A_1145 : i32 to vector<2000xi32>
      %select_n3A_1148 = arith.select %eq3A_1142, %broadcast_in_dim3A_1146, %broadcast_in_dim3A_1147 : vector<2000xi1>, vector<2000xi32>
      %add3A_1149 = arith.addi %add3A_1139, %select_n3A_1148 : vector<2000xi32>
      %eq3A_1150 = arith.constant 104 : i32
      %eq3A_1151 = vector.broadcast %eq3A_1150 : i32 to vector<2000xi32>
      %eq3A_1152 = arith.cmpi eq, %get3A_107, %eq3A_1151 : vector<2000xi32>
      %get3A_1153 = arith.constant 104 : index
      %get3A_1154 = memref.load %arg1[%get3A_1153] : memref<200xi32, #tpu.memory_space<smem>>
      %jit3A_1155 = arith.constant 0 : i32
      %broadcast_in_dim3A_1156 = vector.broadcast %get3A_1154 : i32 to vector<2000xi32>
      %broadcast_in_dim3A_1157 = vector.broadcast %jit3A_1155 : i32 to vector<2000xi32>
      %select_n3A_1158 = arith.select %eq3A_1152, %broadcast_in_dim3A_1156, %broadcast_in_dim3A_1157 : vector<2000xi1>, vector<2000xi32>
      %add3A_1159 = arith.addi %add3A_1149, %select_n3A_1158 : vector<2000xi32>
      %eq3A_1160 = arith.constant 105 : i32
      %eq3A_1161 = vector.broadcast %eq3A_1160 : i32 to vector<2000xi32>
      %eq3A_1162 = arith.cmpi eq, %get3A_107, %eq3A_1161 : vector<2000xi32>
      %get3A_1163 = arith.constant 105 : index
      %get3A_1164 = memref.load %arg1[%get3A_1163] : memref<200xi32, #tpu.memory_space<smem>>
      %jit3A_1165 = arith.constant 0 : i32
      %broadcast_in_dim3A_1166 = vector.broadcast %get3A_1164 : i32 to vector<2000xi32>
      %broadcast_in_dim3A_1167 = vector.broadcast %jit3A_1165 : i32 to vector<2000xi32>
      %select_n3A_1168 = arith.select %eq3A_1162, %broadcast_in_dim3A_1166, %broadcast_in_dim3A_1167 : vector<2000xi1>, vector<2000xi32>
      %add3A_1169 = arith.addi %add3A_1159, %select_n3A_1168 : vector<2000xi32>
      %eq3A_1170 = arith.constant 106 : i32
      %eq3A_1171 = vector.broadcast %eq3A_1170 : i32 to vector<2000xi32>
      %eq3A_1172 = arith.cmpi eq, %get3A_107, %eq3A_1171 : vector<2000xi32>
      %get3A_1173 = arith.constant 106 : index
      %get3A_1174 = memref.load %arg1[%get3A_1173] : memref<200xi32, #tpu.memory_space<smem>>
      %jit3A_1175 = arith.constant 0 : i32
      %broadcast_in_dim3A_1176 = vector.broadcast %get3A_1174 : i32 to vector<2000xi32>
      %broadcast_in_dim3A_1177 = vector.broadcast %jit3A_1175 : i32 to vector<2000xi32>
      %select_n3A_1178 = arith.select %eq3A_1172, %broadcast_in_dim3A_1176, %broadcast_in_dim3A_1177 : vector<2000xi1>, vector<2000xi32>
      %add3A_1179 = arith.addi %add3A_1169, %select_n3A_1178 : vector<2000xi32>
      %eq3A_1180 = arith.constant 107 : i32
      %eq3A_1181 = vector.broadcast %eq3A_1180 : i32 to vector<2000xi32>
      %eq3A_1182 = arith.cmpi eq, %get3A_107, %eq3A_1181 : vector<2000xi32>
      %get3A_1183 = arith.constant 107 : index
      %get3A_1184 = memref.load %arg1[%get3A_1183] : memref<200xi32, #tpu.memory_space<smem>>
      %jit3A_1185 = arith.constant 0 : i32
      %broadcast_in_dim3A_1186 = vector.broadcast %get3A_1184 : i32 to vector<2000xi32>
      %broadcast_in_dim3A_1187 = vector.broadcast %jit3A_1185 : i32 to vector<2000xi32>
      %select_n3A_1188 = arith.select %eq3A_1182, %broadcast_in_dim3A_1186, %broadcast_in_dim3A_1187 : vector<2000xi1>, vector<2000xi32>
      %add3A_1189 = arith.addi %add3A_1179, %select_n3A_1188 : vector<2000xi32>
      %eq3A_1190 = arith.constant 108 : i32
      %eq3A_1191 = vector.broadcast %eq3A_1190 : i32 to vector<2000xi32>
      %eq3A_1192 = arith.cmpi eq, %get3A_107, %eq3A_1191 : vector<2000xi32>
      %get3A_1193 = arith.constant 108 : index
      %get3A_1194 = memref.load %arg1[%get3A_1193] : memref<200xi32, #tpu.memory_space<smem>>
      %jit3A_1195 = arith.constant 0 : i32
      %broadcast_in_dim3A_1196 = vector.broadcast %get3A_1194 : i32 to vector<2000xi32>
      %broadcast_in_dim3A_1197 = vector.broadcast %jit3A_1195 : i32 to vector<2000xi32>
      %select_n3A_1198 = arith.select %eq3A_1192, %broadcast_in_dim3A_1196, %broadcast_in_dim3A_1197 : vector<2000xi1>, vector<2000xi32>
      %add3A_1199 = arith.addi %add3A_1189, %select_n3A_1198 : vector<2000xi32>
      %eq3A_1200 = arith.constant 109 : i32
      %eq3A_1201 = vector.broadcast %eq3A_1200 : i32 to vector<2000xi32>
      %eq3A_1202 = arith.cmpi eq, %get3A_107, %eq3A_1201 : vector<2000xi32>
      %get3A_1203 = arith.constant 109 : index
      %get3A_1204 = memref.load %arg1[%get3A_1203] : memref<200xi32, #tpu.memory_space<smem>>
      %jit3A_1205 = arith.constant 0 : i32
      %broadcast_in_dim3A_1206 = vector.broadcast %get3A_1204 : i32 to vector<2000xi32>
      %broadcast_in_dim3A_1207 = vector.broadcast %jit3A_1205 : i32 to vector<2000xi32>
      %select_n3A_1208 = arith.select %eq3A_1202, %broadcast_in_dim3A_1206, %broadcast_in_dim3A_1207 : vector<2000xi1>, vector<2000xi32>
      %add3A_1209 = arith.addi %add3A_1199, %select_n3A_1208 : vector<2000xi32>
      %eq3A_1210 = arith.constant 110 : i32
      %eq3A_1211 = vector.broadcast %eq3A_1210 : i32 to vector<2000xi32>
      %eq3A_1212 = arith.cmpi eq, %get3A_107, %eq3A_1211 : vector<2000xi32>
      %get3A_1213 = arith.constant 110 : index
      %get3A_1214 = memref.load %arg1[%get3A_1213] : memref<200xi32, #tpu.memory_space<smem>>
      %jit3A_1215 = arith.constant 0 : i32
      %broadcast_in_dim3A_1216 = vector.broadcast %get3A_1214 : i32 to vector<2000xi32>
      %broadcast_in_dim3A_1217 = vector.broadcast %jit3A_1215 : i32 to vector<2000xi32>
      %select_n3A_1218 = arith.select %eq3A_1212, %broadcast_in_dim3A_1216, %broadcast_in_dim3A_1217 : vector<2000xi1>, vector<2000xi32>
      %add3A_1219 = arith.addi %add3A_1209, %select_n3A_1218 : vector<2000xi32>
      %eq3A_1220 = arith.constant 111 : i32
      %eq3A_1221 = vector.broadcast %eq3A_1220 : i32 to vector<2000xi32>
      %eq3A_1222 = arith.cmpi eq, %get3A_107, %eq3A_1221 : vector<2000xi32>
      %get3A_1223 = arith.constant 111 : index
      %get3A_1224 = memref.load %arg1[%get3A_1223] : memref<200xi32, #tpu.memory_space<smem>>
      %jit3A_1225 = arith.constant 0 : i32
      %broadcast_in_dim3A_1226 = vector.broadcast %get3A_1224 : i32 to vector<2000xi32>
      %broadcast_in_dim3A_1227 = vector.broadcast %jit3A_1225 : i32 to vector<2000xi32>
      %select_n3A_1228 = arith.select %eq3A_1222, %broadcast_in_dim3A_1226, %broadcast_in_dim3A_1227 : vector<2000xi1>, vector<2000xi32>
      %add3A_1229 = arith.addi %add3A_1219, %select_n3A_1228 : vector<2000xi32>
      %eq3A_1230 = arith.constant 112 : i32
      %eq3A_1231 = vector.broadcast %eq3A_1230 : i32 to vector<2000xi32>
      %eq3A_1232 = arith.cmpi eq, %get3A_107, %eq3A_1231 : vector<2000xi32>
      %get3A_1233 = arith.constant 112 : index
      %get3A_1234 = memref.load %arg1[%get3A_1233] : memref<200xi32, #tpu.memory_space<smem>>
      %jit3A_1235 = arith.constant 0 : i32
      %broadcast_in_dim3A_1236 = vector.broadcast %get3A_1234 : i32 to vector<2000xi32>
      %broadcast_in_dim3A_1237 = vector.broadcast %jit3A_1235 : i32 to vector<2000xi32>
      %select_n3A_1238 = arith.select %eq3A_1232, %broadcast_in_dim3A_1236, %broadcast_in_dim3A_1237 : vector<2000xi1>, vector<2000xi32>
      %add3A_1239 = arith.addi %add3A_1229, %select_n3A_1238 : vector<2000xi32>
      %eq3A_1240 = arith.constant 113 : i32
      %eq3A_1241 = vector.broadcast %eq3A_1240 : i32 to vector<2000xi32>
      %eq3A_1242 = arith.cmpi eq, %get3A_107, %eq3A_1241 : vector<2000xi32>
      %get3A_1243 = arith.constant 113 : index
      %get3A_1244 = memref.load %arg1[%get3A_1243] : memref<200xi32, #tpu.memory_space<smem>>
      %jit3A_1245 = arith.constant 0 : i32
      %broadcast_in_dim3A_1246 = vector.broadcast %get3A_1244 : i32 to vector<2000xi32>
      %broadcast_in_dim3A_1247 = vector.broadcast %jit3A_1245 : i32 to vector<2000xi32>
      %select_n3A_1248 = arith.select %eq3A_1242, %broadcast_in_dim3A_1246, %broadcast_in_dim3A_1247 : vector<2000xi1>, vector<2000xi32>
      %add3A_1249 = arith.addi %add3A_1239, %select_n3A_1248 : vector<2000xi32>
      %eq3A_1250 = arith.constant 114 : i32
      %eq3A_1251 = vector.broadcast %eq3A_1250 : i32 to vector<2000xi32>
      %eq3A_1252 = arith.cmpi eq, %get3A_107, %eq3A_1251 : vector<2000xi32>
      %get3A_1253 = arith.constant 114 : index
      %get3A_1254 = memref.load %arg1[%get3A_1253] : memref<200xi32, #tpu.memory_space<smem>>
      %jit3A_1255 = arith.constant 0 : i32
      %broadcast_in_dim3A_1256 = vector.broadcast %get3A_1254 : i32 to vector<2000xi32>
      %broadcast_in_dim3A_1257 = vector.broadcast %jit3A_1255 : i32 to vector<2000xi32>
      %select_n3A_1258 = arith.select %eq3A_1252, %broadcast_in_dim3A_1256, %broadcast_in_dim3A_1257 : vector<2000xi1>, vector<2000xi32>
      %add3A_1259 = arith.addi %add3A_1249, %select_n3A_1258 : vector<2000xi32>
      %eq3A_1260 = arith.constant 115 : i32
      %eq3A_1261 = vector.broadcast %eq3A_1260 : i32 to vector<2000xi32>
      %eq3A_1262 = arith.cmpi eq, %get3A_107, %eq3A_1261 : vector<2000xi32>
      %get3A_1263 = arith.constant 115 : index
      %get3A_1264 = memref.load %arg1[%get3A_1263] : memref<200xi32, #tpu.memory_space<smem>>
      %jit3A_1265 = arith.constant 0 : i32
      %broadcast_in_dim3A_1266 = vector.broadcast %get3A_1264 : i32 to vector<2000xi32>
      %broadcast_in_dim3A_1267 = vector.broadcast %jit3A_1265 : i32 to vector<2000xi32>
      %select_n3A_1268 = arith.select %eq3A_1262, %broadcast_in_dim3A_1266, %broadcast_in_dim3A_1267 : vector<2000xi1>, vector<2000xi32>
      %add3A_1269 = arith.addi %add3A_1259, %select_n3A_1268 : vector<2000xi32>
      %eq3A_1270 = arith.constant 116 : i32
      %eq3A_1271 = vector.broadcast %eq3A_1270 : i32 to vector<2000xi32>
      %eq3A_1272 = arith.cmpi eq, %get3A_107, %eq3A_1271 : vector<2000xi32>
      %get3A_1273 = arith.constant 116 : index
      %get3A_1274 = memref.load %arg1[%get3A_1273] : memref<200xi32, #tpu.memory_space<smem>>
      %jit3A_1275 = arith.constant 0 : i32
      %broadcast_in_dim3A_1276 = vector.broadcast %get3A_1274 : i32 to vector<2000xi32>
      %broadcast_in_dim3A_1277 = vector.broadcast %jit3A_1275 : i32 to vector<2000xi32>
      %select_n3A_1278 = arith.select %eq3A_1272, %broadcast_in_dim3A_1276, %broadcast_in_dim3A_1277 : vector<2000xi1>, vector<2000xi32>
      %add3A_1279 = arith.addi %add3A_1269, %select_n3A_1278 : vector<2000xi32>
      %eq3A_1280 = arith.constant 117 : i32
      %eq3A_1281 = vector.broadcast %eq3A_1280 : i32 to vector<2000xi32>
      %eq3A_1282 = arith.cmpi eq, %get3A_107, %eq3A_1281 : vector<2000xi32>
      %get3A_1283 = arith.constant 117 : index
      %get3A_1284 = memref.load %arg1[%get3A_1283] : memref<200xi32, #tpu.memory_space<smem>>
      %jit3A_1285 = arith.constant 0 : i32
      %broadcast_in_dim3A_1286 = vector.broadcast %get3A_1284 : i32 to vector<2000xi32>
      %broadcast_in_dim3A_1287 = vector.broadcast %jit3A_1285 : i32 to vector<2000xi32>
      %select_n3A_1288 = arith.select %eq3A_1282, %broadcast_in_dim3A_1286, %broadcast_in_dim3A_1287 : vector<2000xi1>, vector<2000xi32>
      %add3A_1289 = arith.addi %add3A_1279, %select_n3A_1288 : vector<2000xi32>
      %eq3A_1290 = arith.constant 118 : i32
      %eq3A_1291 = vector.broadcast %eq3A_1290 : i32 to vector<2000xi32>
      %eq3A_1292 = arith.cmpi eq, %get3A_107, %eq3A_1291 : vector<2000xi32>
      %get3A_1293 = arith.constant 118 : index
      %get3A_1294 = memref.load %arg1[%get3A_1293] : memref<200xi32, #tpu.memory_space<smem>>
      %jit3A_1295 = arith.constant 0 : i32
      %broadcast_in_dim3A_1296 = vector.broadcast %get3A_1294 : i32 to vector<2000xi32>
      %broadcast_in_dim3A_1297 = vector.broadcast %jit3A_1295 : i32 to vector<2000xi32>
      %select_n3A_1298 = arith.select %eq3A_1292, %broadcast_in_dim3A_1296, %broadcast_in_dim3A_1297 : vector<2000xi1>, vector<2000xi32>
      %add3A_1299 = arith.addi %add3A_1289, %select_n3A_1298 : vector<2000xi32>
      %eq3A_1300 = arith.constant 119 : i32
      %eq3A_1301 = vector.broadcast %eq3A_1300 : i32 to vector<2000xi32>
      %eq3A_1302 = arith.cmpi eq, %get3A_107, %eq3A_1301 : vector<2000xi32>
      %get3A_1303 = arith.constant 119 : index
      %get3A_1304 = memref.load %arg1[%get3A_1303] : memref<200xi32, #tpu.memory_space<smem>>
      %jit3A_1305 = arith.constant 0 : i32
      %broadcast_in_dim3A_1306 = vector.broadcast %get3A_1304 : i32 to vector<2000xi32>
      %broadcast_in_dim3A_1307 = vector.broadcast %jit3A_1305 : i32 to vector<2000xi32>
      %select_n3A_1308 = arith.select %eq3A_1302, %broadcast_in_dim3A_1306, %broadcast_in_dim3A_1307 : vector<2000xi1>, vector<2000xi32>
      %add3A_1309 = arith.addi %add3A_1299, %select_n3A_1308 : vector<2000xi32>
      %eq3A_1310 = arith.constant 120 : i32
      %eq3A_1311 = vector.broadcast %eq3A_1310 : i32 to vector<2000xi32>
      %eq3A_1312 = arith.cmpi eq, %get3A_107, %eq3A_1311 : vector<2000xi32>
      %get3A_1313 = arith.constant 120 : index
      %get3A_1314 = memref.load %arg1[%get3A_1313] : memref<200xi32, #tpu.memory_space<smem>>
      %jit3A_1315 = arith.constant 0 : i32
      %broadcast_in_dim3A_1316 = vector.broadcast %get3A_1314 : i32 to vector<2000xi32>
      %broadcast_in_dim3A_1317 = vector.broadcast %jit3A_1315 : i32 to vector<2000xi32>
      %select_n3A_1318 = arith.select %eq3A_1312, %broadcast_in_dim3A_1316, %broadcast_in_dim3A_1317 : vector<2000xi1>, vector<2000xi32>
      %add3A_1319 = arith.addi %add3A_1309, %select_n3A_1318 : vector<2000xi32>
      %eq3A_1320 = arith.constant 121 : i32
      %eq3A_1321 = vector.broadcast %eq3A_1320 : i32 to vector<2000xi32>
      %eq3A_1322 = arith.cmpi eq, %get3A_107, %eq3A_1321 : vector<2000xi32>
      %get3A_1323 = arith.constant 121 : index
      %get3A_1324 = memref.load %arg1[%get3A_1323] : memref<200xi32, #tpu.memory_space<smem>>
      %jit3A_1325 = arith.constant 0 : i32
      %broadcast_in_dim3A_1326 = vector.broadcast %get3A_1324 : i32 to vector<2000xi32>
      %broadcast_in_dim3A_1327 = vector.broadcast %jit3A_1325 : i32 to vector<2000xi32>
      %select_n3A_1328 = arith.select %eq3A_1322, %broadcast_in_dim3A_1326, %broadcast_in_dim3A_1327 : vector<2000xi1>, vector<2000xi32>
      %add3A_1329 = arith.addi %add3A_1319, %select_n3A_1328 : vector<2000xi32>
      %eq3A_1330 = arith.constant 122 : i32
      %eq3A_1331 = vector.broadcast %eq3A_1330 : i32 to vector<2000xi32>
      %eq3A_1332 = arith.cmpi eq, %get3A_107, %eq3A_1331 : vector<2000xi32>
      %get3A_1333 = arith.constant 122 : index
      %get3A_1334 = memref.load %arg1[%get3A_1333] : memref<200xi32, #tpu.memory_space<smem>>
      %jit3A_1335 = arith.constant 0 : i32
      %broadcast_in_dim3A_1336 = vector.broadcast %get3A_1334 : i32 to vector<2000xi32>
      %broadcast_in_dim3A_1337 = vector.broadcast %jit3A_1335 : i32 to vector<2000xi32>
      %select_n3A_1338 = arith.select %eq3A_1332, %broadcast_in_dim3A_1336, %broadcast_in_dim3A_1337 : vector<2000xi1>, vector<2000xi32>
      %add3A_1339 = arith.addi %add3A_1329, %select_n3A_1338 : vector<2000xi32>
      %eq3A_1340 = arith.constant 123 : i32
      %eq3A_1341 = vector.broadcast %eq3A_1340 : i32 to vector<2000xi32>
      %eq3A_1342 = arith.cmpi eq, %get3A_107, %eq3A_1341 : vector<2000xi32>
      %get3A_1343 = arith.constant 123 : index
      %get3A_1344 = memref.load %arg1[%get3A_1343] : memref<200xi32, #tpu.memory_space<smem>>
      %jit3A_1345 = arith.constant 0 : i32
      %broadcast_in_dim3A_1346 = vector.broadcast %get3A_1344 : i32 to vector<2000xi32>
      %broadcast_in_dim3A_1347 = vector.broadcast %jit3A_1345 : i32 to vector<2000xi32>
      %select_n3A_1348 = arith.select %eq3A_1342, %broadcast_in_dim3A_1346, %broadcast_in_dim3A_1347 : vector<2000xi1>, vector<2000xi32>
      %add3A_1349 = arith.addi %add3A_1339, %select_n3A_1348 : vector<2000xi32>
      %eq3A_1350 = arith.constant 124 : i32
      %eq3A_1351 = vector.broadcast %eq3A_1350 : i32 to vector<2000xi32>
      %eq3A_1352 = arith.cmpi eq, %get3A_107, %eq3A_1351 : vector<2000xi32>
      %get3A_1353 = arith.constant 124 : index
      %get3A_1354 = memref.load %arg1[%get3A_1353] : memref<200xi32, #tpu.memory_space<smem>>
      %jit3A_1355 = arith.constant 0 : i32
      %broadcast_in_dim3A_1356 = vector.broadcast %get3A_1354 : i32 to vector<2000xi32>
      %broadcast_in_dim3A_1357 = vector.broadcast %jit3A_1355 : i32 to vector<2000xi32>
      %select_n3A_1358 = arith.select %eq3A_1352, %broadcast_in_dim3A_1356, %broadcast_in_dim3A_1357 : vector<2000xi1>, vector<2000xi32>
      %add3A_1359 = arith.addi %add3A_1349, %select_n3A_1358 : vector<2000xi32>
      %eq3A_1360 = arith.constant 125 : i32
      %eq3A_1361 = vector.broadcast %eq3A_1360 : i32 to vector<2000xi32>
      %eq3A_1362 = arith.cmpi eq, %get3A_107, %eq3A_1361 : vector<2000xi32>
      %get3A_1363 = arith.constant 125 : index
      %get3A_1364 = memref.load %arg1[%get3A_1363] : memref<200xi32, #tpu.memory_space<smem>>
      %jit3A_1365 = arith.constant 0 : i32
      %broadcast_in_dim3A_1366 = vector.broadcast %get3A_1364 : i32 to vector<2000xi32>
      %broadcast_in_dim3A_1367 = vector.broadcast %jit3A_1365 : i32 to vector<2000xi32>
      %select_n3A_1368 = arith.select %eq3A_1362, %broadcast_in_dim3A_1366, %broadcast_in_dim3A_1367 : vector<2000xi1>, vector<2000xi32>
      %add3A_1369 = arith.addi %add3A_1359, %select_n3A_1368 : vector<2000xi32>
      %eq3A_1370 = arith.constant 126 : i32
      %eq3A_1371 = vector.broadcast %eq3A_1370 : i32 to vector<2000xi32>
      %eq3A_1372 = arith.cmpi eq, %get3A_107, %eq3A_1371 : vector<2000xi32>
      %get3A_1373 = arith.constant 126 : index
      %get3A_1374 = memref.load %arg1[%get3A_1373] : memref<200xi32, #tpu.memory_space<smem>>
      %jit3A_1375 = arith.constant 0 : i32
      %broadcast_in_dim3A_1376 = vector.broadcast %get3A_1374 : i32 to vector<2000xi32>
      %broadcast_in_dim3A_1377 = vector.broadcast %jit3A_1375 : i32 to vector<2000xi32>
      %select_n3A_1378 = arith.select %eq3A_1372, %broadcast_in_dim3A_1376, %broadcast_in_dim3A_1377 : vector<2000xi1>, vector<2000xi32>
      %add3A_1379 = arith.addi %add3A_1369, %select_n3A_1378 : vector<2000xi32>
      %eq3A_1380 = arith.constant 127 : i32
      %eq3A_1381 = vector.broadcast %eq3A_1380 : i32 to vector<2000xi32>
      %eq3A_1382 = arith.cmpi eq, %get3A_107, %eq3A_1381 : vector<2000xi32>
      %get3A_1383 = arith.constant 127 : index
      %get3A_1384 = memref.load %arg1[%get3A_1383] : memref<200xi32, #tpu.memory_space<smem>>
      %jit3A_1385 = arith.constant 0 : i32
      %broadcast_in_dim3A_1386 = vector.broadcast %get3A_1384 : i32 to vector<2000xi32>
      %broadcast_in_dim3A_1387 = vector.broadcast %jit3A_1385 : i32 to vector<2000xi32>
      %select_n3A_1388 = arith.select %eq3A_1382, %broadcast_in_dim3A_1386, %broadcast_in_dim3A_1387 : vector<2000xi1>, vector<2000xi32>
      %add3A_1389 = arith.addi %add3A_1379, %select_n3A_1388 : vector<2000xi32>
      %eq3A_1390 = arith.constant 128 : i32
      %eq3A_1391 = vector.broadcast %eq3A_1390 : i32 to vector<2000xi32>
      %eq3A_1392 = arith.cmpi eq, %get3A_107, %eq3A_1391 : vector<2000xi32>
      %get3A_1393 = arith.constant 128 : index
      %get3A_1394 = memref.load %arg1[%get3A_1393] : memref<200xi32, #tpu.memory_space<smem>>
      %jit3A_1395 = arith.constant 0 : i32
      %broadcast_in_dim3A_1396 = vector.broadcast %get3A_1394 : i32 to vector<2000xi32>
      %broadcast_in_dim3A_1397 = vector.broadcast %jit3A_1395 : i32 to vector<2000xi32>
      %select_n3A_1398 = arith.select %eq3A_1392, %broadcast_in_dim3A_1396, %broadcast_in_dim3A_1397 : vector<2000xi1>, vector<2000xi32>
      %add3A_1399 = arith.addi %add3A_1389, %select_n3A_1398 : vector<2000xi32>
      %eq3A_1400 = arith.constant 129 : i32
      %eq3A_1401 = vector.broadcast %eq3A_1400 : i32 to vector<2000xi32>
      %eq3A_1402 = arith.cmpi eq, %get3A_107, %eq3A_1401 : vector<2000xi32>
      %get3A_1403 = arith.constant 129 : index
      %get3A_1404 = memref.load %arg1[%get3A_1403] : memref<200xi32, #tpu.memory_space<smem>>
      %jit3A_1405 = arith.constant 0 : i32
      %broadcast_in_dim3A_1406 = vector.broadcast %get3A_1404 : i32 to vector<2000xi32>
      %broadcast_in_dim3A_1407 = vector.broadcast %jit3A_1405 : i32 to vector<2000xi32>
      %select_n3A_1408 = arith.select %eq3A_1402, %broadcast_in_dim3A_1406, %broadcast_in_dim3A_1407 : vector<2000xi1>, vector<2000xi32>
      %add3A_1409 = arith.addi %add3A_1399, %select_n3A_1408 : vector<2000xi32>
      %eq3A_1410 = arith.constant 130 : i32
      %eq3A_1411 = vector.broadcast %eq3A_1410 : i32 to vector<2000xi32>
      %eq3A_1412 = arith.cmpi eq, %get3A_107, %eq3A_1411 : vector<2000xi32>
      %get3A_1413 = arith.constant 130 : index
      %get3A_1414 = memref.load %arg1[%get3A_1413] : memref<200xi32, #tpu.memory_space<smem>>
      %jit3A_1415 = arith.constant 0 : i32
      %broadcast_in_dim3A_1416 = vector.broadcast %get3A_1414 : i32 to vector<2000xi32>
      %broadcast_in_dim3A_1417 = vector.broadcast %jit3A_1415 : i32 to vector<2000xi32>
      %select_n3A_1418 = arith.select %eq3A_1412, %broadcast_in_dim3A_1416, %broadcast_in_dim3A_1417 : vector<2000xi1>, vector<2000xi32>
      %add3A_1419 = arith.addi %add3A_1409, %select_n3A_1418 : vector<2000xi32>
      %eq3A_1420 = arith.constant 131 : i32
      %eq3A_1421 = vector.broadcast %eq3A_1420 : i32 to vector<2000xi32>
      %eq3A_1422 = arith.cmpi eq, %get3A_107, %eq3A_1421 : vector<2000xi32>
      %get3A_1423 = arith.constant 131 : index
      %get3A_1424 = memref.load %arg1[%get3A_1423] : memref<200xi32, #tpu.memory_space<smem>>
      %jit3A_1425 = arith.constant 0 : i32
      %broadcast_in_dim3A_1426 = vector.broadcast %get3A_1424 : i32 to vector<2000xi32>
      %broadcast_in_dim3A_1427 = vector.broadcast %jit3A_1425 : i32 to vector<2000xi32>
      %select_n3A_1428 = arith.select %eq3A_1422, %broadcast_in_dim3A_1426, %broadcast_in_dim3A_1427 : vector<2000xi1>, vector<2000xi32>
      %add3A_1429 = arith.addi %add3A_1419, %select_n3A_1428 : vector<2000xi32>
      %eq3A_1430 = arith.constant 132 : i32
      %eq3A_1431 = vector.broadcast %eq3A_1430 : i32 to vector<2000xi32>
      %eq3A_1432 = arith.cmpi eq, %get3A_107, %eq3A_1431 : vector<2000xi32>
      %get3A_1433 = arith.constant 132 : index
      %get3A_1434 = memref.load %arg1[%get3A_1433] : memref<200xi32, #tpu.memory_space<smem>>
      %jit3A_1435 = arith.constant 0 : i32
      %broadcast_in_dim3A_1436 = vector.broadcast %get3A_1434 : i32 to vector<2000xi32>
      %broadcast_in_dim3A_1437 = vector.broadcast %jit3A_1435 : i32 to vector<2000xi32>
      %select_n3A_1438 = arith.select %eq3A_1432, %broadcast_in_dim3A_1436, %broadcast_in_dim3A_1437 : vector<2000xi1>, vector<2000xi32>
      %add3A_1439 = arith.addi %add3A_1429, %select_n3A_1438 : vector<2000xi32>
      %eq3A_1440 = arith.constant 133 : i32
      %eq3A_1441 = vector.broadcast %eq3A_1440 : i32 to vector<2000xi32>
      %eq3A_1442 = arith.cmpi eq, %get3A_107, %eq3A_1441 : vector<2000xi32>
      %get3A_1443 = arith.constant 133 : index
      %get3A_1444 = memref.load %arg1[%get3A_1443] : memref<200xi32, #tpu.memory_space<smem>>
      %jit3A_1445 = arith.constant 0 : i32
      %broadcast_in_dim3A_1446 = vector.broadcast %get3A_1444 : i32 to vector<2000xi32>
      %broadcast_in_dim3A_1447 = vector.broadcast %jit3A_1445 : i32 to vector<2000xi32>
      %select_n3A_1448 = arith.select %eq3A_1442, %broadcast_in_dim3A_1446, %broadcast_in_dim3A_1447 : vector<2000xi1>, vector<2000xi32>
      %add3A_1449 = arith.addi %add3A_1439, %select_n3A_1448 : vector<2000xi32>
      %eq3A_1450 = arith.constant 134 : i32
      %eq3A_1451 = vector.broadcast %eq3A_1450 : i32 to vector<2000xi32>
      %eq3A_1452 = arith.cmpi eq, %get3A_107, %eq3A_1451 : vector<2000xi32>
      %get3A_1453 = arith.constant 134 : index
      %get3A_1454 = memref.load %arg1[%get3A_1453] : memref<200xi32, #tpu.memory_space<smem>>
      %jit3A_1455 = arith.constant 0 : i32
      %broadcast_in_dim3A_1456 = vector.broadcast %get3A_1454 : i32 to vector<2000xi32>
      %broadcast_in_dim3A_1457 = vector.broadcast %jit3A_1455 : i32 to vector<2000xi32>
      %select_n3A_1458 = arith.select %eq3A_1452, %broadcast_in_dim3A_1456, %broadcast_in_dim3A_1457 : vector<2000xi1>, vector<2000xi32>
      %add3A_1459 = arith.addi %add3A_1449, %select_n3A_1458 : vector<2000xi32>
      %eq3A_1460 = arith.constant 135 : i32
      %eq3A_1461 = vector.broadcast %eq3A_1460 : i32 to vector<2000xi32>
      %eq3A_1462 = arith.cmpi eq, %get3A_107, %eq3A_1461 : vector<2000xi32>
      %get3A_1463 = arith.constant 135 : index
      %get3A_1464 = memref.load %arg1[%get3A_1463] : memref<200xi32, #tpu.memory_space<smem>>
      %jit3A_1465 = arith.constant 0 : i32
      %broadcast_in_dim3A_1466 = vector.broadcast %get3A_1464 : i32 to vector<2000xi32>
      %broadcast_in_dim3A_1467 = vector.broadcast %jit3A_1465 : i32 to vector<2000xi32>
      %select_n3A_1468 = arith.select %eq3A_1462, %broadcast_in_dim3A_1466, %broadcast_in_dim3A_1467 : vector<2000xi1>, vector<2000xi32>
      %add3A_1469 = arith.addi %add3A_1459, %select_n3A_1468 : vector<2000xi32>
      %eq3A_1470 = arith.constant 136 : i32
      %eq3A_1471 = vector.broadcast %eq3A_1470 : i32 to vector<2000xi32>
      %eq3A_1472 = arith.cmpi eq, %get3A_107, %eq3A_1471 : vector<2000xi32>
      %get3A_1473 = arith.constant 136 : index
      %get3A_1474 = memref.load %arg1[%get3A_1473] : memref<200xi32, #tpu.memory_space<smem>>
      %jit3A_1475 = arith.constant 0 : i32
      %broadcast_in_dim3A_1476 = vector.broadcast %get3A_1474 : i32 to vector<2000xi32>
      %broadcast_in_dim3A_1477 = vector.broadcast %jit3A_1475 : i32 to vector<2000xi32>
      %select_n3A_1478 = arith.select %eq3A_1472, %broadcast_in_dim3A_1476, %broadcast_in_dim3A_1477 : vector<2000xi1>, vector<2000xi32>
      %add3A_1479 = arith.addi %add3A_1469, %select_n3A_1478 : vector<2000xi32>
      %eq3A_1480 = arith.constant 137 : i32
      %eq3A_1481 = vector.broadcast %eq3A_1480 : i32 to vector<2000xi32>
      %eq3A_1482 = arith.cmpi eq, %get3A_107, %eq3A_1481 : vector<2000xi32>
      %get3A_1483 = arith.constant 137 : index
      %get3A_1484 = memref.load %arg1[%get3A_1483] : memref<200xi32, #tpu.memory_space<smem>>
      %jit3A_1485 = arith.constant 0 : i32
      %broadcast_in_dim3A_1486 = vector.broadcast %get3A_1484 : i32 to vector<2000xi32>
      %broadcast_in_dim3A_1487 = vector.broadcast %jit3A_1485 : i32 to vector<2000xi32>
      %select_n3A_1488 = arith.select %eq3A_1482, %broadcast_in_dim3A_1486, %broadcast_in_dim3A_1487 : vector<2000xi1>, vector<2000xi32>
      %add3A_1489 = arith.addi %add3A_1479, %select_n3A_1488 : vector<2000xi32>
      %eq3A_1490 = arith.constant 138 : i32
      %eq3A_1491 = vector.broadcast %eq3A_1490 : i32 to vector<2000xi32>
      %eq3A_1492 = arith.cmpi eq, %get3A_107, %eq3A_1491 : vector<2000xi32>
      %get3A_1493 = arith.constant 138 : index
      %get3A_1494 = memref.load %arg1[%get3A_1493] : memref<200xi32, #tpu.memory_space<smem>>
      %jit3A_1495 = arith.constant 0 : i32
      %broadcast_in_dim3A_1496 = vector.broadcast %get3A_1494 : i32 to vector<2000xi32>
      %broadcast_in_dim3A_1497 = vector.broadcast %jit3A_1495 : i32 to vector<2000xi32>
      %select_n3A_1498 = arith.select %eq3A_1492, %broadcast_in_dim3A_1496, %broadcast_in_dim3A_1497 : vector<2000xi1>, vector<2000xi32>
      %add3A_1499 = arith.addi %add3A_1489, %select_n3A_1498 : vector<2000xi32>
      %eq3A_1500 = arith.constant 139 : i32
      %eq3A_1501 = vector.broadcast %eq3A_1500 : i32 to vector<2000xi32>
      %eq3A_1502 = arith.cmpi eq, %get3A_107, %eq3A_1501 : vector<2000xi32>
      %get3A_1503 = arith.constant 139 : index
      %get3A_1504 = memref.load %arg1[%get3A_1503] : memref<200xi32, #tpu.memory_space<smem>>
      %jit3A_1505 = arith.constant 0 : i32
      %broadcast_in_dim3A_1506 = vector.broadcast %get3A_1504 : i32 to vector<2000xi32>
      %broadcast_in_dim3A_1507 = vector.broadcast %jit3A_1505 : i32 to vector<2000xi32>
      %select_n3A_1508 = arith.select %eq3A_1502, %broadcast_in_dim3A_1506, %broadcast_in_dim3A_1507 : vector<2000xi1>, vector<2000xi32>
      %add3A_1509 = arith.addi %add3A_1499, %select_n3A_1508 : vector<2000xi32>
      %eq3A_1510 = arith.constant 140 : i32
      %eq3A_1511 = vector.broadcast %eq3A_1510 : i32 to vector<2000xi32>
      %eq3A_1512 = arith.cmpi eq, %get3A_107, %eq3A_1511 : vector<2000xi32>
      %get3A_1513 = arith.constant 140 : index
      %get3A_1514 = memref.load %arg1[%get3A_1513] : memref<200xi32, #tpu.memory_space<smem>>
      %jit3A_1515 = arith.constant 0 : i32
      %broadcast_in_dim3A_1516 = vector.broadcast %get3A_1514 : i32 to vector<2000xi32>
      %broadcast_in_dim3A_1517 = vector.broadcast %jit3A_1515 : i32 to vector<2000xi32>
      %select_n3A_1518 = arith.select %eq3A_1512, %broadcast_in_dim3A_1516, %broadcast_in_dim3A_1517 : vector<2000xi1>, vector<2000xi32>
      %add3A_1519 = arith.addi %add3A_1509, %select_n3A_1518 : vector<2000xi32>
      %eq3A_1520 = arith.constant 141 : i32
      %eq3A_1521 = vector.broadcast %eq3A_1520 : i32 to vector<2000xi32>
      %eq3A_1522 = arith.cmpi eq, %get3A_107, %eq3A_1521 : vector<2000xi32>
      %get3A_1523 = arith.constant 141 : index
      %get3A_1524 = memref.load %arg1[%get3A_1523] : memref<200xi32, #tpu.memory_space<smem>>
      %jit3A_1525 = arith.constant 0 : i32
      %broadcast_in_dim3A_1526 = vector.broadcast %get3A_1524 : i32 to vector<2000xi32>
      %broadcast_in_dim3A_1527 = vector.broadcast %jit3A_1525 : i32 to vector<2000xi32>
      %select_n3A_1528 = arith.select %eq3A_1522, %broadcast_in_dim3A_1526, %broadcast_in_dim3A_1527 : vector<2000xi1>, vector<2000xi32>
      %add3A_1529 = arith.addi %add3A_1519, %select_n3A_1528 : vector<2000xi32>
      %eq3A_1530 = arith.constant 142 : i32
      %eq3A_1531 = vector.broadcast %eq3A_1530 : i32 to vector<2000xi32>
      %eq3A_1532 = arith.cmpi eq, %get3A_107, %eq3A_1531 : vector<2000xi32>
      %get3A_1533 = arith.constant 142 : index
      %get3A_1534 = memref.load %arg1[%get3A_1533] : memref<200xi32, #tpu.memory_space<smem>>
      %jit3A_1535 = arith.constant 0 : i32
      %broadcast_in_dim3A_1536 = vector.broadcast %get3A_1534 : i32 to vector<2000xi32>
      %broadcast_in_dim3A_1537 = vector.broadcast %jit3A_1535 : i32 to vector<2000xi32>
      %select_n3A_1538 = arith.select %eq3A_1532, %broadcast_in_dim3A_1536, %broadcast_in_dim3A_1537 : vector<2000xi1>, vector<2000xi32>
      %add3A_1539 = arith.addi %add3A_1529, %select_n3A_1538 : vector<2000xi32>
      %eq3A_1540 = arith.constant 143 : i32
      %eq3A_1541 = vector.broadcast %eq3A_1540 : i32 to vector<2000xi32>
      %eq3A_1542 = arith.cmpi eq, %get3A_107, %eq3A_1541 : vector<2000xi32>
      %get3A_1543 = arith.constant 143 : index
      %get3A_1544 = memref.load %arg1[%get3A_1543] : memref<200xi32, #tpu.memory_space<smem>>
      %jit3A_1545 = arith.constant 0 : i32
      %broadcast_in_dim3A_1546 = vector.broadcast %get3A_1544 : i32 to vector<2000xi32>
      %broadcast_in_dim3A_1547 = vector.broadcast %jit3A_1545 : i32 to vector<2000xi32>
      %select_n3A_1548 = arith.select %eq3A_1542, %broadcast_in_dim3A_1546, %broadcast_in_dim3A_1547 : vector<2000xi1>, vector<2000xi32>
      %add3A_1549 = arith.addi %add3A_1539, %select_n3A_1548 : vector<2000xi32>
      %eq3A_1550 = arith.constant 144 : i32
      %eq3A_1551 = vector.broadcast %eq3A_1550 : i32 to vector<2000xi32>
      %eq3A_1552 = arith.cmpi eq, %get3A_107, %eq3A_1551 : vector<2000xi32>
      %get3A_1553 = arith.constant 144 : index
      %get3A_1554 = memref.load %arg1[%get3A_1553] : memref<200xi32, #tpu.memory_space<smem>>
      %jit3A_1555 = arith.constant 0 : i32
      %broadcast_in_dim3A_1556 = vector.broadcast %get3A_1554 : i32 to vector<2000xi32>
      %broadcast_in_dim3A_1557 = vector.broadcast %jit3A_1555 : i32 to vector<2000xi32>
      %select_n3A_1558 = arith.select %eq3A_1552, %broadcast_in_dim3A_1556, %broadcast_in_dim3A_1557 : vector<2000xi1>, vector<2000xi32>
      %add3A_1559 = arith.addi %add3A_1549, %select_n3A_1558 : vector<2000xi32>
      %eq3A_1560 = arith.constant 145 : i32
      %eq3A_1561 = vector.broadcast %eq3A_1560 : i32 to vector<2000xi32>
      %eq3A_1562 = arith.cmpi eq, %get3A_107, %eq3A_1561 : vector<2000xi32>
      %get3A_1563 = arith.constant 145 : index
      %get3A_1564 = memref.load %arg1[%get3A_1563] : memref<200xi32, #tpu.memory_space<smem>>
      %jit3A_1565 = arith.constant 0 : i32
      %broadcast_in_dim3A_1566 = vector.broadcast %get3A_1564 : i32 to vector<2000xi32>
      %broadcast_in_dim3A_1567 = vector.broadcast %jit3A_1565 : i32 to vector<2000xi32>
      %select_n3A_1568 = arith.select %eq3A_1562, %broadcast_in_dim3A_1566, %broadcast_in_dim3A_1567 : vector<2000xi1>, vector<2000xi32>
      %add3A_1569 = arith.addi %add3A_1559, %select_n3A_1568 : vector<2000xi32>
      %eq3A_1570 = arith.constant 146 : i32
      %eq3A_1571 = vector.broadcast %eq3A_1570 : i32 to vector<2000xi32>
      %eq3A_1572 = arith.cmpi eq, %get3A_107, %eq3A_1571 : vector<2000xi32>
      %get3A_1573 = arith.constant 146 : index
      %get3A_1574 = memref.load %arg1[%get3A_1573] : memref<200xi32, #tpu.memory_space<smem>>
      %jit3A_1575 = arith.constant 0 : i32
      %broadcast_in_dim3A_1576 = vector.broadcast %get3A_1574 : i32 to vector<2000xi32>
      %broadcast_in_dim3A_1577 = vector.broadcast %jit3A_1575 : i32 to vector<2000xi32>
      %select_n3A_1578 = arith.select %eq3A_1572, %broadcast_in_dim3A_1576, %broadcast_in_dim3A_1577 : vector<2000xi1>, vector<2000xi32>
      %add3A_1579 = arith.addi %add3A_1569, %select_n3A_1578 : vector<2000xi32>
      %eq3A_1580 = arith.constant 147 : i32
      %eq3A_1581 = vector.broadcast %eq3A_1580 : i32 to vector<2000xi32>
      %eq3A_1582 = arith.cmpi eq, %get3A_107, %eq3A_1581 : vector<2000xi32>
      %get3A_1583 = arith.constant 147 : index
      %get3A_1584 = memref.load %arg1[%get3A_1583] : memref<200xi32, #tpu.memory_space<smem>>
      %jit3A_1585 = arith.constant 0 : i32
      %broadcast_in_dim3A_1586 = vector.broadcast %get3A_1584 : i32 to vector<2000xi32>
      %broadcast_in_dim3A_1587 = vector.broadcast %jit3A_1585 : i32 to vector<2000xi32>
      %select_n3A_1588 = arith.select %eq3A_1582, %broadcast_in_dim3A_1586, %broadcast_in_dim3A_1587 : vector<2000xi1>, vector<2000xi32>
      %add3A_1589 = arith.addi %add3A_1579, %select_n3A_1588 : vector<2000xi32>
      %eq3A_1590 = arith.constant 148 : i32
      %eq3A_1591 = vector.broadcast %eq3A_1590 : i32 to vector<2000xi32>
      %eq3A_1592 = arith.cmpi eq, %get3A_107, %eq3A_1591 : vector<2000xi32>
      %get3A_1593 = arith.constant 148 : index
      %get3A_1594 = memref.load %arg1[%get3A_1593] : memref<200xi32, #tpu.memory_space<smem>>
      %jit3A_1595 = arith.constant 0 : i32
      %broadcast_in_dim3A_1596 = vector.broadcast %get3A_1594 : i32 to vector<2000xi32>
      %broadcast_in_dim3A_1597 = vector.broadcast %jit3A_1595 : i32 to vector<2000xi32>
      %select_n3A_1598 = arith.select %eq3A_1592, %broadcast_in_dim3A_1596, %broadcast_in_dim3A_1597 : vector<2000xi1>, vector<2000xi32>
      %add3A_1599 = arith.addi %add3A_1589, %select_n3A_1598 : vector<2000xi32>
      %eq3A_1600 = arith.constant 149 : i32
      %eq3A_1601 = vector.broadcast %eq3A_1600 : i32 to vector<2000xi32>
      %eq3A_1602 = arith.cmpi eq, %get3A_107, %eq3A_1601 : vector<2000xi32>
      %get3A_1603 = arith.constant 149 : index
      %get3A_1604 = memref.load %arg1[%get3A_1603] : memref<200xi32, #tpu.memory_space<smem>>
      %jit3A_1605 = arith.constant 0 : i32
      %broadcast_in_dim3A_1606 = vector.broadcast %get3A_1604 : i32 to vector<2000xi32>
      %broadcast_in_dim3A_1607 = vector.broadcast %jit3A_1605 : i32 to vector<2000xi32>
      %select_n3A_1608 = arith.select %eq3A_1602, %broadcast_in_dim3A_1606, %broadcast_in_dim3A_1607 : vector<2000xi1>, vector<2000xi32>
      %add3A_1609 = arith.addi %add3A_1599, %select_n3A_1608 : vector<2000xi32>
      %eq3A_1610 = arith.constant 150 : i32
      %eq3A_1611 = vector.broadcast %eq3A_1610 : i32 to vector<2000xi32>
      %eq3A_1612 = arith.cmpi eq, %get3A_107, %eq3A_1611 : vector<2000xi32>
      %get3A_1613 = arith.constant 150 : index
      %get3A_1614 = memref.load %arg1[%get3A_1613] : memref<200xi32, #tpu.memory_space<smem>>
      %jit3A_1615 = arith.constant 0 : i32
      %broadcast_in_dim3A_1616 = vector.broadcast %get3A_1614 : i32 to vector<2000xi32>
      %broadcast_in_dim3A_1617 = vector.broadcast %jit3A_1615 : i32 to vector<2000xi32>
      %select_n3A_1618 = arith.select %eq3A_1612, %broadcast_in_dim3A_1616, %broadcast_in_dim3A_1617 : vector<2000xi1>, vector<2000xi32>
      %add3A_1619 = arith.addi %add3A_1609, %select_n3A_1618 : vector<2000xi32>
      %eq3A_1620 = arith.constant 151 : i32
      %eq3A_1621 = vector.broadcast %eq3A_1620 : i32 to vector<2000xi32>
      %eq3A_1622 = arith.cmpi eq, %get3A_107, %eq3A_1621 : vector<2000xi32>
      %get3A_1623 = arith.constant 151 : index
      %get3A_1624 = memref.load %arg1[%get3A_1623] : memref<200xi32, #tpu.memory_space<smem>>
      %jit3A_1625 = arith.constant 0 : i32
      %broadcast_in_dim3A_1626 = vector.broadcast %get3A_1624 : i32 to vector<2000xi32>
      %broadcast_in_dim3A_1627 = vector.broadcast %jit3A_1625 : i32 to vector<2000xi32>
      %select_n3A_1628 = arith.select %eq3A_1622, %broadcast_in_dim3A_1626, %broadcast_in_dim3A_1627 : vector<2000xi1>, vector<2000xi32>
      %add3A_1629 = arith.addi %add3A_1619, %select_n3A_1628 : vector<2000xi32>
      %eq3A_1630 = arith.constant 152 : i32
      %eq3A_1631 = vector.broadcast %eq3A_1630 : i32 to vector<2000xi32>
      %eq3A_1632 = arith.cmpi eq, %get3A_107, %eq3A_1631 : vector<2000xi32>
      %get3A_1633 = arith.constant 152 : index
      %get3A_1634 = memref.load %arg1[%get3A_1633] : memref<200xi32, #tpu.memory_space<smem>>
      %jit3A_1635 = arith.constant 0 : i32
      %broadcast_in_dim3A_1636 = vector.broadcast %get3A_1634 : i32 to vector<2000xi32>
      %broadcast_in_dim3A_1637 = vector.broadcast %jit3A_1635 : i32 to vector<2000xi32>
      %select_n3A_1638 = arith.select %eq3A_1632, %broadcast_in_dim3A_1636, %broadcast_in_dim3A_1637 : vector<2000xi1>, vector<2000xi32>
      %add3A_1639 = arith.addi %add3A_1629, %select_n3A_1638 : vector<2000xi32>
      %eq3A_1640 = arith.constant 153 : i32
      %eq3A_1641 = vector.broadcast %eq3A_1640 : i32 to vector<2000xi32>
      %eq3A_1642 = arith.cmpi eq, %get3A_107, %eq3A_1641 : vector<2000xi32>
      %get3A_1643 = arith.constant 153 : index
      %get3A_1644 = memref.load %arg1[%get3A_1643] : memref<200xi32, #tpu.memory_space<smem>>
      %jit3A_1645 = arith.constant 0 : i32
      %broadcast_in_dim3A_1646 = vector.broadcast %get3A_1644 : i32 to vector<2000xi32>
      %broadcast_in_dim3A_1647 = vector.broadcast %jit3A_1645 : i32 to vector<2000xi32>
      %select_n3A_1648 = arith.select %eq3A_1642, %broadcast_in_dim3A_1646, %broadcast_in_dim3A_1647 : vector<2000xi1>, vector<2000xi32>
      %add3A_1649 = arith.addi %add3A_1639, %select_n3A_1648 : vector<2000xi32>
      %eq3A_1650 = arith.constant 154 : i32
      %eq3A_1651 = vector.broadcast %eq3A_1650 : i32 to vector<2000xi32>
      %eq3A_1652 = arith.cmpi eq, %get3A_107, %eq3A_1651 : vector<2000xi32>
      %get3A_1653 = arith.constant 154 : index
      %get3A_1654 = memref.load %arg1[%get3A_1653] : memref<200xi32, #tpu.memory_space<smem>>
      %jit3A_1655 = arith.constant 0 : i32
      %broadcast_in_dim3A_1656 = vector.broadcast %get3A_1654 : i32 to vector<2000xi32>
      %broadcast_in_dim3A_1657 = vector.broadcast %jit3A_1655 : i32 to vector<2000xi32>
      %select_n3A_1658 = arith.select %eq3A_1652, %broadcast_in_dim3A_1656, %broadcast_in_dim3A_1657 : vector<2000xi1>, vector<2000xi32>
      %add3A_1659 = arith.addi %add3A_1649, %select_n3A_1658 : vector<2000xi32>
      %eq3A_1660 = arith.constant 155 : i32
      %eq3A_1661 = vector.broadcast %eq3A_1660 : i32 to vector<2000xi32>
      %eq3A_1662 = arith.cmpi eq, %get3A_107, %eq3A_1661 : vector<2000xi32>
      %get3A_1663 = arith.constant 155 : index
      %get3A_1664 = memref.load %arg1[%get3A_1663] : memref<200xi32, #tpu.memory_space<smem>>
      %jit3A_1665 = arith.constant 0 : i32
      %broadcast_in_dim3A_1666 = vector.broadcast %get3A_1664 : i32 to vector<2000xi32>
      %broadcast_in_dim3A_1667 = vector.broadcast %jit3A_1665 : i32 to vector<2000xi32>
      %select_n3A_1668 = arith.select %eq3A_1662, %broadcast_in_dim3A_1666, %broadcast_in_dim3A_1667 : vector<2000xi1>, vector<2000xi32>
      %add3A_1669 = arith.addi %add3A_1659, %select_n3A_1668 : vector<2000xi32>
      %eq3A_1670 = arith.constant 156 : i32
      %eq3A_1671 = vector.broadcast %eq3A_1670 : i32 to vector<2000xi32>
      %eq3A_1672 = arith.cmpi eq, %get3A_107, %eq3A_1671 : vector<2000xi32>
      %get3A_1673 = arith.constant 156 : index
      %get3A_1674 = memref.load %arg1[%get3A_1673] : memref<200xi32, #tpu.memory_space<smem>>
      %jit3A_1675 = arith.constant 0 : i32
      %broadcast_in_dim3A_1676 = vector.broadcast %get3A_1674 : i32 to vector<2000xi32>
      %broadcast_in_dim3A_1677 = vector.broadcast %jit3A_1675 : i32 to vector<2000xi32>
      %select_n3A_1678 = arith.select %eq3A_1672, %broadcast_in_dim3A_1676, %broadcast_in_dim3A_1677 : vector<2000xi1>, vector<2000xi32>
      %add3A_1679 = arith.addi %add3A_1669, %select_n3A_1678 : vector<2000xi32>
      %eq3A_1680 = arith.constant 157 : i32
      %eq3A_1681 = vector.broadcast %eq3A_1680 : i32 to vector<2000xi32>
      %eq3A_1682 = arith.cmpi eq, %get3A_107, %eq3A_1681 : vector<2000xi32>
      %get3A_1683 = arith.constant 157 : index
      %get3A_1684 = memref.load %arg1[%get3A_1683] : memref<200xi32, #tpu.memory_space<smem>>
      %jit3A_1685 = arith.constant 0 : i32
      %broadcast_in_dim3A_1686 = vector.broadcast %get3A_1684 : i32 to vector<2000xi32>
      %broadcast_in_dim3A_1687 = vector.broadcast %jit3A_1685 : i32 to vector<2000xi32>
      %select_n3A_1688 = arith.select %eq3A_1682, %broadcast_in_dim3A_1686, %broadcast_in_dim3A_1687 : vector<2000xi1>, vector<2000xi32>
      %add3A_1689 = arith.addi %add3A_1679, %select_n3A_1688 : vector<2000xi32>
      %eq3A_1690 = arith.constant 158 : i32
      %eq3A_1691 = vector.broadcast %eq3A_1690 : i32 to vector<2000xi32>
      %eq3A_1692 = arith.cmpi eq, %get3A_107, %eq3A_1691 : vector<2000xi32>
      %get3A_1693 = arith.constant 158 : index
      %get3A_1694 = memref.load %arg1[%get3A_1693] : memref<200xi32, #tpu.memory_space<smem>>
      %jit3A_1695 = arith.constant 0 : i32
      %broadcast_in_dim3A_1696 = vector.broadcast %get3A_1694 : i32 to vector<2000xi32>
      %broadcast_in_dim3A_1697 = vector.broadcast %jit3A_1695 : i32 to vector<2000xi32>
      %select_n3A_1698 = arith.select %eq3A_1692, %broadcast_in_dim3A_1696, %broadcast_in_dim3A_1697 : vector<2000xi1>, vector<2000xi32>
      %add3A_1699 = arith.addi %add3A_1689, %select_n3A_1698 : vector<2000xi32>
      %eq3A_1700 = arith.constant 159 : i32
      %eq3A_1701 = vector.broadcast %eq3A_1700 : i32 to vector<2000xi32>
      %eq3A_1702 = arith.cmpi eq, %get3A_107, %eq3A_1701 : vector<2000xi32>
      %get3A_1703 = arith.constant 159 : index
      %get3A_1704 = memref.load %arg1[%get3A_1703] : memref<200xi32, #tpu.memory_space<smem>>
      %jit3A_1705 = arith.constant 0 : i32
      %broadcast_in_dim3A_1706 = vector.broadcast %get3A_1704 : i32 to vector<2000xi32>
      %broadcast_in_dim3A_1707 = vector.broadcast %jit3A_1705 : i32 to vector<2000xi32>
      %select_n3A_1708 = arith.select %eq3A_1702, %broadcast_in_dim3A_1706, %broadcast_in_dim3A_1707 : vector<2000xi1>, vector<2000xi32>
      %add3A_1709 = arith.addi %add3A_1699, %select_n3A_1708 : vector<2000xi32>
      %eq3A_1710 = arith.constant 160 : i32
      %eq3A_1711 = vector.broadcast %eq3A_1710 : i32 to vector<2000xi32>
      %eq3A_1712 = arith.cmpi eq, %get3A_107, %eq3A_1711 : vector<2000xi32>
      %get3A_1713 = arith.constant 160 : index
      %get3A_1714 = memref.load %arg1[%get3A_1713] : memref<200xi32, #tpu.memory_space<smem>>
      %jit3A_1715 = arith.constant 0 : i32
      %broadcast_in_dim3A_1716 = vector.broadcast %get3A_1714 : i32 to vector<2000xi32>
      %broadcast_in_dim3A_1717 = vector.broadcast %jit3A_1715 : i32 to vector<2000xi32>
      %select_n3A_1718 = arith.select %eq3A_1712, %broadcast_in_dim3A_1716, %broadcast_in_dim3A_1717 : vector<2000xi1>, vector<2000xi32>
      %add3A_1719 = arith.addi %add3A_1709, %select_n3A_1718 : vector<2000xi32>
      %eq3A_1720 = arith.constant 161 : i32
      %eq3A_1721 = vector.broadcast %eq3A_1720 : i32 to vector<2000xi32>
      %eq3A_1722 = arith.cmpi eq, %get3A_107, %eq3A_1721 : vector<2000xi32>
      %get3A_1723 = arith.constant 161 : index
      %get3A_1724 = memref.load %arg1[%get3A_1723] : memref<200xi32, #tpu.memory_space<smem>>
      %jit3A_1725 = arith.constant 0 : i32
      %broadcast_in_dim3A_1726 = vector.broadcast %get3A_1724 : i32 to vector<2000xi32>
      %broadcast_in_dim3A_1727 = vector.broadcast %jit3A_1725 : i32 to vector<2000xi32>
      %select_n3A_1728 = arith.select %eq3A_1722, %broadcast_in_dim3A_1726, %broadcast_in_dim3A_1727 : vector<2000xi1>, vector<2000xi32>
      %add3A_1729 = arith.addi %add3A_1719, %select_n3A_1728 : vector<2000xi32>
      %eq3A_1730 = arith.constant 162 : i32
      %eq3A_1731 = vector.broadcast %eq3A_1730 : i32 to vector<2000xi32>
      %eq3A_1732 = arith.cmpi eq, %get3A_107, %eq3A_1731 : vector<2000xi32>
      %get3A_1733 = arith.constant 162 : index
      %get3A_1734 = memref.load %arg1[%get3A_1733] : memref<200xi32, #tpu.memory_space<smem>>
      %jit3A_1735 = arith.constant 0 : i32
      %broadcast_in_dim3A_1736 = vector.broadcast %get3A_1734 : i32 to vector<2000xi32>
      %broadcast_in_dim3A_1737 = vector.broadcast %jit3A_1735 : i32 to vector<2000xi32>
      %select_n3A_1738 = arith.select %eq3A_1732, %broadcast_in_dim3A_1736, %broadcast_in_dim3A_1737 : vector<2000xi1>, vector<2000xi32>
      %add3A_1739 = arith.addi %add3A_1729, %select_n3A_1738 : vector<2000xi32>
      %eq3A_1740 = arith.constant 163 : i32
      %eq3A_1741 = vector.broadcast %eq3A_1740 : i32 to vector<2000xi32>
      %eq3A_1742 = arith.cmpi eq, %get3A_107, %eq3A_1741 : vector<2000xi32>
      %get3A_1743 = arith.constant 163 : index
      %get3A_1744 = memref.load %arg1[%get3A_1743] : memref<200xi32, #tpu.memory_space<smem>>
      %jit3A_1745 = arith.constant 0 : i32
      %broadcast_in_dim3A_1746 = vector.broadcast %get3A_1744 : i32 to vector<2000xi32>
      %broadcast_in_dim3A_1747 = vector.broadcast %jit3A_1745 : i32 to vector<2000xi32>
      %select_n3A_1748 = arith.select %eq3A_1742, %broadcast_in_dim3A_1746, %broadcast_in_dim3A_1747 : vector<2000xi1>, vector<2000xi32>
      %add3A_1749 = arith.addi %add3A_1739, %select_n3A_1748 : vector<2000xi32>
      %eq3A_1750 = arith.constant 164 : i32
      %eq3A_1751 = vector.broadcast %eq3A_1750 : i32 to vector<2000xi32>
      %eq3A_1752 = arith.cmpi eq, %get3A_107, %eq3A_1751 : vector<2000xi32>
      %get3A_1753 = arith.constant 164 : index
      %get3A_1754 = memref.load %arg1[%get3A_1753] : memref<200xi32, #tpu.memory_space<smem>>
      %jit3A_1755 = arith.constant 0 : i32
      %broadcast_in_dim3A_1756 = vector.broadcast %get3A_1754 : i32 to vector<2000xi32>
      %broadcast_in_dim3A_1757 = vector.broadcast %jit3A_1755 : i32 to vector<2000xi32>
      %select_n3A_1758 = arith.select %eq3A_1752, %broadcast_in_dim3A_1756, %broadcast_in_dim3A_1757 : vector<2000xi1>, vector<2000xi32>
      %add3A_1759 = arith.addi %add3A_1749, %select_n3A_1758 : vector<2000xi32>
      %eq3A_1760 = arith.constant 165 : i32
      %eq3A_1761 = vector.broadcast %eq3A_1760 : i32 to vector<2000xi32>
      %eq3A_1762 = arith.cmpi eq, %get3A_107, %eq3A_1761 : vector<2000xi32>
      %get3A_1763 = arith.constant 165 : index
      %get3A_1764 = memref.load %arg1[%get3A_1763] : memref<200xi32, #tpu.memory_space<smem>>
      %jit3A_1765 = arith.constant 0 : i32
      %broadcast_in_dim3A_1766 = vector.broadcast %get3A_1764 : i32 to vector<2000xi32>
      %broadcast_in_dim3A_1767 = vector.broadcast %jit3A_1765 : i32 to vector<2000xi32>
      %select_n3A_1768 = arith.select %eq3A_1762, %broadcast_in_dim3A_1766, %broadcast_in_dim3A_1767 : vector<2000xi1>, vector<2000xi32>
      %add3A_1769 = arith.addi %add3A_1759, %select_n3A_1768 : vector<2000xi32>
      %eq3A_1770 = arith.constant 166 : i32
      %eq3A_1771 = vector.broadcast %eq3A_1770 : i32 to vector<2000xi32>
      %eq3A_1772 = arith.cmpi eq, %get3A_107, %eq3A_1771 : vector<2000xi32>
      %get3A_1773 = arith.constant 166 : index
      %get3A_1774 = memref.load %arg1[%get3A_1773] : memref<200xi32, #tpu.memory_space<smem>>
      %jit3A_1775 = arith.constant 0 : i32
      %broadcast_in_dim3A_1776 = vector.broadcast %get3A_1774 : i32 to vector<2000xi32>
      %broadcast_in_dim3A_1777 = vector.broadcast %jit3A_1775 : i32 to vector<2000xi32>
      %select_n3A_1778 = arith.select %eq3A_1772, %broadcast_in_dim3A_1776, %broadcast_in_dim3A_1777 : vector<2000xi1>, vector<2000xi32>
      %add3A_1779 = arith.addi %add3A_1769, %select_n3A_1778 : vector<2000xi32>
      %eq3A_1780 = arith.constant 167 : i32
      %eq3A_1781 = vector.broadcast %eq3A_1780 : i32 to vector<2000xi32>
      %eq3A_1782 = arith.cmpi eq, %get3A_107, %eq3A_1781 : vector<2000xi32>
      %get3A_1783 = arith.constant 167 : index
      %get3A_1784 = memref.load %arg1[%get3A_1783] : memref<200xi32, #tpu.memory_space<smem>>
      %jit3A_1785 = arith.constant 0 : i32
      %broadcast_in_dim3A_1786 = vector.broadcast %get3A_1784 : i32 to vector<2000xi32>
      %broadcast_in_dim3A_1787 = vector.broadcast %jit3A_1785 : i32 to vector<2000xi32>
      %select_n3A_1788 = arith.select %eq3A_1782, %broadcast_in_dim3A_1786, %broadcast_in_dim3A_1787 : vector<2000xi1>, vector<2000xi32>
      %add3A_1789 = arith.addi %add3A_1779, %select_n3A_1788 : vector<2000xi32>
      %eq3A_1790 = arith.constant 168 : i32
      %eq3A_1791 = vector.broadcast %eq3A_1790 : i32 to vector<2000xi32>
      %eq3A_1792 = arith.cmpi eq, %get3A_107, %eq3A_1791 : vector<2000xi32>
      %get3A_1793 = arith.constant 168 : index
      %get3A_1794 = memref.load %arg1[%get3A_1793] : memref<200xi32, #tpu.memory_space<smem>>
      %jit3A_1795 = arith.constant 0 : i32
      %broadcast_in_dim3A_1796 = vector.broadcast %get3A_1794 : i32 to vector<2000xi32>
      %broadcast_in_dim3A_1797 = vector.broadcast %jit3A_1795 : i32 to vector<2000xi32>
      %select_n3A_1798 = arith.select %eq3A_1792, %broadcast_in_dim3A_1796, %broadcast_in_dim3A_1797 : vector<2000xi1>, vector<2000xi32>
      %add3A_1799 = arith.addi %add3A_1789, %select_n3A_1798 : vector<2000xi32>
      %eq3A_1800 = arith.constant 169 : i32
      %eq3A_1801 = vector.broadcast %eq3A_1800 : i32 to vector<2000xi32>
      %eq3A_1802 = arith.cmpi eq, %get3A_107, %eq3A_1801 : vector<2000xi32>
      %get3A_1803 = arith.constant 169 : index
      %get3A_1804 = memref.load %arg1[%get3A_1803] : memref<200xi32, #tpu.memory_space<smem>>
      %jit3A_1805 = arith.constant 0 : i32
      %broadcast_in_dim3A_1806 = vector.broadcast %get3A_1804 : i32 to vector<2000xi32>
      %broadcast_in_dim3A_1807 = vector.broadcast %jit3A_1805 : i32 to vector<2000xi32>
      %select_n3A_1808 = arith.select %eq3A_1802, %broadcast_in_dim3A_1806, %broadcast_in_dim3A_1807 : vector<2000xi1>, vector<2000xi32>
      %add3A_1809 = arith.addi %add3A_1799, %select_n3A_1808 : vector<2000xi32>
      %eq3A_1810 = arith.constant 170 : i32
      %eq3A_1811 = vector.broadcast %eq3A_1810 : i32 to vector<2000xi32>
      %eq3A_1812 = arith.cmpi eq, %get3A_107, %eq3A_1811 : vector<2000xi32>
      %get3A_1813 = arith.constant 170 : index
      %get3A_1814 = memref.load %arg1[%get3A_1813] : memref<200xi32, #tpu.memory_space<smem>>
      %jit3A_1815 = arith.constant 0 : i32
      %broadcast_in_dim3A_1816 = vector.broadcast %get3A_1814 : i32 to vector<2000xi32>
      %broadcast_in_dim3A_1817 = vector.broadcast %jit3A_1815 : i32 to vector<2000xi32>
      %select_n3A_1818 = arith.select %eq3A_1812, %broadcast_in_dim3A_1816, %broadcast_in_dim3A_1817 : vector<2000xi1>, vector<2000xi32>
      %add3A_1819 = arith.addi %add3A_1809, %select_n3A_1818 : vector<2000xi32>
      %eq3A_1820 = arith.constant 171 : i32
      %eq3A_1821 = vector.broadcast %eq3A_1820 : i32 to vector<2000xi32>
      %eq3A_1822 = arith.cmpi eq, %get3A_107, %eq3A_1821 : vector<2000xi32>
      %get3A_1823 = arith.constant 171 : index
      %get3A_1824 = memref.load %arg1[%get3A_1823] : memref<200xi32, #tpu.memory_space<smem>>
      %jit3A_1825 = arith.constant 0 : i32
      %broadcast_in_dim3A_1826 = vector.broadcast %get3A_1824 : i32 to vector<2000xi32>
      %broadcast_in_dim3A_1827 = vector.broadcast %jit3A_1825 : i32 to vector<2000xi32>
      %select_n3A_1828 = arith.select %eq3A_1822, %broadcast_in_dim3A_1826, %broadcast_in_dim3A_1827 : vector<2000xi1>, vector<2000xi32>
      %add3A_1829 = arith.addi %add3A_1819, %select_n3A_1828 : vector<2000xi32>
      %eq3A_1830 = arith.constant 172 : i32
      %eq3A_1831 = vector.broadcast %eq3A_1830 : i32 to vector<2000xi32>
      %eq3A_1832 = arith.cmpi eq, %get3A_107, %eq3A_1831 : vector<2000xi32>
      %get3A_1833 = arith.constant 172 : index
      %get3A_1834 = memref.load %arg1[%get3A_1833] : memref<200xi32, #tpu.memory_space<smem>>
      %jit3A_1835 = arith.constant 0 : i32
      %broadcast_in_dim3A_1836 = vector.broadcast %get3A_1834 : i32 to vector<2000xi32>
      %broadcast_in_dim3A_1837 = vector.broadcast %jit3A_1835 : i32 to vector<2000xi32>
      %select_n3A_1838 = arith.select %eq3A_1832, %broadcast_in_dim3A_1836, %broadcast_in_dim3A_1837 : vector<2000xi1>, vector<2000xi32>
      %add3A_1839 = arith.addi %add3A_1829, %select_n3A_1838 : vector<2000xi32>
      %eq3A_1840 = arith.constant 173 : i32
      %eq3A_1841 = vector.broadcast %eq3A_1840 : i32 to vector<2000xi32>
      %eq3A_1842 = arith.cmpi eq, %get3A_107, %eq3A_1841 : vector<2000xi32>
      %get3A_1843 = arith.constant 173 : index
      %get3A_1844 = memref.load %arg1[%get3A_1843] : memref<200xi32, #tpu.memory_space<smem>>
      %jit3A_1845 = arith.constant 0 : i32
      %broadcast_in_dim3A_1846 = vector.broadcast %get3A_1844 : i32 to vector<2000xi32>
      %broadcast_in_dim3A_1847 = vector.broadcast %jit3A_1845 : i32 to vector<2000xi32>
      %select_n3A_1848 = arith.select %eq3A_1842, %broadcast_in_dim3A_1846, %broadcast_in_dim3A_1847 : vector<2000xi1>, vector<2000xi32>
      %add3A_1849 = arith.addi %add3A_1839, %select_n3A_1848 : vector<2000xi32>
      %eq3A_1850 = arith.constant 174 : i32
      %eq3A_1851 = vector.broadcast %eq3A_1850 : i32 to vector<2000xi32>
      %eq3A_1852 = arith.cmpi eq, %get3A_107, %eq3A_1851 : vector<2000xi32>
      %get3A_1853 = arith.constant 174 : index
      %get3A_1854 = memref.load %arg1[%get3A_1853] : memref<200xi32, #tpu.memory_space<smem>>
      %jit3A_1855 = arith.constant 0 : i32
      %broadcast_in_dim3A_1856 = vector.broadcast %get3A_1854 : i32 to vector<2000xi32>
      %broadcast_in_dim3A_1857 = vector.broadcast %jit3A_1855 : i32 to vector<2000xi32>
      %select_n3A_1858 = arith.select %eq3A_1852, %broadcast_in_dim3A_1856, %broadcast_in_dim3A_1857 : vector<2000xi1>, vector<2000xi32>
      %add3A_1859 = arith.addi %add3A_1849, %select_n3A_1858 : vector<2000xi32>
      %eq3A_1860 = arith.constant 175 : i32
      %eq3A_1861 = vector.broadcast %eq3A_1860 : i32 to vector<2000xi32>
      %eq3A_1862 = arith.cmpi eq, %get3A_107, %eq3A_1861 : vector<2000xi32>
      %get3A_1863 = arith.constant 175 : index
      %get3A_1864 = memref.load %arg1[%get3A_1863] : memref<200xi32, #tpu.memory_space<smem>>
      %jit3A_1865 = arith.constant 0 : i32
      %broadcast_in_dim3A_1866 = vector.broadcast %get3A_1864 : i32 to vector<2000xi32>
      %broadcast_in_dim3A_1867 = vector.broadcast %jit3A_1865 : i32 to vector<2000xi32>
      %select_n3A_1868 = arith.select %eq3A_1862, %broadcast_in_dim3A_1866, %broadcast_in_dim3A_1867 : vector<2000xi1>, vector<2000xi32>
      %add3A_1869 = arith.addi %add3A_1859, %select_n3A_1868 : vector<2000xi32>
      %eq3A_1870 = arith.constant 176 : i32
      %eq3A_1871 = vector.broadcast %eq3A_1870 : i32 to vector<2000xi32>
      %eq3A_1872 = arith.cmpi eq, %get3A_107, %eq3A_1871 : vector<2000xi32>
      %get3A_1873 = arith.constant 176 : index
      %get3A_1874 = memref.load %arg1[%get3A_1873] : memref<200xi32, #tpu.memory_space<smem>>
      %jit3A_1875 = arith.constant 0 : i32
      %broadcast_in_dim3A_1876 = vector.broadcast %get3A_1874 : i32 to vector<2000xi32>
      %broadcast_in_dim3A_1877 = vector.broadcast %jit3A_1875 : i32 to vector<2000xi32>
      %select_n3A_1878 = arith.select %eq3A_1872, %broadcast_in_dim3A_1876, %broadcast_in_dim3A_1877 : vector<2000xi1>, vector<2000xi32>
      %add3A_1879 = arith.addi %add3A_1869, %select_n3A_1878 : vector<2000xi32>
      %eq3A_1880 = arith.constant 177 : i32
      %eq3A_1881 = vector.broadcast %eq3A_1880 : i32 to vector<2000xi32>
      %eq3A_1882 = arith.cmpi eq, %get3A_107, %eq3A_1881 : vector<2000xi32>
      %get3A_1883 = arith.constant 177 : index
      %get3A_1884 = memref.load %arg1[%get3A_1883] : memref<200xi32, #tpu.memory_space<smem>>
      %jit3A_1885 = arith.constant 0 : i32
      %broadcast_in_dim3A_1886 = vector.broadcast %get3A_1884 : i32 to vector<2000xi32>
      %broadcast_in_dim3A_1887 = vector.broadcast %jit3A_1885 : i32 to vector<2000xi32>
      %select_n3A_1888 = arith.select %eq3A_1882, %broadcast_in_dim3A_1886, %broadcast_in_dim3A_1887 : vector<2000xi1>, vector<2000xi32>
      %add3A_1889 = arith.addi %add3A_1879, %select_n3A_1888 : vector<2000xi32>
      %eq3A_1890 = arith.constant 178 : i32
      %eq3A_1891 = vector.broadcast %eq3A_1890 : i32 to vector<2000xi32>
      %eq3A_1892 = arith.cmpi eq, %get3A_107, %eq3A_1891 : vector<2000xi32>
      %get3A_1893 = arith.constant 178 : index
      %get3A_1894 = memref.load %arg1[%get3A_1893] : memref<200xi32, #tpu.memory_space<smem>>
      %jit3A_1895 = arith.constant 0 : i32
      %broadcast_in_dim3A_1896 = vector.broadcast %get3A_1894 : i32 to vector<2000xi32>
      %broadcast_in_dim3A_1897 = vector.broadcast %jit3A_1895 : i32 to vector<2000xi32>
      %select_n3A_1898 = arith.select %eq3A_1892, %broadcast_in_dim3A_1896, %broadcast_in_dim3A_1897 : vector<2000xi1>, vector<2000xi32>
      %add3A_1899 = arith.addi %add3A_1889, %select_n3A_1898 : vector<2000xi32>
      %eq3A_1900 = arith.constant 179 : i32
      %eq3A_1901 = vector.broadcast %eq3A_1900 : i32 to vector<2000xi32>
      %eq3A_1902 = arith.cmpi eq, %get3A_107, %eq3A_1901 : vector<2000xi32>
      %get3A_1903 = arith.constant 179 : index
      %get3A_1904 = memref.load %arg1[%get3A_1903] : memref<200xi32, #tpu.memory_space<smem>>
      %jit3A_1905 = arith.constant 0 : i32
      %broadcast_in_dim3A_1906 = vector.broadcast %get3A_1904 : i32 to vector<2000xi32>
      %broadcast_in_dim3A_1907 = vector.broadcast %jit3A_1905 : i32 to vector<2000xi32>
      %select_n3A_1908 = arith.select %eq3A_1902, %broadcast_in_dim3A_1906, %broadcast_in_dim3A_1907 : vector<2000xi1>, vector<2000xi32>
      %add3A_1909 = arith.addi %add3A_1899, %select_n3A_1908 : vector<2000xi32>
      %eq3A_1910 = arith.constant 180 : i32
      %eq3A_1911 = vector.broadcast %eq3A_1910 : i32 to vector<2000xi32>
      %eq3A_1912 = arith.cmpi eq, %get3A_107, %eq3A_1911 : vector<2000xi32>
      %get3A_1913 = arith.constant 180 : index
      %get3A_1914 = memref.load %arg1[%get3A_1913] : memref<200xi32, #tpu.memory_space<smem>>
      %jit3A_1915 = arith.constant 0 : i32
      %broadcast_in_dim3A_1916 = vector.broadcast %get3A_1914 : i32 to vector<2000xi32>
      %broadcast_in_dim3A_1917 = vector.broadcast %jit3A_1915 : i32 to vector<2000xi32>
      %select_n3A_1918 = arith.select %eq3A_1912, %broadcast_in_dim3A_1916, %broadcast_in_dim3A_1917 : vector<2000xi1>, vector<2000xi32>
      %add3A_1919 = arith.addi %add3A_1909, %select_n3A_1918 : vector<2000xi32>
      %eq3A_1920 = arith.constant 181 : i32
      %eq3A_1921 = vector.broadcast %eq3A_1920 : i32 to vector<2000xi32>
      %eq3A_1922 = arith.cmpi eq, %get3A_107, %eq3A_1921 : vector<2000xi32>
      %get3A_1923 = arith.constant 181 : index
      %get3A_1924 = memref.load %arg1[%get3A_1923] : memref<200xi32, #tpu.memory_space<smem>>
      %jit3A_1925 = arith.constant 0 : i32
      %broadcast_in_dim3A_1926 = vector.broadcast %get3A_1924 : i32 to vector<2000xi32>
      %broadcast_in_dim3A_1927 = vector.broadcast %jit3A_1925 : i32 to vector<2000xi32>
      %select_n3A_1928 = arith.select %eq3A_1922, %broadcast_in_dim3A_1926, %broadcast_in_dim3A_1927 : vector<2000xi1>, vector<2000xi32>
      %add3A_1929 = arith.addi %add3A_1919, %select_n3A_1928 : vector<2000xi32>
      %eq3A_1930 = arith.constant 182 : i32
      %eq3A_1931 = vector.broadcast %eq3A_1930 : i32 to vector<2000xi32>
      %eq3A_1932 = arith.cmpi eq, %get3A_107, %eq3A_1931 : vector<2000xi32>
      %get3A_1933 = arith.constant 182 : index
      %get3A_1934 = memref.load %arg1[%get3A_1933] : memref<200xi32, #tpu.memory_space<smem>>
      %jit3A_1935 = arith.constant 0 : i32
      %broadcast_in_dim3A_1936 = vector.broadcast %get3A_1934 : i32 to vector<2000xi32>
      %broadcast_in_dim3A_1937 = vector.broadcast %jit3A_1935 : i32 to vector<2000xi32>
      %select_n3A_1938 = arith.select %eq3A_1932, %broadcast_in_dim3A_1936, %broadcast_in_dim3A_1937 : vector<2000xi1>, vector<2000xi32>
      %add3A_1939 = arith.addi %add3A_1929, %select_n3A_1938 : vector<2000xi32>
      %eq3A_1940 = arith.constant 183 : i32
      %eq3A_1941 = vector.broadcast %eq3A_1940 : i32 to vector<2000xi32>
      %eq3A_1942 = arith.cmpi eq, %get3A_107, %eq3A_1941 : vector<2000xi32>
      %get3A_1943 = arith.constant 183 : index
      %get3A_1944 = memref.load %arg1[%get3A_1943] : memref<200xi32, #tpu.memory_space<smem>>
      %jit3A_1945 = arith.constant 0 : i32
      %broadcast_in_dim3A_1946 = vector.broadcast %get3A_1944 : i32 to vector<2000xi32>
      %broadcast_in_dim3A_1947 = vector.broadcast %jit3A_1945 : i32 to vector<2000xi32>
      %select_n3A_1948 = arith.select %eq3A_1942, %broadcast_in_dim3A_1946, %broadcast_in_dim3A_1947 : vector<2000xi1>, vector<2000xi32>
      %add3A_1949 = arith.addi %add3A_1939, %select_n3A_1948 : vector<2000xi32>
      %eq3A_1950 = arith.constant 184 : i32
      %eq3A_1951 = vector.broadcast %eq3A_1950 : i32 to vector<2000xi32>
      %eq3A_1952 = arith.cmpi eq, %get3A_107, %eq3A_1951 : vector<2000xi32>
      %get3A_1953 = arith.constant 184 : index
      %get3A_1954 = memref.load %arg1[%get3A_1953] : memref<200xi32, #tpu.memory_space<smem>>
      %jit3A_1955 = arith.constant 0 : i32
      %broadcast_in_dim3A_1956 = vector.broadcast %get3A_1954 : i32 to vector<2000xi32>
      %broadcast_in_dim3A_1957 = vector.broadcast %jit3A_1955 : i32 to vector<2000xi32>
      %select_n3A_1958 = arith.select %eq3A_1952, %broadcast_in_dim3A_1956, %broadcast_in_dim3A_1957 : vector<2000xi1>, vector<2000xi32>
      %add3A_1959 = arith.addi %add3A_1949, %select_n3A_1958 : vector<2000xi32>
      %eq3A_1960 = arith.constant 185 : i32
      %eq3A_1961 = vector.broadcast %eq3A_1960 : i32 to vector<2000xi32>
      %eq3A_1962 = arith.cmpi eq, %get3A_107, %eq3A_1961 : vector<2000xi32>
      %get3A_1963 = arith.constant 185 : index
      %get3A_1964 = memref.load %arg1[%get3A_1963] : memref<200xi32, #tpu.memory_space<smem>>
      %jit3A_1965 = arith.constant 0 : i32
      %broadcast_in_dim3A_1966 = vector.broadcast %get3A_1964 : i32 to vector<2000xi32>
      %broadcast_in_dim3A_1967 = vector.broadcast %jit3A_1965 : i32 to vector<2000xi32>
      %select_n3A_1968 = arith.select %eq3A_1962, %broadcast_in_dim3A_1966, %broadcast_in_dim3A_1967 : vector<2000xi1>, vector<2000xi32>
      %add3A_1969 = arith.addi %add3A_1959, %select_n3A_1968 : vector<2000xi32>
      %eq3A_1970 = arith.constant 186 : i32
      %eq3A_1971 = vector.broadcast %eq3A_1970 : i32 to vector<2000xi32>
      %eq3A_1972 = arith.cmpi eq, %get3A_107, %eq3A_1971 : vector<2000xi32>
      %get3A_1973 = arith.constant 186 : index
      %get3A_1974 = memref.load %arg1[%get3A_1973] : memref<200xi32, #tpu.memory_space<smem>>
      %jit3A_1975 = arith.constant 0 : i32
      %broadcast_in_dim3A_1976 = vector.broadcast %get3A_1974 : i32 to vector<2000xi32>
      %broadcast_in_dim3A_1977 = vector.broadcast %jit3A_1975 : i32 to vector<2000xi32>
      %select_n3A_1978 = arith.select %eq3A_1972, %broadcast_in_dim3A_1976, %broadcast_in_dim3A_1977 : vector<2000xi1>, vector<2000xi32>
      %add3A_1979 = arith.addi %add3A_1969, %select_n3A_1978 : vector<2000xi32>
      %eq3A_1980 = arith.constant 187 : i32
      %eq3A_1981 = vector.broadcast %eq3A_1980 : i32 to vector<2000xi32>
      %eq3A_1982 = arith.cmpi eq, %get3A_107, %eq3A_1981 : vector<2000xi32>
      %get3A_1983 = arith.constant 187 : index
      %get3A_1984 = memref.load %arg1[%get3A_1983] : memref<200xi32, #tpu.memory_space<smem>>
      %jit3A_1985 = arith.constant 0 : i32
      %broadcast_in_dim3A_1986 = vector.broadcast %get3A_1984 : i32 to vector<2000xi32>
      %broadcast_in_dim3A_1987 = vector.broadcast %jit3A_1985 : i32 to vector<2000xi32>
      %select_n3A_1988 = arith.select %eq3A_1982, %broadcast_in_dim3A_1986, %broadcast_in_dim3A_1987 : vector<2000xi1>, vector<2000xi32>
      %add3A_1989 = arith.addi %add3A_1979, %select_n3A_1988 : vector<2000xi32>
      %eq3A_1990 = arith.constant 188 : i32
      %eq3A_1991 = vector.broadcast %eq3A_1990 : i32 to vector<2000xi32>
      %eq3A_1992 = arith.cmpi eq, %get3A_107, %eq3A_1991 : vector<2000xi32>
      %get3A_1993 = arith.constant 188 : index
      %get3A_1994 = memref.load %arg1[%get3A_1993] : memref<200xi32, #tpu.memory_space<smem>>
      %jit3A_1995 = arith.constant 0 : i32
      %broadcast_in_dim3A_1996 = vector.broadcast %get3A_1994 : i32 to vector<2000xi32>
      %broadcast_in_dim3A_1997 = vector.broadcast %jit3A_1995 : i32 to vector<2000xi32>
      %select_n3A_1998 = arith.select %eq3A_1992, %broadcast_in_dim3A_1996, %broadcast_in_dim3A_1997 : vector<2000xi1>, vector<2000xi32>
      %add3A_1999 = arith.addi %add3A_1989, %select_n3A_1998 : vector<2000xi32>
      %eq3A_2000 = arith.constant 189 : i32
      %eq3A_2001 = vector.broadcast %eq3A_2000 : i32 to vector<2000xi32>
      %eq3A_2002 = arith.cmpi eq, %get3A_107, %eq3A_2001 : vector<2000xi32>
      %get3A_2003 = arith.constant 189 : index
      %get3A_2004 = memref.load %arg1[%get3A_2003] : memref<200xi32, #tpu.memory_space<smem>>
      %jit3A_2005 = arith.constant 0 : i32
      %broadcast_in_dim3A_2006 = vector.broadcast %get3A_2004 : i32 to vector<2000xi32>
      %broadcast_in_dim3A_2007 = vector.broadcast %jit3A_2005 : i32 to vector<2000xi32>
      %select_n3A_2008 = arith.select %eq3A_2002, %broadcast_in_dim3A_2006, %broadcast_in_dim3A_2007 : vector<2000xi1>, vector<2000xi32>
      %add3A_2009 = arith.addi %add3A_1999, %select_n3A_2008 : vector<2000xi32>
      %eq3A_2010 = arith.constant 190 : i32
      %eq3A_2011 = vector.broadcast %eq3A_2010 : i32 to vector<2000xi32>
      %eq3A_2012 = arith.cmpi eq, %get3A_107, %eq3A_2011 : vector<2000xi32>
      %get3A_2013 = arith.constant 190 : index
      %get3A_2014 = memref.load %arg1[%get3A_2013] : memref<200xi32, #tpu.memory_space<smem>>
      %jit3A_2015 = arith.constant 0 : i32
      %broadcast_in_dim3A_2016 = vector.broadcast %get3A_2014 : i32 to vector<2000xi32>
      %broadcast_in_dim3A_2017 = vector.broadcast %jit3A_2015 : i32 to vector<2000xi32>
      %select_n3A_2018 = arith.select %eq3A_2012, %broadcast_in_dim3A_2016, %broadcast_in_dim3A_2017 : vector<2000xi1>, vector<2000xi32>
      %add3A_2019 = arith.addi %add3A_2009, %select_n3A_2018 : vector<2000xi32>
      %eq3A_2020 = arith.constant 191 : i32
      %eq3A_2021 = vector.broadcast %eq3A_2020 : i32 to vector<2000xi32>
      %eq3A_2022 = arith.cmpi eq, %get3A_107, %eq3A_2021 : vector<2000xi32>
      %get3A_2023 = arith.constant 191 : index
      %get3A_2024 = memref.load %arg1[%get3A_2023] : memref<200xi32, #tpu.memory_space<smem>>
      %jit3A_2025 = arith.constant 0 : i32
      %broadcast_in_dim3A_2026 = vector.broadcast %get3A_2024 : i32 to vector<2000xi32>
      %broadcast_in_dim3A_2027 = vector.broadcast %jit3A_2025 : i32 to vector<2000xi32>
      %select_n3A_2028 = arith.select %eq3A_2022, %broadcast_in_dim3A_2026, %broadcast_in_dim3A_2027 : vector<2000xi1>, vector<2000xi32>
      %add3A_2029 = arith.addi %add3A_2019, %select_n3A_2028 : vector<2000xi32>
      %eq3A_2030 = arith.constant 192 : i32
      %eq3A_2031 = vector.broadcast %eq3A_2030 : i32 to vector<2000xi32>
      %eq3A_2032 = arith.cmpi eq, %get3A_107, %eq3A_2031 : vector<2000xi32>
      %get3A_2033 = arith.constant 192 : index
      %get3A_2034 = memref.load %arg1[%get3A_2033] : memref<200xi32, #tpu.memory_space<smem>>
      %jit3A_2035 = arith.constant 0 : i32
      %broadcast_in_dim3A_2036 = vector.broadcast %get3A_2034 : i32 to vector<2000xi32>
      %broadcast_in_dim3A_2037 = vector.broadcast %jit3A_2035 : i32 to vector<2000xi32>
      %select_n3A_2038 = arith.select %eq3A_2032, %broadcast_in_dim3A_2036, %broadcast_in_dim3A_2037 : vector<2000xi1>, vector<2000xi32>
      %add3A_2039 = arith.addi %add3A_2029, %select_n3A_2038 : vector<2000xi32>
      %eq3A_2040 = arith.constant 193 : i32
      %eq3A_2041 = vector.broadcast %eq3A_2040 : i32 to vector<2000xi32>
      %eq3A_2042 = arith.cmpi eq, %get3A_107, %eq3A_2041 : vector<2000xi32>
      %get3A_2043 = arith.constant 193 : index
      %get3A_2044 = memref.load %arg1[%get3A_2043] : memref<200xi32, #tpu.memory_space<smem>>
      %jit3A_2045 = arith.constant 0 : i32
      %broadcast_in_dim3A_2046 = vector.broadcast %get3A_2044 : i32 to vector<2000xi32>
      %broadcast_in_dim3A_2047 = vector.broadcast %jit3A_2045 : i32 to vector<2000xi32>
      %select_n3A_2048 = arith.select %eq3A_2042, %broadcast_in_dim3A_2046, %broadcast_in_dim3A_2047 : vector<2000xi1>, vector<2000xi32>
      %add3A_2049 = arith.addi %add3A_2039, %select_n3A_2048 : vector<2000xi32>
      %eq3A_2050 = arith.constant 194 : i32
      %eq3A_2051 = vector.broadcast %eq3A_2050 : i32 to vector<2000xi32>
      %eq3A_2052 = arith.cmpi eq, %get3A_107, %eq3A_2051 : vector<2000xi32>
      %get3A_2053 = arith.constant 194 : index
      %get3A_2054 = memref.load %arg1[%get3A_2053] : memref<200xi32, #tpu.memory_space<smem>>
      %jit3A_2055 = arith.constant 0 : i32
      %broadcast_in_dim3A_2056 = vector.broadcast %get3A_2054 : i32 to vector<2000xi32>
      %broadcast_in_dim3A_2057 = vector.broadcast %jit3A_2055 : i32 to vector<2000xi32>
      %select_n3A_2058 = arith.select %eq3A_2052, %broadcast_in_dim3A_2056, %broadcast_in_dim3A_2057 : vector<2000xi1>, vector<2000xi32>
      %add3A_2059 = arith.addi %add3A_2049, %select_n3A_2058 : vector<2000xi32>
      %eq3A_2060 = arith.constant 195 : i32
      %eq3A_2061 = vector.broadcast %eq3A_2060 : i32 to vector<2000xi32>
      %eq3A_2062 = arith.cmpi eq, %get3A_107, %eq3A_2061 : vector<2000xi32>
      %get3A_2063 = arith.constant 195 : index
      %get3A_2064 = memref.load %arg1[%get3A_2063] : memref<200xi32, #tpu.memory_space<smem>>
      %jit3A_2065 = arith.constant 0 : i32
      %broadcast_in_dim3A_2066 = vector.broadcast %get3A_2064 : i32 to vector<2000xi32>
      %broadcast_in_dim3A_2067 = vector.broadcast %jit3A_2065 : i32 to vector<2000xi32>
      %select_n3A_2068 = arith.select %eq3A_2062, %broadcast_in_dim3A_2066, %broadcast_in_dim3A_2067 : vector<2000xi1>, vector<2000xi32>
      %add3A_2069 = arith.addi %add3A_2059, %select_n3A_2068 : vector<2000xi32>
      %eq3A_2070 = arith.constant 196 : i32
      %eq3A_2071 = vector.broadcast %eq3A_2070 : i32 to vector<2000xi32>
      %eq3A_2072 = arith.cmpi eq, %get3A_107, %eq3A_2071 : vector<2000xi32>
      %get3A_2073 = arith.constant 196 : index
      %get3A_2074 = memref.load %arg1[%get3A_2073] : memref<200xi32, #tpu.memory_space<smem>>
      %jit3A_2075 = arith.constant 0 : i32
      %broadcast_in_dim3A_2076 = vector.broadcast %get3A_2074 : i32 to vector<2000xi32>
      %broadcast_in_dim3A_2077 = vector.broadcast %jit3A_2075 : i32 to vector<2000xi32>
      %select_n3A_2078 = arith.select %eq3A_2072, %broadcast_in_dim3A_2076, %broadcast_in_dim3A_2077 : vector<2000xi1>, vector<2000xi32>
      %add3A_2079 = arith.addi %add3A_2069, %select_n3A_2078 : vector<2000xi32>
      %eq3A_2080 = arith.constant 197 : i32
      %eq3A_2081 = vector.broadcast %eq3A_2080 : i32 to vector<2000xi32>
      %eq3A_2082 = arith.cmpi eq, %get3A_107, %eq3A_2081 : vector<2000xi32>
      %get3A_2083 = arith.constant 197 : index
      %get3A_2084 = memref.load %arg1[%get3A_2083] : memref<200xi32, #tpu.memory_space<smem>>
      %jit3A_2085 = arith.constant 0 : i32
      %broadcast_in_dim3A_2086 = vector.broadcast %get3A_2084 : i32 to vector<2000xi32>
      %broadcast_in_dim3A_2087 = vector.broadcast %jit3A_2085 : i32 to vector<2000xi32>
      %select_n3A_2088 = arith.select %eq3A_2082, %broadcast_in_dim3A_2086, %broadcast_in_dim3A_2087 : vector<2000xi1>, vector<2000xi32>
      %add3A_2089 = arith.addi %add3A_2079, %select_n3A_2088 : vector<2000xi32>
      %eq3A_2090 = arith.constant 198 : i32
      %eq3A_2091 = vector.broadcast %eq3A_2090 : i32 to vector<2000xi32>
      %eq3A_2092 = arith.cmpi eq, %get3A_107, %eq3A_2091 : vector<2000xi32>
      %get3A_2093 = arith.constant 198 : index
      %get3A_2094 = memref.load %arg1[%get3A_2093] : memref<200xi32, #tpu.memory_space<smem>>
      %jit3A_2095 = arith.constant 0 : i32
      %broadcast_in_dim3A_2096 = vector.broadcast %get3A_2094 : i32 to vector<2000xi32>
      %broadcast_in_dim3A_2097 = vector.broadcast %jit3A_2095 : i32 to vector<2000xi32>
      %select_n3A_2098 = arith.select %eq3A_2092, %broadcast_in_dim3A_2096, %broadcast_in_dim3A_2097 : vector<2000xi1>, vector<2000xi32>
      %add3A_2099 = arith.addi %add3A_2089, %select_n3A_2098 : vector<2000xi32>
      %eq3A_2100 = arith.constant 199 : i32
      %eq3A_2101 = vector.broadcast %eq3A_2100 : i32 to vector<2000xi32>
      %eq3A_2102 = arith.cmpi eq, %get3A_107, %eq3A_2101 : vector<2000xi32>
      %get3A_2103 = arith.constant 199 : index
      %get3A_2104 = memref.load %arg1[%get3A_2103] : memref<200xi32, #tpu.memory_space<smem>>
      %jit3A_2105 = arith.constant 0 : i32
      %broadcast_in_dim3A_2106 = vector.broadcast %get3A_2104 : i32 to vector<2000xi32>
      %broadcast_in_dim3A_2107 = vector.broadcast %jit3A_2105 : i32 to vector<2000xi32>
      %select_n3A_2108 = arith.select %eq3A_2102, %broadcast_in_dim3A_2106, %broadcast_in_dim3A_2107 : vector<2000xi1>, vector<2000xi32>
      %add3A_2109 = arith.addi %add3A_2099, %select_n3A_2108 : vector<2000xi32>
      %swap3A_2110 = arith.constant 0 : index
      %swap3A_2111 = vector.load %arg5[%swap3A_2110] : memref<2000xi32, #tpu.memory_space<vmem>>, vector<2000xi32>
      tpu.vector_store %arg5[%swap3A_2110], %add3A_2109 {strides = array<i32>} : memref<2000xi32, #tpu.memory_space<vmem>>, vector<2000xi32>,
    } else {
    }
    %get3A = arith.constant 0 : index
    %get3A_2 = vector.load %arg5[%get3A] : memref<2000xi32, #tpu.memory_space<vmem>>, vector<2000xi32>
    %get3A_3 = arith.constant 0 : index
    %get3A_4 = arith.constant 0 : index
    %get3A_5 = arith.constant 0 : index
    %get3A_6 = arith.constant 0 : index
    %get3A_7 = vector.load %arg3[%get3A_3, %get3A_4, %get3A_5, %get3A_6] : memref<1x28x8x2000xf32, #tpu.memory_space<vmem>>, vector<1x28x8x2000xf32>
    %get3A_8 = vector.shape_cast %get3A_7 : vector<1x28x8x2000xf32> to vector<28x8x2000xf32>
    %broadcast_in_dim3A = arith.constant 0.000000e+00 : f32
    %broadcast_in_dim3A_9 = vector.broadcast %broadcast_in_dim3A : f32 to vector<28x2000xf32>
    %eq3A_10 = arith.constant 0 : i32
    %eq3A_11 = vector.broadcast %eq3A_10 : i32 to vector<2000xi32>
    %eq3A_12 = arith.cmpi eq, %get3A_2, %eq3A_11 : vector<2000xi32>
    %broadcast_in_dim3A_13 = vector.shape_cast %eq3A_12 : vector<2000xi1> to vector<1x2000xi1>
    %slice3A = vector.extract_strided_slice %get3A_8 {offsets = [0, 0, 0], sizes = [28, 1, 2000], strides = [1, 1, 1]} : vector<28x8x2000xf32> to vector<28x1x2000xf32>
    %squeeze3A = vector.shape_cast %slice3A : vector<28x1x2000xf32> to vector<28x2000xf32>
    %jit3A = arith.constant 0.000000e+00 : f32
    %broadcast_in_dim3A_14 = vector.shape_cast %broadcast_in_dim3A_13 : vector<1x2000xi1> to vector<1x2000xi1>
    %broadcast_in_dim3A_15 = vector.broadcast %broadcast_in_dim3A_14 : vector<1x2000xi1> to vector<28x2000xi1>
    %broadcast_in_dim3A_16 = vector.broadcast %jit3A : f32 to vector<28x2000xf32>
    %select_n3A = arith.select %broadcast_in_dim3A_15, %squeeze3A, %broadcast_in_dim3A_16 : vector<28x2000xi1>, vector<28x2000xf32>
    %add3A = arith.addf %broadcast_in_dim3A_9, %select_n3A : vector<28x2000xf32>
    %eq3A_17 = arith.constant 1 : i32
    %eq3A_18 = vector.broadcast %eq3A_17 : i32 to vector<2000xi32>
    %eq3A_19 = arith.cmpi eq, %get3A_2, %eq3A_18 : vector<2000xi32>
    %broadcast_in_dim3A_20 = vector.shape_cast %eq3A_19 : vector<2000xi1> to vector<1x2000xi1>
    %slice3A_21 = vector.extract_strided_slice %get3A_8 {offsets = [0, 1, 0], sizes = [28, 1, 2000], strides = [1, 1, 1]} : vector<28x8x2000xf32> to vector<28x1x2000xf32>
    %squeeze3A_22 = vector.shape_cast %slice3A_21 : vector<28x1x2000xf32> to vector<28x2000xf32>
    %jit3A_23 = arith.constant 0.000000e+00 : f32
    %broadcast_in_dim3A_24 = vector.shape_cast %broadcast_in_dim3A_20 : vector<1x2000xi1> to vector<1x2000xi1>
    %broadcast_in_dim3A_25 = vector.broadcast %broadcast_in_dim3A_24 : vector<1x2000xi1> to vector<28x2000xi1>
    %broadcast_in_dim3A_26 = vector.broadcast %jit3A_23 : f32 to vector<28x2000xf32>
    %select_n3A_27 = arith.select %broadcast_in_dim3A_25, %squeeze3A_22, %broadcast_in_dim3A_26 : vector<28x2000xi1>, vector<28x2000xf32>
    %add3A_28 = arith.addf %add3A, %select_n3A_27 : vector<28x2000xf32>
    %eq3A_29 = arith.constant 2 : i32
    %eq3A_30 = vector.broadcast %eq3A_29 : i32 to vector<2000xi32>
    %eq3A_31 = arith.cmpi eq, %get3A_2, %eq3A_30 : vector<2000xi32>
    %broadcast_in_dim3A_32 = vector.shape_cast %eq3A_31 : vector<2000xi1> to vector<1x2000xi1>
    %slice3A_33 = vector.extract_strided_slice %get3A_8 {offsets = [0, 2, 0], sizes = [28, 1, 2000], strides = [1, 1, 1]} : vector<28x8x2000xf32> to vector<28x1x2000xf32>
    %squeeze3A_34 = vector.shape_cast %slice3A_33 : vector<28x1x2000xf32> to vector<28x2000xf32>
    %jit3A_35 = arith.constant 0.000000e+00 : f32
    %broadcast_in_dim3A_36 = vector.shape_cast %broadcast_in_dim3A_32 : vector<1x2000xi1> to vector<1x2000xi1>
    %broadcast_in_dim3A_37 = vector.broadcast %broadcast_in_dim3A_36 : vector<1x2000xi1> to vector<28x2000xi1>
    %broadcast_in_dim3A_38 = vector.broadcast %jit3A_35 : f32 to vector<28x2000xf32>
    %select_n3A_39 = arith.select %broadcast_in_dim3A_37, %squeeze3A_34, %broadcast_in_dim3A_38 : vector<28x2000xi1>, vector<28x2000xf32>
    %add3A_40 = arith.addf %add3A_28, %select_n3A_39 : vector<28x2000xf32>
    %eq3A_41 = arith.constant 3 : i32
    %eq3A_42 = vector.broadcast %eq3A_41 : i32 to vector<2000xi32>
    %eq3A_43 = arith.cmpi eq, %get3A_2, %eq3A_42 : vector<2000xi32>
    %broadcast_in_dim3A_44 = vector.shape_cast %eq3A_43 : vector<2000xi1> to vector<1x2000xi1>
    %slice3A_45 = vector.extract_strided_slice %get3A_8 {offsets = [0, 3, 0], sizes = [28, 1, 2000], strides = [1, 1, 1]} : vector<28x8x2000xf32> to vector<28x1x2000xf32>
    %squeeze3A_46 = vector.shape_cast %slice3A_45 : vector<28x1x2000xf32> to vector<28x2000xf32>
    %jit3A_47 = arith.constant 0.000000e+00 : f32
    %broadcast_in_dim3A_48 = vector.shape_cast %broadcast_in_dim3A_44 : vector<1x2000xi1> to vector<1x2000xi1>
    %broadcast_in_dim3A_49 = vector.broadcast %broadcast_in_dim3A_48 : vector<1x2000xi1> to vector<28x2000xi1>
    %broadcast_in_dim3A_50 = vector.broadcast %jit3A_47 : f32 to vector<28x2000xf32>
    %select_n3A_51 = arith.select %broadcast_in_dim3A_49, %squeeze3A_46, %broadcast_in_dim3A_50 : vector<28x2000xi1>, vector<28x2000xf32>
    %add3A_52 = arith.addf %add3A_40, %select_n3A_51 : vector<28x2000xf32>
    %eq3A_53 = arith.constant 4 : i32
    %eq3A_54 = vector.broadcast %eq3A_53 : i32 to vector<2000xi32>
    %eq3A_55 = arith.cmpi eq, %get3A_2, %eq3A_54 : vector<2000xi32>
    %broadcast_in_dim3A_56 = vector.shape_cast %eq3A_55 : vector<2000xi1> to vector<1x2000xi1>
    %slice3A_57 = vector.extract_strided_slice %get3A_8 {offsets = [0, 4, 0], sizes = [28, 1, 2000], strides = [1, 1, 1]} : vector<28x8x2000xf32> to vector<28x1x2000xf32>
    %squeeze3A_58 = vector.shape_cast %slice3A_57 : vector<28x1x2000xf32> to vector<28x2000xf32>
    %jit3A_59 = arith.constant 0.000000e+00 : f32
    %broadcast_in_dim3A_60 = vector.shape_cast %broadcast_in_dim3A_56 : vector<1x2000xi1> to vector<1x2000xi1>
    %broadcast_in_dim3A_61 = vector.broadcast %broadcast_in_dim3A_60 : vector<1x2000xi1> to vector<28x2000xi1>
    %broadcast_in_dim3A_62 = vector.broadcast %jit3A_59 : f32 to vector<28x2000xf32>
    %select_n3A_63 = arith.select %broadcast_in_dim3A_61, %squeeze3A_58, %broadcast_in_dim3A_62 : vector<28x2000xi1>, vector<28x2000xf32>
    %add3A_64 = arith.addf %add3A_52, %select_n3A_63 : vector<28x2000xf32>
    %eq3A_65 = arith.constant 5 : i32
    %eq3A_66 = vector.broadcast %eq3A_65 : i32 to vector<2000xi32>
    %eq3A_67 = arith.cmpi eq, %get3A_2, %eq3A_66 : vector<2000xi32>
    %broadcast_in_dim3A_68 = vector.shape_cast %eq3A_67 : vector<2000xi1> to vector<1x2000xi1>
    %slice3A_69 = vector.extract_strided_slice %get3A_8 {offsets = [0, 5, 0], sizes = [28, 1, 2000], strides = [1, 1, 1]} : vector<28x8x2000xf32> to vector<28x1x2000xf32>
    %squeeze3A_70 = vector.shape_cast %slice3A_69 : vector<28x1x2000xf32> to vector<28x2000xf32>
    %jit3A_71 = arith.constant 0.000000e+00 : f32
    %broadcast_in_dim3A_72 = vector.shape_cast %broadcast_in_dim3A_68 : vector<1x2000xi1> to vector<1x2000xi1>
    %broadcast_in_dim3A_73 = vector.broadcast %broadcast_in_dim3A_72 : vector<1x2000xi1> to vector<28x2000xi1>
    %broadcast_in_dim3A_74 = vector.broadcast %jit3A_71 : f32 to vector<28x2000xf32>
    %select_n3A_75 = arith.select %broadcast_in_dim3A_73, %squeeze3A_70, %broadcast_in_dim3A_74 : vector<28x2000xi1>, vector<28x2000xf32>
    %add3A_76 = arith.addf %add3A_64, %select_n3A_75 : vector<28x2000xf32>
    %eq3A_77 = arith.constant 6 : i32
    %eq3A_78 = vector.broadcast %eq3A_77 : i32 to vector<2000xi32>
    %eq3A_79 = arith.cmpi eq, %get3A_2, %eq3A_78 : vector<2000xi32>
    %broadcast_in_dim3A_80 = vector.shape_cast %eq3A_79 : vector<2000xi1> to vector<1x2000xi1>
    %slice3A_81 = vector.extract_strided_slice %get3A_8 {offsets = [0, 6, 0], sizes = [28, 1, 2000], strides = [1, 1, 1]} : vector<28x8x2000xf32> to vector<28x1x2000xf32>
    %squeeze3A_82 = vector.shape_cast %slice3A_81 : vector<28x1x2000xf32> to vector<28x2000xf32>
    %jit3A_83 = arith.constant 0.000000e+00 : f32
    %broadcast_in_dim3A_84 = vector.shape_cast %broadcast_in_dim3A_80 : vector<1x2000xi1> to vector<1x2000xi1>
    %broadcast_in_dim3A_85 = vector.broadcast %broadcast_in_dim3A_84 : vector<1x2000xi1> to vector<28x2000xi1>
    %broadcast_in_dim3A_86 = vector.broadcast %jit3A_83 : f32 to vector<28x2000xf32>
    %select_n3A_87 = arith.select %broadcast_in_dim3A_85, %squeeze3A_82, %broadcast_in_dim3A_86 : vector<28x2000xi1>, vector<28x2000xf32>
    %add3A_88 = arith.addf %add3A_76, %select_n3A_87 : vector<28x2000xf32>
    %eq3A_89 = arith.constant 7 : i32
    %eq3A_90 = vector.broadcast %eq3A_89 : i32 to vector<2000xi32>
    %eq3A_91 = arith.cmpi eq, %get3A_2, %eq3A_90 : vector<2000xi32>
    %broadcast_in_dim3A_92 = vector.shape_cast %eq3A_91 : vector<2000xi1> to vector<1x2000xi1>
    %slice3A_93 = vector.extract_strided_slice %get3A_8 {offsets = [0, 7, 0], sizes = [28, 1, 2000], strides = [1, 1, 1]} : vector<28x8x2000xf32> to vector<28x1x2000xf32>
    %squeeze3A_94 = vector.shape_cast %slice3A_93 : vector<28x1x2000xf32> to vector<28x2000xf32>
    %jit3A_95 = arith.constant 0.000000e+00 : f32
    %broadcast_in_dim3A_96 = vector.shape_cast %broadcast_in_dim3A_92 : vector<1x2000xi1> to vector<1x2000xi1>
    %broadcast_in_dim3A_97 = vector.broadcast %broadcast_in_dim3A_96 : vector<1x2000xi1> to vector<28x2000xi1>
    %broadcast_in_dim3A_98 = vector.broadcast %jit3A_95 : f32 to vector<28x2000xf32>
    %select_n3A_99 = arith.select %broadcast_in_dim3A_97, %squeeze3A_94, %broadcast_in_dim3A_98 : vector<28x2000xi1>, vector<28x2000xf32>
    %add3A_100 = arith.addf %add3A_88, %select_n3A_99 : vector<28x2000xf32>
    %swap3A = arith.constant 0 : index
    %swap3A_101 = arith.constant 0 : index
    %swap3A_102 = arith.constant 0 : index
    %swap3A_103 = vector.load %arg4[%swap3A, %swap3A_101, %swap3A_102] : memref<1x28x2000xf32, #tpu.memory_space<vmem>>, vector<1x28x2000xf32>
    %swap3A_104 = vector.shape_cast %swap3A_103 : vector<1x28x2000xf32> to vector<28x2000xf32>
    %swap3A_105 = vector.shape_cast %add3A_100 : vector<28x2000xf32> to vector<1x28x2000xf32>
    tpu.vector_store %arg4[%swap3A, %swap3A_101, %swap3A_102], %swap3A_105 {strides = array<i32>} : memref<1x28x2000xf32, #tpu.memory_space<vmem>>, vector<1x28x2000xf32>,
    return
  }
  func.func @transform_0(%arg0: i32) -> i32 {
    %c0_i32 = arith.constant 0 : i32
    %c0_i32_0 = arith.constant 0 : i32
    return %c0_i32 : i32
  }
  func.func @transform_1(%arg0: i32) -> i32 {
    %c0_i32 = arith.constant 0 : i32
    %c0_i32_0 = arith.constant 0 : i32
    return %c0_i32 : i32
  }
  func.func @transform_2(%arg0: i32) -> (i32, i32, i32, i32) {
    %c0_i32 = arith.constant 0 : i32
    %c0_i32_0 = arith.constant 0 : i32
    %c0_i32_1 = arith.constant 0 : i32
    %c0_i32_2 = arith.constant 0 : i32
    return %arg0, %c0_i32, %c0_i32_0, %c0_i32_1 : i32, i32, i32, i32
  }
  func.func @transform_3(%arg0: i32) -> (i32, i32, i32) {
    %c0_i32 = arith.constant 0 : i32
    %c0_i32_0 = arith.constant 0 : i32
    %c0_i32_1 = arith.constant 0 : i32
    return %arg0, %c0_i32, %c0_i32_0 : i32, i32, i32
  }
}

</mosaic_0001>

<sc_bundles>
// kernel: kernel.4.cloned.1.call-start
scs
__scs_entry_jumppad:
0x0: {  	(pc) =	sbr.rel $0x88, $3  }
0x1: {  	(tag) =	ssettag $0x0;
	lr =	simm.s32 $0x1  }
0x2: {  	[smem:$0x3F99] =	sst lr;
	_ =	strace $0xD0000000  }
0x3: {  	_ = 	snop  }
0x4: {  	_ = 	snop  }
0x5: {  	_ = 	snop  }
0x6: {  	_ = 	snop  }
0x7: {  	_ = 	snop  }
__scs_overlays_trampoline_lowered:
0x8: {  	[smem:$0x3FA8] =	sst s0  }
0x9: {  	[smem:$0x3FA9] =	sst s1  }
0xa: {  	[smem:$0x3FAA] =	sst s2  }
0xb: {  	[smem:$0x3FAB] =	sst s3  }
0xc: {  	[smem:$0x3FAC] =	sst s4  }
0xd: {  	[smem:$0x3FAD] =	sst s5  }
0xe: {  	[smem:$0x3FAE] =	sst s6  }
0xf: {  	[smem:$0x3FAF] =	sst s7  }
0x10: {  	[smem:$0x3FB0] =	sst s8  }
0x11: {  	[smem:$0x3FB1] =	sst s9;
	s0 =	simm.s32 @!p0 $0x0  }
0x12: {  	s1 =	sld [smem:$0x3F97];
	s0 =	simm.s32 @p0 $0x1  }
0x13: {  	[smem:$0x3FB2] =	sst s0;
	s0 =	simm.s32 @!p1 $0x0  }
0x14: {  	s2 =	sld [smem:$0x3F96];
	s0 =	simm.s32 @p1 $0x1  }
0x15: {  	[smem:$0x3FB3] =	sst s0;
	s0 =	simm.s32 @!p2 $0x0  }
0x16: {  	s3 =	sld [smem:$0x3FDB];
	s0 =	simm.s32 @p2 $0x1  }
0x17: {  	s4 =	simm.s32 $0x1BF5;
	[smem:$0x3FB5] =	sst s0  }
0x18: {  	s0 =	sld [smem:$0x3F98];
	_ =	swait.ge [sflag:s4], $0x0  }
0x19: {  	s7 =	sld [smem:$0x3F99]  }
0x1a: {  	s8 =	sadd.s32 $0xFFFFE003, lr  }
0x1b: {  	s9 =	sadd.s32 $0xFFFFFEF7, lr;
	s5 =	simm.s32 $0xFFFFFFFF;
	p2 =	slt.u32 s8, $0xFFFFF086  }
0x1c: {  	p1 =	slt.u32 s9, $0xF7A;
	s5 =	simm.s32 @!p2 $0x0  }
0x1d: {  	s5 =	simm.s32 @p1 $0x1;
	p0 =	seq.s32 s7, s2  }
0x1e: {  	s7 =	smul.u32 @!p0 $0xF7A, s2;
	p2 =	seq.s32 @!p0 s5, $0x0  }
0x1f: {  	s9 =	smul.u32 $0xF7A, s1;
	s8 =	simm.s32 @!p0 $0x1BF5;
	p2 =	por !p2, p0  }
0x20: {  	[sflag:s8] =	ssyncset.s32 @!p0 $0xFFFFF086;
	s6 =	sadd.s32 @!p0 s3, s7;
	s7 =	simm.s32 @!p0 $0x108  }
0x21: {  	s3 =	sadd.s32 s3, s9;
	s6 =	sadd.s32 @!p0 $0x88, s6;
	s7 =	simm.s32 @p2 $0x1082  }
0x22: {  	[simem:s7], [sflag:s8] =	dma.local @!p0 [hbm:s6], $0xF7A  }
0x23: {  	s9 =	sor.u32 $0xD0000000, s2;
	s6 =	simm.s32 $0x108;
	_ =	swait.ge @!p0 [sflag:s8], $0x0  }
0x24: {  	s3 =	sadd.s32 $0x88, s3;
	s6 =	simm.s32 @!p1 $0x1082;
	[sflag:s4] =	ssyncset.s32 $0xFFFFF086  }
0x25: {  	[simem:s6], [sflag:s4] =	dma.local [hbm:s3], $0xF7A  }
0x26: {  	[smem:$0x3F99] =	sst s1;
	(tag) =	ssettag s2;
	_ =	strace s9  }
0x27: {  	s1 =	sld [smem:$0x3FA9]  }
0x28: {  	s2 =	sld [smem:$0x3FAA]  }
0x29: {  	s4 =	sld [smem:$0x3FAC]  }
0x2a: {  	p0 =	seq.s32 s5, $0x0;
	s5 =	sld [smem:$0x3FAD]  }
0x2b: {  	s6 =	sld [smem:$0x3FAE]  }
0x2c: {  	s7 =	sld [smem:$0x3FAF]  }
0x2d: {  	s3 =	simm.s32 $0x108;
	s8 =	sld [smem:$0x3FB0]  }
0x2e: {  	s3 =	simm.s32 @!p0 $0x1082;
	s9 =	sld [smem:$0x3FB1]  }
0x2f: {  	lr =	sadd.s32 s0, s3;
	s0 =	sld [smem:$0x3FA8]  }
0x30: {  	s3 =	sld [smem:$0x3FAB]  }
0x31: {  	[smem:$0x3FB4] =	sst s10  }
0x32: {  	s10 =	sld [smem:$0x3FB2];
	_ =	sdelay $0x3  }
0x33: {  	p0 =	seq.s32 s10, $0x1;
	s10 =	sld [smem:$0x3FB4];
	_ =	sdelay $0x3  }
0x34: {  	[smem:$0x3FB4] =	sst s10  }
0x35: {  	s10 =	sld [smem:$0x3FB3];
	_ =	sdelay $0x3  }
0x36: {  	p1 =	seq.s32 s10, $0x1;
	s10 =	sld [smem:$0x3FB4];
	_ =	sdelay $0x3  }
0x37: {  	[smem:$0x3FB4] =	sst s10  }
0x38: {  	s10 =	sld [smem:$0x3FB5]  }
0x39: {  	_ = 	snop;
	(pc) =	sbr.ind lr, $3  }
0x3a: {  	_ = 	snop  }
0x3b: {  	_ = 	snop  }
0x3c: {  	p2 =	seq.s32 s10, $0x1;
	s10 =	sld [smem:$0x3FB4]  }
0x3d: {  	_ =	shalt  }
0x3e: {  	_ =	shalt  }
0x3f: {  	_ =	shalt  }
0x40: {  	_ =	shalt  }
0x41: {  	_ =	shalt  }
0x42: {  	_ =	shalt  }
0x43: {  	_ =	shalt  }
0x44: {  	_ =	shalt  }
0x45: {  	_ =	shalt  }
0x46: {  	_ =	shalt  }
0x47: {  	_ =	shalt  }
0x48: {  	_ =	shalt  }
0x49: {  	_ =	shalt  }
0x4a: {  	_ =	shalt  }
0x4b: {  	_ =	shalt  }
0x4c: {  	_ =	shalt  }
0x4d: {  	_ =	shalt  }
0x4e: {  	_ =	shalt  }
0x4f: {  	_ =	shalt  }
0x50: {  	_ =	shalt  }
0x51: {  	_ =	shalt  }
0x52: {  	_ =	shalt  }
0x53: {  	_ =	shalt  }
0x54: {  	_ =	shalt  }
0x55: {  	_ =	shalt  }
0x56: {  	_ =	shalt  }
0x57: {  	_ =	shalt  }
0x58: {  	_ =	shalt  }
0x59: {  	_ =	shalt  }
0x5a: {  	_ =	shalt  }
0x5b: {  	_ =	shalt  }
0x5c: {  	_ =	shalt  }
0x5d: {  	_ =	shalt  }
0x5e: {  	_ =	shalt  }
0x5f: {  	_ =	shalt  }
0x60: {  	_ =	shalt  }
0x61: {  	_ =	shalt  }
0x62: {  	_ =	shalt  }
0x63: {  	_ =	shalt  }
0x64: {  	_ =	shalt  }
0x65: {  	_ =	shalt  }
0x66: {  	_ =	shalt  }
0x67: {  	_ =	shalt  }
0x68: {  	_ =	shalt  }
0x69: {  	_ =	shalt  }
0x6a: {  	_ =	shalt  }
0x6b: {  	_ =	shalt  }
0x6c: {  	_ =	shalt  }
0x6d: {  	_ =	shalt  }
0x6e: {  	_ =	shalt  }
0x6f: {  	_ =	shalt  }
0x70: {  	_ =	shalt  }
0x71: {  	_ =	shalt  }
0x72: {  	_ =	shalt  }
0x73: {  	_ =	shalt  }
0x74: {  	_ =	shalt  }
0x75: {  	_ =	shalt  }
0x76: {  	_ =	shalt  }
0x77: {  	_ =	shalt  }
0x78: {  	_ =	shalt  }
0x79: {  	_ =	shalt  }
0x7a: {  	_ =	shalt  }
0x7b: {  	_ =	shalt  }
0x7c: {  	_ =	shalt  }
0x7d: {  	_ =	shalt  }
0x7e: {  	_ =	shalt  }
0x7f: {  	_ =	shalt  }
0x80: {  	_ =	shalt  }
0x81: {  	_ =	shalt  }
0x82: {  	_ =	shalt  }
0x83: {  	_ =	shalt  }
0x84: {  	_ =	shalt  }
0x85: {  	_ =	shalt  }
0x86: {  	_ =	shalt  }
0x87: {  	_ =	shalt  }
.Lfunc_end0:
.L_simem_size_0:
called_computation_lowered:
.L_overlay_start_0:
0x88: {  	s2 =	sld [smem:$0x3FD9]  }
0x89: {  	s3 =	sld [smem:$0x3FFE];
	_ =	sdelay $0x1  }
0x8a: {  	s1 =	srdreg.scid  }
0x8b: {  	s0 =	sand.u32 $0x1, s1  }
0x8c: {  	s14 =	sshll.u32 s0, $0xA;
	s2 =	sadd.s32 s3, s2  }
0x8d: {  	s2 =	sadd.s32 s2, s14  }
0x8e: {  	[smem:$0x3FC0] =	sst s2  }
0x8f: {  	_ = 	snop  }
0x90: {  	s2 =	sld [smem:$0x3FC7]  }
0x91: {  	s15 =	sld [smem:$0x3FD0]  }
0x92: {  	s4 =	sld [smem:$0x3FC6]  }
0x93: {  	s5 =	sld [smem:$0x3FC3]  }
0x94: {  	s7 =	simm.s32 $0xA;
	s8 =	simm.s32 $0x10;
	s6 =	sld [smem:$0x3FC2]  }
0x95: {  	[smem:s8], [sflag:s7] =	dma.local [hbm:s15], $0x1  }
0x96: {  	_ =	swait.eq [sflag:s7], $0x1  }
0x97: {  	s16 =	sld [smem:$0x13];
	[sflag:s7] =	ssyncset.done $0x0  }
0x98: {  	s17 =	sld [smem:$0x14];
	[sflag:s7] =	ssyncadd.s32 $0xFFFFFFFF  }
0x99: {  	s18 =	sld [smem:$0x15];
	(tm) =	ssettm $0x1  }
0x9a: {  	s9 =	sld [smem:$0x3FFB];
	_ =	sdelay $0x3  }
0x9b: {  	_ =	strace s9  }
0x9c: {  	s9 =	sld [smem:$0x3FFC];
	_ =	sdelay $0x3  }
0x9d: {  	_ =	strace s9  }
0x9e: {  	s9 =	sld [smem:$0x3FFD];
	_ =	sdelay $0x3  }
0x9f: {  	_ =	strace s9  }
0xa0: {  	_ =	strace $0x8FFFFFFF  }
0xa1: {  	s19 =	sld [smem:$0x3FDB];
	_ =	sdelay $0x1  }
0xa2: {  	s10 =	simm.s32 $_scs_section_size  }
0xa3: {  	s11 =	simm.s32 $_size__tile_overlayer_lowered;
	s12 =	simm.s32 $_tile_overlayer_lowered  }
0xa4: {  	s22 =	simm.s32 $0x1BFF;
	s21 =	sshll.u32 s12, $0x1;
	s9 =	sadd.s32 s10, s19  }
0xa5: {  	s13 =	simm.s32 $0x0;
	s20 =	sshll.u32 s11, $0x1;
	s11 =	sadd.s32 s21, s9  }
0xa6: {  	[timem:s13], [sflag:s22] =	dma.local [hbm:s11], s20  }
0xa7: {  	_ =	swait.ge [sflag:s22], s20  }
0xa8: {  	s10 =	ssub.s32 $0x0, s20;
	[sflag:s22] =	ssyncset.done $0x0  }
0xa9: {  	[sflag:s22] =	ssyncadd.s32 s10;
	_ =	sdelay $0x1  }
0xaa: {  	s23 =	simm.s32 $0x1B8B  }
0xab: {  	_ =	swait.ge [sflag:s23], $0x1  }
0xac: {  	[sflag:s23] =	ssyncset.done $0x0  }
0xad: {  	s25 =	simm.s32 $0x1B8E;
	s24 =	sld [smem:$0x3FFE];
	[sflag:s23] =	ssyncadd.s32 $0xFFFFFFFF  }
0xae: {  	s26 =	simm.s32 $execute0_lowered;
	[smem:$0x3FD2] =	sst s25  }
0xaf: {  	s11 =	sshll.u32 s26, $0x1;
	_ =	strace $0x80000046;
	[dreg:$0x1] =	wrdreg $0xFFFFFFFF  }
0xb0: {  	s28 =	simm.s32 $_size_execute0_lowered;
	s9 =	sadd.s32 s9, s11;
	[dreg:$0x0] =	wrdreg $0x0  }
0xb1: {  	s11 =	sshll.u32 s28, $0x1;
	[dreg:$0x2] =	wrdreg s9  }
0xb2: {  	[dreg:$0x3] =	wrdreg s11  }
0xb3: {  	[dreg:$0x4] =	wrdreg $0xC0  }
0xb4: {  	_ =	task [dreg:s13], $0x5FFFF  }
0xb5: {  	[dreg:$0x1] =	wrdreg $0xFFFFFFFF  }
0xb6: {  	[dreg:$0x0] =	wrdreg $0x60  }
0xb7: {  	[dreg:$0x2] =	wrdreg s16  }
0xb8: {  	[dreg:$0x3] =	wrdreg s2  }
0xb9: {  	[dreg:$0x4] =	wrdreg s4  }
0xba: {  	[dreg:$0x5] =	wrdreg s17  }
0xbb: {  	[dreg:$0x6] =	wrdreg s18  }
0xbc: {  	[dreg:$0x7] =	wrdreg s5  }
0xbd: {  	[dreg:$0x8] =	wrdreg s6  }
0xbe: {  	[dreg:$0x9] =	wrdreg s24  }
0xbf: {  	[dreg:$0xa] =	wrdreg $0x9  }
0xc0: {  	_ =	task.clear_ibuf [dreg:s13], $0xBFFFF;
	_ =	strace $0x90000046  }
0xc1: {  	s29 =	simm.s32 $0x9;
	_ =	strace $0x80000048  }
0xc2: {  	_ =	swait.ge [sflag:s29], $0x1  }
0xc3: {  	[sflag:s29] =	ssyncadd.s32 $0xFFFFFFFF  }
0xc4: {  	_ =	strace $0x90000048  }
0xc5: {  	_ =	sfence  }
0xc6: {  	s30 =	sld [smem:$0x0];
	_ =	sdelay $0x2  }
0xc7: {  	s31 =	sshll.u32 s1, $0xD;
	s1 =	sshrl.u32 s1, $0x2  }
0xc8: {  	s3 =	sand.u32 $0x4000, s31;
	s1 =	sadd.s32 s1, s30  }
0xc9: {  	s0 =	sor.u32 s3, s0;
	s1 =	sshll.u32 s1, $0x11  }
0xca: {  	s0 =	sor.u32 s1, s0  }
0xcb: {  	s0 =	sadd.s32 $0x8F2B, s0  }
0xcc: {  	[sflag:s0] =	ssyncadd.remote.s32 $0x1  }
0xcd: {  	_ =	sfence.sel $0xFFFF  }
0xce: {  	[dreg:$0x0] =	wrdreg $0xFFFFFFFF;
	(pc) =	sbr.abs _section_cstart, $3  }
0xcf: {  	[dreg:$0x1] =	wrdreg $0xFFFFFFFF  }
0xd0: {  	_ =	task.clear_ibuf [dreg:s13], $0x2FFFF;
	_ =	strace $0x9FFFFFFF  }
0xd1: {  	(tm) =	ssettm $0x7FFFFFFF  }
tec
execute0_lowered:
.L_overlay_start_1:
0x0: {  	(tag) =	ssettag $0x1  }
0x1: {  	s29 =	rddreg [dreg:$0x0]  }
0x2: {  	s7 =	rddreg [dreg:$0x6]  }
0x3: {  	s2 =	rddreg [dreg:$0x7];
	s9 =	simm.s32 $0x0  }
0x4: {  	s4 =	srdreg.scid;
	s0 =	stileid.u32;
	s16 =	simm.s32 $0x100  }
0x5: {  	s17 =	simm.s32 $0x3;
	s18 =	simm.s32 $0x80;
	s19 =	simm.s32 $0x8B00  }
0x6: {  	s20 =	simm.s32 $0x180;
	s21 =	simm.s32 $0x200;
	s22 =	simm.s32 $0x70  }
0x7: {  	v0 =	vimm.s32 $0x76543210;
	s23 =	simm.s32 $0x280;
	s24 =	simm.s32 $0x3A80;
	s25 =	simm.s32 $0x1  }
0x8: {  	s26 =	simm.s32 $0x2;
	s28 =	simm.s32 $0x7280;
	s4 =	sand.u32 $0x1, s4;
	v0 =	vunpack.c.l.s4.s8 v0  }
0x9: {  	s1 =	simm.s32 $0x0;
	[smem:$0x7FF] =	sst s9;
	s5 =	ssub.s32 $0x2, s4  }
0xa: {  	s10 =	sadd.s32 $0x1800, s2;
	s8 =	sshll.u32 s0, $0x1;
	s30 =	sshrl.u32 s5, $0x1;
	v1 =	vunpack.c.0.s8.s32 v0;
	v0 =	vlaneseq.u32  }
0xb: {  	vm0 =	vcmask $0x1F00;
	s11 =	sadd.s32 $0x31600, s2;
	s12 =	sor.u32 s4, s8;
	s2 =	ssub.s32 s5, s30;
	v2 =	vadd.s32 $0xC, v0;
	v3 =	vadd.s32 $0x1C, v0  }
0xc: {  	_ =	strace $0x80000047;
	s4 =	ssub.s32 $0x9C, s12;
	v4 =	vadd.s32 $0x28, v0;
	v5 =	vadd.s32 $0x38, v0;
	v6 =	vadd.s32 $0x44, v0;
	s31 =	smax.u32 s2, $0x1  }
0xd: {  	s13 =	sshll.u32 s12, $0x3;
	s14 =	sshrl.u32 s4, $0x5;
	v7 =	vadd.s32 $0x54, v0;
	v8 =	vor.u32 $0x60, v0;
	v1 =	vnsel vm0, $0x7, v1;
	[dreg:$0x9] =	wrdreg s31  }
.LBB2_1:
0xe: {  	[dreg:$0xa] =	wrdreg s1  }
0xf: {  	s0 =	rddreg [dreg:$0x3]  }
0x10: {  	[tilespmem:s16], [sflag:$0x3] =	stream.linear.gather [hbm4b:s0+s9], $0x80, $0x38;
	[tilespmem:$0x8B80] =	vst v63  }
0x11: {  	_ =	swait.ge [sflag:s17], $0x80  }
0x12: {  	[sflag:s17] =	ssyncset.done $0x0  }
0x13: {  	s30 =	simm.s32 $0x0;
	[sflag:s17] =	ssyncadd.s32 $0xFFFFFF80  }
.LBB2_2:
0x14: {  	s2 =	sshll.u32 s30, $0x5  }
0x15: {  	s31 =	sor.u32 s12, s2  }
0x16: {  	s0 =	rddreg [dreg:$0x1];
	s8 =	sand.u32 $0x1FFFFFFF, s31  }
0x17: {  	s2 =	simm.s32 $0x0;
	s4 =	sadd.s32 s0, s8  }
0x18: {  	[tilespmem:s2], [sflag:$0x3] =	stream.linear.gather [hbm4b:s4+s2], $0x8, $0x38;
	[tilespmem:$0x8B80] =	vst v63  }
0x19: {  	s15 =	sshll.u32 s31, $0x2;
	_ =	swait.ge [sflag:s17], $0x8  }
0x1a: {  	s4 =	sand.u32 $0x1FFFFFFC, s15;
	[sflag:s17] =	ssyncset.done $0x0  }
0x1b: {  	s4 =	sadd.s32 s29, s4;
	[sflag:s17] =	ssyncadd.s32 $0xFFFFFFF8  }
0x1c: {  	[tilespmem:s18], [sflag:$0x3] =	stream.linear.gather [hbm4b:s4+s2], $0x20, $0x38;
	[tilespmem:$0x8B80] =	vst v63  }
0x1d: {  	_ =	swait.ge [sflag:s17], $0x20  }
0x1e: {  	[sflag:s17] =	ssyncset.done $0x0  }
0x1f: {  	[sflag:s17] =	ssyncadd.s32 $0xFFFFFFE0  }
0x20: {  	v9 =	vld [tilespmem:$0x80]  }
0x21: {  	v11 =	vld [tilespmem:$0x0];
	_ =	sdelay $0x3  }
0x22: {  	v9 =	vtrunc.f32 v9  }
0x23: {  	(v2sf) =	vpush v11, $0x0;
	v10 =	vcvt.f32.s32 v9;
	_ =	sdelay $0x1  }
0x24: {  	(v2sf) =	vpush v10, $0x1  }
0x25: {  	(v2sf) =	vpush v11, $0x1  }
0x26: {  	(v2sf) =	vpush v10, $0x5  }
0x27: {  	(v2sf) =	vpush v11, $0x2  }
0x28: {  	v9 =	vld [tilespmem:$0x90]  }
0x29: {  	(v2sf) =	vpush v10, $0x9;
	_ =	sdelay $0x1  }
0x2a: {  	(v2sf) =	vpush v11, $0x3  }
0x2b: {  	(v2sf) =	vpush v10, $0xD  }
0x2c: {  	v9 =	vtrunc.f32 v9  }
0x2d: {  	v9 =	vcvt.f32.s32 v9;
	(v2sf) =	vpush v11, $0x4;
	_ =	sdelay $0x1  }
0x2e: {  	(v2sf) =	vpush v9, $0x1  }
0x2f: {  	s4 =	spop (v2sf)  }
0x30: {  	vm0 =	vgt.s32 v11, $0x0;
	p0 =	sgt.s32 s4, $0x0  }
0x31: {  	v12 =	vnsel vm0, $0x0, v11;
	(v2sf) =	vpush v11, $0x5;
	s4 =	simm.s32 @!p0 $0x0;
	s5 =	spop (v2sf)  }
0x32: {  	s6 =	smov.u32 s29;
	v12 =	vmin.u32 v12, $0x63;
	s4 =	smin.u32 s4, $0x63;
	s15 =	spop (v2sf)  }
0x33: {  	(v2sf) =	vpush v9, $0x5;
	p0 =	sgt.s32 s5, $0x0;
	s4 =	sshll.u32 s4, $0x7;
	s29 =	spop (v2sf)  }
0x34: {  	s5 =	simm.s32 @!p0 $0x0;
	p0 =	sgt.s32 s15, $0x0;
	s1 =	spop (v2sf)  }
0x35: {  	(v2sf) =	vpush v11, $0x6;
	s15 =	simm.s32 @!p0 $0x0;
	p0 =	sgt.s32 s29, $0x0;
	s5 =	smin.u32 s5, $0x64  }
0x36: {  	(v2sf) =	vpush v9, $0x9;
	s3 =	spop (v2sf);
	s29 =	simm.s32 @!p0 $0x0;
	s4 =	sor.u32 s4, s5  }
0x37: {  	v12 =	vld.idx.msk [tilespmem:v12+s16+$0x0], $0xffff;
	s0 =	smin.u32 s15, $0x63;
	p0 =	sgt.s32 s1, $0x0;
	s15 =	smin.u32 s29, $0x64  }
0x38: {  	(v2sf) =	vpush v11, $0x7;
	s5 =	sshll.u32 s0, $0x7;
	s29 =	spop (v2sf);
	s1 =	simm.s32 @!p0 $0x0  }
0x39: {  	(v2sf) =	vpush v9, $0xD;
	p0 =	sgt.s32 s3, $0x0;
	s0 =	spop (v2sf);
	s5 =	sor.u32 s5, s15  }
0x3a: {  	s3 =	simm.s32 @!p0 $0x0;
	s1 =	smin.u32 s1, $0x63;
	p0 =	sgt.s32 s29, $0x0  }
0x3b: {  	s15 =	spop (v2sf);
	s3 =	smin.u32 s3, $0x64;
	s1 =	sshll.u32 s1, $0x7  }
0x3c: {  	vm15 =	vgt.s32 v12, $0x0;
	s29 =	simm.s32 @!p0 $0x0;
	p0 =	sgt.s32 s0, $0x0;
	s1 =	sor.u32 s1, s3  }
0x3d: {  	v11 =	vnsel vm15, $0x0, v12;
	s3 =	spop (v2sf);
	s0 =	simm.s32 @!p0 $0x0;
	s29 =	smin.u32 s29, $0x63  }
0x3e: {  	v11 =	vmin.u32 v11, $0x7;
	p0 =	sgt.s32 s15, $0x0;
	s0 =	smin.u32 s0, $0x64;
	s29 =	sshll.u32 s29, $0x7  }
0x3f: {  	[tilespmem:v1+s19+$0x0] =	vst.idx.msk $0xff, v11;
	v11 =	vadd.s32 s4, v0;
	s15 =	simm.s32 @!p0 $0x0;
	p0 =	sgt.s32 s3, $0x0;
	s0 =	sor.u32 s29, s0  }
0x40: {  	v12 =	vadd.s32 s4, v2;
	[tilespmem:v0+s20+$0x0] =	vst.idx.msk $0xffff, v11;
	s29 =	smin.u32 s15, $0x63;
	s3 =	simm.s32 @!p0 $0x0;
	s15 =	spop (v2sf)  }
0x41: {  	[tilespmem:v2+s20+$0x0] =	vst.idx.msk $0xffff, v12;
	v11 =	vadd.s32 s5, v0;
	s3 =	smin.u32 s3, $0x64;
	p0 =	sgt.s32 s15, $0x0  }
0x42: {  	v12 =	vadd.s32 s5, v2;
	[tilespmem:v3+s20+$0x0] =	vst.idx.msk $0xffff, v11;
	s4 =	sshll.u32 s29, $0x7;
	s15 =	simm.s32 @!p0 $0x0;
	s5 =	spop (v2sf)  }
0x43: {  	[tilespmem:v4+s20+$0x0] =	vst.idx.msk $0xffff, v12;
	v11 =	vadd.s32 s1, v0;
	s3 =	sor.u32 s4, s3;
	s15 =	smin.u32 s15, $0x63;
	p0 =	sgt.s32 s5, $0x0  }
0x44: {  	v12 =	vadd.s32 s1, v2;
	[tilespmem:v5+s20+$0x0] =	vst.idx.msk $0xffff, v11;
	s4 =	spop (v2sf);
	s15 =	sshll.u32 s15, $0x7;
	s5 =	simm.s32 @!p0 $0x0  }
0x45: {  	[tilespmem:v6+s20+$0x0] =	vst.idx.msk $0xffff, v12;
	v11 =	vadd.s32 s0, v0;
	s1 =	spop (v2sf);
	p0 =	sgt.s32 s4, $0x0;
	s5 =	smin.u32 s5, $0x64  }
0x46: {  	v12 =	vadd.s32 s0, v2;
	[tilespmem:v7+s20+$0x0] =	vst.idx.msk $0xffff, v11;
	s4 =	simm.s32 @!p0 $0x0;
	p0 =	sgt.s32 s1, $0x0;
	s29 =	sor.u32 s15, s5  }
0x47: {  	[tilespmem:v8+s20+$0x0] =	vst.idx.msk $0xffff, v12;
	v11 =	vadd.s32 s3, v0;
	s5 =	spop (v2sf);
	s4 =	smin.u32 s4, $0x63;
	s1 =	simm.s32 @!p0 $0x0  }
0x48: {  	[tilespmem:v0+s21+$0x0] =	vst.idx.msk $0xffff, v11;
	v11 =	vadd.s32 s3, v2;
	s1 =	smin.u32 s1, $0x64;
	p0 =	sgt.s32 s5, $0x0;
	s3 =	spop (v2sf)  }
0x49: {  	[tilespmem:v2+s21+$0x0] =	vst.idx.msk $0xffff, v11;
	v11 =	vadd.s32 s29, v0;
	s4 =	sshll.u32 s4, $0x7;
	s5 =	simm.s32 @!p0 $0x0;
	p0 =	sgt.s32 s3, $0x0  }
0x4a: {  	v12 =	vadd.s32 s29, v2;
	s15 =	sor.u32 s4, s1;
	[tilespmem:v3+s21+$0x0] =	vst.idx.msk $0xffff, v11;
	s29 =	smin.u32 s5, $0x63;
	s3 =	simm.s32 @!p0 $0x0  }
0x4b: {  	[tilespmem:v4+s21+$0x0] =	vst.idx.msk $0xffff, v12;
	v11 =	vadd.s32 s15, v0;
	s3 =	smin.u32 s3, $0x64;
	s1 =	sshll.u32 s29, $0x7  }
0x4c: {  	v12 =	vadd.s32 s15, v2;
	[tilespmem:v5+s21+$0x0] =	vst.idx.msk $0xffff, v11;
	s4 =	sor.u32 s1, s3  }
0x4d: {  	[tilespmem:v6+s21+$0x0] =	vst.idx.msk $0xffff, v12;
	v11 =	vadd.s32 s4, v0  }
0x4e: {  	[tilespmem:v7+s21+$0x0] =	vst.idx.msk $0xffff, v11;
	v11 =	vadd.s32 s4, v2  }
0x4f: {  	s5 =	rddreg [dreg:$0x5];
	[tilespmem:v8+s21+$0x0] =	vst.idx.msk $0xffff, v11  }
0x50: {  	[tilespmem:s23], [sflag:$0x1] =	stream.indirect.gather [hbm4b:s5+s22], $0x80, s20, s22, $0xb8;
	[tilespmem:$0x8B80] =	vst v63  }
0x51: {  	_ = 	snop  }
0x52: {  	[tilespmem:s24], [sflag:$0x2] =	stream.indirect.gather [hbm4b:s5+s22], $0x80, s21, s22, $0xb8;
	[tilespmem:$0x8B80] =	vst v63  }
0x53: {  	s8 =	sadd.s32 s11, s8  }
0x54: {  	[hbm4b:s8+s2] =	stream.linear.scatter [tilespmem:s19], [sflag:$0x3], $0x8, $0x38;
	[tilespmem:$0x8B80] =	vst v63  }
0x55: {  	_ =	swait.ge [sflag:s17], $0x8  }
0x56: {  	[sflag:s17] =	ssyncset.done $0x0  }
0x57: {  	[sflag:s17] =	ssyncadd.s32 $0xFFFFFFF8  }
0x58: {  	_ =	swait.ge [sflag:s25], $0x3800  }
0x59: {  	[sflag:s25] =	ssyncset.done $0x0  }
0x5a: {  	[sflag:s25] =	ssyncadd.s32 $0xFFFFC800  }
0x5b: {  	_ =	swait.ge [sflag:s26], $0x3800  }
0x5c: {  	(v2sf) =	vpush v10, $0x0;
	_ =	sdelay $0xe  }
0x5d: {  	s0 =	spop (v2sf)  }
0x5e: {  	p0 =	sgt.s32 s0, $0x0  }
0x5f: {  	s0 =	simm.s32 @!p0 $0x0  }
0x60: {  	s0 =	smin.u32 s0, $0x64  }
0x61: {  	s15 =	simm.s32 $0x0;
	v11 =	vadd.s32 s0, v0  }
0x62: {  	v13 =	vadd.s32 s15, v11;
	_ =	sdelay $0x2  }
0x63: {  	[sflag:s26] =	ssyncset.done $0x0  }
0x64: {  	[sflag:s26] =	ssyncadd.s32 $0xFFFFC800  }
0x65: {  	v14 =	vadd.s32 s2, v0;
	v12 =	vadd.s32 s0, v2;
	v13 =	vld.idx.msk [tilespmem:v13+s23+$0x0], $0xffff  }
0x66: {  	v15 =	vadd.s32 s15, v12;
	_ =	sdelay $0x3  }
0x67: {  	s29 =	simm.s32 $0xC;
	[tilespmem:v14+s28+$0x0] =	vst.idx.msk $0xffff, v13  }
0x68: {  	s4 =	simm.s32 $0x2;
	s5 =	simm.s32 $0x80;
	v14 =	vadd.s32 s29, v0;
	v13 =	vld.idx.msk [tilespmem:v15+s23+$0x0], $0xffff  }
.LBB2_3:
0x69: {  	p0 =	sne.s32 s4, $0x1B;
	v15 =	vadd.s32 s5, v11;
	_ =	sdelay $0x3  }
0x6a: {  	[tilespmem:v14+s28+$0x0] =	vst.idx.msk $0xffff, v13  }
0x6b: {  	s2 =	sadd.s32 $0x1C, s2;
	v13 =	vld.idx.msk [tilespmem:v15+s23+$0x0], $0xffff  }
0x6c: {  	v14 =	vadd.s32 s2, v0  }
0x6d: {  	v15 =	vadd.s32 s5, v12;
	_ =	sdelay $0x1  }
.Ltmp0:
0x6e: {  	(pc) =	sbr.rel @p0 .LBB2_3-.Ltmp0, $4  }
0x6f: {  	_ = 	snop  }
0x70: {  	[tilespmem:v14+s28+$0x0] =	vst.idx.msk $0xffff, v13  }
0x71: {  	s0 =	sadd.s32 $0xC, s2;
	v13 =	vld.idx.msk [tilespmem:v15+s23+$0x0], $0xffff  }
0x72: {  	s5 =	sshll.u32 s4, $0x7;
	s4 =	sadd.s32 $0x1, s4;
	v14 =	vadd.s32 s0, v0  }
0x73: {  	(v2sf) =	vpush v10, $0x4;
	_ =	sdelay $0x7  }
0x74: {  	v11 =	vadd.s32 s5, v11;
	_ =	sdelay $0x3  }
0x75: {  	s0 =	sadd.s32 $0x1C, s2;
	[tilespmem:v14+s28+$0x0] =	vst.idx.msk $0xffff, v13  }
0x76: {  	v13 =	vadd.s32 s0, v0;
	v11 =	vld.idx.msk [tilespmem:v11+s23+$0x0], $0xffff  }
0x77: {  	v12 =	vadd.s32 s5, v12  }
0x78: {  	s1 =	spop (v2sf)  }
0x79: {  	p0 =	sgt.s32 s1, $0x0  }
0x7a: {  	s1 =	simm.s32 @!p0 $0x0  }
0x7b: {  	s0 =	sadd.s32 $0xC, s0;
	[tilespmem:v13+s28+$0x0] =	vst.idx.msk $0xffff, v11;
	s1 =	smin.u32 s1, $0x64  }
0x7c: {  	s15 =	simm.s32 $0xE00;
	v13 =	vadd.s32 s0, v0;
	v11 =	vld.idx.msk [tilespmem:v12+s23+$0x0], $0xffff;
	v12 =	vadd.s32 s1, v0  }
0x7d: {  	v14 =	vadd.s32 s15, v12;
	_ =	sdelay $0x3  }
0x7e: {  	s29 =	simm.s32 $0x310;
	[tilespmem:v13+s28+$0x0] =	vst.idx.msk $0xffff, v11  }
0x7f: {  	v11 =	vadd.s32 s1, v2;
	v13 =	vld.idx.msk [tilespmem:v14+s23+$0x0], $0xffff;
	v14 =	vadd.s32 s29, v0  }
0x80: {  	v15 =	vadd.s32 s15, v11;
	_ =	sdelay $0x3  }
0x81: {  	s2 =	simm.s32 $0x31C;
	[tilespmem:v14+s28+$0x0] =	vst.idx.msk $0xffff, v13  }
0x82: {  	s4 =	simm.s32 $0xE80;
	s5 =	simm.s32 $0x1E;
	v14 =	vadd.s32 s2, v0;
	v13 =	vld.idx.msk [tilespmem:v15+s23+$0x0], $0xffff  }
.LBB2_5:
0x83: {  	p0 =	sne.s32 s5, $0x37;
	v15 =	vadd.s32 s4, v12;
	_ =	sdelay $0x3  }
0x84: {  	s2 =	sadd.s32 $0x1C, s2;
	[tilespmem:v14+s28+$0x0] =	vst.idx.msk $0xffff, v13  }
0x85: {  	s0 =	sadd.s32 $0xFFFFFFF4, s2;
	v13 =	vld.idx.msk [tilespmem:v15+s23+$0x0], $0xffff  }
0x86: {  	v14 =	vadd.s32 s0, v0  }
0x87: {  	v15 =	vadd.s32 s4, v11;
	_ =	sdelay $0x1  }
.Ltmp1:
0x88: {  	(pc) =	sbr.rel @p0 .LBB2_5-.Ltmp1, $4  }
0x89: {  	_ = 	snop  }
0x8a: {  	[tilespmem:v14+s28+$0x0] =	vst.idx.msk $0xffff, v13  }
0x8b: {  	v13 =	vld.idx.msk [tilespmem:v15+s23+$0x0], $0xffff  }
0x8c: {  	s4 =	sshll.u32 s5, $0x7;
	s5 =	sadd.s32 $0x1, s5;
	v14 =	vadd.s32 s2, v0  }
0x8d: {  	(v2sf) =	vpush v10, $0x8;
	_ =	sdelay $0x7  }
0x8e: {  	v12 =	vadd.s32 s4, v12;
	_ =	sdelay $0x2  }
0x8f: {  	s0 =	sadd.s32 $0x1C, s2  }
0x90: {  	s1 =	sadd.s32 $0xFFFFFFF4, s0;
	[tilespmem:v14+s28+$0x0] =	vst.idx.msk $0xffff, v13  }
0x91: {  	v13 =	vadd.s32 s1, v0;
	v12 =	vld.idx.msk [tilespmem:v12+s23+$0x0], $0xffff  }
0x92: {  	v11 =	vadd.s32 s4, v11  }
0x93: {  	s1 =	spop (v2sf)  }
0x94: {  	p0 =	sgt.s32 s1, $0x0  }
0x95: {  	s1 =	simm.s32 @!p0 $0x0  }
0x96: {  	[tilespmem:v13+s28+$0x0] =	vst.idx.msk $0xffff, v12;
	s1 =	smin.u32 s1, $0x64  }
0x97: {  	s8 =	simm.s32 $0x1C00;
	v13 =	vadd.s32 s0, v0;
	v11 =	vld.idx.msk [tilespmem:v11+s23+$0x0], $0xffff;
	v12 =	vadd.s32 s1, v0  }
0x98: {  	v14 =	vadd.s32 s8, v12;
	_ =	sdelay $0x3  }
0x99: {  	s15 =	simm.s32 $0x620;
	[tilespmem:v13+s28+$0x0] =	vst.idx.msk $0xffff, v11  }
0x9a: {  	v11 =	vadd.s32 s1, v2;
	v13 =	vld.idx.msk [tilespmem:v14+s23+$0x0], $0xffff;
	v14 =	vadd.s32 s15, v0  }
0x9b: {  	v15 =	vadd.s32 s8, v11;
	_ =	sdelay $0x3  }
0x9c: {  	s2 =	simm.s32 $0x62C;
	[tilespmem:v14+s28+$0x0] =	vst.idx.msk $0xffff, v13  }
0x9d: {  	s4 =	simm.s32 $0x1C80;
	s5 =	simm.s32 $0x3A;
	s29 =	smov.u32 s6;
	v14 =	vadd.s32 s2, v0;
	v13 =	vld.idx.msk [tilespmem:v15+s23+$0x0], $0xffff  }
.LBB2_7:
0x9e: {  	p0 =	sne.s32 s5, $0x53;
	v15 =	vadd.s32 s4, v12;
	_ =	sdelay $0x3  }
0x9f: {  	s2 =	sadd.s32 $0x1C, s2;
	[tilespmem:v14+s28+$0x0] =	vst.idx.msk $0xffff, v13  }
0xa0: {  	s0 =	sadd.s32 $0xFFFFFFF4, s2;
	v13 =	vld.idx.msk [tilespmem:v15+s23+$0x0], $0xffff  }
0xa1: {  	v14 =	vadd.s32 s0, v0  }
0xa2: {  	v15 =	vadd.s32 s4, v11;
	_ =	sdelay $0x1  }
.Ltmp2:
0xa3: {  	(pc) =	sbr.rel @p0 .LBB2_7-.Ltmp2, $4  }
0xa4: {  	_ = 	snop  }
0xa5: {  	[tilespmem:v14+s28+$0x0] =	vst.idx.msk $0xffff, v13  }
0xa6: {  	v13 =	vld.idx.msk [tilespmem:v15+s23+$0x0], $0xffff  }
0xa7: {  	s4 =	sshll.u32 s5, $0x7;
	s5 =	sadd.s32 $0x1, s5;
	v14 =	vadd.s32 s2, v0  }
0xa8: {  	(v2sf) =	vpush v10, $0xC;
	_ =	sdelay $0x7  }
0xa9: {  	v10 =	vadd.s32 s4, v12;
	_ =	sdelay $0x2  }
0xaa: {  	s0 =	sadd.s32 $0x1C, s2  }
0xab: {  	s1 =	sadd.s32 $0xFFFFFFF4, s0;
	[tilespmem:v14+s28+$0x0] =	vst.idx.msk $0xffff, v13  }
0xac: {  	v12 =	vadd.s32 s1, v0;
	v10 =	vld.idx.msk [tilespmem:v10+s23+$0x0], $0xffff  }
0xad: {  	v11 =	vadd.s32 s4, v11  }
0xae: {  	s1 =	spop (v2sf)  }
0xaf: {  	p0 =	sgt.s32 s1, $0x0  }
0xb0: {  	s1 =	simm.s32 @!p0 $0x0  }
0xb1: {  	[tilespmem:v12+s28+$0x0] =	vst.idx.msk $0xffff, v10;
	s1 =	smin.u32 s1, $0x64  }
0xb2: {  	s8 =	simm.s32 $0x2A00;
	v12 =	vadd.s32 s0, v0;
	v10 =	vld.idx.msk [tilespmem:v11+s23+$0x0], $0xffff;
	v11 =	vadd.s32 s1, v0  }
0xb3: {  	v13 =	vadd.s32 s8, v11;
	_ =	sdelay $0x3  }
0xb4: {  	s15 =	simm.s32 $0x930;
	[tilespmem:v12+s28+$0x0] =	vst.idx.msk $0xffff, v10  }
0xb5: {  	v10 =	vadd.s32 s1, v2;
	v12 =	vld.idx.msk [tilespmem:v13+s23+$0x0], $0xffff;
	v13 =	vadd.s32 s15, v0  }
0xb6: {  	v14 =	vadd.s32 s8, v10;
	_ =	sdelay $0x3  }
0xb7: {  	s2 =	simm.s32 $0x93C;
	[tilespmem:v13+s28+$0x0] =	vst.idx.msk $0xffff, v12  }
0xb8: {  	s4 =	simm.s32 $0x2A80;
	s5 =	simm.s32 $0x56;
	v13 =	vadd.s32 s2, v0;
	v12 =	vld.idx.msk [tilespmem:v14+s23+$0x0], $0xffff  }
.LBB2_9:
0xb9: {  	p0 =	sne.s32 s5, $0x6F;
	v14 =	vadd.s32 s4, v11;
	_ =	sdelay $0x3  }
0xba: {  	s2 =	sadd.s32 $0x1C, s2;
	[tilespmem:v13+s28+$0x0] =	vst.idx.msk $0xffff, v12  }
0xbb: {  	s0 =	sadd.s32 $0xFFFFFFF4, s2;
	v12 =	vld.idx.msk [tilespmem:v14+s23+$0x0], $0xffff  }
0xbc: {  	v13 =	vadd.s32 s0, v0  }
0xbd: {  	v14 =	vadd.s32 s4, v10;
	_ =	sdelay $0x1  }
.Ltmp3:
0xbe: {  	(pc) =	sbr.rel @p0 .LBB2_9-.Ltmp3, $4  }
0xbf: {  	_ = 	snop  }
0xc0: {  	[tilespmem:v13+s28+$0x0] =	vst.idx.msk $0xffff, v12  }
0xc1: {  	v12 =	vld.idx.msk [tilespmem:v14+s23+$0x0], $0xffff  }
0xc2: {  	s4 =	sshll.u32 s5, $0x7;
	s5 =	sadd.s32 $0x1, s5;
	v13 =	vadd.s32 s2, v0  }
0xc3: {  	(v2sf) =	vpush v9, $0x0;
	_ =	sdelay $0x7  }
0xc4: {  	v11 =	vadd.s32 s4, v11;
	_ =	sdelay $0x2  }
0xc5: {  	s0 =	sadd.s32 $0x1C, s2  }
0xc6: {  	s1 =	sadd.s32 $0xFFFFFFF4, s0;
	[tilespmem:v13+s28+$0x0] =	vst.idx.msk $0xffff, v12  }
0xc7: {  	v12 =	vadd.s32 s1, v0;
	v11 =	vld.idx.msk [tilespmem:v11+s23+$0x0], $0xffff  }
0xc8: {  	v10 =	vadd.s32 s4, v10  }
0xc9: {  	s1 =	spop (v2sf)  }
0xca: {  	p0 =	sgt.s32 s1, $0x0  }
0xcb: {  	s1 =	simm.s32 @!p0 $0x0  }
0xcc: {  	[tilespmem:v12+s28+$0x0] =	vst.idx.msk $0xffff, v11;
	s1 =	smin.u32 s1, $0x64  }
0xcd: {  	s6 =	simm.s32 $0x0;
	v12 =	vadd.s32 s0, v0;
	v11 =	vld.idx.msk [tilespmem:v10+s23+$0x0], $0xffff;
	v10 =	vadd.s32 s1, v0  }
0xce: {  	v13 =	vadd.s32 s6, v10;
	_ =	sdelay $0x3  }
0xcf: {  	s8 =	simm.s32 $0xC40;
	[tilespmem:v12+s28+$0x0] =	vst.idx.msk $0xffff, v11  }
0xd0: {  	v11 =	vadd.s32 s1, v2;
	v12 =	vld.idx.msk [tilespmem:v13+s24+$0x0], $0xffff;
	v13 =	vadd.s32 s8, v0  }
0xd1: {  	v14 =	vadd.s32 s6, v11;
	_ =	sdelay $0x3  }
0xd2: {  	s2 =	simm.s32 $0xC5C;
	s15 =	simm.s32 $0xC4C;
	[tilespmem:v13+s28+$0x0] =	vst.idx.msk $0xffff, v12  }
0xd3: {  	s5 =	simm.s32 $0x80;
	s4 =	simm.s32 $0xC78;
	s8 =	simm.s32 $0x1;
	v13 =	vadd.s32 s15, v0;
	v12 =	vld.idx.msk [tilespmem:v14+s24+$0x0], $0xffff  }
.LBB2_11:
0xd4: {  	p0 =	sne.s32 s4, $0xF34;
	v14 =	vadd.s32 s5, v10;
	_ =	sdelay $0x3  }
0xd5: {  	[tilespmem:v13+s28+$0x0] =	vst.idx.msk $0xffff, v12  }
0xd6: {  	v12 =	vld.idx.msk [tilespmem:v14+s24+$0x0], $0xffff  }
0xd7: {  	v13 =	vadd.s32 s2, v0  }
0xd8: {  	v14 =	vadd.s32 s5, v11;
	_ =	sdelay $0x1  }
.Ltmp4:
0xd9: {  	(pc) =	sbr.rel @p0 .LBB2_11-.Ltmp4, $4  }
0xda: {  	_ = 	snop  }
0xdb: {  	[tilespmem:v13+s28+$0x0] =	vst.idx.msk $0xffff, v12  }
0xdc: {  	s0 =	sadd.s32 $0xC, s2;
	s8 =	sadd.s32 $0x1, s8;
	s2 =	smov.u32 s4;
	v12 =	vld.idx.msk [tilespmem:v14+s24+$0x0], $0xffff  }
0xdd: {  	s4 =	sadd.s32 $0x1C, s4;
	s5 =	sshll.u32 s8, $0x7;
	v13 =	vadd.s32 s0, v0  }
0xde: {  	(v2sf) =	vpush v9, $0x4;
	_ =	sdelay $0x7  }
0xdf: {  	v10 =	vadd.s32 s5, v10;
	_ =	sdelay $0x3  }
0xe0: {  	[tilespmem:v13+s28+$0x0] =	vst.idx.msk $0xffff, v12  }
0xe1: {  	v12 =	vadd.s32 s2, v0;
	v10 =	vld.idx.msk [tilespmem:v10+s24+$0x0], $0xffff  }
0xe2: {  	v11 =	vadd.s32 s5, v11  }
0xe3: {  	s0 =	spop (v2sf)  }
0xe4: {  	p0 =	sgt.s32 s0, $0x0  }
0xe5: {  	s0 =	simm.s32 @!p0 $0x0  }
0xe6: {  	s1 =	sadd.s32 $0xC, s2;
	[tilespmem:v12+s28+$0x0] =	vst.idx.msk $0xffff, v10;
	s0 =	smin.u32 s0, $0x64  }
0xe7: {  	s8 =	simm.s32 $0xE00;
	v12 =	vadd.s32 s1, v0;
	v10 =	vld.idx.msk [tilespmem:v11+s24+$0x0], $0xffff;
	v11 =	vadd.s32 s0, v0  }
0xe8: {  	v13 =	vadd.s32 s8, v11;
	_ =	sdelay $0x3  }
0xe9: {  	s15 =	simm.s32 $0xF50;
	[tilespmem:v12+s28+$0x0] =	vst.idx.msk $0xffff, v10  }
0xea: {  	v10 =	vadd.s32 s0, v2;
	v12 =	vld.idx.msk [tilespmem:v13+s24+$0x0], $0xffff;
	v13 =	vadd.s32 s15, v0  }
0xeb: {  	v14 =	vadd.s32 s8, v10;
	_ =	sdelay $0x3  }
0xec: {  	s2 =	simm.s32 $0xF5C;
	[tilespmem:v13+s28+$0x0] =	vst.idx.msk $0xffff, v12  }
0xed: {  	s4 =	simm.s32 $0xE80;
	s5 =	simm.s32 $0x1E;
	v13 =	vadd.s32 s2, v0;
	v12 =	vld.idx.msk [tilespmem:v14+s24+$0x0], $0xffff  }
.LBB2_13:
0xee: {  	p0 =	sne.s32 s5, $0x37;
	v14 =	vadd.s32 s4, v11;
	_ =	sdelay $0x3  }
0xef: {  	s2 =	sadd.s32 $0x1C, s2;
	[tilespmem:v13+s28+$0x0] =	vst.idx.msk $0xffff, v12  }
0xf0: {  	s0 =	sadd.s32 $0xFFFFFFF4, s2;
	v12 =	vld.idx.msk [tilespmem:v14+s24+$0x0], $0xffff  }
0xf1: {  	v13 =	vadd.s32 s0, v0  }
0xf2: {  	v14 =	vadd.s32 s4, v10;
	_ =	sdelay $0x1  }
.Ltmp5:
0xf3: {  	(pc) =	sbr.rel @p0 .LBB2_13-.Ltmp5, $4  }
0xf4: {  	_ = 	snop  }
0xf5: {  	[tilespmem:v13+s28+$0x0] =	vst.idx.msk $0xffff, v12  }
0xf6: {  	v12 =	vld.idx.msk [tilespmem:v14+s24+$0x0], $0xffff  }
0xf7: {  	s4 =	sshll.u32 s5, $0x7;
	s5 =	sadd.s32 $0x1, s5;
	v13 =	vadd.s32 s2, v0  }
0xf8: {  	(v2sf) =	vpush v9, $0x8;
	_ =	sdelay $0x7  }
0xf9: {  	v11 =	vadd.s32 s4, v11;
	_ =	sdelay $0x2  }
0xfa: {  	s0 =	sadd.s32 $0x1C, s2  }
0xfb: {  	s1 =	sadd.s32 $0xFFFFFFF4, s0;
	[tilespmem:v13+s28+$0x0] =	vst.idx.msk $0xffff, v12  }
0xfc: {  	v12 =	vadd.s32 s1, v0;
	v11 =	vld.idx.msk [tilespmem:v11+s24+$0x0], $0xffff  }
0xfd: {  	v10 =	vadd.s32 s4, v10  }
0xfe: {  	s1 =	spop (v2sf)  }
0xff: {  	p0 =	sgt.s32 s1, $0x0  }
0x100: {  	s1 =	simm.s32 @!p0 $0x0  }
0x101: {  	[tilespmem:v12+s28+$0x0] =	vst.idx.msk $0xffff, v11;
	s1 =	smin.u32 s1, $0x64  }
0x102: {  	s8 =	simm.s32 $0x1C00;
	v12 =	vadd.s32 s0, v0;
	v10 =	vld.idx.msk [tilespmem:v10+s24+$0x0], $0xffff;
	v11 =	vadd.s32 s1, v0  }
0x103: {  	v13 =	vadd.s32 s8, v11;
	_ =	sdelay $0x3  }
0x104: {  	s15 =	simm.s32 $0x1260;
	[tilespmem:v12+s28+$0x0] =	vst.idx.msk $0xffff, v10  }
0x105: {  	v10 =	vadd.s32 s1, v2;
	v12 =	vld.idx.msk [tilespmem:v13+s24+$0x0], $0xffff;
	v13 =	vadd.s32 s15, v0  }
0x106: {  	v14 =	vadd.s32 s8, v10;
	_ =	sdelay $0x3  }
0x107: {  	s2 =	simm.s32 $0x126C;
	[tilespmem:v13+s28+$0x0] =	vst.idx.msk $0xffff, v12  }
0x108: {  	s4 =	simm.s32 $0x1C80;
	s5 =	simm.s32 $0x3A;
	v13 =	vadd.s32 s2, v0;
	v12 =	vld.idx.msk [tilespmem:v14+s24+$0x0], $0xffff  }
.LBB2_15:
0x109: {  	p0 =	sne.s32 s5, $0x53;
	v14 =	vadd.s32 s4, v11;
	_ =	sdelay $0x3  }
0x10a: {  	s2 =	sadd.s32 $0x1C, s2;
	[tilespmem:v13+s28+$0x0] =	vst.idx.msk $0xffff, v12  }
0x10b: {  	s0 =	sadd.s32 $0xFFFFFFF4, s2;
	v12 =	vld.idx.msk [tilespmem:v14+s24+$0x0], $0xffff  }
0x10c: {  	v13 =	vadd.s32 s0, v0  }
0x10d: {  	v14 =	vadd.s32 s4, v10;
	_ =	sdelay $0x1  }
.Ltmp6:
0x10e: {  	(pc) =	sbr.rel @p0 .LBB2_15-.Ltmp6, $4  }
0x10f: {  	_ = 	snop  }
0x110: {  	[tilespmem:v13+s28+$0x0] =	vst.idx.msk $0xffff, v12  }
0x111: {  	v12 =	vld.idx.msk [tilespmem:v14+s24+$0x0], $0xffff  }
0x112: {  	s4 =	sshll.u32 s5, $0x7;
	s5 =	sadd.s32 $0x1, s5;
	v13 =	vadd.s32 s2, v0  }
0x113: {  	(v2sf) =	vpush v9, $0xC;
	_ =	sdelay $0x7  }
0x114: {  	v9 =	vadd.s32 s4, v11;
	_ =	sdelay $0x2  }
0x115: {  	s0 =	sadd.s32 $0x1C, s2  }
0x116: {  	s1 =	sadd.s32 $0xFFFFFFF4, s0;
	[tilespmem:v13+s28+$0x0] =	vst.idx.msk $0xffff, v12  }
0x117: {  	v11 =	vadd.s32 s1, v0;
	v9 =	vld.idx.msk [tilespmem:v9+s24+$0x0], $0xffff  }
0x118: {  	v10 =	vadd.s32 s4, v10  }
0x119: {  	s1 =	spop (v2sf)  }
0x11a: {  	p0 =	sgt.s32 s1, $0x0  }
0x11b: {  	s1 =	simm.s32 @!p0 $0x0  }
0x11c: {  	[tilespmem:v11+s28+$0x0] =	vst.idx.msk $0xffff, v9;
	s1 =	smin.u32 s1, $0x64  }
0x11d: {  	s8 =	simm.s32 $0x2A00;
	v11 =	vadd.s32 s0, v0;
	v9 =	vld.idx.msk [tilespmem:v10+s24+$0x0], $0xffff;
	v10 =	vadd.s32 s1, v0  }
0x11e: {  	v12 =	vadd.s32 s8, v10;
	_ =	sdelay $0x3  }
0x11f: {  	s15 =	simm.s32 $0x1570;
	[tilespmem:v11+s28+$0x0] =	vst.idx.msk $0xffff, v9  }
0x120: {  	v9 =	vadd.s32 s1, v2;
	v11 =	vld.idx.msk [tilespmem:v12+s24+$0x0], $0xffff;
	v12 =	vadd.s32 s15, v0  }
0x121: {  	v13 =	vadd.s32 s8, v9;
	_ =	sdelay $0x3  }
0x122: {  	s2 =	simm.s32 $0x157C;
	[tilespmem:v12+s28+$0x0] =	vst.idx.msk $0xffff, v11  }
0x123: {  	s5 =	simm.s32 $0x2A80;
	s4 =	simm.s32 $0x56;
	v12 =	vadd.s32 s2, v0;
	v11 =	vld.idx.msk [tilespmem:v13+s24+$0x0], $0xffff  }
.LBB2_17:
0x124: {  	p0 =	sne.s32 s4, $0x6F;
	v13 =	vadd.s32 s5, v10;
	_ =	sdelay $0x3  }
0x125: {  	s2 =	sadd.s32 $0x1C, s2;
	[tilespmem:v12+s28+$0x0] =	vst.idx.msk $0xffff, v11  }
0x126: {  	s0 =	sadd.s32 $0xFFFFFFF4, s2;
	v11 =	vld.idx.msk [tilespmem:v13+s24+$0x0], $0xffff  }
0x127: {  	v12 =	vadd.s32 s0, v0  }
0x128: {  	v13 =	vadd.s32 s5, v9;
	_ =	sdelay $0x1  }
.Ltmp7:
0x129: {  	(pc) =	sbr.rel @p0 .LBB2_17-.Ltmp7, $4  }
0x12a: {  	_ = 	snop  }
0x12b: {  	[tilespmem:v12+s28+$0x0] =	vst.idx.msk $0xffff, v11  }
0x12c: {  	v11 =	vld.idx.msk [tilespmem:v13+s24+$0x0], $0xffff  }
0x12d: {  	s5 =	sshll.u32 s4, $0x7;
	s4 =	sadd.s32 $0x1, s4;
	v12 =	vadd.s32 s2, v0  }
0x12e: {  	v10 =	vadd.s32 s5, v10;
	_ =	sdelay $0x2  }
0x12f: {  	s0 =	sadd.s32 $0x1C, s2  }
0x130: {  	s1 =	sadd.s32 $0xFFFFFFF4, s0;
	[tilespmem:v12+s28+$0x0] =	vst.idx.msk $0xffff, v11  }
0x131: {  	v11 =	vadd.s32 s1, v0;
	v10 =	vld.idx.msk [tilespmem:v10+s24+$0x0], $0xffff  }
0x132: {  	v9 =	vadd.s32 s5, v9;
	_ =	sdelay $0x3  }
0x133: {  	[tilespmem:v11+s28+$0x0] =	vst.idx.msk $0xffff, v10  }
0x134: {  	v10 =	vadd.s32 s0, v0;
	v9 =	vld.idx.msk [tilespmem:v9+s24+$0x0], $0xffff;
	_ =	sdelay $0x1  }
0x135: {  	s31 =	smul.u32 $0x1880, s31  }
0x136: {  	s30 =	sadd.s32 $0x1, s30  }
0x137: {  	p0 =	sne.s32 s30, s14;
	s0 =	sshrl.u32 s31, $0x3  }
.Ltmp8:
0x138: {  	s0 =	sadd.s32 s10, s0;
	[tilespmem:v10+s28+$0x0] =	vst.idx.msk $0xffff, v9;
	(pc) =	sbr.rel @p0 .LBB2_2-.Ltmp8, $4  }
0x139: {  	[hbm4b:s0+s9] =	stream.linear.scatter [tilespmem:s28], [sflag:$0x3], $0x1880, $0x38;
	[tilespmem:$0x8B80] =	vst v63  }
0x13a: {  	_ =	swait.ge [sflag:s17], $0x1880  }
0x13b: {  	[sflag:s17] =	ssyncset.done $0x0  }
0x13c: {  	[sflag:s17] =	ssyncadd.s32 $0xFFFFE780  }
0x13d: {  	s30 =	simm.s32 $0x0;
	s0 =	rddreg [dreg:$0x4]  }
0x13e: {  	[tilespmem:s16], [sflag:$0x3] =	stream.linear.gather [hbm4b:s0+s30], $0x80, $0x38;
	[tilespmem:$0x8B80] =	vst v63  }
0x13f: {  	_ =	swait.ge [sflag:s17], $0x80  }
0x140: {  	[sflag:s17] =	ssyncset.done $0x0  }
0x141: {  	s31 =	simm.s32 $0x0;
	[sflag:s17] =	ssyncadd.s32 $0xFFFFFF80  }
.LBB2_20:
0x142: {  	s0 =	sshll.u32 s31, $0x8  }
0x143: {  	s0 =	sor.u32 s13, s0  }
0x144: {  	s15 =	rddreg [dreg:$0x2];
	s1 =	sshrl.u32 s0, $0x3  }
0x145: {  	s2 =	sadd.s32 $0x3E8, s0;
	s0 =	sadd.s32 s15, s1  }
0x146: {  	[tilespmem:s30], [sflag:$0x3] =	stream.linear.gather [hbm4b:s0+s30], $0x8, $0x38;
	[tilespmem:$0x8B80] =	vst v63  }
0x147: {  	s1 =	sshrl.u32 s2, $0x1;
	_ =	swait.ge [sflag:s17], $0x8  }
0x148: {  	s0 =	sand.u32 $0x1FFFFFFC, s1;
	[sflag:s17] =	ssyncset.done $0x0  }
0x149: {  	s0 =	sadd.s32 s29, s0;
	[sflag:s17] =	ssyncadd.s32 $0xFFFFFFF8  }
0x14a: {  	[tilespmem:s18], [sflag:$0x3] =	stream.linear.gather [hbm4b:s0+s30], $0x20, $0x38;
	[tilespmem:$0x8B80] =	vst v63  }
0x14b: {  	_ =	swait.ge [sflag:s17], $0x20  }
0x14c: {  	[sflag:s17] =	ssyncset.done $0x0  }
0x14d: {  	[sflag:s17] =	ssyncadd.s32 $0xFFFFFFE0  }
0x14e: {  	v9 =	vld [tilespmem:$0x80]  }
0x14f: {  	v11 =	vld [tilespmem:$0x0];
	_ =	sdelay $0x4  }
0x150: {  	v9 =	vtrunc.f32 v9;
	(v2sf) =	vpush v11, $0x0  }
0x151: {  	v10 =	vcvt.f32.s32 v9;
	_ =	sdelay $0x1  }
0x152: {  	(v2sf) =	vpush v10, $0x1  }
0x153: {  	(v2sf) =	vpush v11, $0x1  }
0x154: {  	(v2sf) =	vpush v10, $0x5  }
0x155: {  	v9 =	vld [tilespmem:$0x90];
	(v2sf) =	vpush v11, $0x2  }
0x156: {  	(v2sf) =	vpush v10, $0x9;
	_ =	sdelay $0x1  }
0x157: {  	(v2sf) =	vpush v11, $0x3  }
0x158: {  	(v2sf) =	vpush v10, $0xD  }
0x159: {  	v9 =	vtrunc.f32 v9  }
0x15a: {  	v9 =	vcvt.f32.s32 v9;
	(v2sf) =	vpush v11, $0x4;
	_ =	sdelay $0x1  }
0x15b: {  	(v2sf) =	vpush v9, $0x1  }
0x15c: {  	s0 =	spop (v2sf)  }
0x15d: {  	vm0 =	vgt.s32 v11, $0x0;
	p0 =	sgt.s32 s0, $0x0  }
0x15e: {  	v12 =	vnsel vm0, $0x0, v11;
	(v2sf) =	vpush v11, $0x5;
	s0 =	simm.s32 @!p0 $0x0  }
0x15f: {  	v12 =	vmin.u32 v12, $0x63;
	s1 =	spop (v2sf);
	s0 =	smin.u32 s0, $0x63  }
0x160: {  	(v2sf) =	vpush v9, $0x5;
	s3 =	spop (v2sf);
	p0 =	sgt.s32 s1, $0x0;
	s0 =	sshll.u32 s0, $0x7  }
0x161: {  	s4 =	spop (v2sf);
	s1 =	simm.s32 @!p0 $0x0;
	p0 =	sgt.s32 s3, $0x0  }
0x162: {  	(v2sf) =	vpush v11, $0x6;
	s5 =	spop (v2sf);
	s3 =	simm.s32 @!p0 $0x0;
	p0 =	sgt.s32 s4, $0x0  }
0x163: {  	(v2sf) =	vpush v9, $0x9;
	s1 =	smin.u32 s1, $0x64;
	s8 =	spop (v2sf);
	s4 =	simm.s32 @!p0 $0x0  }
0x164: {  	v12 =	vld.idx.msk [tilespmem:v12+s16+$0x0], $0xffff;
	s0 =	sor.u32 s0, s1;
	s3 =	smin.u32 s3, $0x63;
	p0 =	sgt.s32 s5, $0x0  }
0x165: {  	(v2sf) =	vpush v11, $0x7;
	s6 =	smin.u32 s4, $0x64;
	s1 =	sshll.u32 s3, $0x7;
	s4 =	spop (v2sf)  }
0x166: {  	(v2sf) =	vpush v9, $0xD;
	s5 =	simm.s32 @!p0 $0x0;
	p0 =	sgt.s32 s8, $0x0;
	s15 =	spop (v2sf)  }
0x167: {  	s1 =	sor.u32 s1, s6;
	s8 =	simm.s32 @!p0 $0x0;
	s5 =	smin.u32 s5, $0x63  }
0x168: {  	p0 =	sgt.s32 s4, $0x0;
	s3 =	spop (v2sf);
	s8 =	smin.u32 s8, $0x64  }
0x169: {  	vm15 =	vgt.s32 v12, $0x0;
	s5 =	sshll.u32 s5, $0x7;
	s4 =	simm.s32 @!p0 $0x0;
	p0 =	sgt.s32 s15, $0x0  }
0x16a: {  	v11 =	vnsel vm15, $0x0, v12;
	s5 =	sor.u32 s5, s8;
	s8 =	spop (v2sf);
	s15 =	simm.s32 @!p0 $0x0  }
0x16b: {  	v11 =	vmin.u32 v11, $0x7;
	s4 =	smin.u32 s4, $0x63;
	p0 =	sgt.s32 s3, $0x0;
	s15 =	smin.u32 s15, $0x64  }
0x16c: {  	[tilespmem:v1+s19+$0x0] =	vst.idx.msk $0xff, v11;
	v11 =	vadd.s32 s0, v0;
	s4 =	sshll.u32 s4, $0x7;
	s3 =	simm.s32 @!p0 $0x0;
	p0 =	sgt.s32 s8, $0x0  }
0x16d: {  	v12 =	vadd.s32 s0, v2;
	[tilespmem:v0+s20+$0x0] =	vst.idx.msk $0xffff, v11;
	s15 =	sor.u32 s4, s15;
	s8 =	simm.s32 @!p0 $0x0;
	s4 =	spop (v2sf)  }
0x16e: {  	[tilespmem:v2+s20+$0x0] =	vst.idx.msk $0xffff, v12;
	v11 =	vadd.s32 s1, v0;
	s3 =	smin.u32 s3, $0x63;
	s8 =	smin.u32 s8, $0x64;
	p0 =	sgt.s32 s4, $0x0  }
0x16f: {  	v12 =	vadd.s32 s1, v2;
	[tilespmem:v3+s20+$0x0] =	vst.idx.msk $0xffff, v11;
	s3 =	sshll.u32 s3, $0x7;
	s4 =	simm.s32 @!p0 $0x0;
	s1 =	spop (v2sf)  }
0x170: {  	[tilespmem:v4+s20+$0x0] =	vst.idx.msk $0xffff, v12;
	v11 =	vadd.s32 s5, v0;
	s3 =	sor.u32 s3, s8;
	s4 =	smin.u32 s4, $0x63;
	p0 =	sgt.s32 s1, $0x0  }
0x171: {  	v12 =	vadd.s32 s5, v2;
	[tilespmem:v5+s20+$0x0] =	vst.idx.msk $0xffff, v11;
	s8 =	spop (v2sf);
	s4 =	sshll.u32 s4, $0x7;
	s1 =	simm.s32 @!p0 $0x0  }
0x172: {  	[tilespmem:v6+s20+$0x0] =	vst.idx.msk $0xffff, v12;
	v11 =	vadd.s32 s15, v0;
	s5 =	spop (v2sf);
	p0 =	sgt.s32 s8, $0x0;
	s1 =	smin.u32 s1, $0x64  }
0x173: {  	v12 =	vadd.s32 s15, v2;
	[tilespmem:v7+s20+$0x0] =	vst.idx.msk $0xffff, v11;
	s8 =	simm.s32 @!p0 $0x0;
	p0 =	sgt.s32 s5, $0x0;
	s6 =	sor.u32 s4, s1  }
0x174: {  	[tilespmem:v8+s20+$0x0] =	vst.idx.msk $0xffff, v12;
	v11 =	vadd.s32 s3, v0;
	s1 =	spop (v2sf);
	s8 =	smin.u32 s8, $0x63;
	s5 =	simm.s32 @!p0 $0x0  }
0x175: {  	[tilespmem:v0+s21+$0x0] =	vst.idx.msk $0xffff, v11;
	v11 =	vadd.s32 s3, v2;
	s15 =	smin.u32 s5, $0x64;
	p0 =	sgt.s32 s1, $0x0;
	s5 =	spop (v2sf)  }
0x176: {  	[tilespmem:v2+s21+$0x0] =	vst.idx.msk $0xffff, v11;
	v11 =	vadd.s32 s6, v0;
	s4 =	sshll.u32 s8, $0x7;
	s1 =	simm.s32 @!p0 $0x0;
	p0 =	sgt.s32 s5, $0x0  }
0x177: {  	v12 =	vadd.s32 s6, v2;
	s3 =	sor.u32 s4, s15;
	[tilespmem:v3+s21+$0x0] =	vst.idx.msk $0xffff, v11;
	s1 =	smin.u32 s1, $0x63;
	s5 =	simm.s32 @!p0 $0x0  }
0x178: {  	[tilespmem:v4+s21+$0x0] =	vst.idx.msk $0xffff, v12;
	v11 =	vadd.s32 s3, v0;
	s4 =	smin.u32 s5, $0x64;
	s1 =	sshll.u32 s1, $0x7  }
0x179: {  	[tilespmem:v5+s21+$0x0] =	vst.idx.msk $0xffff, v11;
	v11 =	vadd.s32 s3, v2;
	s5 =	sor.u32 s1, s4  }
0x17a: {  	[tilespmem:v6+s21+$0x0] =	vst.idx.msk $0xffff, v11;
	v11 =	vadd.s32 s5, v0  }
0x17b: {  	[tilespmem:v7+s21+$0x0] =	vst.idx.msk $0xffff, v11;
	v11 =	vadd.s32 s5, v2  }
0x17c: {  	[tilespmem:v8+s21+$0x0] =	vst.idx.msk $0xffff, v11  }
0x17d: {  	[tilespmem:s23], [sflag:$0x1] =	stream.indirect.gather [hbm4b:s7+s22], $0x80, s20, s22, $0xb8;
	[tilespmem:$0x8B80] =	vst v63  }
0x17e: {  	s6 =	sshrl.u32 s2, $0x3  }
0x17f: {  	[tilespmem:s24], [sflag:$0x2] =	stream.indirect.gather [hbm4b:s7+s22], $0x80, s21, s22, $0xb8;
	[tilespmem:$0x8B80] =	vst v63  }
0x180: {  	s0 =	sadd.s32 s11, s6  }
0x181: {  	[hbm4b:s0+s30] =	stream.linear.scatter [tilespmem:s19], [sflag:$0x3], $0x8, $0x38;
	[tilespmem:$0x8B80] =	vst v63  }
0x182: {  	_ =	swait.ge [sflag:s17], $0x8  }
0x183: {  	[sflag:s17] =	ssyncset.done $0x0  }
0x184: {  	[sflag:s17] =	ssyncadd.s32 $0xFFFFFFF8  }
0x185: {  	_ =	swait.ge [sflag:s25], $0x3800  }
0x186: {  	[sflag:s25] =	ssyncset.done $0x0  }
0x187: {  	[sflag:s25] =	ssyncadd.s32 $0xFFFFC800  }
0x188: {  	_ =	swait.ge [sflag:s26], $0x3800  }
0x189: {  	(v2sf) =	vpush v10, $0x0;
	_ =	sdelay $0xe  }
0x18a: {  	s0 =	spop (v2sf)  }
0x18b: {  	p0 =	sgt.s32 s0, $0x0  }
0x18c: {  	s0 =	simm.s32 @!p0 $0x0  }
0x18d: {  	s0 =	smin.u32 s0, $0x64  }
0x18e: {  	s8 =	simm.s32 $0x0;
	v11 =	vadd.s32 s0, v0  }
0x18f: {  	v13 =	vadd.s32 s8, v11;
	_ =	sdelay $0x2  }
0x190: {  	[sflag:s26] =	ssyncset.done $0x0  }
0x191: {  	[sflag:s26] =	ssyncadd.s32 $0xFFFFC800  }
0x192: {  	v14 =	vadd.s32 s30, v0;
	v12 =	vadd.s32 s0, v2;
	v13 =	vld.idx.msk [tilespmem:v13+s23+$0x0], $0xffff  }
0x193: {  	v15 =	vadd.s32 s8, v12;
	_ =	sdelay $0x3  }
0x194: {  	s15 =	simm.s32 $0xC;
	[tilespmem:v14+s28+$0x0] =	vst.idx.msk $0xffff, v13  }
0x195: {  	s4 =	simm.s32 $0x2;
	s5 =	simm.s32 $0x80;
	s8 =	simm.s32 $0x0;
	v14 =	vadd.s32 s15, v0;
	v13 =	vld.idx.msk [tilespmem:v15+s23+$0x0], $0xffff  }
.LBB2_21:
0x196: {  	p0 =	sne.s32 s4, $0x1B;
	v15 =	vadd.s32 s5, v11;
	_ =	sdelay $0x3  }
0x197: {  	[tilespmem:v14+s28+$0x0] =	vst.idx.msk $0xffff, v13  }
0x198: {  	s8 =	sadd.s32 $0x1C, s8;
	v13 =	vld.idx.msk [tilespmem:v15+s23+$0x0], $0xffff  }
0x199: {  	v14 =	vadd.s32 s8, v0  }
0x19a: {  	v15 =	vadd.s32 s5, v12;
	_ =	sdelay $0x1  }
.Ltmp9:
0x19b: {  	(pc) =	sbr.rel @p0 .LBB2_21-.Ltmp9, $4  }
0x19c: {  	_ = 	snop  }
0x19d: {  	[tilespmem:v14+s28+$0x0] =	vst.idx.msk $0xffff, v13  }
0x19e: {  	s0 =	sadd.s32 $0xC, s8;
	v13 =	vld.idx.msk [tilespmem:v15+s23+$0x0], $0xffff  }
0x19f: {  	s5 =	sshll.u32 s4, $0x7;
	s4 =	sadd.s32 $0x1, s4;
	v14 =	vadd.s32 s0, v0  }
0x1a0: {  	(v2sf) =	vpush v10, $0x4;
	_ =	sdelay $0x7  }
0x1a1: {  	v11 =	vadd.s32 s5, v11;
	_ =	sdelay $0x3  }
0x1a2: {  	s0 =	sadd.s32 $0x1C, s8;
	[tilespmem:v14+s28+$0x0] =	vst.idx.msk $0xffff, v13  }
0x1a3: {  	v13 =	vadd.s32 s0, v0;
	v11 =	vld.idx.msk [tilespmem:v11+s23+$0x0], $0xffff  }
0x1a4: {  	v12 =	vadd.s32 s5, v12  }
0x1a5: {  	s1 =	spop (v2sf)  }
0x1a6: {  	p0 =	sgt.s32 s1, $0x0  }
0x1a7: {  	s1 =	simm.s32 @!p0 $0x0  }
0x1a8: {  	s0 =	sadd.s32 $0xC, s0;
	[tilespmem:v13+s28+$0x0] =	vst.idx.msk $0xffff, v11;
	s1 =	smin.u32 s1, $0x64  }
0x1a9: {  	s15 =	simm.s32 $0xE00;
	v13 =	vadd.s32 s0, v0;
	v11 =	vld.idx.msk [tilespmem:v12+s23+$0x0], $0xffff;
	v12 =	vadd.s32 s1, v0  }
0x1aa: {  	v14 =	vadd.s32 s15, v12;
	_ =	sdelay $0x3  }
0x1ab: {  	s3 =	simm.s32 $0x310;
	[tilespmem:v13+s28+$0x0] =	vst.idx.msk $0xffff, v11  }
0x1ac: {  	v11 =	vadd.s32 s1, v2;
	v13 =	vld.idx.msk [tilespmem:v14+s23+$0x0], $0xffff;
	v14 =	vadd.s32 s3, v0  }
0x1ad: {  	v15 =	vadd.s32 s15, v11;
	_ =	sdelay $0x3  }
0x1ae: {  	s8 =	simm.s32 $0x31C;
	[tilespmem:v14+s28+$0x0] =	vst.idx.msk $0xffff, v13  }
0x1af: {  	s4 =	simm.s32 $0xE80;
	s5 =	simm.s32 $0x1E;
	v14 =	vadd.s32 s8, v0;
	v13 =	vld.idx.msk [tilespmem:v15+s23+$0x0], $0xffff  }
.LBB2_23:
0x1b0: {  	p0 =	sne.s32 s5, $0x37;
	v15 =	vadd.s32 s4, v12;
	_ =	sdelay $0x3  }
0x1b1: {  	s8 =	sadd.s32 $0x1C, s8;
	[tilespmem:v14+s28+$0x0] =	vst.idx.msk $0xffff, v13  }
0x1b2: {  	s0 =	sadd.s32 $0xFFFFFFF4, s8;
	v13 =	vld.idx.msk [tilespmem:v15+s23+$0x0], $0xffff  }
0x1b3: {  	v14 =	vadd.s32 s0, v0  }
0x1b4: {  	v15 =	vadd.s32 s4, v11;
	_ =	sdelay $0x1  }
.Ltmp10:
0x1b5: {  	(pc) =	sbr.rel @p0 .LBB2_23-.Ltmp10, $4  }
0x1b6: {  	_ = 	snop  }
0x1b7: {  	[tilespmem:v14+s28+$0x0] =	vst.idx.msk $0xffff, v13  }
0x1b8: {  	v13 =	vld.idx.msk [tilespmem:v15+s23+$0x0], $0xffff  }
0x1b9: {  	s4 =	sshll.u32 s5, $0x7;
	s5 =	sadd.s32 $0x1, s5;
	v14 =	vadd.s32 s8, v0  }
0x1ba: {  	(v2sf) =	vpush v10, $0x8;
	_ =	sdelay $0x7  }
0x1bb: {  	v12 =	vadd.s32 s4, v12;
	_ =	sdelay $0x2  }
0x1bc: {  	s0 =	sadd.s32 $0x1C, s8  }
0x1bd: {  	s1 =	sadd.s32 $0xFFFFFFF4, s0;
	[tilespmem:v14+s28+$0x0] =	vst.idx.msk $0xffff, v13  }
0x1be: {  	v13 =	vadd.s32 s1, v0;
	v12 =	vld.idx.msk [tilespmem:v12+s23+$0x0], $0xffff  }
0x1bf: {  	v11 =	vadd.s32 s4, v11  }
0x1c0: {  	s1 =	spop (v2sf)  }
0x1c1: {  	p0 =	sgt.s32 s1, $0x0  }
0x1c2: {  	s1 =	simm.s32 @!p0 $0x0  }
0x1c3: {  	[tilespmem:v13+s28+$0x0] =	vst.idx.msk $0xffff, v12;
	s1 =	smin.u32 s1, $0x64  }
0x1c4: {  	s15 =	simm.s32 $0x1C00;
	v13 =	vadd.s32 s0, v0;
	v11 =	vld.idx.msk [tilespmem:v11+s23+$0x0], $0xffff;
	v12 =	vadd.s32 s1, v0  }
0x1c5: {  	v14 =	vadd.s32 s15, v12;
	_ =	sdelay $0x3  }
0x1c6: {  	s3 =	simm.s32 $0x620;
	[tilespmem:v13+s28+$0x0] =	vst.idx.msk $0xffff, v11  }
0x1c7: {  	v11 =	vadd.s32 s1, v2;
	v13 =	vld.idx.msk [tilespmem:v14+s23+$0x0], $0xffff;
	v14 =	vadd.s32 s3, v0  }
0x1c8: {  	v15 =	vadd.s32 s15, v11;
	_ =	sdelay $0x3  }
0x1c9: {  	s8 =	simm.s32 $0x62C;
	[tilespmem:v14+s28+$0x0] =	vst.idx.msk $0xffff, v13  }
0x1ca: {  	s4 =	simm.s32 $0x1C80;
	s5 =	simm.s32 $0x3A;
	v14 =	vadd.s32 s8, v0;
	v13 =	vld.idx.msk [tilespmem:v15+s23+$0x0], $0xffff  }
.LBB2_25:
0x1cb: {  	p0 =	sne.s32 s5, $0x53;
	v15 =	vadd.s32 s4, v12;
	_ =	sdelay $0x3  }
0x1cc: {  	s8 =	sadd.s32 $0x1C, s8;
	[tilespmem:v14+s28+$0x0] =	vst.idx.msk $0xffff, v13  }
0x1cd: {  	s0 =	sadd.s32 $0xFFFFFFF4, s8;
	v13 =	vld.idx.msk [tilespmem:v15+s23+$0x0], $0xffff  }
0x1ce: {  	v14 =	vadd.s32 s0, v0  }
0x1cf: {  	v15 =	vadd.s32 s4, v11;
	_ =	sdelay $0x1  }
.Ltmp11:
0x1d0: {  	(pc) =	sbr.rel @p0 .LBB2_25-.Ltmp11, $4  }
0x1d1: {  	_ = 	snop  }
0x1d2: {  	[tilespmem:v14+s28+$0x0] =	vst.idx.msk $0xffff, v13  }
0x1d3: {  	v13 =	vld.idx.msk [tilespmem:v15+s23+$0x0], $0xffff  }
0x1d4: {  	s4 =	sshll.u32 s5, $0x7;
	s5 =	sadd.s32 $0x1, s5;
	v14 =	vadd.s32 s8, v0  }
0x1d5: {  	(v2sf) =	vpush v10, $0xC;
	_ =	sdelay $0x7  }
0x1d6: {  	v10 =	vadd.s32 s4, v12;
	_ =	sdelay $0x2  }
0x1d7: {  	s0 =	sadd.s32 $0x1C, s8  }
0x1d8: {  	s1 =	sadd.s32 $0xFFFFFFF4, s0;
	[tilespmem:v14+s28+$0x0] =	vst.idx.msk $0xffff, v13  }
0x1d9: {  	v12 =	vadd.s32 s1, v0;
	v10 =	vld.idx.msk [tilespmem:v10+s23+$0x0], $0xffff  }
0x1da: {  	v11 =	vadd.s32 s4, v11  }
0x1db: {  	s1 =	spop (v2sf)  }
0x1dc: {  	p0 =	sgt.s32 s1, $0x0  }
0x1dd: {  	s1 =	simm.s32 @!p0 $0x0  }
0x1de: {  	[tilespmem:v12+s28+$0x0] =	vst.idx.msk $0xffff, v10;
	s1 =	smin.u32 s1, $0x64  }
0x1df: {  	s15 =	simm.s32 $0x2A00;
	v12 =	vadd.s32 s0, v0;
	v10 =	vld.idx.msk [tilespmem:v11+s23+$0x0], $0xffff;
	v11 =	vadd.s32 s1, v0  }
0x1e0: {  	v13 =	vadd.s32 s15, v11;
	_ =	sdelay $0x3  }
0x1e1: {  	s3 =	simm.s32 $0x930;
	[tilespmem:v12+s28+$0x0] =	vst.idx.msk $0xffff, v10  }
0x1e2: {  	v10 =	vadd.s32 s1, v2;
	v12 =	vld.idx.msk [tilespmem:v13+s23+$0x0], $0xffff;
	v13 =	vadd.s32 s3, v0  }
0x1e3: {  	v14 =	vadd.s32 s15, v10;
	_ =	sdelay $0x3  }
0x1e4: {  	s8 =	simm.s32 $0x93C;
	[tilespmem:v13+s28+$0x0] =	vst.idx.msk $0xffff, v12  }
0x1e5: {  	s4 =	simm.s32 $0x2A80;
	s5 =	simm.s32 $0x56;
	v13 =	vadd.s32 s8, v0;
	v12 =	vld.idx.msk [tilespmem:v14+s23+$0x0], $0xffff  }
.LBB2_27:
0x1e6: {  	p0 =	sne.s32 s5, $0x6F;
	v14 =	vadd.s32 s4, v11;
	_ =	sdelay $0x3  }
0x1e7: {  	s8 =	sadd.s32 $0x1C, s8;
	[tilespmem:v13+s28+$0x0] =	vst.idx.msk $0xffff, v12  }
0x1e8: {  	s0 =	sadd.s32 $0xFFFFFFF4, s8;
	v12 =	vld.idx.msk [tilespmem:v14+s23+$0x0], $0xffff  }
0x1e9: {  	v13 =	vadd.s32 s0, v0  }
0x1ea: {  	v14 =	vadd.s32 s4, v10;
	_ =	sdelay $0x1  }
.Ltmp12:
0x1eb: {  	(pc) =	sbr.rel @p0 .LBB2_27-.Ltmp12, $4  }
0x1ec: {  	_ = 	snop  }
0x1ed: {  	[tilespmem:v13+s28+$0x0] =	vst.idx.msk $0xffff, v12  }
0x1ee: {  	v12 =	vld.idx.msk [tilespmem:v14+s23+$0x0], $0xffff  }
0x1ef: {  	s4 =	sshll.u32 s5, $0x7;
	s5 =	sadd.s32 $0x1, s5;
	v13 =	vadd.s32 s8, v0  }
0x1f0: {  	(v2sf) =	vpush v9, $0x0;
	_ =	sdelay $0x7  }
0x1f1: {  	v11 =	vadd.s32 s4, v11;
	_ =	sdelay $0x2  }
0x1f2: {  	s0 =	sadd.s32 $0x1C, s8  }
0x1f3: {  	s1 =	sadd.s32 $0xFFFFFFF4, s0;
	[tilespmem:v13+s28+$0x0] =	vst.idx.msk $0xffff, v12  }
0x1f4: {  	v12 =	vadd.s32 s1, v0;
	v11 =	vld.idx.msk [tilespmem:v11+s23+$0x0], $0xffff  }
0x1f5: {  	v10 =	vadd.s32 s4, v10  }
0x1f6: {  	s1 =	spop (v2sf)  }
0x1f7: {  	p0 =	sgt.s32 s1, $0x0  }
0x1f8: {  	s1 =	simm.s32 @!p0 $0x0  }
0x1f9: {  	[tilespmem:v12+s28+$0x0] =	vst.idx.msk $0xffff, v11;
	s1 =	smin.u32 s1, $0x64  }
0x1fa: {  	s5 =	simm.s32 $0x0;
	v12 =	vadd.s32 s0, v0;
	v11 =	vld.idx.msk [tilespmem:v10+s23+$0x0], $0xffff;
	v10 =	vadd.s32 s1, v0  }
0x1fb: {  	v13 =	vadd.s32 s5, v10;
	_ =	sdelay $0x3  }
0x1fc: {  	s3 =	simm.s32 $0xC40;
	[tilespmem:v12+s28+$0x0] =	vst.idx.msk $0xffff, v11  }
0x1fd: {  	v11 =	vadd.s32 s1, v2;
	v12 =	vld.idx.msk [tilespmem:v13+s24+$0x0], $0xffff;
	v13 =	vadd.s32 s3, v0  }
0x1fe: {  	v14 =	vadd.s32 s5, v11;
	_ =	sdelay $0x3  }
0x1ff: {  	s8 =	simm.s32 $0xC5C;
	s6 =	simm.s32 $0xC4C;
	[tilespmem:v13+s28+$0x0] =	vst.idx.msk $0xffff, v12  }
0x200: {  	s4 =	simm.s32 $0x1;
	s15 =	simm.s32 $0x80;
	s5 =	simm.s32 $0xC78;
	v13 =	vadd.s32 s6, v0;
	v12 =	vld.idx.msk [tilespmem:v14+s24+$0x0], $0xffff  }
.LBB2_29:
0x201: {  	p0 =	sne.s32 s5, $0xF34;
	v14 =	vadd.s32 s15, v10;
	_ =	sdelay $0x3  }
0x202: {  	[tilespmem:v13+s28+$0x0] =	vst.idx.msk $0xffff, v12  }
0x203: {  	v12 =	vld.idx.msk [tilespmem:v14+s24+$0x0], $0xffff  }
0x204: {  	v13 =	vadd.s32 s8, v0  }
0x205: {  	v14 =	vadd.s32 s15, v11;
	_ =	sdelay $0x1  }
.Ltmp13:
0x206: {  	(pc) =	sbr.rel @p0 .LBB2_29-.Ltmp13, $4  }
0x207: {  	_ = 	snop  }
0x208: {  	[tilespmem:v13+s28+$0x0] =	vst.idx.msk $0xffff, v12  }
0x209: {  	s0 =	sadd.s32 $0xC, s8;
	s4 =	sadd.s32 $0x1, s4;
	s8 =	smov.u32 s5;
	v12 =	vld.idx.msk [tilespmem:v14+s24+$0x0], $0xffff  }
0x20a: {  	s5 =	sadd.s32 $0x1C, s5;
	s15 =	sshll.u32 s4, $0x7;
	v13 =	vadd.s32 s0, v0  }
0x20b: {  	(v2sf) =	vpush v9, $0x4;
	_ =	sdelay $0x7  }
0x20c: {  	v10 =	vadd.s32 s15, v10;
	_ =	sdelay $0x3  }
0x20d: {  	[tilespmem:v13+s28+$0x0] =	vst.idx.msk $0xffff, v12  }
0x20e: {  	v12 =	vadd.s32 s8, v0;
	v10 =	vld.idx.msk [tilespmem:v10+s24+$0x0], $0xffff  }
0x20f: {  	v11 =	vadd.s32 s15, v11  }
0x210: {  	s0 =	spop (v2sf)  }
0x211: {  	p0 =	sgt.s32 s0, $0x0  }
0x212: {  	s0 =	simm.s32 @!p0 $0x0  }
0x213: {  	s1 =	sadd.s32 $0xC, s8;
	[tilespmem:v12+s28+$0x0] =	vst.idx.msk $0xffff, v10;
	s0 =	smin.u32 s0, $0x64  }
0x214: {  	s15 =	simm.s32 $0xE00;
	v12 =	vadd.s32 s1, v0;
	v10 =	vld.idx.msk [tilespmem:v11+s24+$0x0], $0xffff;
	v11 =	vadd.s32 s0, v0  }
0x215: {  	v13 =	vadd.s32 s15, v11;
	_ =	sdelay $0x3  }
0x216: {  	s3 =	simm.s32 $0xF50;
	[tilespmem:v12+s28+$0x0] =	vst.idx.msk $0xffff, v10  }
0x217: {  	v10 =	vadd.s32 s0, v2;
	v12 =	vld.idx.msk [tilespmem:v13+s24+$0x0], $0xffff;
	v13 =	vadd.s32 s3, v0  }
0x218: {  	v14 =	vadd.s32 s15, v10;
	_ =	sdelay $0x3  }
0x219: {  	s8 =	simm.s32 $0xF5C;
	[tilespmem:v13+s28+$0x0] =	vst.idx.msk $0xffff, v12  }
0x21a: {  	s4 =	simm.s32 $0xE80;
	s5 =	simm.s32 $0x1E;
	v13 =	vadd.s32 s8, v0;
	v12 =	vld.idx.msk [tilespmem:v14+s24+$0x0], $0xffff  }
.LBB2_31:
0x21b: {  	p0 =	sne.s32 s5, $0x37;
	v14 =	vadd.s32 s4, v11;
	_ =	sdelay $0x3  }
0x21c: {  	s8 =	sadd.s32 $0x1C, s8;
	[tilespmem:v13+s28+$0x0] =	vst.idx.msk $0xffff, v12  }
0x21d: {  	s0 =	sadd.s32 $0xFFFFFFF4, s8;
	v12 =	vld.idx.msk [tilespmem:v14+s24+$0x0], $0xffff  }
0x21e: {  	v13 =	vadd.s32 s0, v0  }
0x21f: {  	v14 =	vadd.s32 s4, v10;
	_ =	sdelay $0x1  }
.Ltmp14:
0x220: {  	(pc) =	sbr.rel @p0 .LBB2_31-.Ltmp14, $4  }
0x221: {  	_ = 	snop  }
0x222: {  	[tilespmem:v13+s28+$0x0] =	vst.idx.msk $0xffff, v12  }
0x223: {  	v12 =	vld.idx.msk [tilespmem:v14+s24+$0x0], $0xffff  }
0x224: {  	s4 =	sshll.u32 s5, $0x7;
	s5 =	sadd.s32 $0x1, s5;
	v13 =	vadd.s32 s8, v0  }
0x225: {  	(v2sf) =	vpush v9, $0x8;
	_ =	sdelay $0x7  }
0x226: {  	v11 =	vadd.s32 s4, v11;
	_ =	sdelay $0x2  }
0x227: {  	s0 =	sadd.s32 $0x1C, s8  }
0x228: {  	s1 =	sadd.s32 $0xFFFFFFF4, s0;
	[tilespmem:v13+s28+$0x0] =	vst.idx.msk $0xffff, v12  }
0x229: {  	v12 =	vadd.s32 s1, v0;
	v11 =	vld.idx.msk [tilespmem:v11+s24+$0x0], $0xffff  }
0x22a: {  	v10 =	vadd.s32 s4, v10  }
0x22b: {  	s1 =	spop (v2sf)  }
0x22c: {  	p0 =	sgt.s32 s1, $0x0  }
0x22d: {  	s1 =	simm.s32 @!p0 $0x0  }
0x22e: {  	[tilespmem:v12+s28+$0x0] =	vst.idx.msk $0xffff, v11;
	s1 =	smin.u32 s1, $0x64  }
0x22f: {  	s15 =	simm.s32 $0x1C00;
	v12 =	vadd.s32 s0, v0;
	v10 =	vld.idx.msk [tilespmem:v10+s24+$0x0], $0xffff;
	v11 =	vadd.s32 s1, v0  }
0x230: {  	v13 =	vadd.s32 s15, v11;
	_ =	sdelay $0x3  }
0x231: {  	s3 =	simm.s32 $0x1260;
	[tilespmem:v12+s28+$0x0] =	vst.idx.msk $0xffff, v10  }
0x232: {  	v10 =	vadd.s32 s1, v2;
	v12 =	vld.idx.msk [tilespmem:v13+s24+$0x0], $0xffff;
	v13 =	vadd.s32 s3, v0  }
0x233: {  	v14 =	vadd.s32 s15, v10;
	_ =	sdelay $0x3  }
0x234: {  	s8 =	simm.s32 $0x126C;
	[tilespmem:v13+s28+$0x0] =	vst.idx.msk $0xffff, v12  }
0x235: {  	s4 =	simm.s32 $0x1C80;
	s5 =	simm.s32 $0x3A;
	v13 =	vadd.s32 s8, v0;
	v12 =	vld.idx.msk [tilespmem:v14+s24+$0x0], $0xffff  }
.LBB2_33:
0x236: {  	p0 =	sne.s32 s5, $0x53;
	v14 =	vadd.s32 s4, v11;
	_ =	sdelay $0x3  }
0x237: {  	s8 =	sadd.s32 $0x1C, s8;
	[tilespmem:v13+s28+$0x0] =	vst.idx.msk $0xffff, v12  }
0x238: {  	s0 =	sadd.s32 $0xFFFFFFF4, s8;
	v12 =	vld.idx.msk [tilespmem:v14+s24+$0x0], $0xffff  }
0x239: {  	v13 =	vadd.s32 s0, v0  }
0x23a: {  	v14 =	vadd.s32 s4, v10;
	_ =	sdelay $0x1  }
.Ltmp15:
0x23b: {  	(pc) =	sbr.rel @p0 .LBB2_33-.Ltmp15, $4  }
0x23c: {  	_ = 	snop  }
0x23d: {  	[tilespmem:v13+s28+$0x0] =	vst.idx.msk $0xffff, v12  }
0x23e: {  	v12 =	vld.idx.msk [tilespmem:v14+s24+$0x0], $0xffff  }
0x23f: {  	s4 =	sshll.u32 s5, $0x7;
	s5 =	sadd.s32 $0x1, s5;
	v13 =	vadd.s32 s8, v0  }
0x240: {  	(v2sf) =	vpush v9, $0xC;
	_ =	sdelay $0x7  }
0x241: {  	v9 =	vadd.s32 s4, v11;
	_ =	sdelay $0x2  }
0x242: {  	s0 =	sadd.s32 $0x1C, s8  }
0x243: {  	s1 =	sadd.s32 $0xFFFFFFF4, s0;
	[tilespmem:v13+s28+$0x0] =	vst.idx.msk $0xffff, v12  }
0x244: {  	v11 =	vadd.s32 s1, v0;
	v9 =	vld.idx.msk [tilespmem:v9+s24+$0x0], $0xffff  }
0x245: {  	v10 =	vadd.s32 s4, v10  }
0x246: {  	s1 =	spop (v2sf)  }
0x247: {  	p0 =	sgt.s32 s1, $0x0  }
0x248: {  	s1 =	simm.s32 @!p0 $0x0  }
0x249: {  	[tilespmem:v11+s28+$0x0] =	vst.idx.msk $0xffff, v9;
	s1 =	smin.u32 s1, $0x64  }
0x24a: {  	s15 =	simm.s32 $0x2A00;
	v11 =	vadd.s32 s0, v0;
	v9 =	vld.idx.msk [tilespmem:v10+s24+$0x0], $0xffff;
	v10 =	vadd.s32 s1, v0  }
0x24b: {  	v12 =	vadd.s32 s15, v10;
	_ =	sdelay $0x3  }
0x24c: {  	s3 =	simm.s32 $0x1570;
	[tilespmem:v11+s28+$0x0] =	vst.idx.msk $0xffff, v9  }
0x24d: {  	v9 =	vadd.s32 s1, v2;
	v11 =	vld.idx.msk [tilespmem:v12+s24+$0x0], $0xffff;
	v12 =	vadd.s32 s3, v0  }
0x24e: {  	v13 =	vadd.s32 s15, v9;
	_ =	sdelay $0x3  }
0x24f: {  	s8 =	simm.s32 $0x157C;
	[tilespmem:v12+s28+$0x0] =	vst.idx.msk $0xffff, v11  }
0x250: {  	s5 =	simm.s32 $0x2A80;
	s4 =	simm.s32 $0x56;
	v12 =	vadd.s32 s8, v0;
	v11 =	vld.idx.msk [tilespmem:v13+s24+$0x0], $0xffff  }
.LBB2_35:
0x251: {  	p0 =	sne.s32 s4, $0x6F;
	v13 =	vadd.s32 s5, v10;
	_ =	sdelay $0x3  }
0x252: {  	s8 =	sadd.s32 $0x1C, s8;
	[tilespmem:v12+s28+$0x0] =	vst.idx.msk $0xffff, v11  }
0x253: {  	s0 =	sadd.s32 $0xFFFFFFF4, s8;
	v11 =	vld.idx.msk [tilespmem:v13+s24+$0x0], $0xffff  }
0x254: {  	v12 =	vadd.s32 s0, v0  }
0x255: {  	v13 =	vadd.s32 s5, v9;
	_ =	sdelay $0x1  }
.Ltmp16:
0x256: {  	(pc) =	sbr.rel @p0 .LBB2_35-.Ltmp16, $4  }
0x257: {  	_ = 	snop  }
0x258: {  	[tilespmem:v12+s28+$0x0] =	vst.idx.msk $0xffff, v11  }
0x259: {  	v11 =	vld.idx.msk [tilespmem:v13+s24+$0x0], $0xffff  }
0x25a: {  	s5 =	sshll.u32 s4, $0x7;
	s4 =	sadd.s32 $0x1, s4;
	v12 =	vadd.s32 s8, v0  }
0x25b: {  	v10 =	vadd.s32 s5, v10;
	_ =	sdelay $0x2  }
0x25c: {  	s0 =	sadd.s32 $0x1C, s8  }
0x25d: {  	s1 =	sadd.s32 $0xFFFFFFF4, s0;
	[tilespmem:v12+s28+$0x0] =	vst.idx.msk $0xffff, v11  }
0x25e: {  	v11 =	vadd.s32 s1, v0;
	v10 =	vld.idx.msk [tilespmem:v10+s24+$0x0], $0xffff  }
0x25f: {  	v9 =	vadd.s32 s5, v9;
	_ =	sdelay $0x3  }
0x260: {  	[tilespmem:v11+s28+$0x0] =	vst.idx.msk $0xffff, v10  }
0x261: {  	v10 =	vadd.s32 s0, v0;
	v9 =	vld.idx.msk [tilespmem:v9+s24+$0x0], $0xffff;
	_ =	sdelay $0x1  }
0x262: {  	s15 =	smul.u32 $0x310, s2  }
0x263: {  	s31 =	sadd.s32 $0x1, s31  }
0x264: {  	p0 =	sne.s32 s31, s14;
	s0 =	sshrl.u32 s15, $0x3  }
.Ltmp17:
0x265: {  	s0 =	sadd.s32 s10, s0;
	[tilespmem:v10+s28+$0x0] =	vst.idx.msk $0xffff, v9;
	(pc) =	sbr.rel @p0 .LBB2_20-.Ltmp17, $4  }
0x266: {  	[hbm4b:s0+s9] =	stream.linear.scatter [tilespmem:s28], [sflag:$0x3], $0x1880, $0x38;
	[tilespmem:$0x8B80] =	vst v63  }
0x267: {  	_ =	swait.ge [sflag:s17], $0x1880  }
0x268: {  	[sflag:s17] =	ssyncset.done $0x0  }
0x269: {  	[sflag:s17] =	ssyncadd.s32 $0xFFFFE780  }
0x26a: {  	s1 =	rddreg [dreg:$0xa]  }
0x26b: {  	s0 =	rddreg [dreg:$0x9];
	s1 =	sadd.s32 $0x1, s1  }
0x26c: {  	p0 =	sne.s32 s1, s0  }
.Ltmp18:
0x26d: {  	_ = 	snop;
	(pc) =	sbr.rel @p0 .LBB2_1-.Ltmp18, $1  }
0x26e: {  	_ =	sdelay $0x3  }
0x26f: {  	_ =	sfence.sel $0x180000  }
0x270: {  	[bflag:$0x0] =	sbarrier.arrive $0xFFFF  }
0x271: {  	_ =	strace $0x90000047  }
0x272: {  	s0 =	stileid.u32;
	[bflag:$0x2] =	sbarrier.arrive $0xFFFF  }
0x273: {  	p0 =	sne.s32 s0, $0x0;
	s0 =	rddreg [dreg:$0x8]  }
0x274: {  	s0 =	sadd.s32 @!p0 $0x100000, s0  }
0x275: {  	[sflag:s0] =	ssyncadd.tile.s32 @!p0 $0x1;
	_ =	shalt  }
.Lfunc_end2:
_tile_overlayer_lowered:
.L_overlay_start_2:
0x276: {  	(tag) =	ssettag $0x2  }
0x277: {  	s0 =	rddreg [dreg:$0x0];
	s2 =	stileid.u32  }
0x278: {  	s1 =	rddreg [dreg:$0x1];
	p0 =	sne.s32 s2, $0x0  }
0x279: {  	s3 =	rddreg [dreg:$0x2];
	[bflag:$0x3] =	sbarrier.arrive $0xFFFF;
	s2 =	simm.s32 @!p0 $0x1C03  }
0x27a: {  	[timem:s3], [sflag:s2] =	dma.local @!p0 [hbm:s0], s1  }
0x27b: {  	s0 =	simm.s32 @!p0 $0x3  }
0x27c: {  	_ =	swait.ge @!p0 [sflag:s0], s1  }
0x27d: {  	s1 =	ssub.s32 @!p0 $0x0, s1;
	[sflag:s0] =	ssyncset.done @!p0 $0x0  }
0x27e: {  	[sflag:s0] =	ssyncadd.s32 @!p0 s1  }
0x27f: {  	[bflag:$0x3] =	sbarrier.arrive $0xFFFF  }
0x280: {  	_ =	shalt  }

</sc_bundles>
